<compile_context>
chip_gen: v7x
topology: tpu7x:2x2x1
jax: 0.10.2.dev20260603
libtpu: 0.0.44.dev20260713+nightly
codegen_flags: <defaults>
</compile_context>

<pallas_src>
import functools

import jax
import jax.numpy as jnp
from jax import lax
from jax.experimental import pallas as pl
from jax.experimental.pallas import tpu as pltpu
from jax.experimental.pallas import tpu_sc as plsc

NC = 2
NS = 16
NW = NC * NS

V = 1000000
D = 32
BATCH = 4096
HIST = 200

NTC_FULL = V // 128
TAIL = V - NTC_FULL * 128
RPASS = 123

NBLK = BATCH // 128
NITEM = HIST * NBLK
IPW = NITEM // NW


def _iota16():
  return lax.broadcasted_iota(jnp.int32, (16,), 0)


def _relayout():
  mesh = plsc.VectorSubcoreMesh(core_axis_name="c", subcore_axis_name="s")

  scratch = (
      [pltpu.VMEM((32, 128), jnp.float32) for _ in range(2)]
      + [pltpu.VMEM((4096,), jnp.float32) for _ in range(2)]
      + [pltpu.SemaphoreType.DMA for _ in range(4)]
  )

  @functools.partial(
      pl.kernel,
      mesh=mesh,
      out_type=jax.ShapeDtypeStruct((V * D,), jnp.float32),
      scratch_types=scratch,
      compiler_params=pltpu.CompilerParams(use_tc_tiling_on_sc=True, needs_layout_passes=False),
  )
  def relayout(wt_hbm, wtail_hbm, out_hbm, *refs):
    slab_v = refs[0:2]
    lin_v = refs[2:4]
    in_sem = refs[4:6]
    out_sem = refs[6:8]

    wid = lax.axis_index("s") * NC + lax.axis_index("c")
    iota32 = _iota16() * 32

    def slab_start(c, s):
      for tr in range(4):
        pltpu.async_copy(wt_hbm.at[pl.ds(tr * 8, 8), pl.ds(c * 128, 128)],
                         slab_v[s].at[pl.ds(tr * 8, 8), :], in_sem[s])

    def slab_wait(s):
      for tr in range(4):
        pltpu.make_async_copy(wt_hbm.at[pl.ds(0, 8), pl.ds(0, 128)],
                              slab_v[s].at[pl.ds(tr * 8, 8), :],
                              in_sem[s]).wait()

    f16 = _iota16()
    fvs = [f16, f16 + 16]

    def transpose(s):
      def body(d2, carry):
        for dd in range(2):
          perm = (f16 + (d2 * 2 + dd)) & 15
          for cblk in range(8):
            for half in range(2):
              cv = perm + cblk * 16
              x = plsc.load_gather(slab_v[s], [fvs[half], cv])
              plsc.store_scatter(lin_v[s], [cv * 32 + fvs[half]], x)
        return carry
      lax.fori_loop(0, 8, body, 0)

    def out_start(c, s):
      pltpu.async_copy(lin_v[s], out_hbm.at[pl.ds(c * 4096, 4096)],
                       out_sem[s])

    def out_wait(s):
      pltpu.make_async_copy(lin_v[s], out_hbm.at[pl.ds(0, 4096)],
                            out_sem[s]).wait()

    for s in range(2):
      pl.when(s * NW + wid < NTC_FULL)(
          functools.partial(slab_start, s * NW + wid, s))

    def ring(r, carry):
      for b in range(2):
        k = r * 2 + b
        c = k * NW + wid

        def item(c=c, b=b, k=k, r=r):
          slab_wait(b)
          pl.when(r >= 1)(lambda: out_wait(b))
          transpose(b)
          out_start(c, b)
          nxt = c + 2 * NW
          pl.when(nxt < NTC_FULL)(
              functools.partial(slab_start, nxt, b))

        pl.when(c < NTC_FULL)(item)
      return carry

    lax.fori_loop(0, RPASS, ring, 0)
    for s in range(2):
      out_wait(s)

    def tail():
      pltpu.sync_copy(wtail_hbm, lin_v[0].at[pl.ds(0, TAIL * D)])
      pltpu.sync_copy(lin_v[0].at[pl.ds(0, TAIL * D)],
                      out_hbm.at[pl.ds(NTC_FULL * 4096, TAIL * D)])
    pl.when(wid == 4)(tail)

  return relayout


def _gather():
  mesh = plsc.VectorSubcoreMesh(core_axis_name="c", subcore_axis_name="s")

  scratch = (
      [pltpu.VMEM((128,), jnp.int32) for _ in range(2)]
      + [pltpu.VMEM((128, D), jnp.float32) for _ in range(2)]
      + [pltpu.VMEM((4096,), jnp.float32) for _ in range(2)]
      + [pltpu.SemaphoreType.DMA for _ in range(6)]
  )

  @functools.partial(
      pl.kernel,
      mesh=mesh,
      out_type=jax.ShapeDtypeStruct((HIST * D * BATCH,), jnp.float32),
      scratch_types=scratch,
      compiler_params=pltpu.CompilerParams(use_tc_tiling_on_sc=False, needs_layout_passes=False),
  )
  def gather(table_hbm, xt_hbm, out_hbm, *refs):
    idx_v = refs[0:2]
    rows_v = refs[2:4]
    tile_v = refs[4:6]
    i_sem = refs[6:8]
    g_sem = refs[8:10]
    o_sem = refs[10:12]

    wid = lax.axis_index("s") * NC + lax.axis_index("c")
    base = wid * IPW
    f16 = _iota16()
    foff = [((f16 + 16 * half) >> 3) * 1024 + ((f16 + 16 * half) & 7) * 128
            for half in range(2)]

    def idx_start(t, s):
      pltpu.async_copy(xt_hbm.at[t // NBLK, pl.ds((t % NBLK) * 128, 128)],
                       idx_v[s], i_sem[s])

    def idx_wait(s):
      pltpu.make_async_copy(xt_hbm.at[0, pl.ds(0, 128)], idx_v[s],
                            i_sem[s]).wait()

    def gath_start(s):
      pltpu.async_copy(table_hbm.at[idx_v[s]], rows_v[s], g_sem[s])

    def gath_wait(s):
      pltpu.make_async_copy(table_hbm.at[idx_v[s]], rows_v[s],
                            g_sem[s]).wait()

    fvs = [f16, f16 + 16]

    def transpose(s):
      def body(d2, carry):
        for dd in range(2):
          perm = (f16 + (d2 * 2 + dd)) & 15
          for jblk in range(8):
            for half in range(2):
              jv = perm + jblk * 16
              x = plsc.load_gather(rows_v[s], [jv, fvs[half]])
              plsc.store_scatter(tile_v[s], [foff[half] + jv], x)
        return carry
      lax.fori_loop(0, 8, body, 0)

    def out_start(t, s):
      h = t // NBLK
      bb = t % NBLK
      for fh in range(4):
        off = ((h * 4 + fh) * NBLK + bb) * 1024
        pltpu.async_copy(tile_v[s].at[pl.ds(fh * 1024, 1024)],
                         out_hbm.at[pl.ds(off, 1024)], o_sem[s])

    def out_wait(s):
      for fh in range(4):
        pltpu.make_async_copy(tile_v[s].at[pl.ds(0, 1024)],
                              out_hbm.at[pl.ds(0, 1024)], o_sem[s]).wait()

    for s in range(2):
      idx_start(base + s, s)

    def ring(r, carry):
      for b in range(2):
        k = r * 2 + b
        t = base + k
        idx_wait(b)
        gath_start(b)
        bp = 1 - b

        def retire(k=k, t=t, b=b, bp=bp):
          gath_wait(bp)
          pl.when(k + 1 < IPW)(functools.partial(idx_start, t + 1, bp))
          transpose(bp)
          out_start(t - 1, bp)

        def out_drain(bp=bp):
          out_wait(bp)

        if b == 0:
          pl.when(r >= 2)(out_drain)
          pl.when(r >= 1)(retire)
        else:
          pl.when(r >= 1)(out_drain)
          retire()
      return carry

    lax.fori_loop(0, IPW // 2, ring, 0)

    s_last = (IPW - 1) % 2
    gath_wait(s_last)
    out_wait(s_last)
    transpose(s_last)
    out_start(IPW - 1 + base, s_last)
    for s in range(2):
      out_wait(s)

  return gather


_relayout_k = _relayout()
_gather_k = _gather()


@jax.jit
def kernel(X, W):
  w1d = _relayout_k(W.T, W[NTC_FULL * 128:].reshape(-1))
  out1 = _gather_k(w1d.reshape(V, D), X.T)
  o5 = out1.reshape(HIST, 4, NBLK, 8, 128)
  return o5.transpose(2, 4, 0, 1, 3).reshape(BATCH, HIST, D)

# --- scband reference (transcript-rebuilt; emitter-appended) ---
"""Pipeline reference for scband-embedding-59820304498866 (READ-ONLY COPY).

The authoritative reference and input builder live on the scoring server;
editing this copy changes nothing except your own understanding.
"""

import jax, jax.numpy as jnp
import numpy as np

INPUT_DIM = 1000000
OUTPUT_DIM = 32
BATCH = 4096
HIST_LEN = 200


def setup_inputs(seed: int = 0) -> dict:
    key = jax.random.key(seed)
    k_idx, k_w = jax.random.split(key)
    X = jax.random.randint(k_idx, (BATCH, HIST_LEN), 0, INPUT_DIM, dtype=jnp.int64 if jax.config.jax_enable_x64 else jnp.int32).astype(jnp.int32)
    # init='uniform' in old keras: uniform in [-0.05, 0.05]
    W = jax.random.uniform(k_w, (INPUT_DIM, OUTPUT_DIM), dtype=jnp.float32, minval=-0.05, maxval=0.05)
    return {"X": X, "W": W}


def reference(X, W):
    # Embedding.get_output: out = self.W[X]
    out = jnp.take(W, X, axis=0)
    return out

if __name__ == "__main__":
    import jax
    _d = setup_inputs()
    print(jax.jit(kernel)(*tuple(_d.values())))

</pallas_src>

<mosaic_0001>
#map = affine_map<(d0, d1) -> (0, 0)>
#map1 = affine_map<(d0, d1) -> (0)>
module attributes {stable_mosaic.version = 14 : i64} {
  func.func @relayout(%arg0: i32, %arg1: i32, %arg2: memref<32x1000000xf32, #tpu.memory_space<hbm>>, %arg3: memref<2048xf32, #tpu.memory_space<hbm>>, %arg4: memref<32000000xf32, #tpu.memory_space<hbm>>, %arg5: memref<32x128xf32, #tpu.memory_space<vmem>>, %arg6: memref<32x128xf32, #tpu.memory_space<vmem>>, %arg7: memref<4096xf32, #tpu.memory_space<vmem>>, %arg8: memref<4096xf32, #tpu.memory_space<vmem>>, %arg9: memref<!tpu.dma_semaphore, #tpu.memory_space<semaphore_mem>>, %arg10: memref<!tpu.dma_semaphore, #tpu.memory_space<semaphore_mem>>, %arg11: memref<!tpu.dma_semaphore, #tpu.memory_space<semaphore_mem>>, %arg12: memref<!tpu.dma_semaphore, #tpu.memory_space<semaphore_mem>>) attributes {dimension_semantics = [#tpu.dimension_semantics<core_parallel>, #tpu.dimension_semantics<subcore_parallel>], iteration_bounds = array<i64: 2, 16>, scalar_prefetch = 0 : i64, scratch_operands = 8 : i64, tpu.core_type = #tpu.core_type<sc_vector_subcore>, window_params = [{transform_indices = #map}, {transform_indices = #map1}, {transform_indices = #map1}]} {
    %mul3A = arith.constant 2 : i32
    %mul3A_0 = arith.muli %arg1, %mul3A : i32
    %add3A = arith.addi %mul3A_0, %arg0 : i32
    %iota3A = tpu.iota {dimensions = array<i32: 0>} : vector<16xi32>
    %mul3A_1 = arith.constant 32 : i32
    %mul3A_2 = vector.broadcast %mul3A_1 : i32 to vector<16xi32>
    %mul3A_3 = arith.muli %iota3A, %mul3A_2 : vector<16xi32>
    %iota3A_4 = tpu.iota {dimensions = array<i32: 0>} : vector<16xi32>
    %add3A_5 = arith.constant 16 : i32
    %add3A_6 = vector.broadcast %add3A_5 : i32 to vector<16xi32>
    %add3A_7 = arith.addi %iota3A_4, %add3A_6 : vector<16xi32>
    %add3A_8 = arith.constant 0 : i32
    %add3A_9 = arith.addi %add3A_8, %add3A : i32
    %lt3A = arith.constant 7812 : i32
    %lt3A_10 = arith.cmpi slt, %add3A_9, %lt3A : i32
    %add3A_11 = arith.constant 0 : i32
    %add3A_12 = arith.addi %add3A_11, %add3A : i32
    %convert_element_type3A = arith.extui %lt3A_10 : i1 to i32
    %cond3A = arith.constant 0 : i32
    %cond3A_13 = arith.cmpi ne, %convert_element_type3A, %cond3A : i32
    scf.if %cond3A_13 {
      %mul3A_39 = arith.constant 128 : i32
      %mul3A_40 = arith.muli %add3A_12, %mul3A_39 : i32
      %dma_start3A = arith.constant 0 : i32
      %dma_start3A_41 = arith.constant 0 : i32
      %dma_start3A_42 = tpu.memref_slice %arg5[%dma_start3A, %dma_start3A_41] : memref<32x128xf32, #tpu.memory_space<vmem>> -> memref<8x128xf32, #tpu.memory_space<vmem>>
      %dma_start3A_43 = arith.constant 0 : i32
      %dma_start3A_44 = tpu.memref_slice %arg2[%dma_start3A_43, %mul3A_40] : memref<32x1000000xf32, #tpu.memory_space<hbm>> -> memref<8x128xf32, #tpu.memory_space<hbm>>
      %dma_start3A_45 = arith.constant 0 : i32
      %dma_start3A_46 = arith.constant 0 : i32
      %dma_start3A_47 = tpu.memref_slice %arg5[%dma_start3A_45, %dma_start3A_46] : memref<32x128xf32, #tpu.memory_space<vmem>> -> memref<8x128xf32, #tpu.memory_space<vmem>>
      %dma_start3A_48 = arith.constant 0 : i32
      %dma_start3A_49 = tpu.memref_slice %arg2[%dma_start3A_48, %mul3A_40] : memref<32x1000000xf32, #tpu.memory_space<hbm>> -> memref<8x128xf32, #tpu.memory_space<hbm>>
      tpu.enqueue_dma source(%dma_start3A_49 : memref<8x128xf32, #tpu.memory_space<hbm>>) target(%dma_start3A_47 : memref<8x128xf32, #tpu.memory_space<vmem>>) target_semaphore(%arg9 : memref<!tpu.dma_semaphore, #tpu.memory_space<semaphore_mem>>)
      %mul3A_50 = arith.constant 128 : i32
      %mul3A_51 = arith.muli %add3A_12, %mul3A_50 : i32
      %dma_start3A_52 = arith.constant 8 : i32
      %dma_start3A_53 = arith.constant 0 : i32
      %dma_start3A_54 = tpu.memref_slice %arg5[%dma_start3A_52, %dma_start3A_53] : memref<32x128xf32, #tpu.memory_space<vmem>> -> memref<8x128xf32, #tpu.memory_space<vmem>>
      %dma_start3A_55 = arith.constant 8 : i32
      %dma_start3A_56 = tpu.memref_slice %arg2[%dma_start3A_55, %mul3A_51] : memref<32x1000000xf32, #tpu.memory_space<hbm>> -> memref<8x128xf32, #tpu.memory_space<hbm>>
      %dma_start3A_57 = arith.constant 8 : i32
      %dma_start3A_58 = arith.constant 0 : i32
      %dma_start3A_59 = tpu.memref_slice %arg5[%dma_start3A_57, %dma_start3A_58] : memref<32x128xf32, #tpu.memory_space<vmem>> -> memref<8x128xf32, #tpu.memory_space<vmem>>
      %dma_start3A_60 = arith.constant 8 : i32
      %dma_start3A_61 = tpu.memref_slice %arg2[%dma_start3A_60, %mul3A_51] : memref<32x1000000xf32, #tpu.memory_space<hbm>> -> memref<8x128xf32, #tpu.memory_space<hbm>>
      tpu.enqueue_dma source(%dma_start3A_61 : memref<8x128xf32, #tpu.memory_space<hbm>>) target(%dma_start3A_59 : memref<8x128xf32, #tpu.memory_space<vmem>>) target_semaphore(%arg9 : memref<!tpu.dma_semaphore, #tpu.memory_space<semaphore_mem>>)
      %mul3A_62 = arith.constant 128 : i32
      %mul3A_63 = arith.muli %add3A_12, %mul3A_62 : i32
      %dma_start3A_64 = arith.constant 16 : i32
      %dma_start3A_65 = arith.constant 0 : i32
      %dma_start3A_66 = tpu.memref_slice %arg5[%dma_start3A_64, %dma_start3A_65] : memref<32x128xf32, #tpu.memory_space<vmem>> -> memref<8x128xf32, #tpu.memory_space<vmem>>
      %dma_start3A_67 = arith.constant 16 : i32
      %dma_start3A_68 = tpu.memref_slice %arg2[%dma_start3A_67, %mul3A_63] : memref<32x1000000xf32, #tpu.memory_space<hbm>> -> memref<8x128xf32, #tpu.memory_space<hbm>>
      %dma_start3A_69 = arith.constant 16 : i32
      %dma_start3A_70 = arith.constant 0 : i32
      %dma_start3A_71 = tpu.memref_slice %arg5[%dma_start3A_69, %dma_start3A_70] : memref<32x128xf32, #tpu.memory_space<vmem>> -> memref<8x128xf32, #tpu.memory_space<vmem>>
      %dma_start3A_72 = arith.constant 16 : i32
      %dma_start3A_73 = tpu.memref_slice %arg2[%dma_start3A_72, %mul3A_63] : memref<32x1000000xf32, #tpu.memory_space<hbm>> -> memref<8x128xf32, #tpu.memory_space<hbm>>
      tpu.enqueue_dma source(%dma_start3A_73 : memref<8x128xf32, #tpu.memory_space<hbm>>) target(%dma_start3A_71 : memref<8x128xf32, #tpu.memory_space<vmem>>) target_semaphore(%arg9 : memref<!tpu.dma_semaphore, #tpu.memory_space<semaphore_mem>>)
      %mul3A_74 = arith.constant 128 : i32
      %mul3A_75 = arith.muli %add3A_12, %mul3A_74 : i32
      %dma_start3A_76 = arith.constant 24 : i32
      %dma_start3A_77 = arith.constant 0 : i32
      %dma_start3A_78 = tpu.memref_slice %arg5[%dma_start3A_76, %dma_start3A_77] : memref<32x128xf32, #tpu.memory_space<vmem>> -> memref<8x128xf32, #tpu.memory_space<vmem>>
      %dma_start3A_79 = arith.constant 24 : i32
      %dma_start3A_80 = tpu.memref_slice %arg2[%dma_start3A_79, %mul3A_75] : memref<32x1000000xf32, #tpu.memory_space<hbm>> -> memref<8x128xf32, #tpu.memory_space<hbm>>
      %dma_start3A_81 = arith.constant 24 : i32
      %dma_start3A_82 = arith.constant 0 : i32
      %dma_start3A_83 = tpu.memref_slice %arg5[%dma_start3A_81, %dma_start3A_82] : memref<32x128xf32, #tpu.memory_space<vmem>> -> memref<8x128xf32, #tpu.memory_space<vmem>>
      %dma_start3A_84 = arith.constant 24 : i32
      %dma_start3A_85 = tpu.memref_slice %arg2[%dma_start3A_84, %mul3A_75] : memref<32x1000000xf32, #tpu.memory_space<hbm>> -> memref<8x128xf32, #tpu.memory_space<hbm>>
      tpu.enqueue_dma source(%dma_start3A_85 : memref<8x128xf32, #tpu.memory_space<hbm>>) target(%dma_start3A_83 : memref<8x128xf32, #tpu.memory_space<vmem>>) target_semaphore(%arg9 : memref<!tpu.dma_semaphore, #tpu.memory_space<semaphore_mem>>)
    } else {
    }
    %add3A_14 = arith.constant 32 : i32
    %add3A_15 = arith.addi %add3A_14, %add3A : i32
    %lt3A_16 = arith.constant 7812 : i32
    %lt3A_17 = arith.cmpi slt, %add3A_15, %lt3A_16 : i32
    %add3A_18 = arith.constant 32 : i32
    %add3A_19 = arith.addi %add3A_18, %add3A : i32
    %convert_element_type3A_20 = arith.extui %lt3A_17 : i1 to i32
    %cond3A_21 = arith.constant 0 : i32
    %cond3A_22 = arith.cmpi ne, %convert_element_type3A_20, %cond3A_21 : i32
    scf.if %cond3A_22 {
      %mul3A_39 = arith.constant 128 : i32
      %mul3A_40 = arith.muli %add3A_19, %mul3A_39 : i32
      %dma_start3A = arith.constant 0 : i32
      %dma_start3A_41 = arith.constant 0 : i32
      %dma_start3A_42 = tpu.memref_slice %arg6[%dma_start3A, %dma_start3A_41] : memref<32x128xf32, #tpu.memory_space<vmem>> -> memref<8x128xf32, #tpu.memory_space<vmem>>
      %dma_start3A_43 = arith.constant 0 : i32
      %dma_start3A_44 = tpu.memref_slice %arg2[%dma_start3A_43, %mul3A_40] : memref<32x1000000xf32, #tpu.memory_space<hbm>> -> memref<8x128xf32, #tpu.memory_space<hbm>>
      %dma_start3A_45 = arith.constant 0 : i32
      %dma_start3A_46 = arith.constant 0 : i32
      %dma_start3A_47 = tpu.memref_slice %arg6[%dma_start3A_45, %dma_start3A_46] : memref<32x128xf32, #tpu.memory_space<vmem>> -> memref<8x128xf32, #tpu.memory_space<vmem>>
      %dma_start3A_48 = arith.constant 0 : i32
      %dma_start3A_49 = tpu.memref_slice %arg2[%dma_start3A_48, %mul3A_40] : memref<32x1000000xf32, #tpu.memory_space<hbm>> -> memref<8x128xf32, #tpu.memory_space<hbm>>
      tpu.enqueue_dma source(%dma_start3A_49 : memref<8x128xf32, #tpu.memory_space<hbm>>) target(%dma_start3A_47 : memref<8x128xf32, #tpu.memory_space<vmem>>) target_semaphore(%arg10 : memref<!tpu.dma_semaphore, #tpu.memory_space<semaphore_mem>>)
      %mul3A_50 = arith.constant 128 : i32
      %mul3A_51 = arith.muli %add3A_19, %mul3A_50 : i32
      %dma_start3A_52 = arith.constant 8 : i32
      %dma_start3A_53 = arith.constant 0 : i32
      %dma_start3A_54 = tpu.memref_slice %arg6[%dma_start3A_52, %dma_start3A_53] : memref<32x128xf32, #tpu.memory_space<vmem>> -> memref<8x128xf32, #tpu.memory_space<vmem>>
      %dma_start3A_55 = arith.constant 8 : i32
      %dma_start3A_56 = tpu.memref_slice %arg2[%dma_start3A_55, %mul3A_51] : memref<32x1000000xf32, #tpu.memory_space<hbm>> -> memref<8x128xf32, #tpu.memory_space<hbm>>
      %dma_start3A_57 = arith.constant 8 : i32
      %dma_start3A_58 = arith.constant 0 : i32
      %dma_start3A_59 = tpu.memref_slice %arg6[%dma_start3A_57, %dma_start3A_58] : memref<32x128xf32, #tpu.memory_space<vmem>> -> memref<8x128xf32, #tpu.memory_space<vmem>>
      %dma_start3A_60 = arith.constant 8 : i32
      %dma_start3A_61 = tpu.memref_slice %arg2[%dma_start3A_60, %mul3A_51] : memref<32x1000000xf32, #tpu.memory_space<hbm>> -> memref<8x128xf32, #tpu.memory_space<hbm>>
      tpu.enqueue_dma source(%dma_start3A_61 : memref<8x128xf32, #tpu.memory_space<hbm>>) target(%dma_start3A_59 : memref<8x128xf32, #tpu.memory_space<vmem>>) target_semaphore(%arg10 : memref<!tpu.dma_semaphore, #tpu.memory_space<semaphore_mem>>)
      %mul3A_62 = arith.constant 128 : i32
      %mul3A_63 = arith.muli %add3A_19, %mul3A_62 : i32
      %dma_start3A_64 = arith.constant 16 : i32
      %dma_start3A_65 = arith.constant 0 : i32
      %dma_start3A_66 = tpu.memref_slice %arg6[%dma_start3A_64, %dma_start3A_65] : memref<32x128xf32, #tpu.memory_space<vmem>> -> memref<8x128xf32, #tpu.memory_space<vmem>>
      %dma_start3A_67 = arith.constant 16 : i32
      %dma_start3A_68 = tpu.memref_slice %arg2[%dma_start3A_67, %mul3A_63] : memref<32x1000000xf32, #tpu.memory_space<hbm>> -> memref<8x128xf32, #tpu.memory_space<hbm>>
      %dma_start3A_69 = arith.constant 16 : i32
      %dma_start3A_70 = arith.constant 0 : i32
      %dma_start3A_71 = tpu.memref_slice %arg6[%dma_start3A_69, %dma_start3A_70] : memref<32x128xf32, #tpu.memory_space<vmem>> -> memref<8x128xf32, #tpu.memory_space<vmem>>
      %dma_start3A_72 = arith.constant 16 : i32
      %dma_start3A_73 = tpu.memref_slice %arg2[%dma_start3A_72, %mul3A_63] : memref<32x1000000xf32, #tpu.memory_space<hbm>> -> memref<8x128xf32, #tpu.memory_space<hbm>>
      tpu.enqueue_dma source(%dma_start3A_73 : memref<8x128xf32, #tpu.memory_space<hbm>>) target(%dma_start3A_71 : memref<8x128xf32, #tpu.memory_space<vmem>>) target_semaphore(%arg10 : memref<!tpu.dma_semaphore, #tpu.memory_space<semaphore_mem>>)
      %mul3A_74 = arith.constant 128 : i32
      %mul3A_75 = arith.muli %add3A_19, %mul3A_74 : i32
      %dma_start3A_76 = arith.constant 24 : i32
      %dma_start3A_77 = arith.constant 0 : i32
      %dma_start3A_78 = tpu.memref_slice %arg6[%dma_start3A_76, %dma_start3A_77] : memref<32x128xf32, #tpu.memory_space<vmem>> -> memref<8x128xf32, #tpu.memory_space<vmem>>
      %dma_start3A_79 = arith.constant 24 : i32
      %dma_start3A_80 = tpu.memref_slice %arg2[%dma_start3A_79, %mul3A_75] : memref<32x1000000xf32, #tpu.memory_space<hbm>> -> memref<8x128xf32, #tpu.memory_space<hbm>>
      %dma_start3A_81 = arith.constant 24 : i32
      %dma_start3A_82 = arith.constant 0 : i32
      %dma_start3A_83 = tpu.memref_slice %arg6[%dma_start3A_81, %dma_start3A_82] : memref<32x128xf32, #tpu.memory_space<vmem>> -> memref<8x128xf32, #tpu.memory_space<vmem>>
      %dma_start3A_84 = arith.constant 24 : i32
      %dma_start3A_85 = tpu.memref_slice %arg2[%dma_start3A_84, %mul3A_75] : memref<32x1000000xf32, #tpu.memory_space<hbm>> -> memref<8x128xf32, #tpu.memory_space<hbm>>
      tpu.enqueue_dma source(%dma_start3A_85 : memref<8x128xf32, #tpu.memory_space<hbm>>) target(%dma_start3A_83 : memref<8x128xf32, #tpu.memory_space<vmem>>) target_semaphore(%arg10 : memref<!tpu.dma_semaphore, #tpu.memory_space<semaphore_mem>>)
    } else {
    }
    %scan3A = arith.constant 0 : i32
    %scan3A_23 = arith.constant 0 : i32
    %scan3A_24 = arith.constant 123 : i32
    %scan3A_25 = arith.addi %scan3A_23, %scan3A_24 : i32
    %scan3A_26 = arith.constant 1 : i32
    scf.for %scan3A_39 = %scan3A_23 to %scan3A_25 step %scan3A_26  : i32 {
      %mul3A_40 = arith.constant 2 : i32
      %mul3A_41 = arith.muli %scan3A_39, %mul3A_40 : i32
      %add3A_42 = arith.constant 0 : i32
      %add3A_43 = arith.addi %mul3A_41, %add3A_42 : i32
      %mul3A_44 = arith.constant 32 : i32
      %mul3A_45 = arith.muli %add3A_43, %mul3A_44 : i32
      %add3A_46 = arith.addi %mul3A_45, %add3A : i32
      %lt3A_47 = arith.constant 7812 : i32
      %lt3A_48 = arith.cmpi slt, %add3A_46, %lt3A_47 : i32
      %convert_element_type3A_49 = arith.extui %lt3A_48 : i1 to i32
      %cond3A_50 = arith.constant 0 : i32
      %cond3A_51 = arith.cmpi ne, %convert_element_type3A_49, %cond3A_50 : i32
      scf.if %cond3A_51 {
        %dma_wait3A_64 = arith.constant 0 : i32
        %dma_wait3A_65 = arith.constant 0 : i32
        %dma_wait3A_66 = tpu.memref_slice %arg5[%dma_wait3A_64, %dma_wait3A_65] : memref<32x128xf32, #tpu.memory_space<vmem>> -> memref<8x128xf32, #tpu.memory_space<vmem>>
        %dma_wait3A_67 = arith.constant 0 : i32
        %dma_wait3A_68 = arith.constant 0 : i32
        %dma_wait3A_69 = tpu.memref_slice %arg2[%dma_wait3A_67, %dma_wait3A_68] : memref<32x1000000xf32, #tpu.memory_space<hbm>> -> memref<8x128xf32, #tpu.memory_space<hbm>>
        %dma_wait3A_70 = arith.constant 0 : i32
        %dma_wait3A_71 = arith.constant 0 : i32
        %dma_wait3A_72 = tpu.memref_slice %arg5[%dma_wait3A_70, %dma_wait3A_71] : memref<32x128xf32, #tpu.memory_space<vmem>> -> memref<8x128xf32, #tpu.memory_space<vmem>>
        %dma_wait3A_73 = arith.constant 0 : i32
        %dma_wait3A_74 = arith.constant 0 : i32
        %dma_wait3A_75 = tpu.memref_slice %arg2[%dma_wait3A_73, %dma_wait3A_74] : memref<32x1000000xf32, #tpu.memory_space<hbm>> -> memref<8x128xf32, #tpu.memory_space<hbm>>
        tpu.wait_dma2 semaphore(%arg9 : memref<!tpu.dma_semaphore, #tpu.memory_space<semaphore_mem>>) src(%dma_wait3A_75 : memref<8x128xf32, #tpu.memory_space<hbm>>) dst(%dma_wait3A_72 : memref<8x128xf32, #tpu.memory_space<vmem>>)
        %dma_wait3A_76 = arith.constant 8 : i32
        %dma_wait3A_77 = arith.constant 0 : i32
        %dma_wait3A_78 = tpu.memref_slice %arg5[%dma_wait3A_76, %dma_wait3A_77] : memref<32x128xf32, #tpu.memory_space<vmem>> -> memref<8x128xf32, #tpu.memory_space<vmem>>
        %dma_wait3A_79 = arith.constant 0 : i32
        %dma_wait3A_80 = arith.constant 0 : i32
        %dma_wait3A_81 = tpu.memref_slice %arg2[%dma_wait3A_79, %dma_wait3A_80] : memref<32x1000000xf32, #tpu.memory_space<hbm>> -> memref<8x128xf32, #tpu.memory_space<hbm>>
        %dma_wait3A_82 = arith.constant 8 : i32
        %dma_wait3A_83 = arith.constant 0 : i32
        %dma_wait3A_84 = tpu.memref_slice %arg5[%dma_wait3A_82, %dma_wait3A_83] : memref<32x128xf32, #tpu.memory_space<vmem>> -> memref<8x128xf32, #tpu.memory_space<vmem>>
        %dma_wait3A_85 = arith.constant 0 : i32
        %dma_wait3A_86 = arith.constant 0 : i32
        %dma_wait3A_87 = tpu.memref_slice %arg2[%dma_wait3A_85, %dma_wait3A_86] : memref<32x1000000xf32, #tpu.memory_space<hbm>> -> memref<8x128xf32, #tpu.memory_space<hbm>>
        tpu.wait_dma2 semaphore(%arg9 : memref<!tpu.dma_semaphore, #tpu.memory_space<semaphore_mem>>) src(%dma_wait3A_87 : memref<8x128xf32, #tpu.memory_space<hbm>>) dst(%dma_wait3A_84 : memref<8x128xf32, #tpu.memory_space<vmem>>)
        %dma_wait3A_88 = arith.constant 16 : i32
        %dma_wait3A_89 = arith.constant 0 : i32
        %dma_wait3A_90 = tpu.memref_slice %arg5[%dma_wait3A_88, %dma_wait3A_89] : memref<32x128xf32, #tpu.memory_space<vmem>> -> memref<8x128xf32, #tpu.memory_space<vmem>>
        %dma_wait3A_91 = arith.constant 0 : i32
        %dma_wait3A_92 = arith.constant 0 : i32
        %dma_wait3A_93 = tpu.memref_slice %arg2[%dma_wait3A_91, %dma_wait3A_92] : memref<32x1000000xf32, #tpu.memory_space<hbm>> -> memref<8x128xf32, #tpu.memory_space<hbm>>
        %dma_wait3A_94 = arith.constant 16 : i32
        %dma_wait3A_95 = arith.constant 0 : i32
        %dma_wait3A_96 = tpu.memref_slice %arg5[%dma_wait3A_94, %dma_wait3A_95] : memref<32x128xf32, #tpu.memory_space<vmem>> -> memref<8x128xf32, #tpu.memory_space<vmem>>
        %dma_wait3A_97 = arith.constant 0 : i32
        %dma_wait3A_98 = arith.constant 0 : i32
        %dma_wait3A_99 = tpu.memref_slice %arg2[%dma_wait3A_97, %dma_wait3A_98] : memref<32x1000000xf32, #tpu.memory_space<hbm>> -> memref<8x128xf32, #tpu.memory_space<hbm>>
        tpu.wait_dma2 semaphore(%arg9 : memref<!tpu.dma_semaphore, #tpu.memory_space<semaphore_mem>>) src(%dma_wait3A_99 : memref<8x128xf32, #tpu.memory_space<hbm>>) dst(%dma_wait3A_96 : memref<8x128xf32, #tpu.memory_space<vmem>>)
        %dma_wait3A_100 = arith.constant 24 : i32
        %dma_wait3A_101 = arith.constant 0 : i32
        %dma_wait3A_102 = tpu.memref_slice %arg5[%dma_wait3A_100, %dma_wait3A_101] : memref<32x128xf32, #tpu.memory_space<vmem>> -> memref<8x128xf32, #tpu.memory_space<vmem>>
        %dma_wait3A_103 = arith.constant 0 : i32
        %dma_wait3A_104 = arith.constant 0 : i32
        %dma_wait3A_105 = tpu.memref_slice %arg2[%dma_wait3A_103, %dma_wait3A_104] : memref<32x1000000xf32, #tpu.memory_space<hbm>> -> memref<8x128xf32, #tpu.memory_space<hbm>>
        %dma_wait3A_106 = arith.constant 24 : i32
        %dma_wait3A_107 = arith.constant 0 : i32
        %dma_wait3A_108 = tpu.memref_slice %arg5[%dma_wait3A_106, %dma_wait3A_107] : memref<32x128xf32, #tpu.memory_space<vmem>> -> memref<8x128xf32, #tpu.memory_space<vmem>>
        %dma_wait3A_109 = arith.constant 0 : i32
        %dma_wait3A_110 = arith.constant 0 : i32
        %dma_wait3A_111 = tpu.memref_slice %arg2[%dma_wait3A_109, %dma_wait3A_110] : memref<32x1000000xf32, #tpu.memory_space<hbm>> -> memref<8x128xf32, #tpu.memory_space<hbm>>
        tpu.wait_dma2 semaphore(%arg9 : memref<!tpu.dma_semaphore, #tpu.memory_space<semaphore_mem>>) src(%dma_wait3A_111 : memref<8x128xf32, #tpu.memory_space<hbm>>) dst(%dma_wait3A_108 : memref<8x128xf32, #tpu.memory_space<vmem>>)
        %ge3A = arith.constant 1 : i32
        %ge3A_112 = arith.cmpi sge, %scan3A_39, %ge3A : i32
        %convert_element_type3A_113 = arith.extui %ge3A_112 : i1 to i32
        %cond3A_114 = arith.constant 0 : i32
        %cond3A_115 = arith.cmpi ne, %convert_element_type3A_113, %cond3A_114 : i32
        scf.if %cond3A_115 {
          %dma_wait3A_132 = arith.constant 0 : i32
          %dma_wait3A_133 = tpu.memref_slice %arg4[%dma_wait3A_132] : memref<32000000xf32, #tpu.memory_space<hbm>> -> memref<4096xf32, #tpu.memory_space<hbm>>
          %dma_wait3A_134 = arith.constant 0 : i32
          %dma_wait3A_135 = tpu.memref_slice %arg4[%dma_wait3A_134] : memref<32000000xf32, #tpu.memory_space<hbm>> -> memref<4096xf32, #tpu.memory_space<hbm>>
          tpu.wait_dma2 semaphore(%arg11 : memref<!tpu.dma_semaphore, #tpu.memory_space<semaphore_mem>>) src(%arg7 : memref<4096xf32, #tpu.memory_space<vmem>>) dst(%dma_wait3A_135 : memref<4096xf32, #tpu.memory_space<hbm>>)
        } else {
        }
        %scan3A_116 = arith.constant 0 : i32
        %scan3A_117 = arith.constant 0 : i32
        %scan3A_118 = arith.constant 8 : i32
        %scan3A_119 = arith.addi %scan3A_117, %scan3A_118 : i32
        %scan3A_120 = arith.constant 1 : i32
        scf.for %scan3A_132 = %scan3A_117 to %scan3A_119 step %scan3A_120  : i32 {
          %mul3A_133 = arith.constant 2 : i32
          %mul3A_134 = arith.muli %scan3A_132, %mul3A_133 : i32
          %add3A_135 = arith.constant 0 : i32
          %add3A_136 = arith.addi %mul3A_134, %add3A_135 : i32
          %add3A_137 = vector.broadcast %add3A_136 : i32 to vector<16xi32>
          %add3A_138 = arith.addi %iota3A_4, %add3A_137 : vector<16xi32>
          %and3A = arith.constant 15 : i32
          %and3A_139 = vector.broadcast %and3A : i32 to vector<16xi32>
          %and3A_140 = arith.andi %add3A_138, %and3A_139 : vector<16xi32>
          %add3A_141 = arith.constant 0 : i32
          %add3A_142 = vector.broadcast %add3A_141 : i32 to vector<16xi32>
          %add3A_143 = arith.addi %and3A_140, %add3A_142 : vector<16xi32>
          %gather3A = tpu.vector_load_idx %arg5[%iota3A_4, %add3A_143] : memref<32x128xf32, #tpu.memory_space<vmem>>[vector<16xi32>, vector<16xi32>], vector<16xf32>,
          %mul3A_144 = arith.constant 32 : i32
          %mul3A_145 = vector.broadcast %mul3A_144 : i32 to vector<16xi32>
          %mul3A_146 = arith.muli %add3A_143, %mul3A_145 : vector<16xi32>
          %add3A_147 = arith.addi %mul3A_146, %iota3A_4 : vector<16xi32>
          tpu.vector_store_idx %arg7[%add3A_147], %gather3A : memref<4096xf32, #tpu.memory_space<vmem>>[vector<16xi32>], vector<16xf32>,
          %add3A_148 = arith.constant 0 : i32
          %add3A_149 = vector.broadcast %add3A_148 : i32 to vector<16xi32>
          %add3A_150 = arith.addi %and3A_140, %add3A_149 : vector<16xi32>
          %gather3A_151 = tpu.vector_load_idx %arg5[%add3A_7, %add3A_150] : memref<32x128xf32, #tpu.memory_space<vmem>>[vector<16xi32>, vector<16xi32>], vector<16xf32>,
          %mul3A_152 = arith.constant 32 : i32
          %mul3A_153 = vector.broadcast %mul3A_152 : i32 to vector<16xi32>
          %mul3A_154 = arith.muli %add3A_150, %mul3A_153 : vector<16xi32>
          %add3A_155 = arith.addi %mul3A_154, %add3A_7 : vector<16xi32>
          tpu.vector_store_idx %arg7[%add3A_155], %gather3A_151 : memref<4096xf32, #tpu.memory_space<vmem>>[vector<16xi32>], vector<16xf32>,
          %add3A_156 = arith.constant 16 : i32
          %add3A_157 = vector.broadcast %add3A_156 : i32 to vector<16xi32>
          %add3A_158 = arith.addi %and3A_140, %add3A_157 : vector<16xi32>
          %gather3A_159 = tpu.vector_load_idx %arg5[%iota3A_4, %add3A_158] : memref<32x128xf32, #tpu.memory_space<vmem>>[vector<16xi32>, vector<16xi32>], vector<16xf32>,
          %mul3A_160 = arith.constant 32 : i32
          %mul3A_161 = vector.broadcast %mul3A_160 : i32 to vector<16xi32>
          %mul3A_162 = arith.muli %add3A_158, %mul3A_161 : vector<16xi32>
          %add3A_163 = arith.addi %mul3A_162, %iota3A_4 : vector<16xi32>
          tpu.vector_store_idx %arg7[%add3A_163], %gather3A_159 : memref<4096xf32, #tpu.memory_space<vmem>>[vector<16xi32>], vector<16xf32>,
          %add3A_164 = arith.constant 16 : i32
          %add3A_165 = vector.broadcast %add3A_164 : i32 to vector<16xi32>
          %add3A_166 = arith.addi %and3A_140, %add3A_165 : vector<16xi32>
          %gather3A_167 = tpu.vector_load_idx %arg5[%add3A_7, %add3A_166] : memref<32x128xf32, #tpu.memory_space<vmem>>[vector<16xi32>, vector<16xi32>], vector<16xf32>,
          %mul3A_168 = arith.constant 32 : i32
          %mul3A_169 = vector.broadcast %mul3A_168 : i32 to vector<16xi32>
          %mul3A_170 = arith.muli %add3A_166, %mul3A_169 : vector<16xi32>
          %add3A_171 = arith.addi %mul3A_170, %add3A_7 : vector<16xi32>
          tpu.vector_store_idx %arg7[%add3A_171], %gather3A_167 : memref<4096xf32, #tpu.memory_space<vmem>>[vector<16xi32>], vector<16xf32>,
          %add3A_172 = arith.constant 32 : i32
          %add3A_173 = vector.broadcast %add3A_172 : i32 to vector<16xi32>
          %add3A_174 = arith.addi %and3A_140, %add3A_173 : vector<16xi32>
          %gather3A_175 = tpu.vector_load_idx %arg5[%iota3A_4, %add3A_174] : memref<32x128xf32, #tpu.memory_space<vmem>>[vector<16xi32>, vector<16xi32>], vector<16xf32>,
          %mul3A_176 = arith.constant 32 : i32
          %mul3A_177 = vector.broadcast %mul3A_176 : i32 to vector<16xi32>
          %mul3A_178 = arith.muli %add3A_174, %mul3A_177 : vector<16xi32>
          %add3A_179 = arith.addi %mul3A_178, %iota3A_4 : vector<16xi32>
          tpu.vector_store_idx %arg7[%add3A_179], %gather3A_175 : memref<4096xf32, #tpu.memory_space<vmem>>[vector<16xi32>], vector<16xf32>,
          %add3A_180 = arith.constant 32 : i32
          %add3A_181 = vector.broadcast %add3A_180 : i32 to vector<16xi32>
          %add3A_182 = arith.addi %and3A_140, %add3A_181 : vector<16xi32>
          %gather3A_183 = tpu.vector_load_idx %arg5[%add3A_7, %add3A_182] : memref<32x128xf32, #tpu.memory_space<vmem>>[vector<16xi32>, vector<16xi32>], vector<16xf32>,
          %mul3A_184 = arith.constant 32 : i32
          %mul3A_185 = vector.broadcast %mul3A_184 : i32 to vector<16xi32>
          %mul3A_186 = arith.muli %add3A_182, %mul3A_185 : vector<16xi32>
          %add3A_187 = arith.addi %mul3A_186, %add3A_7 : vector<16xi32>
          tpu.vector_store_idx %arg7[%add3A_187], %gather3A_183 : memref<4096xf32, #tpu.memory_space<vmem>>[vector<16xi32>], vector<16xf32>,
          %add3A_188 = arith.constant 48 : i32
          %add3A_189 = vector.broadcast %add3A_188 : i32 to vector<16xi32>
          %add3A_190 = arith.addi %and3A_140, %add3A_189 : vector<16xi32>
          %gather3A_191 = tpu.vector_load_idx %arg5[%iota3A_4, %add3A_190] : memref<32x128xf32, #tpu.memory_space<vmem>>[vector<16xi32>, vector<16xi32>], vector<16xf32>,
          %mul3A_192 = arith.constant 32 : i32
          %mul3A_193 = vector.broadcast %mul3A_192 : i32 to vector<16xi32>
          %mul3A_194 = arith.muli %add3A_190, %mul3A_193 : vector<16xi32>
          %add3A_195 = arith.addi %mul3A_194, %iota3A_4 : vector<16xi32>
          tpu.vector_store_idx %arg7[%add3A_195], %gather3A_191 : memref<4096xf32, #tpu.memory_space<vmem>>[vector<16xi32>], vector<16xf32>,
          %add3A_196 = arith.constant 48 : i32
          %add3A_197 = vector.broadcast %add3A_196 : i32 to vector<16xi32>
          %add3A_198 = arith.addi %and3A_140, %add3A_197 : vector<16xi32>
          %gather3A_199 = tpu.vector_load_idx %arg5[%add3A_7, %add3A_198] : memref<32x128xf32, #tpu.memory_space<vmem>>[vector<16xi32>, vector<16xi32>], vector<16xf32>,
          %mul3A_200 = arith.constant 32 : i32
          %mul3A_201 = vector.broadcast %mul3A_200 : i32 to vector<16xi32>
          %mul3A_202 = arith.muli %add3A_198, %mul3A_201 : vector<16xi32>
          %add3A_203 = arith.addi %mul3A_202, %add3A_7 : vector<16xi32>
          tpu.vector_store_idx %arg7[%add3A_203], %gather3A_199 : memref<4096xf32, #tpu.memory_space<vmem>>[vector<16xi32>], vector<16xf32>,
          %add3A_204 = arith.constant 64 : i32
          %add3A_205 = vector.broadcast %add3A_204 : i32 to vector<16xi32>
          %add3A_206 = arith.addi %and3A_140, %add3A_205 : vector<16xi32>
          %gather3A_207 = tpu.vector_load_idx %arg5[%iota3A_4, %add3A_206] : memref<32x128xf32, #tpu.memory_space<vmem>>[vector<16xi32>, vector<16xi32>], vector<16xf32>,
          %mul3A_208 = arith.constant 32 : i32
          %mul3A_209 = vector.broadcast %mul3A_208 : i32 to vector<16xi32>
          %mul3A_210 = arith.muli %add3A_206, %mul3A_209 : vector<16xi32>
          %add3A_211 = arith.addi %mul3A_210, %iota3A_4 : vector<16xi32>
          tpu.vector_store_idx %arg7[%add3A_211], %gather3A_207 : memref<4096xf32, #tpu.memory_space<vmem>>[vector<16xi32>], vector<16xf32>,
          %add3A_212 = arith.constant 64 : i32
          %add3A_213 = vector.broadcast %add3A_212 : i32 to vector<16xi32>
          %add3A_214 = arith.addi %and3A_140, %add3A_213 : vector<16xi32>
          %gather3A_215 = tpu.vector_load_idx %arg5[%add3A_7, %add3A_214] : memref<32x128xf32, #tpu.memory_space<vmem>>[vector<16xi32>, vector<16xi32>], vector<16xf32>,
          %mul3A_216 = arith.constant 32 : i32
          %mul3A_217 = vector.broadcast %mul3A_216 : i32 to vector<16xi32>
          %mul3A_218 = arith.muli %add3A_214, %mul3A_217 : vector<16xi32>
          %add3A_219 = arith.addi %mul3A_218, %add3A_7 : vector<16xi32>
          tpu.vector_store_idx %arg7[%add3A_219], %gather3A_215 : memref<4096xf32, #tpu.memory_space<vmem>>[vector<16xi32>], vector<16xf32>,
          %add3A_220 = arith.constant 80 : i32
          %add3A_221 = vector.broadcast %add3A_220 : i32 to vector<16xi32>
          %add3A_222 = arith.addi %and3A_140, %add3A_221 : vector<16xi32>
          %gather3A_223 = tpu.vector_load_idx %arg5[%iota3A_4, %add3A_222] : memref<32x128xf32, #tpu.memory_space<vmem>>[vector<16xi32>, vector<16xi32>], vector<16xf32>,
          %mul3A_224 = arith.constant 32 : i32
          %mul3A_225 = vector.broadcast %mul3A_224 : i32 to vector<16xi32>
          %mul3A_226 = arith.muli %add3A_222, %mul3A_225 : vector<16xi32>
          %add3A_227 = arith.addi %mul3A_226, %iota3A_4 : vector<16xi32>
          tpu.vector_store_idx %arg7[%add3A_227], %gather3A_223 : memref<4096xf32, #tpu.memory_space<vmem>>[vector<16xi32>], vector<16xf32>,
          %add3A_228 = arith.constant 80 : i32
          %add3A_229 = vector.broadcast %add3A_228 : i32 to vector<16xi32>
          %add3A_230 = arith.addi %and3A_140, %add3A_229 : vector<16xi32>
          %gather3A_231 = tpu.vector_load_idx %arg5[%add3A_7, %add3A_230] : memref<32x128xf32, #tpu.memory_space<vmem>>[vector<16xi32>, vector<16xi32>], vector<16xf32>,
          %mul3A_232 = arith.constant 32 : i32
          %mul3A_233 = vector.broadcast %mul3A_232 : i32 to vector<16xi32>
          %mul3A_234 = arith.muli %add3A_230, %mul3A_233 : vector<16xi32>
          %add3A_235 = arith.addi %mul3A_234, %add3A_7 : vector<16xi32>
          tpu.vector_store_idx %arg7[%add3A_235], %gather3A_231 : memref<4096xf32, #tpu.memory_space<vmem>>[vector<16xi32>], vector<16xf32>,
          %add3A_236 = arith.constant 96 : i32
          %add3A_237 = vector.broadcast %add3A_236 : i32 to vector<16xi32>
          %add3A_238 = arith.addi %and3A_140, %add3A_237 : vector<16xi32>
          %gather3A_239 = tpu.vector_load_idx %arg5[%iota3A_4, %add3A_238] : memref<32x128xf32, #tpu.memory_space<vmem>>[vector<16xi32>, vector<16xi32>], vector<16xf32>,
          %mul3A_240 = arith.constant 32 : i32
          %mul3A_241 = vector.broadcast %mul3A_240 : i32 to vector<16xi32>
          %mul3A_242 = arith.muli %add3A_238, %mul3A_241 : vector<16xi32>
          %add3A_243 = arith.addi %mul3A_242, %iota3A_4 : vector<16xi32>
          tpu.vector_store_idx %arg7[%add3A_243], %gather3A_239 : memref<4096xf32, #tpu.memory_space<vmem>>[vector<16xi32>], vector<16xf32>,
          %add3A_244 = arith.constant 96 : i32
          %add3A_245 = vector.broadcast %add3A_244 : i32 to vector<16xi32>
          %add3A_246 = arith.addi %and3A_140, %add3A_245 : vector<16xi32>
          %gather3A_247 = tpu.vector_load_idx %arg5[%add3A_7, %add3A_246] : memref<32x128xf32, #tpu.memory_space<vmem>>[vector<16xi32>, vector<16xi32>], vector<16xf32>,
          %mul3A_248 = arith.constant 32 : i32
          %mul3A_249 = vector.broadcast %mul3A_248 : i32 to vector<16xi32>
          %mul3A_250 = arith.muli %add3A_246, %mul3A_249 : vector<16xi32>
          %add3A_251 = arith.addi %mul3A_250, %add3A_7 : vector<16xi32>
          tpu.vector_store_idx %arg7[%add3A_251], %gather3A_247 : memref<4096xf32, #tpu.memory_space<vmem>>[vector<16xi32>], vector<16xf32>,
          %add3A_252 = arith.constant 112 : i32
          %add3A_253 = vector.broadcast %add3A_252 : i32 to vector<16xi32>
          %add3A_254 = arith.addi %and3A_140, %add3A_253 : vector<16xi32>
          %gather3A_255 = tpu.vector_load_idx %arg5[%iota3A_4, %add3A_254] : memref<32x128xf32, #tpu.memory_space<vmem>>[vector<16xi32>, vector<16xi32>], vector<16xf32>,
          %mul3A_256 = arith.constant 32 : i32
          %mul3A_257 = vector.broadcast %mul3A_256 : i32 to vector<16xi32>
          %mul3A_258 = arith.muli %add3A_254, %mul3A_257 : vector<16xi32>
          %add3A_259 = arith.addi %mul3A_258, %iota3A_4 : vector<16xi32>
          tpu.vector_store_idx %arg7[%add3A_259], %gather3A_255 : memref<4096xf32, #tpu.memory_space<vmem>>[vector<16xi32>], vector<16xf32>,
          %add3A_260 = arith.constant 112 : i32
          %add3A_261 = vector.broadcast %add3A_260 : i32 to vector<16xi32>
          %add3A_262 = arith.addi %and3A_140, %add3A_261 : vector<16xi32>
          %gather3A_263 = tpu.vector_load_idx %arg5[%add3A_7, %add3A_262] : memref<32x128xf32, #tpu.memory_space<vmem>>[vector<16xi32>, vector<16xi32>], vector<16xf32>,
          %mul3A_264 = arith.constant 32 : i32
          %mul3A_265 = vector.broadcast %mul3A_264 : i32 to vector<16xi32>
          %mul3A_266 = arith.muli %add3A_262, %mul3A_265 : vector<16xi32>
          %add3A_267 = arith.addi %mul3A_266, %add3A_7 : vector<16xi32>
          tpu.vector_store_idx %arg7[%add3A_267], %gather3A_263 : memref<4096xf32, #tpu.memory_space<vmem>>[vector<16xi32>], vector<16xf32>,
          %mul3A_268 = arith.constant 2 : i32
          %mul3A_269 = arith.muli %scan3A_132, %mul3A_268 : i32
          %add3A_270 = arith.constant 1 : i32
          %add3A_271 = arith.addi %mul3A_269, %add3A_270 : i32
          %add3A_272 = vector.broadcast %add3A_271 : i32 to vector<16xi32>
          %add3A_273 = arith.addi %iota3A_4, %add3A_272 : vector<16xi32>
          %and3A_274 = arith.constant 15 : i32
          %and3A_275 = vector.broadcast %and3A_274 : i32 to vector<16xi32>
          %and3A_276 = arith.andi %add3A_273, %and3A_275 : vector<16xi32>
          %add3A_277 = arith.constant 0 : i32
          %add3A_278 = vector.broadcast %add3A_277 : i32 to vector<16xi32>
          %add3A_279 = arith.addi %and3A_276, %add3A_278 : vector<16xi32>
          %gather3A_280 = tpu.vector_load_idx %arg5[%iota3A_4, %add3A_279] : memref<32x128xf32, #tpu.memory_space<vmem>>[vector<16xi32>, vector<16xi32>], vector<16xf32>,
          %mul3A_281 = arith.constant 32 : i32
          %mul3A_282 = vector.broadcast %mul3A_281 : i32 to vector<16xi32>
          %mul3A_283 = arith.muli %add3A_279, %mul3A_282 : vector<16xi32>
          %add3A_284 = arith.addi %mul3A_283, %iota3A_4 : vector<16xi32>
          tpu.vector_store_idx %arg7[%add3A_284], %gather3A_280 : memref<4096xf32, #tpu.memory_space<vmem>>[vector<16xi32>], vector<16xf32>,
          %add3A_285 = arith.constant 0 : i32
          %add3A_286 = vector.broadcast %add3A_285 : i32 to vector<16xi32>
          %add3A_287 = arith.addi %and3A_276, %add3A_286 : vector<16xi32>
          %gather3A_288 = tpu.vector_load_idx %arg5[%add3A_7, %add3A_287] : memref<32x128xf32, #tpu.memory_space<vmem>>[vector<16xi32>, vector<16xi32>], vector<16xf32>,
          %mul3A_289 = arith.constant 32 : i32
          %mul3A_290 = vector.broadcast %mul3A_289 : i32 to vector<16xi32>
          %mul3A_291 = arith.muli %add3A_287, %mul3A_290 : vector<16xi32>
          %add3A_292 = arith.addi %mul3A_291, %add3A_7 : vector<16xi32>
          tpu.vector_store_idx %arg7[%add3A_292], %gather3A_288 : memref<4096xf32, #tpu.memory_space<vmem>>[vector<16xi32>], vector<16xf32>,
          %add3A_293 = arith.constant 16 : i32
          %add3A_294 = vector.broadcast %add3A_293 : i32 to vector<16xi32>
          %add3A_295 = arith.addi %and3A_276, %add3A_294 : vector<16xi32>
          %gather3A_296 = tpu.vector_load_idx %arg5[%iota3A_4, %add3A_295] : memref<32x128xf32, #tpu.memory_space<vmem>>[vector<16xi32>, vector<16xi32>], vector<16xf32>,
          %mul3A_297 = arith.constant 32 : i32
          %mul3A_298 = vector.broadcast %mul3A_297 : i32 to vector<16xi32>
          %mul3A_299 = arith.muli %add3A_295, %mul3A_298 : vector<16xi32>
          %add3A_300 = arith.addi %mul3A_299, %iota3A_4 : vector<16xi32>
          tpu.vector_store_idx %arg7[%add3A_300], %gather3A_296 : memref<4096xf32, #tpu.memory_space<vmem>>[vector<16xi32>], vector<16xf32>,
          %add3A_301 = arith.constant 16 : i32
          %add3A_302 = vector.broadcast %add3A_301 : i32 to vector<16xi32>
          %add3A_303 = arith.addi %and3A_276, %add3A_302 : vector<16xi32>
          %gather3A_304 = tpu.vector_load_idx %arg5[%add3A_7, %add3A_303] : memref<32x128xf32, #tpu.memory_space<vmem>>[vector<16xi32>, vector<16xi32>], vector<16xf32>,
          %mul3A_305 = arith.constant 32 : i32
          %mul3A_306 = vector.broadcast %mul3A_305 : i32 to vector<16xi32>
          %mul3A_307 = arith.muli %add3A_303, %mul3A_306 : vector<16xi32>
          %add3A_308 = arith.addi %mul3A_307, %add3A_7 : vector<16xi32>
          tpu.vector_store_idx %arg7[%add3A_308], %gather3A_304 : memref<4096xf32, #tpu.memory_space<vmem>>[vector<16xi32>], vector<16xf32>,
          %add3A_309 = arith.constant 32 : i32
          %add3A_310 = vector.broadcast %add3A_309 : i32 to vector<16xi32>
          %add3A_311 = arith.addi %and3A_276, %add3A_310 : vector<16xi32>
          %gather3A_312 = tpu.vector_load_idx %arg5[%iota3A_4, %add3A_311] : memref<32x128xf32, #tpu.memory_space<vmem>>[vector<16xi32>, vector<16xi32>], vector<16xf32>,
          %mul3A_313 = arith.constant 32 : i32
          %mul3A_314 = vector.broadcast %mul3A_313 : i32 to vector<16xi32>
          %mul3A_315 = arith.muli %add3A_311, %mul3A_314 : vector<16xi32>
          %add3A_316 = arith.addi %mul3A_315, %iota3A_4 : vector<16xi32>
          tpu.vector_store_idx %arg7[%add3A_316], %gather3A_312 : memref<4096xf32, #tpu.memory_space<vmem>>[vector<16xi32>], vector<16xf32>,
          %add3A_317 = arith.constant 32 : i32
          %add3A_318 = vector.broadcast %add3A_317 : i32 to vector<16xi32>
          %add3A_319 = arith.addi %and3A_276, %add3A_318 : vector<16xi32>
          %gather3A_320 = tpu.vector_load_idx %arg5[%add3A_7, %add3A_319] : memref<32x128xf32, #tpu.memory_space<vmem>>[vector<16xi32>, vector<16xi32>], vector<16xf32>,
          %mul3A_321 = arith.constant 32 : i32
          %mul3A_322 = vector.broadcast %mul3A_321 : i32 to vector<16xi32>
          %mul3A_323 = arith.muli %add3A_319, %mul3A_322 : vector<16xi32>
          %add3A_324 = arith.addi %mul3A_323, %add3A_7 : vector<16xi32>
          tpu.vector_store_idx %arg7[%add3A_324], %gather3A_320 : memref<4096xf32, #tpu.memory_space<vmem>>[vector<16xi32>], vector<16xf32>,
          %add3A_325 = arith.constant 48 : i32
          %add3A_326 = vector.broadcast %add3A_325 : i32 to vector<16xi32>
          %add3A_327 = arith.addi %and3A_276, %add3A_326 : vector<16xi32>
          %gather3A_328 = tpu.vector_load_idx %arg5[%iota3A_4, %add3A_327] : memref<32x128xf32, #tpu.memory_space<vmem>>[vector<16xi32>, vector<16xi32>], vector<16xf32>,
          %mul3A_329 = arith.constant 32 : i32
          %mul3A_330 = vector.broadcast %mul3A_329 : i32 to vector<16xi32>
          %mul3A_331 = arith.muli %add3A_327, %mul3A_330 : vector<16xi32>
          %add3A_332 = arith.addi %mul3A_331, %iota3A_4 : vector<16xi32>
          tpu.vector_store_idx %arg7[%add3A_332], %gather3A_328 : memref<4096xf32, #tpu.memory_space<vmem>>[vector<16xi32>], vector<16xf32>,
          %add3A_333 = arith.constant 48 : i32
          %add3A_334 = vector.broadcast %add3A_333 : i32 to vector<16xi32>
          %add3A_335 = arith.addi %and3A_276, %add3A_334 : vector<16xi32>
          %gather3A_336 = tpu.vector_load_idx %arg5[%add3A_7, %add3A_335] : memref<32x128xf32, #tpu.memory_space<vmem>>[vector<16xi32>, vector<16xi32>], vector<16xf32>,
          %mul3A_337 = arith.constant 32 : i32
          %mul3A_338 = vector.broadcast %mul3A_337 : i32 to vector<16xi32>
          %mul3A_339 = arith.muli %add3A_335, %mul3A_338 : vector<16xi32>
          %add3A_340 = arith.addi %mul3A_339, %add3A_7 : vector<16xi32>
          tpu.vector_store_idx %arg7[%add3A_340], %gather3A_336 : memref<4096xf32, #tpu.memory_space<vmem>>[vector<16xi32>], vector<16xf32>,
          %add3A_341 = arith.constant 64 : i32
          %add3A_342 = vector.broadcast %add3A_341 : i32 to vector<16xi32>
          %add3A_343 = arith.addi %and3A_276, %add3A_342 : vector<16xi32>
          %gather3A_344 = tpu.vector_load_idx %arg5[%iota3A_4, %add3A_343] : memref<32x128xf32, #tpu.memory_space<vmem>>[vector<16xi32>, vector<16xi32>], vector<16xf32>,
          %mul3A_345 = arith.constant 32 : i32
          %mul3A_346 = vector.broadcast %mul3A_345 : i32 to vector<16xi32>
          %mul3A_347 = arith.muli %add3A_343, %mul3A_346 : vector<16xi32>
          %add3A_348 = arith.addi %mul3A_347, %iota3A_4 : vector<16xi32>
          tpu.vector_store_idx %arg7[%add3A_348], %gather3A_344 : memref<4096xf32, #tpu.memory_space<vmem>>[vector<16xi32>], vector<16xf32>,
          %add3A_349 = arith.constant 64 : i32
          %add3A_350 = vector.broadcast %add3A_349 : i32 to vector<16xi32>
          %add3A_351 = arith.addi %and3A_276, %add3A_350 : vector<16xi32>
          %gather3A_352 = tpu.vector_load_idx %arg5[%add3A_7, %add3A_351] : memref<32x128xf32, #tpu.memory_space<vmem>>[vector<16xi32>, vector<16xi32>], vector<16xf32>,
          %mul3A_353 = arith.constant 32 : i32
          %mul3A_354 = vector.broadcast %mul3A_353 : i32 to vector<16xi32>
          %mul3A_355 = arith.muli %add3A_351, %mul3A_354 : vector<16xi32>
          %add3A_356 = arith.addi %mul3A_355, %add3A_7 : vector<16xi32>
          tpu.vector_store_idx %arg7[%add3A_356], %gather3A_352 : memref<4096xf32, #tpu.memory_space<vmem>>[vector<16xi32>], vector<16xf32>,
          %add3A_357 = arith.constant 80 : i32
          %add3A_358 = vector.broadcast %add3A_357 : i32 to vector<16xi32>
          %add3A_359 = arith.addi %and3A_276, %add3A_358 : vector<16xi32>
          %gather3A_360 = tpu.vector_load_idx %arg5[%iota3A_4, %add3A_359] : memref<32x128xf32, #tpu.memory_space<vmem>>[vector<16xi32>, vector<16xi32>], vector<16xf32>,
          %mul3A_361 = arith.constant 32 : i32
          %mul3A_362 = vector.broadcast %mul3A_361 : i32 to vector<16xi32>
          %mul3A_363 = arith.muli %add3A_359, %mul3A_362 : vector<16xi32>
          %add3A_364 = arith.addi %mul3A_363, %iota3A_4 : vector<16xi32>
          tpu.vector_store_idx %arg7[%add3A_364], %gather3A_360 : memref<4096xf32, #tpu.memory_space<vmem>>[vector<16xi32>], vector<16xf32>,
          %add3A_365 = arith.constant 80 : i32
          %add3A_366 = vector.broadcast %add3A_365 : i32 to vector<16xi32>
          %add3A_367 = arith.addi %and3A_276, %add3A_366 : vector<16xi32>
          %gather3A_368 = tpu.vector_load_idx %arg5[%add3A_7, %add3A_367] : memref<32x128xf32, #tpu.memory_space<vmem>>[vector<16xi32>, vector<16xi32>], vector<16xf32>,
          %mul3A_369 = arith.constant 32 : i32
          %mul3A_370 = vector.broadcast %mul3A_369 : i32 to vector<16xi32>
          %mul3A_371 = arith.muli %add3A_367, %mul3A_370 : vector<16xi32>
          %add3A_372 = arith.addi %mul3A_371, %add3A_7 : vector<16xi32>
          tpu.vector_store_idx %arg7[%add3A_372], %gather3A_368 : memref<4096xf32, #tpu.memory_space<vmem>>[vector<16xi32>], vector<16xf32>,
          %add3A_373 = arith.constant 96 : i32
          %add3A_374 = vector.broadcast %add3A_373 : i32 to vector<16xi32>
          %add3A_375 = arith.addi %and3A_276, %add3A_374 : vector<16xi32>
          %gather3A_376 = tpu.vector_load_idx %arg5[%iota3A_4, %add3A_375] : memref<32x128xf32, #tpu.memory_space<vmem>>[vector<16xi32>, vector<16xi32>], vector<16xf32>,
          %mul3A_377 = arith.constant 32 : i32
          %mul3A_378 = vector.broadcast %mul3A_377 : i32 to vector<16xi32>
          %mul3A_379 = arith.muli %add3A_375, %mul3A_378 : vector<16xi32>
          %add3A_380 = arith.addi %mul3A_379, %iota3A_4 : vector<16xi32>
          tpu.vector_store_idx %arg7[%add3A_380], %gather3A_376 : memref<4096xf32, #tpu.memory_space<vmem>>[vector<16xi32>], vector<16xf32>,
          %add3A_381 = arith.constant 96 : i32
          %add3A_382 = vector.broadcast %add3A_381 : i32 to vector<16xi32>
          %add3A_383 = arith.addi %and3A_276, %add3A_382 : vector<16xi32>
          %gather3A_384 = tpu.vector_load_idx %arg5[%add3A_7, %add3A_383] : memref<32x128xf32, #tpu.memory_space<vmem>>[vector<16xi32>, vector<16xi32>], vector<16xf32>,
          %mul3A_385 = arith.constant 32 : i32
          %mul3A_386 = vector.broadcast %mul3A_385 : i32 to vector<16xi32>
          %mul3A_387 = arith.muli %add3A_383, %mul3A_386 : vector<16xi32>
          %add3A_388 = arith.addi %mul3A_387, %add3A_7 : vector<16xi32>
          tpu.vector_store_idx %arg7[%add3A_388], %gather3A_384 : memref<4096xf32, #tpu.memory_space<vmem>>[vector<16xi32>], vector<16xf32>,
          %add3A_389 = arith.constant 112 : i32
          %add3A_390 = vector.broadcast %add3A_389 : i32 to vector<16xi32>
          %add3A_391 = arith.addi %and3A_276, %add3A_390 : vector<16xi32>
          %gather3A_392 = tpu.vector_load_idx %arg5[%iota3A_4, %add3A_391] : memref<32x128xf32, #tpu.memory_space<vmem>>[vector<16xi32>, vector<16xi32>], vector<16xf32>,
          %mul3A_393 = arith.constant 32 : i32
          %mul3A_394 = vector.broadcast %mul3A_393 : i32 to vector<16xi32>
          %mul3A_395 = arith.muli %add3A_391, %mul3A_394 : vector<16xi32>
          %add3A_396 = arith.addi %mul3A_395, %iota3A_4 : vector<16xi32>
          tpu.vector_store_idx %arg7[%add3A_396], %gather3A_392 : memref<4096xf32, #tpu.memory_space<vmem>>[vector<16xi32>], vector<16xf32>,
          %add3A_397 = arith.constant 112 : i32
          %add3A_398 = vector.broadcast %add3A_397 : i32 to vector<16xi32>
          %add3A_399 = arith.addi %and3A_276, %add3A_398 : vector<16xi32>
          %gather3A_400 = tpu.vector_load_idx %arg5[%add3A_7, %add3A_399] : memref<32x128xf32, #tpu.memory_space<vmem>>[vector<16xi32>, vector<16xi32>], vector<16xf32>,
          %mul3A_401 = arith.constant 32 : i32
          %mul3A_402 = vector.broadcast %mul3A_401 : i32 to vector<16xi32>
          %mul3A_403 = arith.muli %add3A_399, %mul3A_402 : vector<16xi32>
          %add3A_404 = arith.addi %mul3A_403, %add3A_7 : vector<16xi32>
          tpu.vector_store_idx %arg7[%add3A_404], %gather3A_400 : memref<4096xf32, #tpu.memory_space<vmem>>[vector<16xi32>], vector<16xf32>,
        }
        %scan3A_121 = arith.constant 8 : i32
        %mul3A_122 = arith.constant 4096 : i32
        %mul3A_123 = arith.muli %add3A_46, %mul3A_122 : i32
        %dma_start3A = tpu.memref_slice %arg4[%mul3A_123] : memref<32000000xf32, #tpu.memory_space<hbm>> -> memref<4096xf32, #tpu.memory_space<hbm>>
        %dma_start3A_124 = tpu.memref_slice %arg4[%mul3A_123] : memref<32000000xf32, #tpu.memory_space<hbm>> -> memref<4096xf32, #tpu.memory_space<hbm>>
        tpu.enqueue_dma source(%arg7 : memref<4096xf32, #tpu.memory_space<vmem>>) target(%dma_start3A_124 : memref<4096xf32, #tpu.memory_space<hbm>>) target_semaphore(%arg11 : memref<!tpu.dma_semaphore, #tpu.memory_space<semaphore_mem>>)
        %add3A_125 = arith.constant 64 : i32
        %add3A_126 = arith.addi %add3A_46, %add3A_125 : i32
        %lt3A_127 = arith.constant 7812 : i32
        %lt3A_128 = arith.cmpi slt, %add3A_126, %lt3A_127 : i32
        %convert_element_type3A_129 = arith.extui %lt3A_128 : i1 to i32
        %cond3A_130 = arith.constant 0 : i32
        %cond3A_131 = arith.cmpi ne, %convert_element_type3A_129, %cond3A_130 : i32
        scf.if %cond3A_131 {
          %mul3A_132 = arith.constant 128 : i32
          %mul3A_133 = arith.muli %add3A_126, %mul3A_132 : i32
          %dma_start3A_134 = arith.constant 0 : i32
          %dma_start3A_135 = arith.constant 0 : i32
          %dma_start3A_136 = tpu.memref_slice %arg5[%dma_start3A_134, %dma_start3A_135] : memref<32x128xf32, #tpu.memory_space<vmem>> -> memref<8x128xf32, #tpu.memory_space<vmem>>
          %dma_start3A_137 = arith.constant 0 : i32
          %dma_start3A_138 = tpu.memref_slice %arg2[%dma_start3A_137, %mul3A_133] : memref<32x1000000xf32, #tpu.memory_space<hbm>> -> memref<8x128xf32, #tpu.memory_space<hbm>>
          %dma_start3A_139 = arith.constant 0 : i32
          %dma_start3A_140 = arith.constant 0 : i32
          %dma_start3A_141 = tpu.memref_slice %arg5[%dma_start3A_139, %dma_start3A_140] : memref<32x128xf32, #tpu.memory_space<vmem>> -> memref<8x128xf32, #tpu.memory_space<vmem>>
          %dma_start3A_142 = arith.constant 0 : i32
          %dma_start3A_143 = tpu.memref_slice %arg2[%dma_start3A_142, %mul3A_133] : memref<32x1000000xf32, #tpu.memory_space<hbm>> -> memref<8x128xf32, #tpu.memory_space<hbm>>
          tpu.enqueue_dma source(%dma_start3A_143 : memref<8x128xf32, #tpu.memory_space<hbm>>) target(%dma_start3A_141 : memref<8x128xf32, #tpu.memory_space<vmem>>) target_semaphore(%arg9 : memref<!tpu.dma_semaphore, #tpu.memory_space<semaphore_mem>>)
          %mul3A_144 = arith.constant 128 : i32
          %mul3A_145 = arith.muli %add3A_126, %mul3A_144 : i32
          %dma_start3A_146 = arith.constant 8 : i32
          %dma_start3A_147 = arith.constant 0 : i32
          %dma_start3A_148 = tpu.memref_slice %arg5[%dma_start3A_146, %dma_start3A_147] : memref<32x128xf32, #tpu.memory_space<vmem>> -> memref<8x128xf32, #tpu.memory_space<vmem>>
          %dma_start3A_149 = arith.constant 8 : i32
          %dma_start3A_150 = tpu.memref_slice %arg2[%dma_start3A_149, %mul3A_145] : memref<32x1000000xf32, #tpu.memory_space<hbm>> -> memref<8x128xf32, #tpu.memory_space<hbm>>
          %dma_start3A_151 = arith.constant 8 : i32
          %dma_start3A_152 = arith.constant 0 : i32
          %dma_start3A_153 = tpu.memref_slice %arg5[%dma_start3A_151, %dma_start3A_152] : memref<32x128xf32, #tpu.memory_space<vmem>> -> memref<8x128xf32, #tpu.memory_space<vmem>>
          %dma_start3A_154 = arith.constant 8 : i32
          %dma_start3A_155 = tpu.memref_slice %arg2[%dma_start3A_154, %mul3A_145] : memref<32x1000000xf32, #tpu.memory_space<hbm>> -> memref<8x128xf32, #tpu.memory_space<hbm>>
          tpu.enqueue_dma source(%dma_start3A_155 : memref<8x128xf32, #tpu.memory_space<hbm>>) target(%dma_start3A_153 : memref<8x128xf32, #tpu.memory_space<vmem>>) target_semaphore(%arg9 : memref<!tpu.dma_semaphore, #tpu.memory_space<semaphore_mem>>)
          %mul3A_156 = arith.constant 128 : i32
          %mul3A_157 = arith.muli %add3A_126, %mul3A_156 : i32
          %dma_start3A_158 = arith.constant 16 : i32
          %dma_start3A_159 = arith.constant 0 : i32
          %dma_start3A_160 = tpu.memref_slice %arg5[%dma_start3A_158, %dma_start3A_159] : memref<32x128xf32, #tpu.memory_space<vmem>> -> memref<8x128xf32, #tpu.memory_space<vmem>>
          %dma_start3A_161 = arith.constant 16 : i32
          %dma_start3A_162 = tpu.memref_slice %arg2[%dma_start3A_161, %mul3A_157] : memref<32x1000000xf32, #tpu.memory_space<hbm>> -> memref<8x128xf32, #tpu.memory_space<hbm>>
          %dma_start3A_163 = arith.constant 16 : i32
          %dma_start3A_164 = arith.constant 0 : i32
          %dma_start3A_165 = tpu.memref_slice %arg5[%dma_start3A_163, %dma_start3A_164] : memref<32x128xf32, #tpu.memory_space<vmem>> -> memref<8x128xf32, #tpu.memory_space<vmem>>
          %dma_start3A_166 = arith.constant 16 : i32
          %dma_start3A_167 = tpu.memref_slice %arg2[%dma_start3A_166, %mul3A_157] : memref<32x1000000xf32, #tpu.memory_space<hbm>> -> memref<8x128xf32, #tpu.memory_space<hbm>>
          tpu.enqueue_dma source(%dma_start3A_167 : memref<8x128xf32, #tpu.memory_space<hbm>>) target(%dma_start3A_165 : memref<8x128xf32, #tpu.memory_space<vmem>>) target_semaphore(%arg9 : memref<!tpu.dma_semaphore, #tpu.memory_space<semaphore_mem>>)
          %mul3A_168 = arith.constant 128 : i32
          %mul3A_169 = arith.muli %add3A_126, %mul3A_168 : i32
          %dma_start3A_170 = arith.constant 24 : i32
          %dma_start3A_171 = arith.constant 0 : i32
          %dma_start3A_172 = tpu.memref_slice %arg5[%dma_start3A_170, %dma_start3A_171] : memref<32x128xf32, #tpu.memory_space<vmem>> -> memref<8x128xf32, #tpu.memory_space<vmem>>
          %dma_start3A_173 = arith.constant 24 : i32
          %dma_start3A_174 = tpu.memref_slice %arg2[%dma_start3A_173, %mul3A_169] : memref<32x1000000xf32, #tpu.memory_space<hbm>> -> memref<8x128xf32, #tpu.memory_space<hbm>>
          %dma_start3A_175 = arith.constant 24 : i32
          %dma_start3A_176 = arith.constant 0 : i32
          %dma_start3A_177 = tpu.memref_slice %arg5[%dma_start3A_175, %dma_start3A_176] : memref<32x128xf32, #tpu.memory_space<vmem>> -> memref<8x128xf32, #tpu.memory_space<vmem>>
          %dma_start3A_178 = arith.constant 24 : i32
          %dma_start3A_179 = tpu.memref_slice %arg2[%dma_start3A_178, %mul3A_169] : memref<32x1000000xf32, #tpu.memory_space<hbm>> -> memref<8x128xf32, #tpu.memory_space<hbm>>
          tpu.enqueue_dma source(%dma_start3A_179 : memref<8x128xf32, #tpu.memory_space<hbm>>) target(%dma_start3A_177 : memref<8x128xf32, #tpu.memory_space<vmem>>) target_semaphore(%arg9 : memref<!tpu.dma_semaphore, #tpu.memory_space<semaphore_mem>>)
        } else {
        }
      } else {
      }
      %mul3A_52 = arith.constant 2 : i32
      %mul3A_53 = arith.muli %scan3A_39, %mul3A_52 : i32
      %add3A_54 = arith.constant 1 : i32
      %add3A_55 = arith.addi %mul3A_53, %add3A_54 : i32
      %mul3A_56 = arith.constant 32 : i32
      %mul3A_57 = arith.muli %add3A_55, %mul3A_56 : i32
      %add3A_58 = arith.addi %mul3A_57, %add3A : i32
      %lt3A_59 = arith.constant 7812 : i32
      %lt3A_60 = arith.cmpi slt, %add3A_58, %lt3A_59 : i32
      %convert_element_type3A_61 = arith.extui %lt3A_60 : i1 to i32
      %cond3A_62 = arith.constant 0 : i32
      %cond3A_63 = arith.cmpi ne, %convert_element_type3A_61, %cond3A_62 : i32
      scf.if %cond3A_63 {
        %dma_wait3A_64 = arith.constant 0 : i32
        %dma_wait3A_65 = arith.constant 0 : i32
        %dma_wait3A_66 = tpu.memref_slice %arg6[%dma_wait3A_64, %dma_wait3A_65] : memref<32x128xf32, #tpu.memory_space<vmem>> -> memref<8x128xf32, #tpu.memory_space<vmem>>
        %dma_wait3A_67 = arith.constant 0 : i32
        %dma_wait3A_68 = arith.constant 0 : i32
        %dma_wait3A_69 = tpu.memref_slice %arg2[%dma_wait3A_67, %dma_wait3A_68] : memref<32x1000000xf32, #tpu.memory_space<hbm>> -> memref<8x128xf32, #tpu.memory_space<hbm>>
        %dma_wait3A_70 = arith.constant 0 : i32
        %dma_wait3A_71 = arith.constant 0 : i32
        %dma_wait3A_72 = tpu.memref_slice %arg6[%dma_wait3A_70, %dma_wait3A_71] : memref<32x128xf32, #tpu.memory_space<vmem>> -> memref<8x128xf32, #tpu.memory_space<vmem>>
        %dma_wait3A_73 = arith.constant 0 : i32
        %dma_wait3A_74 = arith.constant 0 : i32
        %dma_wait3A_75 = tpu.memref_slice %arg2[%dma_wait3A_73, %dma_wait3A_74] : memref<32x1000000xf32, #tpu.memory_space<hbm>> -> memref<8x128xf32, #tpu.memory_space<hbm>>
        tpu.wait_dma2 semaphore(%arg10 : memref<!tpu.dma_semaphore, #tpu.memory_space<semaphore_mem>>) src(%dma_wait3A_75 : memref<8x128xf32, #tpu.memory_space<hbm>>) dst(%dma_wait3A_72 : memref<8x128xf32, #tpu.memory_space<vmem>>)
        %dma_wait3A_76 = arith.constant 8 : i32
        %dma_wait3A_77 = arith.constant 0 : i32
        %dma_wait3A_78 = tpu.memref_slice %arg6[%dma_wait3A_76, %dma_wait3A_77] : memref<32x128xf32, #tpu.memory_space<vmem>> -> memref<8x128xf32, #tpu.memory_space<vmem>>
        %dma_wait3A_79 = arith.constant 0 : i32
        %dma_wait3A_80 = arith.constant 0 : i32
        %dma_wait3A_81 = tpu.memref_slice %arg2[%dma_wait3A_79, %dma_wait3A_80] : memref<32x1000000xf32, #tpu.memory_space<hbm>> -> memref<8x128xf32, #tpu.memory_space<hbm>>
        %dma_wait3A_82 = arith.constant 8 : i32
        %dma_wait3A_83 = arith.constant 0 : i32
        %dma_wait3A_84 = tpu.memref_slice %arg6[%dma_wait3A_82, %dma_wait3A_83] : memref<32x128xf32, #tpu.memory_space<vmem>> -> memref<8x128xf32, #tpu.memory_space<vmem>>
        %dma_wait3A_85 = arith.constant 0 : i32
        %dma_wait3A_86 = arith.constant 0 : i32
        %dma_wait3A_87 = tpu.memref_slice %arg2[%dma_wait3A_85, %dma_wait3A_86] : memref<32x1000000xf32, #tpu.memory_space<hbm>> -> memref<8x128xf32, #tpu.memory_space<hbm>>
        tpu.wait_dma2 semaphore(%arg10 : memref<!tpu.dma_semaphore, #tpu.memory_space<semaphore_mem>>) src(%dma_wait3A_87 : memref<8x128xf32, #tpu.memory_space<hbm>>) dst(%dma_wait3A_84 : memref<8x128xf32, #tpu.memory_space<vmem>>)
        %dma_wait3A_88 = arith.constant 16 : i32
        %dma_wait3A_89 = arith.constant 0 : i32
        %dma_wait3A_90 = tpu.memref_slice %arg6[%dma_wait3A_88, %dma_wait3A_89] : memref<32x128xf32, #tpu.memory_space<vmem>> -> memref<8x128xf32, #tpu.memory_space<vmem>>
        %dma_wait3A_91 = arith.constant 0 : i32
        %dma_wait3A_92 = arith.constant 0 : i32
        %dma_wait3A_93 = tpu.memref_slice %arg2[%dma_wait3A_91, %dma_wait3A_92] : memref<32x1000000xf32, #tpu.memory_space<hbm>> -> memref<8x128xf32, #tpu.memory_space<hbm>>
        %dma_wait3A_94 = arith.constant 16 : i32
        %dma_wait3A_95 = arith.constant 0 : i32
        %dma_wait3A_96 = tpu.memref_slice %arg6[%dma_wait3A_94, %dma_wait3A_95] : memref<32x128xf32, #tpu.memory_space<vmem>> -> memref<8x128xf32, #tpu.memory_space<vmem>>
        %dma_wait3A_97 = arith.constant 0 : i32
        %dma_wait3A_98 = arith.constant 0 : i32
        %dma_wait3A_99 = tpu.memref_slice %arg2[%dma_wait3A_97, %dma_wait3A_98] : memref<32x1000000xf32, #tpu.memory_space<hbm>> -> memref<8x128xf32, #tpu.memory_space<hbm>>
        tpu.wait_dma2 semaphore(%arg10 : memref<!tpu.dma_semaphore, #tpu.memory_space<semaphore_mem>>) src(%dma_wait3A_99 : memref<8x128xf32, #tpu.memory_space<hbm>>) dst(%dma_wait3A_96 : memref<8x128xf32, #tpu.memory_space<vmem>>)
        %dma_wait3A_100 = arith.constant 24 : i32
        %dma_wait3A_101 = arith.constant 0 : i32
        %dma_wait3A_102 = tpu.memref_slice %arg6[%dma_wait3A_100, %dma_wait3A_101] : memref<32x128xf32, #tpu.memory_space<vmem>> -> memref<8x128xf32, #tpu.memory_space<vmem>>
        %dma_wait3A_103 = arith.constant 0 : i32
        %dma_wait3A_104 = arith.constant 0 : i32
        %dma_wait3A_105 = tpu.memref_slice %arg2[%dma_wait3A_103, %dma_wait3A_104] : memref<32x1000000xf32, #tpu.memory_space<hbm>> -> memref<8x128xf32, #tpu.memory_space<hbm>>
        %dma_wait3A_106 = arith.constant 24 : i32
        %dma_wait3A_107 = arith.constant 0 : i32
        %dma_wait3A_108 = tpu.memref_slice %arg6[%dma_wait3A_106, %dma_wait3A_107] : memref<32x128xf32, #tpu.memory_space<vmem>> -> memref<8x128xf32, #tpu.memory_space<vmem>>
        %dma_wait3A_109 = arith.constant 0 : i32
        %dma_wait3A_110 = arith.constant 0 : i32
        %dma_wait3A_111 = tpu.memref_slice %arg2[%dma_wait3A_109, %dma_wait3A_110] : memref<32x1000000xf32, #tpu.memory_space<hbm>> -> memref<8x128xf32, #tpu.memory_space<hbm>>
        tpu.wait_dma2 semaphore(%arg10 : memref<!tpu.dma_semaphore, #tpu.memory_space<semaphore_mem>>) src(%dma_wait3A_111 : memref<8x128xf32, #tpu.memory_space<hbm>>) dst(%dma_wait3A_108 : memref<8x128xf32, #tpu.memory_space<vmem>>)
        %ge3A = arith.constant 1 : i32
        %ge3A_112 = arith.cmpi sge, %scan3A_39, %ge3A : i32
        %convert_element_type3A_113 = arith.extui %ge3A_112 : i1 to i32
        %cond3A_114 = arith.constant 0 : i32
        %cond3A_115 = arith.cmpi ne, %convert_element_type3A_113, %cond3A_114 : i32
        scf.if %cond3A_115 {
          %dma_wait3A_132 = arith.constant 0 : i32
          %dma_wait3A_133 = tpu.memref_slice %arg4[%dma_wait3A_132] : memref<32000000xf32, #tpu.memory_space<hbm>> -> memref<4096xf32, #tpu.memory_space<hbm>>
          %dma_wait3A_134 = arith.constant 0 : i32
          %dma_wait3A_135 = tpu.memref_slice %arg4[%dma_wait3A_134] : memref<32000000xf32, #tpu.memory_space<hbm>> -> memref<4096xf32, #tpu.memory_space<hbm>>
          tpu.wait_dma2 semaphore(%arg12 : memref<!tpu.dma_semaphore, #tpu.memory_space<semaphore_mem>>) src(%arg8 : memref<4096xf32, #tpu.memory_space<vmem>>) dst(%dma_wait3A_135 : memref<4096xf32, #tpu.memory_space<hbm>>)
        } else {
        }
        %scan3A_116 = arith.constant 0 : i32
        %scan3A_117 = arith.constant 0 : i32
        %scan3A_118 = arith.constant 8 : i32
        %scan3A_119 = arith.addi %scan3A_117, %scan3A_118 : i32
        %scan3A_120 = arith.constant 1 : i32
        scf.for %scan3A_132 = %scan3A_117 to %scan3A_119 step %scan3A_120  : i32 {
          %mul3A_133 = arith.constant 2 : i32
          %mul3A_134 = arith.muli %scan3A_132, %mul3A_133 : i32
          %add3A_135 = arith.constant 0 : i32
          %add3A_136 = arith.addi %mul3A_134, %add3A_135 : i32
          %add3A_137 = vector.broadcast %add3A_136 : i32 to vector<16xi32>
          %add3A_138 = arith.addi %iota3A_4, %add3A_137 : vector<16xi32>
          %and3A = arith.constant 15 : i32
          %and3A_139 = vector.broadcast %and3A : i32 to vector<16xi32>
          %and3A_140 = arith.andi %add3A_138, %and3A_139 : vector<16xi32>
          %add3A_141 = arith.constant 0 : i32
          %add3A_142 = vector.broadcast %add3A_141 : i32 to vector<16xi32>
          %add3A_143 = arith.addi %and3A_140, %add3A_142 : vector<16xi32>
          %gather3A = tpu.vector_load_idx %arg6[%iota3A_4, %add3A_143] : memref<32x128xf32, #tpu.memory_space<vmem>>[vector<16xi32>, vector<16xi32>], vector<16xf32>,
          %mul3A_144 = arith.constant 32 : i32
          %mul3A_145 = vector.broadcast %mul3A_144 : i32 to vector<16xi32>
          %mul3A_146 = arith.muli %add3A_143, %mul3A_145 : vector<16xi32>
          %add3A_147 = arith.addi %mul3A_146, %iota3A_4 : vector<16xi32>
          tpu.vector_store_idx %arg8[%add3A_147], %gather3A : memref<4096xf32, #tpu.memory_space<vmem>>[vector<16xi32>], vector<16xf32>,
          %add3A_148 = arith.constant 0 : i32
          %add3A_149 = vector.broadcast %add3A_148 : i32 to vector<16xi32>
          %add3A_150 = arith.addi %and3A_140, %add3A_149 : vector<16xi32>
          %gather3A_151 = tpu.vector_load_idx %arg6[%add3A_7, %add3A_150] : memref<32x128xf32, #tpu.memory_space<vmem>>[vector<16xi32>, vector<16xi32>], vector<16xf32>,
          %mul3A_152 = arith.constant 32 : i32
          %mul3A_153 = vector.broadcast %mul3A_152 : i32 to vector<16xi32>
          %mul3A_154 = arith.muli %add3A_150, %mul3A_153 : vector<16xi32>
          %add3A_155 = arith.addi %mul3A_154, %add3A_7 : vector<16xi32>
          tpu.vector_store_idx %arg8[%add3A_155], %gather3A_151 : memref<4096xf32, #tpu.memory_space<vmem>>[vector<16xi32>], vector<16xf32>,
          %add3A_156 = arith.constant 16 : i32
          %add3A_157 = vector.broadcast %add3A_156 : i32 to vector<16xi32>
          %add3A_158 = arith.addi %and3A_140, %add3A_157 : vector<16xi32>
          %gather3A_159 = tpu.vector_load_idx %arg6[%iota3A_4, %add3A_158] : memref<32x128xf32, #tpu.memory_space<vmem>>[vector<16xi32>, vector<16xi32>], vector<16xf32>,
          %mul3A_160 = arith.constant 32 : i32
          %mul3A_161 = vector.broadcast %mul3A_160 : i32 to vector<16xi32>
          %mul3A_162 = arith.muli %add3A_158, %mul3A_161 : vector<16xi32>
          %add3A_163 = arith.addi %mul3A_162, %iota3A_4 : vector<16xi32>
          tpu.vector_store_idx %arg8[%add3A_163], %gather3A_159 : memref<4096xf32, #tpu.memory_space<vmem>>[vector<16xi32>], vector<16xf32>,
          %add3A_164 = arith.constant 16 : i32
          %add3A_165 = vector.broadcast %add3A_164 : i32 to vector<16xi32>
          %add3A_166 = arith.addi %and3A_140, %add3A_165 : vector<16xi32>
          %gather3A_167 = tpu.vector_load_idx %arg6[%add3A_7, %add3A_166] : memref<32x128xf32, #tpu.memory_space<vmem>>[vector<16xi32>, vector<16xi32>], vector<16xf32>,
          %mul3A_168 = arith.constant 32 : i32
          %mul3A_169 = vector.broadcast %mul3A_168 : i32 to vector<16xi32>
          %mul3A_170 = arith.muli %add3A_166, %mul3A_169 : vector<16xi32>
          %add3A_171 = arith.addi %mul3A_170, %add3A_7 : vector<16xi32>
          tpu.vector_store_idx %arg8[%add3A_171], %gather3A_167 : memref<4096xf32, #tpu.memory_space<vmem>>[vector<16xi32>], vector<16xf32>,
          %add3A_172 = arith.constant 32 : i32
          %add3A_173 = vector.broadcast %add3A_172 : i32 to vector<16xi32>
          %add3A_174 = arith.addi %and3A_140, %add3A_173 : vector<16xi32>
          %gather3A_175 = tpu.vector_load_idx %arg6[%iota3A_4, %add3A_174] : memref<32x128xf32, #tpu.memory_space<vmem>>[vector<16xi32>, vector<16xi32>], vector<16xf32>,
          %mul3A_176 = arith.constant 32 : i32
          %mul3A_177 = vector.broadcast %mul3A_176 : i32 to vector<16xi32>
          %mul3A_178 = arith.muli %add3A_174, %mul3A_177 : vector<16xi32>
          %add3A_179 = arith.addi %mul3A_178, %iota3A_4 : vector<16xi32>
          tpu.vector_store_idx %arg8[%add3A_179], %gather3A_175 : memref<4096xf32, #tpu.memory_space<vmem>>[vector<16xi32>], vector<16xf32>,
          %add3A_180 = arith.constant 32 : i32
          %add3A_181 = vector.broadcast %add3A_180 : i32 to vector<16xi32>
          %add3A_182 = arith.addi %and3A_140, %add3A_181 : vector<16xi32>
          %gather3A_183 = tpu.vector_load_idx %arg6[%add3A_7, %add3A_182] : memref<32x128xf32, #tpu.memory_space<vmem>>[vector<16xi32>, vector<16xi32>], vector<16xf32>,
          %mul3A_184 = arith.constant 32 : i32
          %mul3A_185 = vector.broadcast %mul3A_184 : i32 to vector<16xi32>
          %mul3A_186 = arith.muli %add3A_182, %mul3A_185 : vector<16xi32>
          %add3A_187 = arith.addi %mul3A_186, %add3A_7 : vector<16xi32>
          tpu.vector_store_idx %arg8[%add3A_187], %gather3A_183 : memref<4096xf32, #tpu.memory_space<vmem>>[vector<16xi32>], vector<16xf32>,
          %add3A_188 = arith.constant 48 : i32
          %add3A_189 = vector.broadcast %add3A_188 : i32 to vector<16xi32>
          %add3A_190 = arith.addi %and3A_140, %add3A_189 : vector<16xi32>
          %gather3A_191 = tpu.vector_load_idx %arg6[%iota3A_4, %add3A_190] : memref<32x128xf32, #tpu.memory_space<vmem>>[vector<16xi32>, vector<16xi32>], vector<16xf32>,
          %mul3A_192 = arith.constant 32 : i32
          %mul3A_193 = vector.broadcast %mul3A_192 : i32 to vector<16xi32>
          %mul3A_194 = arith.muli %add3A_190, %mul3A_193 : vector<16xi32>
          %add3A_195 = arith.addi %mul3A_194, %iota3A_4 : vector<16xi32>
          tpu.vector_store_idx %arg8[%add3A_195], %gather3A_191 : memref<4096xf32, #tpu.memory_space<vmem>>[vector<16xi32>], vector<16xf32>,
          %add3A_196 = arith.constant 48 : i32
          %add3A_197 = vector.broadcast %add3A_196 : i32 to vector<16xi32>
          %add3A_198 = arith.addi %and3A_140, %add3A_197 : vector<16xi32>
          %gather3A_199 = tpu.vector_load_idx %arg6[%add3A_7, %add3A_198] : memref<32x128xf32, #tpu.memory_space<vmem>>[vector<16xi32>, vector<16xi32>], vector<16xf32>,
          %mul3A_200 = arith.constant 32 : i32
          %mul3A_201 = vector.broadcast %mul3A_200 : i32 to vector<16xi32>
          %mul3A_202 = arith.muli %add3A_198, %mul3A_201 : vector<16xi32>
          %add3A_203 = arith.addi %mul3A_202, %add3A_7 : vector<16xi32>
          tpu.vector_store_idx %arg8[%add3A_203], %gather3A_199 : memref<4096xf32, #tpu.memory_space<vmem>>[vector<16xi32>], vector<16xf32>,
          %add3A_204 = arith.constant 64 : i32
          %add3A_205 = vector.broadcast %add3A_204 : i32 to vector<16xi32>
          %add3A_206 = arith.addi %and3A_140, %add3A_205 : vector<16xi32>
          %gather3A_207 = tpu.vector_load_idx %arg6[%iota3A_4, %add3A_206] : memref<32x128xf32, #tpu.memory_space<vmem>>[vector<16xi32>, vector<16xi32>], vector<16xf32>,
          %mul3A_208 = arith.constant 32 : i32
          %mul3A_209 = vector.broadcast %mul3A_208 : i32 to vector<16xi32>
          %mul3A_210 = arith.muli %add3A_206, %mul3A_209 : vector<16xi32>
          %add3A_211 = arith.addi %mul3A_210, %iota3A_4 : vector<16xi32>
          tpu.vector_store_idx %arg8[%add3A_211], %gather3A_207 : memref<4096xf32, #tpu.memory_space<vmem>>[vector<16xi32>], vector<16xf32>,
          %add3A_212 = arith.constant 64 : i32
          %add3A_213 = vector.broadcast %add3A_212 : i32 to vector<16xi32>
          %add3A_214 = arith.addi %and3A_140, %add3A_213 : vector<16xi32>
          %gather3A_215 = tpu.vector_load_idx %arg6[%add3A_7, %add3A_214] : memref<32x128xf32, #tpu.memory_space<vmem>>[vector<16xi32>, vector<16xi32>], vector<16xf32>,
          %mul3A_216 = arith.constant 32 : i32
          %mul3A_217 = vector.broadcast %mul3A_216 : i32 to vector<16xi32>
          %mul3A_218 = arith.muli %add3A_214, %mul3A_217 : vector<16xi32>
          %add3A_219 = arith.addi %mul3A_218, %add3A_7 : vector<16xi32>
          tpu.vector_store_idx %arg8[%add3A_219], %gather3A_215 : memref<4096xf32, #tpu.memory_space<vmem>>[vector<16xi32>], vector<16xf32>,
          %add3A_220 = arith.constant 80 : i32
          %add3A_221 = vector.broadcast %add3A_220 : i32 to vector<16xi32>
          %add3A_222 = arith.addi %and3A_140, %add3A_221 : vector<16xi32>
          %gather3A_223 = tpu.vector_load_idx %arg6[%iota3A_4, %add3A_222] : memref<32x128xf32, #tpu.memory_space<vmem>>[vector<16xi32>, vector<16xi32>], vector<16xf32>,
          %mul3A_224 = arith.constant 32 : i32
          %mul3A_225 = vector.broadcast %mul3A_224 : i32 to vector<16xi32>
          %mul3A_226 = arith.muli %add3A_222, %mul3A_225 : vector<16xi32>
          %add3A_227 = arith.addi %mul3A_226, %iota3A_4 : vector<16xi32>
          tpu.vector_store_idx %arg8[%add3A_227], %gather3A_223 : memref<4096xf32, #tpu.memory_space<vmem>>[vector<16xi32>], vector<16xf32>,
          %add3A_228 = arith.constant 80 : i32
          %add3A_229 = vector.broadcast %add3A_228 : i32 to vector<16xi32>
          %add3A_230 = arith.addi %and3A_140, %add3A_229 : vector<16xi32>
          %gather3A_231 = tpu.vector_load_idx %arg6[%add3A_7, %add3A_230] : memref<32x128xf32, #tpu.memory_space<vmem>>[vector<16xi32>, vector<16xi32>], vector<16xf32>,
          %mul3A_232 = arith.constant 32 : i32
          %mul3A_233 = vector.broadcast %mul3A_232 : i32 to vector<16xi32>
          %mul3A_234 = arith.muli %add3A_230, %mul3A_233 : vector<16xi32>
          %add3A_235 = arith.addi %mul3A_234, %add3A_7 : vector<16xi32>
          tpu.vector_store_idx %arg8[%add3A_235], %gather3A_231 : memref<4096xf32, #tpu.memory_space<vmem>>[vector<16xi32>], vector<16xf32>,
          %add3A_236 = arith.constant 96 : i32
          %add3A_237 = vector.broadcast %add3A_236 : i32 to vector<16xi32>
          %add3A_238 = arith.addi %and3A_140, %add3A_237 : vector<16xi32>
          %gather3A_239 = tpu.vector_load_idx %arg6[%iota3A_4, %add3A_238] : memref<32x128xf32, #tpu.memory_space<vmem>>[vector<16xi32>, vector<16xi32>], vector<16xf32>,
          %mul3A_240 = arith.constant 32 : i32
          %mul3A_241 = vector.broadcast %mul3A_240 : i32 to vector<16xi32>
          %mul3A_242 = arith.muli %add3A_238, %mul3A_241 : vector<16xi32>
          %add3A_243 = arith.addi %mul3A_242, %iota3A_4 : vector<16xi32>
          tpu.vector_store_idx %arg8[%add3A_243], %gather3A_239 : memref<4096xf32, #tpu.memory_space<vmem>>[vector<16xi32>], vector<16xf32>,
          %add3A_244 = arith.constant 96 : i32
          %add3A_245 = vector.broadcast %add3A_244 : i32 to vector<16xi32>
          %add3A_246 = arith.addi %and3A_140, %add3A_245 : vector<16xi32>
          %gather3A_247 = tpu.vector_load_idx %arg6[%add3A_7, %add3A_246] : memref<32x128xf32, #tpu.memory_space<vmem>>[vector<16xi32>, vector<16xi32>], vector<16xf32>,
          %mul3A_248 = arith.constant 32 : i32
          %mul3A_249 = vector.broadcast %mul3A_248 : i32 to vector<16xi32>
          %mul3A_250 = arith.muli %add3A_246, %mul3A_249 : vector<16xi32>
          %add3A_251 = arith.addi %mul3A_250, %add3A_7 : vector<16xi32>
          tpu.vector_store_idx %arg8[%add3A_251], %gather3A_247 : memref<4096xf32, #tpu.memory_space<vmem>>[vector<16xi32>], vector<16xf32>,
          %add3A_252 = arith.constant 112 : i32
          %add3A_253 = vector.broadcast %add3A_252 : i32 to vector<16xi32>
          %add3A_254 = arith.addi %and3A_140, %add3A_253 : vector<16xi32>
          %gather3A_255 = tpu.vector_load_idx %arg6[%iota3A_4, %add3A_254] : memref<32x128xf32, #tpu.memory_space<vmem>>[vector<16xi32>, vector<16xi32>], vector<16xf32>,
          %mul3A_256 = arith.constant 32 : i32
          %mul3A_257 = vector.broadcast %mul3A_256 : i32 to vector<16xi32>
          %mul3A_258 = arith.muli %add3A_254, %mul3A_257 : vector<16xi32>
          %add3A_259 = arith.addi %mul3A_258, %iota3A_4 : vector<16xi32>
          tpu.vector_store_idx %arg8[%add3A_259], %gather3A_255 : memref<4096xf32, #tpu.memory_space<vmem>>[vector<16xi32>], vector<16xf32>,
          %add3A_260 = arith.constant 112 : i32
          %add3A_261 = vector.broadcast %add3A_260 : i32 to vector<16xi32>
          %add3A_262 = arith.addi %and3A_140, %add3A_261 : vector<16xi32>
          %gather3A_263 = tpu.vector_load_idx %arg6[%add3A_7, %add3A_262] : memref<32x128xf32, #tpu.memory_space<vmem>>[vector<16xi32>, vector<16xi32>], vector<16xf32>,
          %mul3A_264 = arith.constant 32 : i32
          %mul3A_265 = vector.broadcast %mul3A_264 : i32 to vector<16xi32>
          %mul3A_266 = arith.muli %add3A_262, %mul3A_265 : vector<16xi32>
          %add3A_267 = arith.addi %mul3A_266, %add3A_7 : vector<16xi32>
          tpu.vector_store_idx %arg8[%add3A_267], %gather3A_263 : memref<4096xf32, #tpu.memory_space<vmem>>[vector<16xi32>], vector<16xf32>,
          %mul3A_268 = arith.constant 2 : i32
          %mul3A_269 = arith.muli %scan3A_132, %mul3A_268 : i32
          %add3A_270 = arith.constant 1 : i32
          %add3A_271 = arith.addi %mul3A_269, %add3A_270 : i32
          %add3A_272 = vector.broadcast %add3A_271 : i32 to vector<16xi32>
          %add3A_273 = arith.addi %iota3A_4, %add3A_272 : vector<16xi32>
          %and3A_274 = arith.constant 15 : i32
          %and3A_275 = vector.broadcast %and3A_274 : i32 to vector<16xi32>
          %and3A_276 = arith.andi %add3A_273, %and3A_275 : vector<16xi32>
          %add3A_277 = arith.constant 0 : i32
          %add3A_278 = vector.broadcast %add3A_277 : i32 to vector<16xi32>
          %add3A_279 = arith.addi %and3A_276, %add3A_278 : vector<16xi32>
          %gather3A_280 = tpu.vector_load_idx %arg6[%iota3A_4, %add3A_279] : memref<32x128xf32, #tpu.memory_space<vmem>>[vector<16xi32>, vector<16xi32>], vector<16xf32>,
          %mul3A_281 = arith.constant 32 : i32
          %mul3A_282 = vector.broadcast %mul3A_281 : i32 to vector<16xi32>
          %mul3A_283 = arith.muli %add3A_279, %mul3A_282 : vector<16xi32>
          %add3A_284 = arith.addi %mul3A_283, %iota3A_4 : vector<16xi32>
          tpu.vector_store_idx %arg8[%add3A_284], %gather3A_280 : memref<4096xf32, #tpu.memory_space<vmem>>[vector<16xi32>], vector<16xf32>,
          %add3A_285 = arith.constant 0 : i32
          %add3A_286 = vector.broadcast %add3A_285 : i32 to vector<16xi32>
          %add3A_287 = arith.addi %and3A_276, %add3A_286 : vector<16xi32>
          %gather3A_288 = tpu.vector_load_idx %arg6[%add3A_7, %add3A_287] : memref<32x128xf32, #tpu.memory_space<vmem>>[vector<16xi32>, vector<16xi32>], vector<16xf32>,
          %mul3A_289 = arith.constant 32 : i32
          %mul3A_290 = vector.broadcast %mul3A_289 : i32 to vector<16xi32>
          %mul3A_291 = arith.muli %add3A_287, %mul3A_290 : vector<16xi32>
          %add3A_292 = arith.addi %mul3A_291, %add3A_7 : vector<16xi32>
          tpu.vector_store_idx %arg8[%add3A_292], %gather3A_288 : memref<4096xf32, #tpu.memory_space<vmem>>[vector<16xi32>], vector<16xf32>,
          %add3A_293 = arith.constant 16 : i32
          %add3A_294 = vector.broadcast %add3A_293 : i32 to vector<16xi32>
          %add3A_295 = arith.addi %and3A_276, %add3A_294 : vector<16xi32>
          %gather3A_296 = tpu.vector_load_idx %arg6[%iota3A_4, %add3A_295] : memref<32x128xf32, #tpu.memory_space<vmem>>[vector<16xi32>, vector<16xi32>], vector<16xf32>,
          %mul3A_297 = arith.constant 32 : i32
          %mul3A_298 = vector.broadcast %mul3A_297 : i32 to vector<16xi32>
          %mul3A_299 = arith.muli %add3A_295, %mul3A_298 : vector<16xi32>
          %add3A_300 = arith.addi %mul3A_299, %iota3A_4 : vector<16xi32>
          tpu.vector_store_idx %arg8[%add3A_300], %gather3A_296 : memref<4096xf32, #tpu.memory_space<vmem>>[vector<16xi32>], vector<16xf32>,
          %add3A_301 = arith.constant 16 : i32
          %add3A_302 = vector.broadcast %add3A_301 : i32 to vector<16xi32>
          %add3A_303 = arith.addi %and3A_276, %add3A_302 : vector<16xi32>
          %gather3A_304 = tpu.vector_load_idx %arg6[%add3A_7, %add3A_303] : memref<32x128xf32, #tpu.memory_space<vmem>>[vector<16xi32>, vector<16xi32>], vector<16xf32>,
          %mul3A_305 = arith.constant 32 : i32
          %mul3A_306 = vector.broadcast %mul3A_305 : i32 to vector<16xi32>
          %mul3A_307 = arith.muli %add3A_303, %mul3A_306 : vector<16xi32>
          %add3A_308 = arith.addi %mul3A_307, %add3A_7 : vector<16xi32>
          tpu.vector_store_idx %arg8[%add3A_308], %gather3A_304 : memref<4096xf32, #tpu.memory_space<vmem>>[vector<16xi32>], vector<16xf32>,
          %add3A_309 = arith.constant 32 : i32
          %add3A_310 = vector.broadcast %add3A_309 : i32 to vector<16xi32>
          %add3A_311 = arith.addi %and3A_276, %add3A_310 : vector<16xi32>
          %gather3A_312 = tpu.vector_load_idx %arg6[%iota3A_4, %add3A_311] : memref<32x128xf32, #tpu.memory_space<vmem>>[vector<16xi32>, vector<16xi32>], vector<16xf32>,
          %mul3A_313 = arith.constant 32 : i32
          %mul3A_314 = vector.broadcast %mul3A_313 : i32 to vector<16xi32>
          %mul3A_315 = arith.muli %add3A_311, %mul3A_314 : vector<16xi32>
          %add3A_316 = arith.addi %mul3A_315, %iota3A_4 : vector<16xi32>
          tpu.vector_store_idx %arg8[%add3A_316], %gather3A_312 : memref<4096xf32, #tpu.memory_space<vmem>>[vector<16xi32>], vector<16xf32>,
          %add3A_317 = arith.constant 32 : i32
          %add3A_318 = vector.broadcast %add3A_317 : i32 to vector<16xi32>
          %add3A_319 = arith.addi %and3A_276, %add3A_318 : vector<16xi32>
          %gather3A_320 = tpu.vector_load_idx %arg6[%add3A_7, %add3A_319] : memref<32x128xf32, #tpu.memory_space<vmem>>[vector<16xi32>, vector<16xi32>], vector<16xf32>,
          %mul3A_321 = arith.constant 32 : i32
          %mul3A_322 = vector.broadcast %mul3A_321 : i32 to vector<16xi32>
          %mul3A_323 = arith.muli %add3A_319, %mul3A_322 : vector<16xi32>
          %add3A_324 = arith.addi %mul3A_323, %add3A_7 : vector<16xi32>
          tpu.vector_store_idx %arg8[%add3A_324], %gather3A_320 : memref<4096xf32, #tpu.memory_space<vmem>>[vector<16xi32>], vector<16xf32>,
          %add3A_325 = arith.constant 48 : i32
          %add3A_326 = vector.broadcast %add3A_325 : i32 to vector<16xi32>
          %add3A_327 = arith.addi %and3A_276, %add3A_326 : vector<16xi32>
          %gather3A_328 = tpu.vector_load_idx %arg6[%iota3A_4, %add3A_327] : memref<32x128xf32, #tpu.memory_space<vmem>>[vector<16xi32>, vector<16xi32>], vector<16xf32>,
          %mul3A_329 = arith.constant 32 : i32
          %mul3A_330 = vector.broadcast %mul3A_329 : i32 to vector<16xi32>
          %mul3A_331 = arith.muli %add3A_327, %mul3A_330 : vector<16xi32>
          %add3A_332 = arith.addi %mul3A_331, %iota3A_4 : vector<16xi32>
          tpu.vector_store_idx %arg8[%add3A_332], %gather3A_328 : memref<4096xf32, #tpu.memory_space<vmem>>[vector<16xi32>], vector<16xf32>,
          %add3A_333 = arith.constant 48 : i32
          %add3A_334 = vector.broadcast %add3A_333 : i32 to vector<16xi32>
          %add3A_335 = arith.addi %and3A_276, %add3A_334 : vector<16xi32>
          %gather3A_336 = tpu.vector_load_idx %arg6[%add3A_7, %add3A_335] : memref<32x128xf32, #tpu.memory_space<vmem>>[vector<16xi32>, vector<16xi32>], vector<16xf32>,
          %mul3A_337 = arith.constant 32 : i32
          %mul3A_338 = vector.broadcast %mul3A_337 : i32 to vector<16xi32>
          %mul3A_339 = arith.muli %add3A_335, %mul3A_338 : vector<16xi32>
          %add3A_340 = arith.addi %mul3A_339, %add3A_7 : vector<16xi32>
          tpu.vector_store_idx %arg8[%add3A_340], %gather3A_336 : memref<4096xf32, #tpu.memory_space<vmem>>[vector<16xi32>], vector<16xf32>,
          %add3A_341 = arith.constant 64 : i32
          %add3A_342 = vector.broadcast %add3A_341 : i32 to vector<16xi32>
          %add3A_343 = arith.addi %and3A_276, %add3A_342 : vector<16xi32>
          %gather3A_344 = tpu.vector_load_idx %arg6[%iota3A_4, %add3A_343] : memref<32x128xf32, #tpu.memory_space<vmem>>[vector<16xi32>, vector<16xi32>], vector<16xf32>,
          %mul3A_345 = arith.constant 32 : i32
          %mul3A_346 = vector.broadcast %mul3A_345 : i32 to vector<16xi32>
          %mul3A_347 = arith.muli %add3A_343, %mul3A_346 : vector<16xi32>
          %add3A_348 = arith.addi %mul3A_347, %iota3A_4 : vector<16xi32>
          tpu.vector_store_idx %arg8[%add3A_348], %gather3A_344 : memref<4096xf32, #tpu.memory_space<vmem>>[vector<16xi32>], vector<16xf32>,
          %add3A_349 = arith.constant 64 : i32
          %add3A_350 = vector.broadcast %add3A_349 : i32 to vector<16xi32>
          %add3A_351 = arith.addi %and3A_276, %add3A_350 : vector<16xi32>
          %gather3A_352 = tpu.vector_load_idx %arg6[%add3A_7, %add3A_351] : memref<32x128xf32, #tpu.memory_space<vmem>>[vector<16xi32>, vector<16xi32>], vector<16xf32>,
          %mul3A_353 = arith.constant 32 : i32
          %mul3A_354 = vector.broadcast %mul3A_353 : i32 to vector<16xi32>
          %mul3A_355 = arith.muli %add3A_351, %mul3A_354 : vector<16xi32>
          %add3A_356 = arith.addi %mul3A_355, %add3A_7 : vector<16xi32>
          tpu.vector_store_idx %arg8[%add3A_356], %gather3A_352 : memref<4096xf32, #tpu.memory_space<vmem>>[vector<16xi32>], vector<16xf32>,
          %add3A_357 = arith.constant 80 : i32
          %add3A_358 = vector.broadcast %add3A_357 : i32 to vector<16xi32>
          %add3A_359 = arith.addi %and3A_276, %add3A_358 : vector<16xi32>
          %gather3A_360 = tpu.vector_load_idx %arg6[%iota3A_4, %add3A_359] : memref<32x128xf32, #tpu.memory_space<vmem>>[vector<16xi32>, vector<16xi32>], vector<16xf32>,
          %mul3A_361 = arith.constant 32 : i32
          %mul3A_362 = vector.broadcast %mul3A_361 : i32 to vector<16xi32>
          %mul3A_363 = arith.muli %add3A_359, %mul3A_362 : vector<16xi32>
          %add3A_364 = arith.addi %mul3A_363, %iota3A_4 : vector<16xi32>
          tpu.vector_store_idx %arg8[%add3A_364], %gather3A_360 : memref<4096xf32, #tpu.memory_space<vmem>>[vector<16xi32>], vector<16xf32>,
          %add3A_365 = arith.constant 80 : i32
          %add3A_366 = vector.broadcast %add3A_365 : i32 to vector<16xi32>
          %add3A_367 = arith.addi %and3A_276, %add3A_366 : vector<16xi32>
          %gather3A_368 = tpu.vector_load_idx %arg6[%add3A_7, %add3A_367] : memref<32x128xf32, #tpu.memory_space<vmem>>[vector<16xi32>, vector<16xi32>], vector<16xf32>,
          %mul3A_369 = arith.constant 32 : i32
          %mul3A_370 = vector.broadcast %mul3A_369 : i32 to vector<16xi32>
          %mul3A_371 = arith.muli %add3A_367, %mul3A_370 : vector<16xi32>
          %add3A_372 = arith.addi %mul3A_371, %add3A_7 : vector<16xi32>
          tpu.vector_store_idx %arg8[%add3A_372], %gather3A_368 : memref<4096xf32, #tpu.memory_space<vmem>>[vector<16xi32>], vector<16xf32>,
          %add3A_373 = arith.constant 96 : i32
          %add3A_374 = vector.broadcast %add3A_373 : i32 to vector<16xi32>
          %add3A_375 = arith.addi %and3A_276, %add3A_374 : vector<16xi32>
          %gather3A_376 = tpu.vector_load_idx %arg6[%iota3A_4, %add3A_375] : memref<32x128xf32, #tpu.memory_space<vmem>>[vector<16xi32>, vector<16xi32>], vector<16xf32>,
          %mul3A_377 = arith.constant 32 : i32
          %mul3A_378 = vector.broadcast %mul3A_377 : i32 to vector<16xi32>
          %mul3A_379 = arith.muli %add3A_375, %mul3A_378 : vector<16xi32>
          %add3A_380 = arith.addi %mul3A_379, %iota3A_4 : vector<16xi32>
          tpu.vector_store_idx %arg8[%add3A_380], %gather3A_376 : memref<4096xf32, #tpu.memory_space<vmem>>[vector<16xi32>], vector<16xf32>,
          %add3A_381 = arith.constant 96 : i32
          %add3A_382 = vector.broadcast %add3A_381 : i32 to vector<16xi32>
          %add3A_383 = arith.addi %and3A_276, %add3A_382 : vector<16xi32>
          %gather3A_384 = tpu.vector_load_idx %arg6[%add3A_7, %add3A_383] : memref<32x128xf32, #tpu.memory_space<vmem>>[vector<16xi32>, vector<16xi32>], vector<16xf32>,
          %mul3A_385 = arith.constant 32 : i32
          %mul3A_386 = vector.broadcast %mul3A_385 : i32 to vector<16xi32>
          %mul3A_387 = arith.muli %add3A_383, %mul3A_386 : vector<16xi32>
          %add3A_388 = arith.addi %mul3A_387, %add3A_7 : vector<16xi32>
          tpu.vector_store_idx %arg8[%add3A_388], %gather3A_384 : memref<4096xf32, #tpu.memory_space<vmem>>[vector<16xi32>], vector<16xf32>,
          %add3A_389 = arith.constant 112 : i32
          %add3A_390 = vector.broadcast %add3A_389 : i32 to vector<16xi32>
          %add3A_391 = arith.addi %and3A_276, %add3A_390 : vector<16xi32>
          %gather3A_392 = tpu.vector_load_idx %arg6[%iota3A_4, %add3A_391] : memref<32x128xf32, #tpu.memory_space<vmem>>[vector<16xi32>, vector<16xi32>], vector<16xf32>,
          %mul3A_393 = arith.constant 32 : i32
          %mul3A_394 = vector.broadcast %mul3A_393 : i32 to vector<16xi32>
          %mul3A_395 = arith.muli %add3A_391, %mul3A_394 : vector<16xi32>
          %add3A_396 = arith.addi %mul3A_395, %iota3A_4 : vector<16xi32>
          tpu.vector_store_idx %arg8[%add3A_396], %gather3A_392 : memref<4096xf32, #tpu.memory_space<vmem>>[vector<16xi32>], vector<16xf32>,
          %add3A_397 = arith.constant 112 : i32
          %add3A_398 = vector.broadcast %add3A_397 : i32 to vector<16xi32>
          %add3A_399 = arith.addi %and3A_276, %add3A_398 : vector<16xi32>
          %gather3A_400 = tpu.vector_load_idx %arg6[%add3A_7, %add3A_399] : memref<32x128xf32, #tpu.memory_space<vmem>>[vector<16xi32>, vector<16xi32>], vector<16xf32>,
          %mul3A_401 = arith.constant 32 : i32
          %mul3A_402 = vector.broadcast %mul3A_401 : i32 to vector<16xi32>
          %mul3A_403 = arith.muli %add3A_399, %mul3A_402 : vector<16xi32>
          %add3A_404 = arith.addi %mul3A_403, %add3A_7 : vector<16xi32>
          tpu.vector_store_idx %arg8[%add3A_404], %gather3A_400 : memref<4096xf32, #tpu.memory_space<vmem>>[vector<16xi32>], vector<16xf32>,
        }
        %scan3A_121 = arith.constant 8 : i32
        %mul3A_122 = arith.constant 4096 : i32
        %mul3A_123 = arith.muli %add3A_58, %mul3A_122 : i32
        %dma_start3A = tpu.memref_slice %arg4[%mul3A_123] : memref<32000000xf32, #tpu.memory_space<hbm>> -> memref<4096xf32, #tpu.memory_space<hbm>>
        %dma_start3A_124 = tpu.memref_slice %arg4[%mul3A_123] : memref<32000000xf32, #tpu.memory_space<hbm>> -> memref<4096xf32, #tpu.memory_space<hbm>>
        tpu.enqueue_dma source(%arg8 : memref<4096xf32, #tpu.memory_space<vmem>>) target(%dma_start3A_124 : memref<4096xf32, #tpu.memory_space<hbm>>) target_semaphore(%arg12 : memref<!tpu.dma_semaphore, #tpu.memory_space<semaphore_mem>>)
        %add3A_125 = arith.constant 64 : i32
        %add3A_126 = arith.addi %add3A_58, %add3A_125 : i32
        %lt3A_127 = arith.constant 7812 : i32
        %lt3A_128 = arith.cmpi slt, %add3A_126, %lt3A_127 : i32
        %convert_element_type3A_129 = arith.extui %lt3A_128 : i1 to i32
        %cond3A_130 = arith.constant 0 : i32
        %cond3A_131 = arith.cmpi ne, %convert_element_type3A_129, %cond3A_130 : i32
        scf.if %cond3A_131 {
          %mul3A_132 = arith.constant 128 : i32
          %mul3A_133 = arith.muli %add3A_126, %mul3A_132 : i32
          %dma_start3A_134 = arith.constant 0 : i32
          %dma_start3A_135 = arith.constant 0 : i32
          %dma_start3A_136 = tpu.memref_slice %arg6[%dma_start3A_134, %dma_start3A_135] : memref<32x128xf32, #tpu.memory_space<vmem>> -> memref<8x128xf32, #tpu.memory_space<vmem>>
          %dma_start3A_137 = arith.constant 0 : i32
          %dma_start3A_138 = tpu.memref_slice %arg2[%dma_start3A_137, %mul3A_133] : memref<32x1000000xf32, #tpu.memory_space<hbm>> -> memref<8x128xf32, #tpu.memory_space<hbm>>
          %dma_start3A_139 = arith.constant 0 : i32
          %dma_start3A_140 = arith.constant 0 : i32
          %dma_start3A_141 = tpu.memref_slice %arg6[%dma_start3A_139, %dma_start3A_140] : memref<32x128xf32, #tpu.memory_space<vmem>> -> memref<8x128xf32, #tpu.memory_space<vmem>>
          %dma_start3A_142 = arith.constant 0 : i32
          %dma_start3A_143 = tpu.memref_slice %arg2[%dma_start3A_142, %mul3A_133] : memref<32x1000000xf32, #tpu.memory_space<hbm>> -> memref<8x128xf32, #tpu.memory_space<hbm>>
          tpu.enqueue_dma source(%dma_start3A_143 : memref<8x128xf32, #tpu.memory_space<hbm>>) target(%dma_start3A_141 : memref<8x128xf32, #tpu.memory_space<vmem>>) target_semaphore(%arg10 : memref<!tpu.dma_semaphore, #tpu.memory_space<semaphore_mem>>)
          %mul3A_144 = arith.constant 128 : i32
          %mul3A_145 = arith.muli %add3A_126, %mul3A_144 : i32
          %dma_start3A_146 = arith.constant 8 : i32
          %dma_start3A_147 = arith.constant 0 : i32
          %dma_start3A_148 = tpu.memref_slice %arg6[%dma_start3A_146, %dma_start3A_147] : memref<32x128xf32, #tpu.memory_space<vmem>> -> memref<8x128xf32, #tpu.memory_space<vmem>>
          %dma_start3A_149 = arith.constant 8 : i32
          %dma_start3A_150 = tpu.memref_slice %arg2[%dma_start3A_149, %mul3A_145] : memref<32x1000000xf32, #tpu.memory_space<hbm>> -> memref<8x128xf32, #tpu.memory_space<hbm>>
          %dma_start3A_151 = arith.constant 8 : i32
          %dma_start3A_152 = arith.constant 0 : i32
          %dma_start3A_153 = tpu.memref_slice %arg6[%dma_start3A_151, %dma_start3A_152] : memref<32x128xf32, #tpu.memory_space<vmem>> -> memref<8x128xf32, #tpu.memory_space<vmem>>
          %dma_start3A_154 = arith.constant 8 : i32
          %dma_start3A_155 = tpu.memref_slice %arg2[%dma_start3A_154, %mul3A_145] : memref<32x1000000xf32, #tpu.memory_space<hbm>> -> memref<8x128xf32, #tpu.memory_space<hbm>>
          tpu.enqueue_dma source(%dma_start3A_155 : memref<8x128xf32, #tpu.memory_space<hbm>>) target(%dma_start3A_153 : memref<8x128xf32, #tpu.memory_space<vmem>>) target_semaphore(%arg10 : memref<!tpu.dma_semaphore, #tpu.memory_space<semaphore_mem>>)
          %mul3A_156 = arith.constant 128 : i32
          %mul3A_157 = arith.muli %add3A_126, %mul3A_156 : i32
          %dma_start3A_158 = arith.constant 16 : i32
          %dma_start3A_159 = arith.constant 0 : i32
          %dma_start3A_160 = tpu.memref_slice %arg6[%dma_start3A_158, %dma_start3A_159] : memref<32x128xf32, #tpu.memory_space<vmem>> -> memref<8x128xf32, #tpu.memory_space<vmem>>
          %dma_start3A_161 = arith.constant 16 : i32
          %dma_start3A_162 = tpu.memref_slice %arg2[%dma_start3A_161, %mul3A_157] : memref<32x1000000xf32, #tpu.memory_space<hbm>> -> memref<8x128xf32, #tpu.memory_space<hbm>>
          %dma_start3A_163 = arith.constant 16 : i32
          %dma_start3A_164 = arith.constant 0 : i32
          %dma_start3A_165 = tpu.memref_slice %arg6[%dma_start3A_163, %dma_start3A_164] : memref<32x128xf32, #tpu.memory_space<vmem>> -> memref<8x128xf32, #tpu.memory_space<vmem>>
          %dma_start3A_166 = arith.constant 16 : i32
          %dma_start3A_167 = tpu.memref_slice %arg2[%dma_start3A_166, %mul3A_157] : memref<32x1000000xf32, #tpu.memory_space<hbm>> -> memref<8x128xf32, #tpu.memory_space<hbm>>
          tpu.enqueue_dma source(%dma_start3A_167 : memref<8x128xf32, #tpu.memory_space<hbm>>) target(%dma_start3A_165 : memref<8x128xf32, #tpu.memory_space<vmem>>) target_semaphore(%arg10 : memref<!tpu.dma_semaphore, #tpu.memory_space<semaphore_mem>>)
          %mul3A_168 = arith.constant 128 : i32
          %mul3A_169 = arith.muli %add3A_126, %mul3A_168 : i32
          %dma_start3A_170 = arith.constant 24 : i32
          %dma_start3A_171 = arith.constant 0 : i32
          %dma_start3A_172 = tpu.memref_slice %arg6[%dma_start3A_170, %dma_start3A_171] : memref<32x128xf32, #tpu.memory_space<vmem>> -> memref<8x128xf32, #tpu.memory_space<vmem>>
          %dma_start3A_173 = arith.constant 24 : i32
          %dma_start3A_174 = tpu.memref_slice %arg2[%dma_start3A_173, %mul3A_169] : memref<32x1000000xf32, #tpu.memory_space<hbm>> -> memref<8x128xf32, #tpu.memory_space<hbm>>
          %dma_start3A_175 = arith.constant 24 : i32
          %dma_start3A_176 = arith.constant 0 : i32
          %dma_start3A_177 = tpu.memref_slice %arg6[%dma_start3A_175, %dma_start3A_176] : memref<32x128xf32, #tpu.memory_space<vmem>> -> memref<8x128xf32, #tpu.memory_space<vmem>>
          %dma_start3A_178 = arith.constant 24 : i32
          %dma_start3A_179 = tpu.memref_slice %arg2[%dma_start3A_178, %mul3A_169] : memref<32x1000000xf32, #tpu.memory_space<hbm>> -> memref<8x128xf32, #tpu.memory_space<hbm>>
          tpu.enqueue_dma source(%dma_start3A_179 : memref<8x128xf32, #tpu.memory_space<hbm>>) target(%dma_start3A_177 : memref<8x128xf32, #tpu.memory_space<vmem>>) target_semaphore(%arg10 : memref<!tpu.dma_semaphore, #tpu.memory_space<semaphore_mem>>)
        } else {
        }
      } else {
      }
    }
    %scan3A_27 = arith.constant 123 : i32
    %dma_wait3A = arith.constant 0 : i32
    %dma_wait3A_28 = tpu.memref_slice %arg4[%dma_wait3A] : memref<32000000xf32, #tpu.memory_space<hbm>> -> memref<4096xf32, #tpu.memory_space<hbm>>
    %dma_wait3A_29 = arith.constant 0 : i32
    %dma_wait3A_30 = tpu.memref_slice %arg4[%dma_wait3A_29] : memref<32000000xf32, #tpu.memory_space<hbm>> -> memref<4096xf32, #tpu.memory_space<hbm>>
    tpu.wait_dma2 semaphore(%arg11 : memref<!tpu.dma_semaphore, #tpu.memory_space<semaphore_mem>>) src(%arg7 : memref<4096xf32, #tpu.memory_space<vmem>>) dst(%dma_wait3A_30 : memref<4096xf32, #tpu.memory_space<hbm>>)
    %dma_wait3A_31 = arith.constant 0 : i32
    %dma_wait3A_32 = tpu.memref_slice %arg4[%dma_wait3A_31] : memref<32000000xf32, #tpu.memory_space<hbm>> -> memref<4096xf32, #tpu.memory_space<hbm>>
    %dma_wait3A_33 = arith.constant 0 : i32
    %dma_wait3A_34 = tpu.memref_slice %arg4[%dma_wait3A_33] : memref<32000000xf32, #tpu.memory_space<hbm>> -> memref<4096xf32, #tpu.memory_space<hbm>>
    tpu.wait_dma2 semaphore(%arg12 : memref<!tpu.dma_semaphore, #tpu.memory_space<semaphore_mem>>) src(%arg8 : memref<4096xf32, #tpu.memory_space<vmem>>) dst(%dma_wait3A_34 : memref<4096xf32, #tpu.memory_space<hbm>>)
    %eq3A = arith.constant 4 : i32
    %eq3A_35 = arith.cmpi eq, %add3A, %eq3A : i32
    %convert_element_type3A_36 = arith.extui %eq3A_35 : i1 to i32
    %cond3A_37 = arith.constant 0 : i32
    %cond3A_38 = arith.cmpi ne, %convert_element_type3A_36, %cond3A_37 : i32
    scf.if %cond3A_38 {
      "tpu.region"() ({
        %run_scoped3A = tpu.sem_alloc : memref<!tpu.dma_semaphore, #tpu.memory_space<semaphore_mem>>
        %dma_start3A = arith.constant 0 : i32
        %dma_start3A_39 = tpu.memref_slice %arg7[%dma_start3A] : memref<4096xf32, #tpu.memory_space<vmem>> -> memref<2048xf32, #tpu.memory_space<vmem>>
        %dma_start3A_40 = arith.constant 0 : i32
        %dma_start3A_41 = tpu.memref_slice %arg7[%dma_start3A_40] : memref<4096xf32, #tpu.memory_space<vmem>> -> memref<2048xf32, #tpu.memory_space<vmem>>
        tpu.enqueue_dma source(%arg3 : memref<2048xf32, #tpu.memory_space<hbm>>) target(%dma_start3A_41 : memref<2048xf32, #tpu.memory_space<vmem>>) target_semaphore(%run_scoped3A : memref<!tpu.dma_semaphore, #tpu.memory_space<semaphore_mem>>)
        %dma_wait3A_42 = arith.constant 0 : i32
        %dma_wait3A_43 = tpu.memref_slice %arg7[%dma_wait3A_42] : memref<4096xf32, #tpu.memory_space<vmem>> -> memref<2048xf32, #tpu.memory_space<vmem>>
        %dma_wait3A_44 = arith.constant 0 : i32
        %dma_wait3A_45 = tpu.memref_slice %arg7[%dma_wait3A_44] : memref<4096xf32, #tpu.memory_space<vmem>> -> memref<2048xf32, #tpu.memory_space<vmem>>
        tpu.wait_dma2 semaphore(%run_scoped3A : memref<!tpu.dma_semaphore, #tpu.memory_space<semaphore_mem>>) src(%arg3 : memref<2048xf32, #tpu.memory_space<hbm>>) dst(%dma_wait3A_45 : memref<2048xf32, #tpu.memory_space<vmem>>)
        tpu.yield
      }) : () -> ()
      "tpu.region"() ({
        %run_scoped3A = tpu.sem_alloc : memref<!tpu.dma_semaphore, #tpu.memory_space<semaphore_mem>>
        %dma_start3A = arith.constant 0 : i32
        %dma_start3A_39 = tpu.memref_slice %arg7[%dma_start3A] : memref<4096xf32, #tpu.memory_space<vmem>> -> memref<2048xf32, #tpu.memory_space<vmem>>
        %dma_start3A_40 = arith.constant 31997952 : i32
        %dma_start3A_41 = tpu.memref_slice %arg4[%dma_start3A_40] : memref<32000000xf32, #tpu.memory_space<hbm>> -> memref<2048xf32, #tpu.memory_space<hbm>>
        %dma_start3A_42 = arith.constant 31997952 : i32
        %dma_start3A_43 = tpu.memref_slice %arg4[%dma_start3A_42] : memref<32000000xf32, #tpu.memory_space<hbm>> -> memref<2048xf32, #tpu.memory_space<hbm>>
        %dma_start3A_44 = arith.constant 0 : i32
        %dma_start3A_45 = tpu.memref_slice %arg7[%dma_start3A_44] : memref<4096xf32, #tpu.memory_space<vmem>> -> memref<2048xf32, #tpu.memory_space<vmem>>
        tpu.enqueue_dma source(%dma_start3A_45 : memref<2048xf32, #tpu.memory_space<vmem>>) target(%dma_start3A_43 : memref<2048xf32, #tpu.memory_space<hbm>>) target_semaphore(%run_scoped3A : memref<!tpu.dma_semaphore, #tpu.memory_space<semaphore_mem>>)
        %dma_wait3A_46 = arith.constant 0 : i32
        %dma_wait3A_47 = tpu.memref_slice %arg7[%dma_wait3A_46] : memref<4096xf32, #tpu.memory_space<vmem>> -> memref<2048xf32, #tpu.memory_space<vmem>>
        %dma_wait3A_48 = arith.constant 31997952 : i32
        %dma_wait3A_49 = tpu.memref_slice %arg4[%dma_wait3A_48] : memref<32000000xf32, #tpu.memory_space<hbm>> -> memref<2048xf32, #tpu.memory_space<hbm>>
        %dma_wait3A_50 = arith.constant 31997952 : i32
        %dma_wait3A_51 = tpu.memref_slice %arg4[%dma_wait3A_50] : memref<32000000xf32, #tpu.memory_space<hbm>> -> memref<2048xf32, #tpu.memory_space<hbm>>
        %dma_wait3A_52 = arith.constant 0 : i32
        %dma_wait3A_53 = tpu.memref_slice %arg7[%dma_wait3A_52] : memref<4096xf32, #tpu.memory_space<vmem>> -> memref<2048xf32, #tpu.memory_space<vmem>>
        tpu.wait_dma2 semaphore(%run_scoped3A : memref<!tpu.dma_semaphore, #tpu.memory_space<semaphore_mem>>) src(%dma_wait3A_53 : memref<2048xf32, #tpu.memory_space<vmem>>) dst(%dma_wait3A_51 : memref<2048xf32, #tpu.memory_space<hbm>>)
        tpu.yield
      }) : () -> ()
    } else {
    }
    return
  }
}

#map = affine_map<(d0, d1) -> (0, 0)>
#map1 = affine_map<(d0, d1) -> (0)>
module attributes {stable_mosaic.version = 14 : i64} {
  func.func @gather(%arg0: i32, %arg1: i32, %arg2: memref<1000000x32xf32, #tpu.memory_space<hbm>>, %arg3: memref<200x4096xi32, #tpu.memory_space<hbm>>, %arg4: memref<26214400xf32, #tpu.memory_space<hbm>>, %arg5: memref<128xi32, #tpu.memory_space<vmem>>, %arg6: memref<128xi32, #tpu.memory_space<vmem>>, %arg7: memref<128x32xf32, #tpu.memory_space<vmem>>, %arg8: memref<128x32xf32, #tpu.memory_space<vmem>>, %arg9: memref<4096xf32, #tpu.memory_space<vmem>>, %arg10: memref<4096xf32, #tpu.memory_space<vmem>>, %arg11: memref<!tpu.dma_semaphore, #tpu.memory_space<semaphore_mem>>, %arg12: memref<!tpu.dma_semaphore, #tpu.memory_space<semaphore_mem>>, %arg13: memref<!tpu.dma_semaphore, #tpu.memory_space<semaphore_mem>>, %arg14: memref<!tpu.dma_semaphore, #tpu.memory_space<semaphore_mem>>, %arg15: memref<!tpu.dma_semaphore, #tpu.memory_space<semaphore_mem>>, %arg16: memref<!tpu.dma_semaphore, #tpu.memory_space<semaphore_mem>>) attributes {dimension_semantics = [#tpu.dimension_semantics<core_parallel>, #tpu.dimension_semantics<subcore_parallel>], iteration_bounds = array<i64: 2, 16>, scalar_prefetch = 0 : i64, scratch_operands = 12 : i64, tpu.core_type = #tpu.core_type<sc_vector_subcore>, window_params = [{transform_indices = #map}, {transform_indices = #map}, {transform_indices = #map1}]} {
    %mul3A = arith.constant 2 : i32
    %mul3A_0 = arith.muli %arg1, %mul3A : i32
    %add3A = arith.addi %mul3A_0, %arg0 : i32
    %mul3A_1 = arith.constant 200 : i32
    %mul3A_2 = arith.muli %add3A, %mul3A_1 : i32
    %iota3A = tpu.iota {dimensions = array<i32: 0>} : vector<16xi32>
    %add3A_3 = arith.constant 0 : i32
    %add3A_4 = vector.broadcast %add3A_3 : i32 to vector<16xi32>
    %add3A_5 = arith.addi %iota3A, %add3A_4 : vector<16xi32>
    %shift_right_arithmetic3A = arith.constant 3 : i32
    %shift_right_arithmetic3A_6 = vector.broadcast %shift_right_arithmetic3A : i32 to vector<16xi32>
    %shift_right_arithmetic3A_7 = arith.shrsi %add3A_5, %shift_right_arithmetic3A_6 : vector<16xi32>
    %mul3A_8 = arith.constant 1024 : i32
    %mul3A_9 = vector.broadcast %mul3A_8 : i32 to vector<16xi32>
    %mul3A_10 = arith.muli %shift_right_arithmetic3A_7, %mul3A_9 : vector<16xi32>
    %add3A_11 = arith.constant 0 : i32
    %add3A_12 = vector.broadcast %add3A_11 : i32 to vector<16xi32>
    %add3A_13 = arith.addi %iota3A, %add3A_12 : vector<16xi32>
    %and3A = arith.constant 7 : i32
    %and3A_14 = vector.broadcast %and3A : i32 to vector<16xi32>
    %and3A_15 = arith.andi %add3A_13, %and3A_14 : vector<16xi32>
    %mul3A_16 = arith.constant 128 : i32
    %mul3A_17 = vector.broadcast %mul3A_16 : i32 to vector<16xi32>
    %mul3A_18 = arith.muli %and3A_15, %mul3A_17 : vector<16xi32>
    %add3A_19 = arith.addi %mul3A_10, %mul3A_18 : vector<16xi32>
    %add3A_20 = arith.constant 16 : i32
    %add3A_21 = vector.broadcast %add3A_20 : i32 to vector<16xi32>
    %add3A_22 = arith.addi %iota3A, %add3A_21 : vector<16xi32>
    %shift_right_arithmetic3A_23 = arith.constant 3 : i32
    %shift_right_arithmetic3A_24 = vector.broadcast %shift_right_arithmetic3A_23 : i32 to vector<16xi32>
    %shift_right_arithmetic3A_25 = arith.shrsi %add3A_22, %shift_right_arithmetic3A_24 : vector<16xi32>
    %mul3A_26 = arith.constant 1024 : i32
    %mul3A_27 = vector.broadcast %mul3A_26 : i32 to vector<16xi32>
    %mul3A_28 = arith.muli %shift_right_arithmetic3A_25, %mul3A_27 : vector<16xi32>
    %add3A_29 = arith.constant 16 : i32
    %add3A_30 = vector.broadcast %add3A_29 : i32 to vector<16xi32>
    %add3A_31 = arith.addi %iota3A, %add3A_30 : vector<16xi32>
    %and3A_32 = arith.constant 7 : i32
    %and3A_33 = vector.broadcast %and3A_32 : i32 to vector<16xi32>
    %and3A_34 = arith.andi %add3A_31, %and3A_33 : vector<16xi32>
    %mul3A_35 = arith.constant 128 : i32
    %mul3A_36 = vector.broadcast %mul3A_35 : i32 to vector<16xi32>
    %mul3A_37 = arith.muli %and3A_34, %mul3A_36 : vector<16xi32>
    %add3A_38 = arith.addi %mul3A_28, %mul3A_37 : vector<16xi32>
    %add3A_39 = arith.constant 16 : i32
    %add3A_40 = vector.broadcast %add3A_39 : i32 to vector<16xi32>
    %add3A_41 = arith.addi %iota3A, %add3A_40 : vector<16xi32>
    %add3A_42 = arith.constant 0 : i32
    %add3A_43 = arith.addi %mul3A_2, %add3A_42 : i32
    %jit3A = arith.constant 32 : i32
    %div3A = arith.divsi %add3A_43, %jit3A : i32
    %sign3A = arith.constant 0 : i32
    %sign3A_44 = arith.cmpi sgt, %add3A_43, %sign3A : i32
    %sign3A_45 = arith.extui %sign3A_44 : i1 to i32
    %sign3A_46 = arith.constant 0 : i32
    %sign3A_47 = arith.cmpi slt, %add3A_43, %sign3A_46 : i32
    %sign3A_48 = arith.extui %sign3A_47 : i1 to i32
    %sign3A_49 = arith.subi %sign3A_45, %sign3A_48 : i32
    %sign3A_50 = arith.constant 0 : i32
    %sign3A_51 = arith.cmpi sgt, %jit3A, %sign3A_50 : i32
    %sign3A_52 = arith.extui %sign3A_51 : i1 to i32
    %sign3A_53 = arith.constant 0 : i32
    %sign3A_54 = arith.cmpi slt, %jit3A, %sign3A_53 : i32
    %sign3A_55 = arith.extui %sign3A_54 : i1 to i32
    %sign3A_56 = arith.subi %sign3A_52, %sign3A_55 : i32
    %ne3A = arith.cmpi ne, %sign3A_49, %sign3A_56 : i32
    %rem3A = arith.remsi %add3A_43, %jit3A : i32
    %ne3A_57 = arith.constant 0 : i32
    %ne3A_58 = arith.cmpi ne, %rem3A, %ne3A_57 : i32
    %and3A_59 = arith.andi %ne3A, %ne3A_58 : i1
    %sub3A = arith.constant 1 : i32
    %sub3A_60 = arith.subi %div3A, %sub3A : i32
    %select_n3A = arith.select %and3A_59, %sub3A_60, %div3A : i32
    %jit3A_61 = arith.constant 32 : i32
    %eq3A = arith.constant 0 : i32
    %eq3A_62 = arith.cmpi eq, %jit3A_61, %eq3A : i32
    %jit3A_63 = arith.constant 1 : i32
    %select_n3A_64 = arith.select %eq3A_62, %jit3A_63, %jit3A_61 : i32
    %rem3A_65 = arith.remsi %add3A_43, %select_n3A_64 : i32
    %ne3A_66 = arith.constant 0 : i32
    %ne3A_67 = arith.cmpi ne, %rem3A_65, %ne3A_66 : i32
    %lt3A = arith.constant 0 : i32
    %lt3A_68 = arith.cmpi slt, %rem3A_65, %lt3A : i32
    %lt3A_69 = arith.constant 0 : i32
    %lt3A_70 = arith.cmpi slt, %select_n3A_64, %lt3A_69 : i32
    %ne3A_71 = arith.xori %lt3A_68, %lt3A_70 : i1
    %and3A_72 = arith.andi %ne3A_71, %ne3A_67 : i1
    %add3A_73 = arith.addi %rem3A_65, %select_n3A_64 : i32
    %select_n3A_74 = arith.select %and3A_72, %add3A_73, %rem3A_65 : i32
    %mul3A_75 = arith.constant 128 : i32
    %mul3A_76 = arith.muli %select_n3A_74, %mul3A_75 : i32
    %dma_start3A = tpu.memref_slice %arg3[%select_n3A, %mul3A_76] : memref<200x4096xi32, #tpu.memory_space<hbm>> -> memref<1x128xi32, #tpu.memory_space<hbm>>
    %dma_start3A_77 = tpu.memref_squeeze %dma_start3A : memref<1x128xi32, #tpu.memory_space<hbm>> -> memref<128xi32, #tpu.memory_space<hbm>>
    %dma_start3A_78 = tpu.memref_slice %arg3[%select_n3A, %mul3A_76] : memref<200x4096xi32, #tpu.memory_space<hbm>> -> memref<1x128xi32, #tpu.memory_space<hbm>>
    %dma_start3A_79 = tpu.memref_squeeze %dma_start3A_78 : memref<1x128xi32, #tpu.memory_space<hbm>> -> memref<128xi32, #tpu.memory_space<hbm>>
    tpu.enqueue_dma source(%dma_start3A_79 : memref<128xi32, #tpu.memory_space<hbm>>) target(%arg5 : memref<128xi32, #tpu.memory_space<vmem>>) target_semaphore(%arg11 : memref<!tpu.dma_semaphore, #tpu.memory_space<semaphore_mem>>)
    %add3A_80 = arith.constant 1 : i32
    %add3A_81 = arith.addi %mul3A_2, %add3A_80 : i32
    %jit3A_82 = arith.constant 32 : i32
    %div3A_83 = arith.divsi %add3A_81, %jit3A_82 : i32
    %sign3A_84 = arith.constant 0 : i32
    %sign3A_85 = arith.cmpi sgt, %add3A_81, %sign3A_84 : i32
    %sign3A_86 = arith.extui %sign3A_85 : i1 to i32
    %sign3A_87 = arith.constant 0 : i32
    %sign3A_88 = arith.cmpi slt, %add3A_81, %sign3A_87 : i32
    %sign3A_89 = arith.extui %sign3A_88 : i1 to i32
    %sign3A_90 = arith.subi %sign3A_86, %sign3A_89 : i32
    %sign3A_91 = arith.constant 0 : i32
    %sign3A_92 = arith.cmpi sgt, %jit3A_82, %sign3A_91 : i32
    %sign3A_93 = arith.extui %sign3A_92 : i1 to i32
    %sign3A_94 = arith.constant 0 : i32
    %sign3A_95 = arith.cmpi slt, %jit3A_82, %sign3A_94 : i32
    %sign3A_96 = arith.extui %sign3A_95 : i1 to i32
    %sign3A_97 = arith.subi %sign3A_93, %sign3A_96 : i32
    %ne3A_98 = arith.cmpi ne, %sign3A_90, %sign3A_97 : i32
    %rem3A_99 = arith.remsi %add3A_81, %jit3A_82 : i32
    %ne3A_100 = arith.constant 0 : i32
    %ne3A_101 = arith.cmpi ne, %rem3A_99, %ne3A_100 : i32
    %and3A_102 = arith.andi %ne3A_98, %ne3A_101 : i1
    %sub3A_103 = arith.constant 1 : i32
    %sub3A_104 = arith.subi %div3A_83, %sub3A_103 : i32
    %select_n3A_105 = arith.select %and3A_102, %sub3A_104, %div3A_83 : i32
    %jit3A_106 = arith.constant 32 : i32
    %eq3A_107 = arith.constant 0 : i32
    %eq3A_108 = arith.cmpi eq, %jit3A_106, %eq3A_107 : i32
    %jit3A_109 = arith.constant 1 : i32
    %select_n3A_110 = arith.select %eq3A_108, %jit3A_109, %jit3A_106 : i32
    %rem3A_111 = arith.remsi %add3A_81, %select_n3A_110 : i32
    %ne3A_112 = arith.constant 0 : i32
    %ne3A_113 = arith.cmpi ne, %rem3A_111, %ne3A_112 : i32
    %lt3A_114 = arith.constant 0 : i32
    %lt3A_115 = arith.cmpi slt, %rem3A_111, %lt3A_114 : i32
    %lt3A_116 = arith.constant 0 : i32
    %lt3A_117 = arith.cmpi slt, %select_n3A_110, %lt3A_116 : i32
    %ne3A_118 = arith.xori %lt3A_115, %lt3A_117 : i1
    %and3A_119 = arith.andi %ne3A_118, %ne3A_113 : i1
    %add3A_120 = arith.addi %rem3A_111, %select_n3A_110 : i32
    %select_n3A_121 = arith.select %and3A_119, %add3A_120, %rem3A_111 : i32
    %mul3A_122 = arith.constant 128 : i32
    %mul3A_123 = arith.muli %select_n3A_121, %mul3A_122 : i32
    %dma_start3A_124 = tpu.memref_slice %arg3[%select_n3A_105, %mul3A_123] : memref<200x4096xi32, #tpu.memory_space<hbm>> -> memref<1x128xi32, #tpu.memory_space<hbm>>
    %dma_start3A_125 = tpu.memref_squeeze %dma_start3A_124 : memref<1x128xi32, #tpu.memory_space<hbm>> -> memref<128xi32, #tpu.memory_space<hbm>>
    %dma_start3A_126 = tpu.memref_slice %arg3[%select_n3A_105, %mul3A_123] : memref<200x4096xi32, #tpu.memory_space<hbm>> -> memref<1x128xi32, #tpu.memory_space<hbm>>
    %dma_start3A_127 = tpu.memref_squeeze %dma_start3A_126 : memref<1x128xi32, #tpu.memory_space<hbm>> -> memref<128xi32, #tpu.memory_space<hbm>>
    tpu.enqueue_dma source(%dma_start3A_127 : memref<128xi32, #tpu.memory_space<hbm>>) target(%arg6 : memref<128xi32, #tpu.memory_space<vmem>>) target_semaphore(%arg12 : memref<!tpu.dma_semaphore, #tpu.memory_space<semaphore_mem>>)
    %scan3A = arith.constant 0 : i32
    %scan3A_128 = arith.constant 0 : i32
    %scan3A_129 = arith.constant 100 : i32
    %scan3A_130 = arith.addi %scan3A_128, %scan3A_129 : i32
    %scan3A_131 = arith.constant 1 : i32
    scf.for %scan3A_339 = %scan3A_128 to %scan3A_130 step %scan3A_131  : i32 {
      %mul3A_340 = arith.constant 2 : i32
      %mul3A_341 = arith.muli %scan3A_339, %mul3A_340 : i32
      %add3A_342 = arith.constant 0 : i32
      %add3A_343 = arith.addi %mul3A_341, %add3A_342 : i32
      %add3A_344 = arith.addi %mul3A_2, %add3A_343 : i32
      %dma_wait3A_345 = arith.constant 0 : i32
      %dma_wait3A_346 = arith.constant 0 : i32
      %dma_wait3A_347 = tpu.memref_slice %arg3[%dma_wait3A_345, %dma_wait3A_346] : memref<200x4096xi32, #tpu.memory_space<hbm>> -> memref<1x128xi32, #tpu.memory_space<hbm>>
      %dma_wait3A_348 = tpu.memref_squeeze %dma_wait3A_347 : memref<1x128xi32, #tpu.memory_space<hbm>> -> memref<128xi32, #tpu.memory_space<hbm>>
      %dma_wait3A_349 = arith.constant 0 : i32
      %dma_wait3A_350 = tpu.memref_slice %arg3[%dma_wait3A_345, %dma_wait3A_349] : memref<200x4096xi32, #tpu.memory_space<hbm>> -> memref<1x128xi32, #tpu.memory_space<hbm>>
      %dma_wait3A_351 = tpu.memref_squeeze %dma_wait3A_350 : memref<1x128xi32, #tpu.memory_space<hbm>> -> memref<128xi32, #tpu.memory_space<hbm>>
      tpu.wait_dma2 semaphore(%arg11 : memref<!tpu.dma_semaphore, #tpu.memory_space<semaphore_mem>>) src(%dma_wait3A_351 : memref<128xi32, #tpu.memory_space<hbm>>) dst(%arg5 : memref<128xi32, #tpu.memory_space<vmem>>)
      %dma_start3A_352 = arith.constant 0 : i32
      %dma_start3A_353 = arith.constant 0 : i32
      %dma_start3A_354 = tpu.memref_slice %arg2[%dma_start3A_352, %dma_start3A_353] : memref<1000000x32xf32, #tpu.memory_space<hbm>> -> memref<1000000x32xf32, #tpu.memory_space<hbm>>
      tpu.enqueue_indirect_dma source(%dma_start3A_354 : memref<1000000x32xf32, #tpu.memory_space<hbm>>) target(%arg7 : memref<128x32xf32, #tpu.memory_space<vmem>>) offsets(%arg5 : memref<128xi32, #tpu.memory_space<vmem>>) semaphore(%arg13 : memref<!tpu.dma_semaphore, #tpu.memory_space<semaphore_mem>>)
      %ge3A = arith.constant 2 : i32
      %ge3A_355 = arith.cmpi sge, %scan3A_339, %ge3A : i32
      %convert_element_type3A = arith.extui %ge3A_355 : i1 to i32
      %cond3A = arith.constant 0 : i32
      %cond3A_356 = arith.cmpi ne, %convert_element_type3A, %cond3A : i32
      scf.if %cond3A_356 {
        %dma_wait3A_502 = arith.constant 0 : i32
        %dma_wait3A_503 = tpu.memref_slice %arg10[%dma_wait3A_502] : memref<4096xf32, #tpu.memory_space<vmem>> -> memref<1024xf32, #tpu.memory_space<vmem>>
        %dma_wait3A_504 = arith.constant 0 : i32
        %dma_wait3A_505 = tpu.memref_slice %arg4[%dma_wait3A_504] : memref<26214400xf32, #tpu.memory_space<hbm>> -> memref<1024xf32, #tpu.memory_space<hbm>>
        %dma_wait3A_506 = arith.constant 0 : i32
        %dma_wait3A_507 = tpu.memref_slice %arg4[%dma_wait3A_506] : memref<26214400xf32, #tpu.memory_space<hbm>> -> memref<1024xf32, #tpu.memory_space<hbm>>
        %dma_wait3A_508 = arith.constant 0 : i32
        %dma_wait3A_509 = tpu.memref_slice %arg10[%dma_wait3A_508] : memref<4096xf32, #tpu.memory_space<vmem>> -> memref<1024xf32, #tpu.memory_space<vmem>>
        tpu.wait_dma2 semaphore(%arg16 : memref<!tpu.dma_semaphore, #tpu.memory_space<semaphore_mem>>) src(%dma_wait3A_509 : memref<1024xf32, #tpu.memory_space<vmem>>) dst(%dma_wait3A_507 : memref<1024xf32, #tpu.memory_space<hbm>>)
        %dma_wait3A_510 = arith.constant 0 : i32
        %dma_wait3A_511 = tpu.memref_slice %arg10[%dma_wait3A_510] : memref<4096xf32, #tpu.memory_space<vmem>> -> memref<1024xf32, #tpu.memory_space<vmem>>
        %dma_wait3A_512 = arith.constant 0 : i32
        %dma_wait3A_513 = tpu.memref_slice %arg4[%dma_wait3A_512] : memref<26214400xf32, #tpu.memory_space<hbm>> -> memref<1024xf32, #tpu.memory_space<hbm>>
        %dma_wait3A_514 = arith.constant 0 : i32
        %dma_wait3A_515 = tpu.memref_slice %arg4[%dma_wait3A_514] : memref<26214400xf32, #tpu.memory_space<hbm>> -> memref<1024xf32, #tpu.memory_space<hbm>>
        %dma_wait3A_516 = arith.constant 0 : i32
        %dma_wait3A_517 = tpu.memref_slice %arg10[%dma_wait3A_516] : memref<4096xf32, #tpu.memory_space<vmem>> -> memref<1024xf32, #tpu.memory_space<vmem>>
        tpu.wait_dma2 semaphore(%arg16 : memref<!tpu.dma_semaphore, #tpu.memory_space<semaphore_mem>>) src(%dma_wait3A_517 : memref<1024xf32, #tpu.memory_space<vmem>>) dst(%dma_wait3A_515 : memref<1024xf32, #tpu.memory_space<hbm>>)
        %dma_wait3A_518 = arith.constant 0 : i32
        %dma_wait3A_519 = tpu.memref_slice %arg10[%dma_wait3A_518] : memref<4096xf32, #tpu.memory_space<vmem>> -> memref<1024xf32, #tpu.memory_space<vmem>>
        %dma_wait3A_520 = arith.constant 0 : i32
        %dma_wait3A_521 = tpu.memref_slice %arg4[%dma_wait3A_520] : memref<26214400xf32, #tpu.memory_space<hbm>> -> memref<1024xf32, #tpu.memory_space<hbm>>
        %dma_wait3A_522 = arith.constant 0 : i32
        %dma_wait3A_523 = tpu.memref_slice %arg4[%dma_wait3A_522] : memref<26214400xf32, #tpu.memory_space<hbm>> -> memref<1024xf32, #tpu.memory_space<hbm>>
        %dma_wait3A_524 = arith.constant 0 : i32
        %dma_wait3A_525 = tpu.memref_slice %arg10[%dma_wait3A_524] : memref<4096xf32, #tpu.memory_space<vmem>> -> memref<1024xf32, #tpu.memory_space<vmem>>
        tpu.wait_dma2 semaphore(%arg16 : memref<!tpu.dma_semaphore, #tpu.memory_space<semaphore_mem>>) src(%dma_wait3A_525 : memref<1024xf32, #tpu.memory_space<vmem>>) dst(%dma_wait3A_523 : memref<1024xf32, #tpu.memory_space<hbm>>)
        %dma_wait3A_526 = arith.constant 0 : i32
        %dma_wait3A_527 = tpu.memref_slice %arg10[%dma_wait3A_526] : memref<4096xf32, #tpu.memory_space<vmem>> -> memref<1024xf32, #tpu.memory_space<vmem>>
        %dma_wait3A_528 = arith.constant 0 : i32
        %dma_wait3A_529 = tpu.memref_slice %arg4[%dma_wait3A_528] : memref<26214400xf32, #tpu.memory_space<hbm>> -> memref<1024xf32, #tpu.memory_space<hbm>>
        %dma_wait3A_530 = arith.constant 0 : i32
        %dma_wait3A_531 = tpu.memref_slice %arg4[%dma_wait3A_530] : memref<26214400xf32, #tpu.memory_space<hbm>> -> memref<1024xf32, #tpu.memory_space<hbm>>
        %dma_wait3A_532 = arith.constant 0 : i32
        %dma_wait3A_533 = tpu.memref_slice %arg10[%dma_wait3A_532] : memref<4096xf32, #tpu.memory_space<vmem>> -> memref<1024xf32, #tpu.memory_space<vmem>>
        tpu.wait_dma2 semaphore(%arg16 : memref<!tpu.dma_semaphore, #tpu.memory_space<semaphore_mem>>) src(%dma_wait3A_533 : memref<1024xf32, #tpu.memory_space<vmem>>) dst(%dma_wait3A_531 : memref<1024xf32, #tpu.memory_space<hbm>>)
      } else {
      }
      %ge3A_357 = arith.constant 1 : i32
      %ge3A_358 = arith.cmpi sge, %scan3A_339, %ge3A_357 : i32
      %convert_element_type3A_359 = arith.extui %ge3A_358 : i1 to i32
      %cond3A_360 = arith.constant 0 : i32
      %cond3A_361 = arith.cmpi ne, %convert_element_type3A_359, %cond3A_360 : i32
      scf.if %cond3A_361 {
        %dma_wait3A_502 = arith.constant 0 : i32
        %dma_wait3A_503 = arith.constant 0 : i32
        %dma_wait3A_504 = tpu.memref_slice %arg2[%dma_wait3A_502, %dma_wait3A_503] : memref<1000000x32xf32, #tpu.memory_space<hbm>> -> memref<1000000x32xf32, #tpu.memory_space<hbm>>
        tpu.wait_indirect_dma semaphore(%arg14 : memref<!tpu.dma_semaphore, #tpu.memory_space<semaphore_mem>>) src(%dma_wait3A_504 : memref<1000000x32xf32, #tpu.memory_space<hbm>>) dst(%arg8 : memref<128x32xf32, #tpu.memory_space<vmem>>)
        %add3A_505 = arith.constant 1 : i32
        %add3A_506 = arith.addi %add3A_343, %add3A_505 : i32
        %lt3A_507 = arith.constant 200 : i32
        %lt3A_508 = arith.cmpi slt, %add3A_506, %lt3A_507 : i32
        %add3A_509 = arith.constant 1 : i32
        %add3A_510 = arith.addi %add3A_344, %add3A_509 : i32
        %convert_element_type3A_511 = arith.extui %lt3A_508 : i1 to i32
        %cond3A_512 = arith.constant 0 : i32
        %cond3A_513 = arith.cmpi ne, %convert_element_type3A_511, %cond3A_512 : i32
        scf.if %cond3A_513 {
          %jit3A_622 = arith.constant 32 : i32
          %div3A_623 = arith.divsi %add3A_510, %jit3A_622 : i32
          %sign3A_624 = arith.constant 0 : i32
          %sign3A_625 = arith.cmpi sgt, %add3A_510, %sign3A_624 : i32
          %sign3A_626 = arith.extui %sign3A_625 : i1 to i32
          %sign3A_627 = arith.constant 0 : i32
          %sign3A_628 = arith.cmpi slt, %add3A_510, %sign3A_627 : i32
          %sign3A_629 = arith.extui %sign3A_628 : i1 to i32
          %sign3A_630 = arith.subi %sign3A_626, %sign3A_629 : i32
          %sign3A_631 = arith.constant 0 : i32
          %sign3A_632 = arith.cmpi sgt, %jit3A_622, %sign3A_631 : i32
          %sign3A_633 = arith.extui %sign3A_632 : i1 to i32
          %sign3A_634 = arith.constant 0 : i32
          %sign3A_635 = arith.cmpi slt, %jit3A_622, %sign3A_634 : i32
          %sign3A_636 = arith.extui %sign3A_635 : i1 to i32
          %sign3A_637 = arith.subi %sign3A_633, %sign3A_636 : i32
          %ne3A_638 = arith.cmpi ne, %sign3A_630, %sign3A_637 : i32
          %rem3A_639 = arith.remsi %add3A_510, %jit3A_622 : i32
          %ne3A_640 = arith.constant 0 : i32
          %ne3A_641 = arith.cmpi ne, %rem3A_639, %ne3A_640 : i32
          %and3A_642 = arith.andi %ne3A_638, %ne3A_641 : i1
          %sub3A_643 = arith.constant 1 : i32
          %sub3A_644 = arith.subi %div3A_623, %sub3A_643 : i32
          %select_n3A_645 = arith.select %and3A_642, %sub3A_644, %div3A_623 : i32
          %jit3A_646 = arith.constant 32 : i32
          %eq3A_647 = arith.constant 0 : i32
          %eq3A_648 = arith.cmpi eq, %jit3A_646, %eq3A_647 : i32
          %jit3A_649 = arith.constant 1 : i32
          %select_n3A_650 = arith.select %eq3A_648, %jit3A_649, %jit3A_646 : i32
          %rem3A_651 = arith.remsi %add3A_510, %select_n3A_650 : i32
          %ne3A_652 = arith.constant 0 : i32
          %ne3A_653 = arith.cmpi ne, %rem3A_651, %ne3A_652 : i32
          %lt3A_654 = arith.constant 0 : i32
          %lt3A_655 = arith.cmpi slt, %rem3A_651, %lt3A_654 : i32
          %lt3A_656 = arith.constant 0 : i32
          %lt3A_657 = arith.cmpi slt, %select_n3A_650, %lt3A_656 : i32
          %ne3A_658 = arith.xori %lt3A_655, %lt3A_657 : i1
          %and3A_659 = arith.andi %ne3A_658, %ne3A_653 : i1
          %add3A_660 = arith.addi %rem3A_651, %select_n3A_650 : i32
          %select_n3A_661 = arith.select %and3A_659, %add3A_660, %rem3A_651 : i32
          %mul3A_662 = arith.constant 128 : i32
          %mul3A_663 = arith.muli %select_n3A_661, %mul3A_662 : i32
          %dma_start3A_664 = tpu.memref_slice %arg3[%select_n3A_645, %mul3A_663] : memref<200x4096xi32, #tpu.memory_space<hbm>> -> memref<1x128xi32, #tpu.memory_space<hbm>>
          %dma_start3A_665 = tpu.memref_squeeze %dma_start3A_664 : memref<1x128xi32, #tpu.memory_space<hbm>> -> memref<128xi32, #tpu.memory_space<hbm>>
          %dma_start3A_666 = tpu.memref_slice %arg3[%select_n3A_645, %mul3A_663] : memref<200x4096xi32, #tpu.memory_space<hbm>> -> memref<1x128xi32, #tpu.memory_space<hbm>>
          %dma_start3A_667 = tpu.memref_squeeze %dma_start3A_666 : memref<1x128xi32, #tpu.memory_space<hbm>> -> memref<128xi32, #tpu.memory_space<hbm>>
          tpu.enqueue_dma source(%dma_start3A_667 : memref<128xi32, #tpu.memory_space<hbm>>) target(%arg6 : memref<128xi32, #tpu.memory_space<vmem>>) target_semaphore(%arg12 : memref<!tpu.dma_semaphore, #tpu.memory_space<semaphore_mem>>)
        } else {
        }
        %scan3A_514 = arith.constant 0 : i32
        %scan3A_515 = arith.constant 0 : i32
        %scan3A_516 = arith.constant 8 : i32
        %scan3A_517 = arith.addi %scan3A_515, %scan3A_516 : i32
        %scan3A_518 = arith.constant 1 : i32
        scf.for %scan3A_622 = %scan3A_515 to %scan3A_517 step %scan3A_518  : i32 {
          %mul3A_623 = arith.constant 2 : i32
          %mul3A_624 = arith.muli %scan3A_622, %mul3A_623 : i32
          %add3A_625 = arith.constant 0 : i32
          %add3A_626 = arith.addi %mul3A_624, %add3A_625 : i32
          %add3A_627 = vector.broadcast %add3A_626 : i32 to vector<16xi32>
          %add3A_628 = arith.addi %iota3A, %add3A_627 : vector<16xi32>
          %and3A_629 = arith.constant 15 : i32
          %and3A_630 = vector.broadcast %and3A_629 : i32 to vector<16xi32>
          %and3A_631 = arith.andi %add3A_628, %and3A_630 : vector<16xi32>
          %add3A_632 = arith.constant 0 : i32
          %add3A_633 = vector.broadcast %add3A_632 : i32 to vector<16xi32>
          %add3A_634 = arith.addi %and3A_631, %add3A_633 : vector<16xi32>
          %gather3A = tpu.vector_load_idx %arg8[%add3A_634, %iota3A] : memref<128x32xf32, #tpu.memory_space<vmem>>[vector<16xi32>, vector<16xi32>], vector<16xf32>,
          %add3A_635 = arith.addi %add3A_19, %add3A_634 : vector<16xi32>
          tpu.vector_store_idx %arg10[%add3A_635], %gather3A : memref<4096xf32, #tpu.memory_space<vmem>>[vector<16xi32>], vector<16xf32>,
          %add3A_636 = arith.constant 0 : i32
          %add3A_637 = vector.broadcast %add3A_636 : i32 to vector<16xi32>
          %add3A_638 = arith.addi %and3A_631, %add3A_637 : vector<16xi32>
          %gather3A_639 = tpu.vector_load_idx %arg8[%add3A_638, %add3A_41] : memref<128x32xf32, #tpu.memory_space<vmem>>[vector<16xi32>, vector<16xi32>], vector<16xf32>,
          %add3A_640 = arith.addi %add3A_38, %add3A_638 : vector<16xi32>
          tpu.vector_store_idx %arg10[%add3A_640], %gather3A_639 : memref<4096xf32, #tpu.memory_space<vmem>>[vector<16xi32>], vector<16xf32>,
          %add3A_641 = arith.constant 16 : i32
          %add3A_642 = vector.broadcast %add3A_641 : i32 to vector<16xi32>
          %add3A_643 = arith.addi %and3A_631, %add3A_642 : vector<16xi32>
          %gather3A_644 = tpu.vector_load_idx %arg8[%add3A_643, %iota3A] : memref<128x32xf32, #tpu.memory_space<vmem>>[vector<16xi32>, vector<16xi32>], vector<16xf32>,
          %add3A_645 = arith.addi %add3A_19, %add3A_643 : vector<16xi32>
          tpu.vector_store_idx %arg10[%add3A_645], %gather3A_644 : memref<4096xf32, #tpu.memory_space<vmem>>[vector<16xi32>], vector<16xf32>,
          %add3A_646 = arith.constant 16 : i32
          %add3A_647 = vector.broadcast %add3A_646 : i32 to vector<16xi32>
          %add3A_648 = arith.addi %and3A_631, %add3A_647 : vector<16xi32>
          %gather3A_649 = tpu.vector_load_idx %arg8[%add3A_648, %add3A_41] : memref<128x32xf32, #tpu.memory_space<vmem>>[vector<16xi32>, vector<16xi32>], vector<16xf32>,
          %add3A_650 = arith.addi %add3A_38, %add3A_648 : vector<16xi32>
          tpu.vector_store_idx %arg10[%add3A_650], %gather3A_649 : memref<4096xf32, #tpu.memory_space<vmem>>[vector<16xi32>], vector<16xf32>,
          %add3A_651 = arith.constant 32 : i32
          %add3A_652 = vector.broadcast %add3A_651 : i32 to vector<16xi32>
          %add3A_653 = arith.addi %and3A_631, %add3A_652 : vector<16xi32>
          %gather3A_654 = tpu.vector_load_idx %arg8[%add3A_653, %iota3A] : memref<128x32xf32, #tpu.memory_space<vmem>>[vector<16xi32>, vector<16xi32>], vector<16xf32>,
          %add3A_655 = arith.addi %add3A_19, %add3A_653 : vector<16xi32>
          tpu.vector_store_idx %arg10[%add3A_655], %gather3A_654 : memref<4096xf32, #tpu.memory_space<vmem>>[vector<16xi32>], vector<16xf32>,
          %add3A_656 = arith.constant 32 : i32
          %add3A_657 = vector.broadcast %add3A_656 : i32 to vector<16xi32>
          %add3A_658 = arith.addi %and3A_631, %add3A_657 : vector<16xi32>
          %gather3A_659 = tpu.vector_load_idx %arg8[%add3A_658, %add3A_41] : memref<128x32xf32, #tpu.memory_space<vmem>>[vector<16xi32>, vector<16xi32>], vector<16xf32>,
          %add3A_660 = arith.addi %add3A_38, %add3A_658 : vector<16xi32>
          tpu.vector_store_idx %arg10[%add3A_660], %gather3A_659 : memref<4096xf32, #tpu.memory_space<vmem>>[vector<16xi32>], vector<16xf32>,
          %add3A_661 = arith.constant 48 : i32
          %add3A_662 = vector.broadcast %add3A_661 : i32 to vector<16xi32>
          %add3A_663 = arith.addi %and3A_631, %add3A_662 : vector<16xi32>
          %gather3A_664 = tpu.vector_load_idx %arg8[%add3A_663, %iota3A] : memref<128x32xf32, #tpu.memory_space<vmem>>[vector<16xi32>, vector<16xi32>], vector<16xf32>,
          %add3A_665 = arith.addi %add3A_19, %add3A_663 : vector<16xi32>
          tpu.vector_store_idx %arg10[%add3A_665], %gather3A_664 : memref<4096xf32, #tpu.memory_space<vmem>>[vector<16xi32>], vector<16xf32>,
          %add3A_666 = arith.constant 48 : i32
          %add3A_667 = vector.broadcast %add3A_666 : i32 to vector<16xi32>
          %add3A_668 = arith.addi %and3A_631, %add3A_667 : vector<16xi32>
          %gather3A_669 = tpu.vector_load_idx %arg8[%add3A_668, %add3A_41] : memref<128x32xf32, #tpu.memory_space<vmem>>[vector<16xi32>, vector<16xi32>], vector<16xf32>,
          %add3A_670 = arith.addi %add3A_38, %add3A_668 : vector<16xi32>
          tpu.vector_store_idx %arg10[%add3A_670], %gather3A_669 : memref<4096xf32, #tpu.memory_space<vmem>>[vector<16xi32>], vector<16xf32>,
          %add3A_671 = arith.constant 64 : i32
          %add3A_672 = vector.broadcast %add3A_671 : i32 to vector<16xi32>
          %add3A_673 = arith.addi %and3A_631, %add3A_672 : vector<16xi32>
          %gather3A_674 = tpu.vector_load_idx %arg8[%add3A_673, %iota3A] : memref<128x32xf32, #tpu.memory_space<vmem>>[vector<16xi32>, vector<16xi32>], vector<16xf32>,
          %add3A_675 = arith.addi %add3A_19, %add3A_673 : vector<16xi32>
          tpu.vector_store_idx %arg10[%add3A_675], %gather3A_674 : memref<4096xf32, #tpu.memory_space<vmem>>[vector<16xi32>], vector<16xf32>,
          %add3A_676 = arith.constant 64 : i32
          %add3A_677 = vector.broadcast %add3A_676 : i32 to vector<16xi32>
          %add3A_678 = arith.addi %and3A_631, %add3A_677 : vector<16xi32>
          %gather3A_679 = tpu.vector_load_idx %arg8[%add3A_678, %add3A_41] : memref<128x32xf32, #tpu.memory_space<vmem>>[vector<16xi32>, vector<16xi32>], vector<16xf32>,
          %add3A_680 = arith.addi %add3A_38, %add3A_678 : vector<16xi32>
          tpu.vector_store_idx %arg10[%add3A_680], %gather3A_679 : memref<4096xf32, #tpu.memory_space<vmem>>[vector<16xi32>], vector<16xf32>,
          %add3A_681 = arith.constant 80 : i32
          %add3A_682 = vector.broadcast %add3A_681 : i32 to vector<16xi32>
          %add3A_683 = arith.addi %and3A_631, %add3A_682 : vector<16xi32>
          %gather3A_684 = tpu.vector_load_idx %arg8[%add3A_683, %iota3A] : memref<128x32xf32, #tpu.memory_space<vmem>>[vector<16xi32>, vector<16xi32>], vector<16xf32>,
          %add3A_685 = arith.addi %add3A_19, %add3A_683 : vector<16xi32>
          tpu.vector_store_idx %arg10[%add3A_685], %gather3A_684 : memref<4096xf32, #tpu.memory_space<vmem>>[vector<16xi32>], vector<16xf32>,
          %add3A_686 = arith.constant 80 : i32
          %add3A_687 = vector.broadcast %add3A_686 : i32 to vector<16xi32>
          %add3A_688 = arith.addi %and3A_631, %add3A_687 : vector<16xi32>
          %gather3A_689 = tpu.vector_load_idx %arg8[%add3A_688, %add3A_41] : memref<128x32xf32, #tpu.memory_space<vmem>>[vector<16xi32>, vector<16xi32>], vector<16xf32>,
          %add3A_690 = arith.addi %add3A_38, %add3A_688 : vector<16xi32>
          tpu.vector_store_idx %arg10[%add3A_690], %gather3A_689 : memref<4096xf32, #tpu.memory_space<vmem>>[vector<16xi32>], vector<16xf32>,
          %add3A_691 = arith.constant 96 : i32
          %add3A_692 = vector.broadcast %add3A_691 : i32 to vector<16xi32>
          %add3A_693 = arith.addi %and3A_631, %add3A_692 : vector<16xi32>
          %gather3A_694 = tpu.vector_load_idx %arg8[%add3A_693, %iota3A] : memref<128x32xf32, #tpu.memory_space<vmem>>[vector<16xi32>, vector<16xi32>], vector<16xf32>,
          %add3A_695 = arith.addi %add3A_19, %add3A_693 : vector<16xi32>
          tpu.vector_store_idx %arg10[%add3A_695], %gather3A_694 : memref<4096xf32, #tpu.memory_space<vmem>>[vector<16xi32>], vector<16xf32>,
          %add3A_696 = arith.constant 96 : i32
          %add3A_697 = vector.broadcast %add3A_696 : i32 to vector<16xi32>
          %add3A_698 = arith.addi %and3A_631, %add3A_697 : vector<16xi32>
          %gather3A_699 = tpu.vector_load_idx %arg8[%add3A_698, %add3A_41] : memref<128x32xf32, #tpu.memory_space<vmem>>[vector<16xi32>, vector<16xi32>], vector<16xf32>,
          %add3A_700 = arith.addi %add3A_38, %add3A_698 : vector<16xi32>
          tpu.vector_store_idx %arg10[%add3A_700], %gather3A_699 : memref<4096xf32, #tpu.memory_space<vmem>>[vector<16xi32>], vector<16xf32>,
          %add3A_701 = arith.constant 112 : i32
          %add3A_702 = vector.broadcast %add3A_701 : i32 to vector<16xi32>
          %add3A_703 = arith.addi %and3A_631, %add3A_702 : vector<16xi32>
          %gather3A_704 = tpu.vector_load_idx %arg8[%add3A_703, %iota3A] : memref<128x32xf32, #tpu.memory_space<vmem>>[vector<16xi32>, vector<16xi32>], vector<16xf32>,
          %add3A_705 = arith.addi %add3A_19, %add3A_703 : vector<16xi32>
          tpu.vector_store_idx %arg10[%add3A_705], %gather3A_704 : memref<4096xf32, #tpu.memory_space<vmem>>[vector<16xi32>], vector<16xf32>,
          %add3A_706 = arith.constant 112 : i32
          %add3A_707 = vector.broadcast %add3A_706 : i32 to vector<16xi32>
          %add3A_708 = arith.addi %and3A_631, %add3A_707 : vector<16xi32>
          %gather3A_709 = tpu.vector_load_idx %arg8[%add3A_708, %add3A_41] : memref<128x32xf32, #tpu.memory_space<vmem>>[vector<16xi32>, vector<16xi32>], vector<16xf32>,
          %add3A_710 = arith.addi %add3A_38, %add3A_708 : vector<16xi32>
          tpu.vector_store_idx %arg10[%add3A_710], %gather3A_709 : memref<4096xf32, #tpu.memory_space<vmem>>[vector<16xi32>], vector<16xf32>,
          %mul3A_711 = arith.constant 2 : i32
          %mul3A_712 = arith.muli %scan3A_622, %mul3A_711 : i32
          %add3A_713 = arith.constant 1 : i32
          %add3A_714 = arith.addi %mul3A_712, %add3A_713 : i32
          %add3A_715 = vector.broadcast %add3A_714 : i32 to vector<16xi32>
          %add3A_716 = arith.addi %iota3A, %add3A_715 : vector<16xi32>
          %and3A_717 = arith.constant 15 : i32
          %and3A_718 = vector.broadcast %and3A_717 : i32 to vector<16xi32>
          %and3A_719 = arith.andi %add3A_716, %and3A_718 : vector<16xi32>
          %add3A_720 = arith.constant 0 : i32
          %add3A_721 = vector.broadcast %add3A_720 : i32 to vector<16xi32>
          %add3A_722 = arith.addi %and3A_719, %add3A_721 : vector<16xi32>
          %gather3A_723 = tpu.vector_load_idx %arg8[%add3A_722, %iota3A] : memref<128x32xf32, #tpu.memory_space<vmem>>[vector<16xi32>, vector<16xi32>], vector<16xf32>,
          %add3A_724 = arith.addi %add3A_19, %add3A_722 : vector<16xi32>
          tpu.vector_store_idx %arg10[%add3A_724], %gather3A_723 : memref<4096xf32, #tpu.memory_space<vmem>>[vector<16xi32>], vector<16xf32>,
          %add3A_725 = arith.constant 0 : i32
          %add3A_726 = vector.broadcast %add3A_725 : i32 to vector<16xi32>
          %add3A_727 = arith.addi %and3A_719, %add3A_726 : vector<16xi32>
          %gather3A_728 = tpu.vector_load_idx %arg8[%add3A_727, %add3A_41] : memref<128x32xf32, #tpu.memory_space<vmem>>[vector<16xi32>, vector<16xi32>], vector<16xf32>,
          %add3A_729 = arith.addi %add3A_38, %add3A_727 : vector<16xi32>
          tpu.vector_store_idx %arg10[%add3A_729], %gather3A_728 : memref<4096xf32, #tpu.memory_space<vmem>>[vector<16xi32>], vector<16xf32>,
          %add3A_730 = arith.constant 16 : i32
          %add3A_731 = vector.broadcast %add3A_730 : i32 to vector<16xi32>
          %add3A_732 = arith.addi %and3A_719, %add3A_731 : vector<16xi32>
          %gather3A_733 = tpu.vector_load_idx %arg8[%add3A_732, %iota3A] : memref<128x32xf32, #tpu.memory_space<vmem>>[vector<16xi32>, vector<16xi32>], vector<16xf32>,
          %add3A_734 = arith.addi %add3A_19, %add3A_732 : vector<16xi32>
          tpu.vector_store_idx %arg10[%add3A_734], %gather3A_733 : memref<4096xf32, #tpu.memory_space<vmem>>[vector<16xi32>], vector<16xf32>,
          %add3A_735 = arith.constant 16 : i32
          %add3A_736 = vector.broadcast %add3A_735 : i32 to vector<16xi32>
          %add3A_737 = arith.addi %and3A_719, %add3A_736 : vector<16xi32>
          %gather3A_738 = tpu.vector_load_idx %arg8[%add3A_737, %add3A_41] : memref<128x32xf32, #tpu.memory_space<vmem>>[vector<16xi32>, vector<16xi32>], vector<16xf32>,
          %add3A_739 = arith.addi %add3A_38, %add3A_737 : vector<16xi32>
          tpu.vector_store_idx %arg10[%add3A_739], %gather3A_738 : memref<4096xf32, #tpu.memory_space<vmem>>[vector<16xi32>], vector<16xf32>,
          %add3A_740 = arith.constant 32 : i32
          %add3A_741 = vector.broadcast %add3A_740 : i32 to vector<16xi32>
          %add3A_742 = arith.addi %and3A_719, %add3A_741 : vector<16xi32>
          %gather3A_743 = tpu.vector_load_idx %arg8[%add3A_742, %iota3A] : memref<128x32xf32, #tpu.memory_space<vmem>>[vector<16xi32>, vector<16xi32>], vector<16xf32>,
          %add3A_744 = arith.addi %add3A_19, %add3A_742 : vector<16xi32>
          tpu.vector_store_idx %arg10[%add3A_744], %gather3A_743 : memref<4096xf32, #tpu.memory_space<vmem>>[vector<16xi32>], vector<16xf32>,
          %add3A_745 = arith.constant 32 : i32
          %add3A_746 = vector.broadcast %add3A_745 : i32 to vector<16xi32>
          %add3A_747 = arith.addi %and3A_719, %add3A_746 : vector<16xi32>
          %gather3A_748 = tpu.vector_load_idx %arg8[%add3A_747, %add3A_41] : memref<128x32xf32, #tpu.memory_space<vmem>>[vector<16xi32>, vector<16xi32>], vector<16xf32>,
          %add3A_749 = arith.addi %add3A_38, %add3A_747 : vector<16xi32>
          tpu.vector_store_idx %arg10[%add3A_749], %gather3A_748 : memref<4096xf32, #tpu.memory_space<vmem>>[vector<16xi32>], vector<16xf32>,
          %add3A_750 = arith.constant 48 : i32
          %add3A_751 = vector.broadcast %add3A_750 : i32 to vector<16xi32>
          %add3A_752 = arith.addi %and3A_719, %add3A_751 : vector<16xi32>
          %gather3A_753 = tpu.vector_load_idx %arg8[%add3A_752, %iota3A] : memref<128x32xf32, #tpu.memory_space<vmem>>[vector<16xi32>, vector<16xi32>], vector<16xf32>,
          %add3A_754 = arith.addi %add3A_19, %add3A_752 : vector<16xi32>
          tpu.vector_store_idx %arg10[%add3A_754], %gather3A_753 : memref<4096xf32, #tpu.memory_space<vmem>>[vector<16xi32>], vector<16xf32>,
          %add3A_755 = arith.constant 48 : i32
          %add3A_756 = vector.broadcast %add3A_755 : i32 to vector<16xi32>
          %add3A_757 = arith.addi %and3A_719, %add3A_756 : vector<16xi32>
          %gather3A_758 = tpu.vector_load_idx %arg8[%add3A_757, %add3A_41] : memref<128x32xf32, #tpu.memory_space<vmem>>[vector<16xi32>, vector<16xi32>], vector<16xf32>,
          %add3A_759 = arith.addi %add3A_38, %add3A_757 : vector<16xi32>
          tpu.vector_store_idx %arg10[%add3A_759], %gather3A_758 : memref<4096xf32, #tpu.memory_space<vmem>>[vector<16xi32>], vector<16xf32>,
          %add3A_760 = arith.constant 64 : i32
          %add3A_761 = vector.broadcast %add3A_760 : i32 to vector<16xi32>
          %add3A_762 = arith.addi %and3A_719, %add3A_761 : vector<16xi32>
          %gather3A_763 = tpu.vector_load_idx %arg8[%add3A_762, %iota3A] : memref<128x32xf32, #tpu.memory_space<vmem>>[vector<16xi32>, vector<16xi32>], vector<16xf32>,
          %add3A_764 = arith.addi %add3A_19, %add3A_762 : vector<16xi32>
          tpu.vector_store_idx %arg10[%add3A_764], %gather3A_763 : memref<4096xf32, #tpu.memory_space<vmem>>[vector<16xi32>], vector<16xf32>,
          %add3A_765 = arith.constant 64 : i32
          %add3A_766 = vector.broadcast %add3A_765 : i32 to vector<16xi32>
          %add3A_767 = arith.addi %and3A_719, %add3A_766 : vector<16xi32>
          %gather3A_768 = tpu.vector_load_idx %arg8[%add3A_767, %add3A_41] : memref<128x32xf32, #tpu.memory_space<vmem>>[vector<16xi32>, vector<16xi32>], vector<16xf32>,
          %add3A_769 = arith.addi %add3A_38, %add3A_767 : vector<16xi32>
          tpu.vector_store_idx %arg10[%add3A_769], %gather3A_768 : memref<4096xf32, #tpu.memory_space<vmem>>[vector<16xi32>], vector<16xf32>,
          %add3A_770 = arith.constant 80 : i32
          %add3A_771 = vector.broadcast %add3A_770 : i32 to vector<16xi32>
          %add3A_772 = arith.addi %and3A_719, %add3A_771 : vector<16xi32>
          %gather3A_773 = tpu.vector_load_idx %arg8[%add3A_772, %iota3A] : memref<128x32xf32, #tpu.memory_space<vmem>>[vector<16xi32>, vector<16xi32>], vector<16xf32>,
          %add3A_774 = arith.addi %add3A_19, %add3A_772 : vector<16xi32>
          tpu.vector_store_idx %arg10[%add3A_774], %gather3A_773 : memref<4096xf32, #tpu.memory_space<vmem>>[vector<16xi32>], vector<16xf32>,
          %add3A_775 = arith.constant 80 : i32
          %add3A_776 = vector.broadcast %add3A_775 : i32 to vector<16xi32>
          %add3A_777 = arith.addi %and3A_719, %add3A_776 : vector<16xi32>
          %gather3A_778 = tpu.vector_load_idx %arg8[%add3A_777, %add3A_41] : memref<128x32xf32, #tpu.memory_space<vmem>>[vector<16xi32>, vector<16xi32>], vector<16xf32>,
          %add3A_779 = arith.addi %add3A_38, %add3A_777 : vector<16xi32>
          tpu.vector_store_idx %arg10[%add3A_779], %gather3A_778 : memref<4096xf32, #tpu.memory_space<vmem>>[vector<16xi32>], vector<16xf32>,
          %add3A_780 = arith.constant 96 : i32
          %add3A_781 = vector.broadcast %add3A_780 : i32 to vector<16xi32>
          %add3A_782 = arith.addi %and3A_719, %add3A_781 : vector<16xi32>
          %gather3A_783 = tpu.vector_load_idx %arg8[%add3A_782, %iota3A] : memref<128x32xf32, #tpu.memory_space<vmem>>[vector<16xi32>, vector<16xi32>], vector<16xf32>,
          %add3A_784 = arith.addi %add3A_19, %add3A_782 : vector<16xi32>
          tpu.vector_store_idx %arg10[%add3A_784], %gather3A_783 : memref<4096xf32, #tpu.memory_space<vmem>>[vector<16xi32>], vector<16xf32>,
          %add3A_785 = arith.constant 96 : i32
          %add3A_786 = vector.broadcast %add3A_785 : i32 to vector<16xi32>
          %add3A_787 = arith.addi %and3A_719, %add3A_786 : vector<16xi32>
          %gather3A_788 = tpu.vector_load_idx %arg8[%add3A_787, %add3A_41] : memref<128x32xf32, #tpu.memory_space<vmem>>[vector<16xi32>, vector<16xi32>], vector<16xf32>,
          %add3A_789 = arith.addi %add3A_38, %add3A_787 : vector<16xi32>
          tpu.vector_store_idx %arg10[%add3A_789], %gather3A_788 : memref<4096xf32, #tpu.memory_space<vmem>>[vector<16xi32>], vector<16xf32>,
          %add3A_790 = arith.constant 112 : i32
          %add3A_791 = vector.broadcast %add3A_790 : i32 to vector<16xi32>
          %add3A_792 = arith.addi %and3A_719, %add3A_791 : vector<16xi32>
          %gather3A_793 = tpu.vector_load_idx %arg8[%add3A_792, %iota3A] : memref<128x32xf32, #tpu.memory_space<vmem>>[vector<16xi32>, vector<16xi32>], vector<16xf32>,
          %add3A_794 = arith.addi %add3A_19, %add3A_792 : vector<16xi32>
          tpu.vector_store_idx %arg10[%add3A_794], %gather3A_793 : memref<4096xf32, #tpu.memory_space<vmem>>[vector<16xi32>], vector<16xf32>,
          %add3A_795 = arith.constant 112 : i32
          %add3A_796 = vector.broadcast %add3A_795 : i32 to vector<16xi32>
          %add3A_797 = arith.addi %and3A_719, %add3A_796 : vector<16xi32>
          %gather3A_798 = tpu.vector_load_idx %arg8[%add3A_797, %add3A_41] : memref<128x32xf32, #tpu.memory_space<vmem>>[vector<16xi32>, vector<16xi32>], vector<16xf32>,
          %add3A_799 = arith.addi %add3A_38, %add3A_797 : vector<16xi32>
          tpu.vector_store_idx %arg10[%add3A_799], %gather3A_798 : memref<4096xf32, #tpu.memory_space<vmem>>[vector<16xi32>], vector<16xf32>,
        }
        %scan3A_519 = arith.constant 8 : i32
        %sub3A_520 = arith.constant 1 : i32
        %sub3A_521 = arith.subi %add3A_344, %sub3A_520 : i32
        %jit3A_522 = arith.constant 32 : i32
        %div3A_523 = arith.divsi %sub3A_521, %jit3A_522 : i32
        %sign3A_524 = arith.constant 0 : i32
        %sign3A_525 = arith.cmpi sgt, %sub3A_521, %sign3A_524 : i32
        %sign3A_526 = arith.extui %sign3A_525 : i1 to i32
        %sign3A_527 = arith.constant 0 : i32
        %sign3A_528 = arith.cmpi slt, %sub3A_521, %sign3A_527 : i32
        %sign3A_529 = arith.extui %sign3A_528 : i1 to i32
        %sign3A_530 = arith.subi %sign3A_526, %sign3A_529 : i32
        %sign3A_531 = arith.constant 0 : i32
        %sign3A_532 = arith.cmpi sgt, %jit3A_522, %sign3A_531 : i32
        %sign3A_533 = arith.extui %sign3A_532 : i1 to i32
        %sign3A_534 = arith.constant 0 : i32
        %sign3A_535 = arith.cmpi slt, %jit3A_522, %sign3A_534 : i32
        %sign3A_536 = arith.extui %sign3A_535 : i1 to i32
        %sign3A_537 = arith.subi %sign3A_533, %sign3A_536 : i32
        %ne3A_538 = arith.cmpi ne, %sign3A_530, %sign3A_537 : i32
        %rem3A_539 = arith.remsi %sub3A_521, %jit3A_522 : i32
        %ne3A_540 = arith.constant 0 : i32
        %ne3A_541 = arith.cmpi ne, %rem3A_539, %ne3A_540 : i32
        %and3A_542 = arith.andi %ne3A_538, %ne3A_541 : i1
        %sub3A_543 = arith.constant 1 : i32
        %sub3A_544 = arith.subi %div3A_523, %sub3A_543 : i32
        %select_n3A_545 = arith.select %and3A_542, %sub3A_544, %div3A_523 : i32
        %jit3A_546 = arith.constant 32 : i32
        %eq3A_547 = arith.constant 0 : i32
        %eq3A_548 = arith.cmpi eq, %jit3A_546, %eq3A_547 : i32
        %jit3A_549 = arith.constant 1 : i32
        %select_n3A_550 = arith.select %eq3A_548, %jit3A_549, %jit3A_546 : i32
        %rem3A_551 = arith.remsi %sub3A_521, %select_n3A_550 : i32
        %ne3A_552 = arith.constant 0 : i32
        %ne3A_553 = arith.cmpi ne, %rem3A_551, %ne3A_552 : i32
        %lt3A_554 = arith.constant 0 : i32
        %lt3A_555 = arith.cmpi slt, %rem3A_551, %lt3A_554 : i32
        %lt3A_556 = arith.constant 0 : i32
        %lt3A_557 = arith.cmpi slt, %select_n3A_550, %lt3A_556 : i32
        %ne3A_558 = arith.xori %lt3A_555, %lt3A_557 : i1
        %and3A_559 = arith.andi %ne3A_558, %ne3A_553 : i1
        %add3A_560 = arith.addi %rem3A_551, %select_n3A_550 : i32
        %select_n3A_561 = arith.select %and3A_559, %add3A_560, %rem3A_551 : i32
        %mul3A_562 = arith.constant 4 : i32
        %mul3A_563 = arith.muli %select_n3A_545, %mul3A_562 : i32
        %add3A_564 = arith.constant 0 : i32
        %add3A_565 = arith.addi %mul3A_563, %add3A_564 : i32
        %mul3A_566 = arith.constant 32 : i32
        %mul3A_567 = arith.muli %add3A_565, %mul3A_566 : i32
        %add3A_568 = arith.addi %mul3A_567, %select_n3A_561 : i32
        %mul3A_569 = arith.constant 1024 : i32
        %mul3A_570 = arith.muli %add3A_568, %mul3A_569 : i32
        %dma_start3A_571 = arith.constant 0 : i32
        %dma_start3A_572 = tpu.memref_slice %arg10[%dma_start3A_571] : memref<4096xf32, #tpu.memory_space<vmem>> -> memref<1024xf32, #tpu.memory_space<vmem>>
        %dma_start3A_573 = tpu.memref_slice %arg4[%mul3A_570] : memref<26214400xf32, #tpu.memory_space<hbm>> -> memref<1024xf32, #tpu.memory_space<hbm>>
        %dma_start3A_574 = tpu.memref_slice %arg4[%mul3A_570] : memref<26214400xf32, #tpu.memory_space<hbm>> -> memref<1024xf32, #tpu.memory_space<hbm>>
        %dma_start3A_575 = arith.constant 0 : i32
        %dma_start3A_576 = tpu.memref_slice %arg10[%dma_start3A_575] : memref<4096xf32, #tpu.memory_space<vmem>> -> memref<1024xf32, #tpu.memory_space<vmem>>
        tpu.enqueue_dma source(%dma_start3A_576 : memref<1024xf32, #tpu.memory_space<vmem>>) target(%dma_start3A_574 : memref<1024xf32, #tpu.memory_space<hbm>>) target_semaphore(%arg16 : memref<!tpu.dma_semaphore, #tpu.memory_space<semaphore_mem>>)
        %mul3A_577 = arith.constant 4 : i32
        %mul3A_578 = arith.muli %select_n3A_545, %mul3A_577 : i32
        %add3A_579 = arith.constant 1 : i32
        %add3A_580 = arith.addi %mul3A_578, %add3A_579 : i32
        %mul3A_581 = arith.constant 32 : i32
        %mul3A_582 = arith.muli %add3A_580, %mul3A_581 : i32
        %add3A_583 = arith.addi %mul3A_582, %select_n3A_561 : i32
        %mul3A_584 = arith.constant 1024 : i32
        %mul3A_585 = arith.muli %add3A_583, %mul3A_584 : i32
        %dma_start3A_586 = arith.constant 1024 : i32
        %dma_start3A_587 = tpu.memref_slice %arg10[%dma_start3A_586] : memref<4096xf32, #tpu.memory_space<vmem>> -> memref<1024xf32, #tpu.memory_space<vmem>>
        %dma_start3A_588 = tpu.memref_slice %arg4[%mul3A_585] : memref<26214400xf32, #tpu.memory_space<hbm>> -> memref<1024xf32, #tpu.memory_space<hbm>>
        %dma_start3A_589 = tpu.memref_slice %arg4[%mul3A_585] : memref<26214400xf32, #tpu.memory_space<hbm>> -> memref<1024xf32, #tpu.memory_space<hbm>>
        %dma_start3A_590 = arith.constant 1024 : i32
        %dma_start3A_591 = tpu.memref_slice %arg10[%dma_start3A_590] : memref<4096xf32, #tpu.memory_space<vmem>> -> memref<1024xf32, #tpu.memory_space<vmem>>
        tpu.enqueue_dma source(%dma_start3A_591 : memref<1024xf32, #tpu.memory_space<vmem>>) target(%dma_start3A_589 : memref<1024xf32, #tpu.memory_space<hbm>>) target_semaphore(%arg16 : memref<!tpu.dma_semaphore, #tpu.memory_space<semaphore_mem>>)
        %mul3A_592 = arith.constant 4 : i32
        %mul3A_593 = arith.muli %select_n3A_545, %mul3A_592 : i32
        %add3A_594 = arith.constant 2 : i32
        %add3A_595 = arith.addi %mul3A_593, %add3A_594 : i32
        %mul3A_596 = arith.constant 32 : i32
        %mul3A_597 = arith.muli %add3A_595, %mul3A_596 : i32
        %add3A_598 = arith.addi %mul3A_597, %select_n3A_561 : i32
        %mul3A_599 = arith.constant 1024 : i32
        %mul3A_600 = arith.muli %add3A_598, %mul3A_599 : i32
        %dma_start3A_601 = arith.constant 2048 : i32
        %dma_start3A_602 = tpu.memref_slice %arg10[%dma_start3A_601] : memref<4096xf32, #tpu.memory_space<vmem>> -> memref<1024xf32, #tpu.memory_space<vmem>>
        %dma_start3A_603 = tpu.memref_slice %arg4[%mul3A_600] : memref<26214400xf32, #tpu.memory_space<hbm>> -> memref<1024xf32, #tpu.memory_space<hbm>>
        %dma_start3A_604 = tpu.memref_slice %arg4[%mul3A_600] : memref<26214400xf32, #tpu.memory_space<hbm>> -> memref<1024xf32, #tpu.memory_space<hbm>>
        %dma_start3A_605 = arith.constant 2048 : i32
        %dma_start3A_606 = tpu.memref_slice %arg10[%dma_start3A_605] : memref<4096xf32, #tpu.memory_space<vmem>> -> memref<1024xf32, #tpu.memory_space<vmem>>
        tpu.enqueue_dma source(%dma_start3A_606 : memref<1024xf32, #tpu.memory_space<vmem>>) target(%dma_start3A_604 : memref<1024xf32, #tpu.memory_space<hbm>>) target_semaphore(%arg16 : memref<!tpu.dma_semaphore, #tpu.memory_space<semaphore_mem>>)
        %mul3A_607 = arith.constant 4 : i32
        %mul3A_608 = arith.muli %select_n3A_545, %mul3A_607 : i32
        %add3A_609 = arith.constant 3 : i32
        %add3A_610 = arith.addi %mul3A_608, %add3A_609 : i32
        %mul3A_611 = arith.constant 32 : i32
        %mul3A_612 = arith.muli %add3A_610, %mul3A_611 : i32
        %add3A_613 = arith.addi %mul3A_612, %select_n3A_561 : i32
        %mul3A_614 = arith.constant 1024 : i32
        %mul3A_615 = arith.muli %add3A_613, %mul3A_614 : i32
        %dma_start3A_616 = arith.constant 3072 : i32
        %dma_start3A_617 = tpu.memref_slice %arg10[%dma_start3A_616] : memref<4096xf32, #tpu.memory_space<vmem>> -> memref<1024xf32, #tpu.memory_space<vmem>>
        %dma_start3A_618 = tpu.memref_slice %arg4[%mul3A_615] : memref<26214400xf32, #tpu.memory_space<hbm>> -> memref<1024xf32, #tpu.memory_space<hbm>>
        %dma_start3A_619 = tpu.memref_slice %arg4[%mul3A_615] : memref<26214400xf32, #tpu.memory_space<hbm>> -> memref<1024xf32, #tpu.memory_space<hbm>>
        %dma_start3A_620 = arith.constant 3072 : i32
        %dma_start3A_621 = tpu.memref_slice %arg10[%dma_start3A_620] : memref<4096xf32, #tpu.memory_space<vmem>> -> memref<1024xf32, #tpu.memory_space<vmem>>
        tpu.enqueue_dma source(%dma_start3A_621 : memref<1024xf32, #tpu.memory_space<vmem>>) target(%dma_start3A_619 : memref<1024xf32, #tpu.memory_space<hbm>>) target_semaphore(%arg16 : memref<!tpu.dma_semaphore, #tpu.memory_space<semaphore_mem>>)
      } else {
      }
      %mul3A_362 = arith.constant 2 : i32
      %mul3A_363 = arith.muli %scan3A_339, %mul3A_362 : i32
      %add3A_364 = arith.constant 1 : i32
      %add3A_365 = arith.addi %mul3A_363, %add3A_364 : i32
      %add3A_366 = arith.addi %mul3A_2, %add3A_365 : i32
      %dma_wait3A_367 = arith.constant 0 : i32
      %dma_wait3A_368 = arith.constant 0 : i32
      %dma_wait3A_369 = tpu.memref_slice %arg3[%dma_wait3A_367, %dma_wait3A_368] : memref<200x4096xi32, #tpu.memory_space<hbm>> -> memref<1x128xi32, #tpu.memory_space<hbm>>
      %dma_wait3A_370 = tpu.memref_squeeze %dma_wait3A_369 : memref<1x128xi32, #tpu.memory_space<hbm>> -> memref<128xi32, #tpu.memory_space<hbm>>
      %dma_wait3A_371 = arith.constant 0 : i32
      %dma_wait3A_372 = tpu.memref_slice %arg3[%dma_wait3A_367, %dma_wait3A_371] : memref<200x4096xi32, #tpu.memory_space<hbm>> -> memref<1x128xi32, #tpu.memory_space<hbm>>
      %dma_wait3A_373 = tpu.memref_squeeze %dma_wait3A_372 : memref<1x128xi32, #tpu.memory_space<hbm>> -> memref<128xi32, #tpu.memory_space<hbm>>
      tpu.wait_dma2 semaphore(%arg12 : memref<!tpu.dma_semaphore, #tpu.memory_space<semaphore_mem>>) src(%dma_wait3A_373 : memref<128xi32, #tpu.memory_space<hbm>>) dst(%arg6 : memref<128xi32, #tpu.memory_space<vmem>>)
      %dma_start3A_374 = arith.constant 0 : i32
      %dma_start3A_375 = arith.constant 0 : i32
      %dma_start3A_376 = tpu.memref_slice %arg2[%dma_start3A_374, %dma_start3A_375] : memref<1000000x32xf32, #tpu.memory_space<hbm>> -> memref<1000000x32xf32, #tpu.memory_space<hbm>>
      tpu.enqueue_indirect_dma source(%dma_start3A_376 : memref<1000000x32xf32, #tpu.memory_space<hbm>>) target(%arg8 : memref<128x32xf32, #tpu.memory_space<vmem>>) offsets(%arg6 : memref<128xi32, #tpu.memory_space<vmem>>) semaphore(%arg14 : memref<!tpu.dma_semaphore, #tpu.memory_space<semaphore_mem>>)
      %ge3A_377 = arith.constant 1 : i32
      %ge3A_378 = arith.cmpi sge, %scan3A_339, %ge3A_377 : i32
      %convert_element_type3A_379 = arith.extui %ge3A_378 : i1 to i32
      %cond3A_380 = arith.constant 0 : i32
      %cond3A_381 = arith.cmpi ne, %convert_element_type3A_379, %cond3A_380 : i32
      scf.if %cond3A_381 {
        %dma_wait3A_502 = arith.constant 0 : i32
        %dma_wait3A_503 = tpu.memref_slice %arg9[%dma_wait3A_502] : memref<4096xf32, #tpu.memory_space<vmem>> -> memref<1024xf32, #tpu.memory_space<vmem>>
        %dma_wait3A_504 = arith.constant 0 : i32
        %dma_wait3A_505 = tpu.memref_slice %arg4[%dma_wait3A_504] : memref<26214400xf32, #tpu.memory_space<hbm>> -> memref<1024xf32, #tpu.memory_space<hbm>>
        %dma_wait3A_506 = arith.constant 0 : i32
        %dma_wait3A_507 = tpu.memref_slice %arg4[%dma_wait3A_506] : memref<26214400xf32, #tpu.memory_space<hbm>> -> memref<1024xf32, #tpu.memory_space<hbm>>
        %dma_wait3A_508 = arith.constant 0 : i32
        %dma_wait3A_509 = tpu.memref_slice %arg9[%dma_wait3A_508] : memref<4096xf32, #tpu.memory_space<vmem>> -> memref<1024xf32, #tpu.memory_space<vmem>>
        tpu.wait_dma2 semaphore(%arg15 : memref<!tpu.dma_semaphore, #tpu.memory_space<semaphore_mem>>) src(%dma_wait3A_509 : memref<1024xf32, #tpu.memory_space<vmem>>) dst(%dma_wait3A_507 : memref<1024xf32, #tpu.memory_space<hbm>>)
        %dma_wait3A_510 = arith.constant 0 : i32
        %dma_wait3A_511 = tpu.memref_slice %arg9[%dma_wait3A_510] : memref<4096xf32, #tpu.memory_space<vmem>> -> memref<1024xf32, #tpu.memory_space<vmem>>
        %dma_wait3A_512 = arith.constant 0 : i32
        %dma_wait3A_513 = tpu.memref_slice %arg4[%dma_wait3A_512] : memref<26214400xf32, #tpu.memory_space<hbm>> -> memref<1024xf32, #tpu.memory_space<hbm>>
        %dma_wait3A_514 = arith.constant 0 : i32
        %dma_wait3A_515 = tpu.memref_slice %arg4[%dma_wait3A_514] : memref<26214400xf32, #tpu.memory_space<hbm>> -> memref<1024xf32, #tpu.memory_space<hbm>>
        %dma_wait3A_516 = arith.constant 0 : i32
        %dma_wait3A_517 = tpu.memref_slice %arg9[%dma_wait3A_516] : memref<4096xf32, #tpu.memory_space<vmem>> -> memref<1024xf32, #tpu.memory_space<vmem>>
        tpu.wait_dma2 semaphore(%arg15 : memref<!tpu.dma_semaphore, #tpu.memory_space<semaphore_mem>>) src(%dma_wait3A_517 : memref<1024xf32, #tpu.memory_space<vmem>>) dst(%dma_wait3A_515 : memref<1024xf32, #tpu.memory_space<hbm>>)
        %dma_wait3A_518 = arith.constant 0 : i32
        %dma_wait3A_519 = tpu.memref_slice %arg9[%dma_wait3A_518] : memref<4096xf32, #tpu.memory_space<vmem>> -> memref<1024xf32, #tpu.memory_space<vmem>>
        %dma_wait3A_520 = arith.constant 0 : i32
        %dma_wait3A_521 = tpu.memref_slice %arg4[%dma_wait3A_520] : memref<26214400xf32, #tpu.memory_space<hbm>> -> memref<1024xf32, #tpu.memory_space<hbm>>
        %dma_wait3A_522 = arith.constant 0 : i32
        %dma_wait3A_523 = tpu.memref_slice %arg4[%dma_wait3A_522] : memref<26214400xf32, #tpu.memory_space<hbm>> -> memref<1024xf32, #tpu.memory_space<hbm>>
        %dma_wait3A_524 = arith.constant 0 : i32
        %dma_wait3A_525 = tpu.memref_slice %arg9[%dma_wait3A_524] : memref<4096xf32, #tpu.memory_space<vmem>> -> memref<1024xf32, #tpu.memory_space<vmem>>
        tpu.wait_dma2 semaphore(%arg15 : memref<!tpu.dma_semaphore, #tpu.memory_space<semaphore_mem>>) src(%dma_wait3A_525 : memref<1024xf32, #tpu.memory_space<vmem>>) dst(%dma_wait3A_523 : memref<1024xf32, #tpu.memory_space<hbm>>)
        %dma_wait3A_526 = arith.constant 0 : i32
        %dma_wait3A_527 = tpu.memref_slice %arg9[%dma_wait3A_526] : memref<4096xf32, #tpu.memory_space<vmem>> -> memref<1024xf32, #tpu.memory_space<vmem>>
        %dma_wait3A_528 = arith.constant 0 : i32
        %dma_wait3A_529 = tpu.memref_slice %arg4[%dma_wait3A_528] : memref<26214400xf32, #tpu.memory_space<hbm>> -> memref<1024xf32, #tpu.memory_space<hbm>>
        %dma_wait3A_530 = arith.constant 0 : i32
        %dma_wait3A_531 = tpu.memref_slice %arg4[%dma_wait3A_530] : memref<26214400xf32, #tpu.memory_space<hbm>> -> memref<1024xf32, #tpu.memory_space<hbm>>
        %dma_wait3A_532 = arith.constant 0 : i32
        %dma_wait3A_533 = tpu.memref_slice %arg9[%dma_wait3A_532] : memref<4096xf32, #tpu.memory_space<vmem>> -> memref<1024xf32, #tpu.memory_space<vmem>>
        tpu.wait_dma2 semaphore(%arg15 : memref<!tpu.dma_semaphore, #tpu.memory_space<semaphore_mem>>) src(%dma_wait3A_533 : memref<1024xf32, #tpu.memory_space<vmem>>) dst(%dma_wait3A_531 : memref<1024xf32, #tpu.memory_space<hbm>>)
      } else {
      }
      %dma_wait3A_382 = arith.constant 0 : i32
      %dma_wait3A_383 = arith.constant 0 : i32
      %dma_wait3A_384 = tpu.memref_slice %arg2[%dma_wait3A_382, %dma_wait3A_383] : memref<1000000x32xf32, #tpu.memory_space<hbm>> -> memref<1000000x32xf32, #tpu.memory_space<hbm>>
      tpu.wait_indirect_dma semaphore(%arg13 : memref<!tpu.dma_semaphore, #tpu.memory_space<semaphore_mem>>) src(%dma_wait3A_384 : memref<1000000x32xf32, #tpu.memory_space<hbm>>) dst(%arg7 : memref<128x32xf32, #tpu.memory_space<vmem>>)
      %add3A_385 = arith.constant 1 : i32
      %add3A_386 = arith.addi %add3A_365, %add3A_385 : i32
      %lt3A_387 = arith.constant 200 : i32
      %lt3A_388 = arith.cmpi slt, %add3A_386, %lt3A_387 : i32
      %add3A_389 = arith.constant 1 : i32
      %add3A_390 = arith.addi %add3A_366, %add3A_389 : i32
      %convert_element_type3A_391 = arith.extui %lt3A_388 : i1 to i32
      %cond3A_392 = arith.constant 0 : i32
      %cond3A_393 = arith.cmpi ne, %convert_element_type3A_391, %cond3A_392 : i32
      scf.if %cond3A_393 {
        %jit3A_502 = arith.constant 32 : i32
        %div3A_503 = arith.divsi %add3A_390, %jit3A_502 : i32
        %sign3A_504 = arith.constant 0 : i32
        %sign3A_505 = arith.cmpi sgt, %add3A_390, %sign3A_504 : i32
        %sign3A_506 = arith.extui %sign3A_505 : i1 to i32
        %sign3A_507 = arith.constant 0 : i32
        %sign3A_508 = arith.cmpi slt, %add3A_390, %sign3A_507 : i32
        %sign3A_509 = arith.extui %sign3A_508 : i1 to i32
        %sign3A_510 = arith.subi %sign3A_506, %sign3A_509 : i32
        %sign3A_511 = arith.constant 0 : i32
        %sign3A_512 = arith.cmpi sgt, %jit3A_502, %sign3A_511 : i32
        %sign3A_513 = arith.extui %sign3A_512 : i1 to i32
        %sign3A_514 = arith.constant 0 : i32
        %sign3A_515 = arith.cmpi slt, %jit3A_502, %sign3A_514 : i32
        %sign3A_516 = arith.extui %sign3A_515 : i1 to i32
        %sign3A_517 = arith.subi %sign3A_513, %sign3A_516 : i32
        %ne3A_518 = arith.cmpi ne, %sign3A_510, %sign3A_517 : i32
        %rem3A_519 = arith.remsi %add3A_390, %jit3A_502 : i32
        %ne3A_520 = arith.constant 0 : i32
        %ne3A_521 = arith.cmpi ne, %rem3A_519, %ne3A_520 : i32
        %and3A_522 = arith.andi %ne3A_518, %ne3A_521 : i1
        %sub3A_523 = arith.constant 1 : i32
        %sub3A_524 = arith.subi %div3A_503, %sub3A_523 : i32
        %select_n3A_525 = arith.select %and3A_522, %sub3A_524, %div3A_503 : i32
        %jit3A_526 = arith.constant 32 : i32
        %eq3A_527 = arith.constant 0 : i32
        %eq3A_528 = arith.cmpi eq, %jit3A_526, %eq3A_527 : i32
        %jit3A_529 = arith.constant 1 : i32
        %select_n3A_530 = arith.select %eq3A_528, %jit3A_529, %jit3A_526 : i32
        %rem3A_531 = arith.remsi %add3A_390, %select_n3A_530 : i32
        %ne3A_532 = arith.constant 0 : i32
        %ne3A_533 = arith.cmpi ne, %rem3A_531, %ne3A_532 : i32
        %lt3A_534 = arith.constant 0 : i32
        %lt3A_535 = arith.cmpi slt, %rem3A_531, %lt3A_534 : i32
        %lt3A_536 = arith.constant 0 : i32
        %lt3A_537 = arith.cmpi slt, %select_n3A_530, %lt3A_536 : i32
        %ne3A_538 = arith.xori %lt3A_535, %lt3A_537 : i1
        %and3A_539 = arith.andi %ne3A_538, %ne3A_533 : i1
        %add3A_540 = arith.addi %rem3A_531, %select_n3A_530 : i32
        %select_n3A_541 = arith.select %and3A_539, %add3A_540, %rem3A_531 : i32
        %mul3A_542 = arith.constant 128 : i32
        %mul3A_543 = arith.muli %select_n3A_541, %mul3A_542 : i32
        %dma_start3A_544 = tpu.memref_slice %arg3[%select_n3A_525, %mul3A_543] : memref<200x4096xi32, #tpu.memory_space<hbm>> -> memref<1x128xi32, #tpu.memory_space<hbm>>
        %dma_start3A_545 = tpu.memref_squeeze %dma_start3A_544 : memref<1x128xi32, #tpu.memory_space<hbm>> -> memref<128xi32, #tpu.memory_space<hbm>>
        %dma_start3A_546 = tpu.memref_slice %arg3[%select_n3A_525, %mul3A_543] : memref<200x4096xi32, #tpu.memory_space<hbm>> -> memref<1x128xi32, #tpu.memory_space<hbm>>
        %dma_start3A_547 = tpu.memref_squeeze %dma_start3A_546 : memref<1x128xi32, #tpu.memory_space<hbm>> -> memref<128xi32, #tpu.memory_space<hbm>>
        tpu.enqueue_dma source(%dma_start3A_547 : memref<128xi32, #tpu.memory_space<hbm>>) target(%arg5 : memref<128xi32, #tpu.memory_space<vmem>>) target_semaphore(%arg11 : memref<!tpu.dma_semaphore, #tpu.memory_space<semaphore_mem>>)
      } else {
      }
      %scan3A_394 = arith.constant 0 : i32
      %scan3A_395 = arith.constant 0 : i32
      %scan3A_396 = arith.constant 8 : i32
      %scan3A_397 = arith.addi %scan3A_395, %scan3A_396 : i32
      %scan3A_398 = arith.constant 1 : i32
      scf.for %scan3A_502 = %scan3A_395 to %scan3A_397 step %scan3A_398  : i32 {
        %mul3A_503 = arith.constant 2 : i32
        %mul3A_504 = arith.muli %scan3A_502, %mul3A_503 : i32
        %add3A_505 = arith.constant 0 : i32
        %add3A_506 = arith.addi %mul3A_504, %add3A_505 : i32
        %add3A_507 = vector.broadcast %add3A_506 : i32 to vector<16xi32>
        %add3A_508 = arith.addi %iota3A, %add3A_507 : vector<16xi32>
        %and3A_509 = arith.constant 15 : i32
        %and3A_510 = vector.broadcast %and3A_509 : i32 to vector<16xi32>
        %and3A_511 = arith.andi %add3A_508, %and3A_510 : vector<16xi32>
        %add3A_512 = arith.constant 0 : i32
        %add3A_513 = vector.broadcast %add3A_512 : i32 to vector<16xi32>
        %add3A_514 = arith.addi %and3A_511, %add3A_513 : vector<16xi32>
        %gather3A = tpu.vector_load_idx %arg7[%add3A_514, %iota3A] : memref<128x32xf32, #tpu.memory_space<vmem>>[vector<16xi32>, vector<16xi32>], vector<16xf32>,
        %add3A_515 = arith.addi %add3A_19, %add3A_514 : vector<16xi32>
        tpu.vector_store_idx %arg9[%add3A_515], %gather3A : memref<4096xf32, #tpu.memory_space<vmem>>[vector<16xi32>], vector<16xf32>,
        %add3A_516 = arith.constant 0 : i32
        %add3A_517 = vector.broadcast %add3A_516 : i32 to vector<16xi32>
        %add3A_518 = arith.addi %and3A_511, %add3A_517 : vector<16xi32>
        %gather3A_519 = tpu.vector_load_idx %arg7[%add3A_518, %add3A_41] : memref<128x32xf32, #tpu.memory_space<vmem>>[vector<16xi32>, vector<16xi32>], vector<16xf32>,
        %add3A_520 = arith.addi %add3A_38, %add3A_518 : vector<16xi32>
        tpu.vector_store_idx %arg9[%add3A_520], %gather3A_519 : memref<4096xf32, #tpu.memory_space<vmem>>[vector<16xi32>], vector<16xf32>,
        %add3A_521 = arith.constant 16 : i32
        %add3A_522 = vector.broadcast %add3A_521 : i32 to vector<16xi32>
        %add3A_523 = arith.addi %and3A_511, %add3A_522 : vector<16xi32>
        %gather3A_524 = tpu.vector_load_idx %arg7[%add3A_523, %iota3A] : memref<128x32xf32, #tpu.memory_space<vmem>>[vector<16xi32>, vector<16xi32>], vector<16xf32>,
        %add3A_525 = arith.addi %add3A_19, %add3A_523 : vector<16xi32>
        tpu.vector_store_idx %arg9[%add3A_525], %gather3A_524 : memref<4096xf32, #tpu.memory_space<vmem>>[vector<16xi32>], vector<16xf32>,
        %add3A_526 = arith.constant 16 : i32
        %add3A_527 = vector.broadcast %add3A_526 : i32 to vector<16xi32>
        %add3A_528 = arith.addi %and3A_511, %add3A_527 : vector<16xi32>
        %gather3A_529 = tpu.vector_load_idx %arg7[%add3A_528, %add3A_41] : memref<128x32xf32, #tpu.memory_space<vmem>>[vector<16xi32>, vector<16xi32>], vector<16xf32>,
        %add3A_530 = arith.addi %add3A_38, %add3A_528 : vector<16xi32>
        tpu.vector_store_idx %arg9[%add3A_530], %gather3A_529 : memref<4096xf32, #tpu.memory_space<vmem>>[vector<16xi32>], vector<16xf32>,
        %add3A_531 = arith.constant 32 : i32
        %add3A_532 = vector.broadcast %add3A_531 : i32 to vector<16xi32>
        %add3A_533 = arith.addi %and3A_511, %add3A_532 : vector<16xi32>
        %gather3A_534 = tpu.vector_load_idx %arg7[%add3A_533, %iota3A] : memref<128x32xf32, #tpu.memory_space<vmem>>[vector<16xi32>, vector<16xi32>], vector<16xf32>,
        %add3A_535 = arith.addi %add3A_19, %add3A_533 : vector<16xi32>
        tpu.vector_store_idx %arg9[%add3A_535], %gather3A_534 : memref<4096xf32, #tpu.memory_space<vmem>>[vector<16xi32>], vector<16xf32>,
        %add3A_536 = arith.constant 32 : i32
        %add3A_537 = vector.broadcast %add3A_536 : i32 to vector<16xi32>
        %add3A_538 = arith.addi %and3A_511, %add3A_537 : vector<16xi32>
        %gather3A_539 = tpu.vector_load_idx %arg7[%add3A_538, %add3A_41] : memref<128x32xf32, #tpu.memory_space<vmem>>[vector<16xi32>, vector<16xi32>], vector<16xf32>,
        %add3A_540 = arith.addi %add3A_38, %add3A_538 : vector<16xi32>
        tpu.vector_store_idx %arg9[%add3A_540], %gather3A_539 : memref<4096xf32, #tpu.memory_space<vmem>>[vector<16xi32>], vector<16xf32>,
        %add3A_541 = arith.constant 48 : i32
        %add3A_542 = vector.broadcast %add3A_541 : i32 to vector<16xi32>
        %add3A_543 = arith.addi %and3A_511, %add3A_542 : vector<16xi32>
        %gather3A_544 = tpu.vector_load_idx %arg7[%add3A_543, %iota3A] : memref<128x32xf32, #tpu.memory_space<vmem>>[vector<16xi32>, vector<16xi32>], vector<16xf32>,
        %add3A_545 = arith.addi %add3A_19, %add3A_543 : vector<16xi32>
        tpu.vector_store_idx %arg9[%add3A_545], %gather3A_544 : memref<4096xf32, #tpu.memory_space<vmem>>[vector<16xi32>], vector<16xf32>,
        %add3A_546 = arith.constant 48 : i32
        %add3A_547 = vector.broadcast %add3A_546 : i32 to vector<16xi32>
        %add3A_548 = arith.addi %and3A_511, %add3A_547 : vector<16xi32>
        %gather3A_549 = tpu.vector_load_idx %arg7[%add3A_548, %add3A_41] : memref<128x32xf32, #tpu.memory_space<vmem>>[vector<16xi32>, vector<16xi32>], vector<16xf32>,
        %add3A_550 = arith.addi %add3A_38, %add3A_548 : vector<16xi32>
        tpu.vector_store_idx %arg9[%add3A_550], %gather3A_549 : memref<4096xf32, #tpu.memory_space<vmem>>[vector<16xi32>], vector<16xf32>,
        %add3A_551 = arith.constant 64 : i32
        %add3A_552 = vector.broadcast %add3A_551 : i32 to vector<16xi32>
        %add3A_553 = arith.addi %and3A_511, %add3A_552 : vector<16xi32>
        %gather3A_554 = tpu.vector_load_idx %arg7[%add3A_553, %iota3A] : memref<128x32xf32, #tpu.memory_space<vmem>>[vector<16xi32>, vector<16xi32>], vector<16xf32>,
        %add3A_555 = arith.addi %add3A_19, %add3A_553 : vector<16xi32>
        tpu.vector_store_idx %arg9[%add3A_555], %gather3A_554 : memref<4096xf32, #tpu.memory_space<vmem>>[vector<16xi32>], vector<16xf32>,
        %add3A_556 = arith.constant 64 : i32
        %add3A_557 = vector.broadcast %add3A_556 : i32 to vector<16xi32>
        %add3A_558 = arith.addi %and3A_511, %add3A_557 : vector<16xi32>
        %gather3A_559 = tpu.vector_load_idx %arg7[%add3A_558, %add3A_41] : memref<128x32xf32, #tpu.memory_space<vmem>>[vector<16xi32>, vector<16xi32>], vector<16xf32>,
        %add3A_560 = arith.addi %add3A_38, %add3A_558 : vector<16xi32>
        tpu.vector_store_idx %arg9[%add3A_560], %gather3A_559 : memref<4096xf32, #tpu.memory_space<vmem>>[vector<16xi32>], vector<16xf32>,
        %add3A_561 = arith.constant 80 : i32
        %add3A_562 = vector.broadcast %add3A_561 : i32 to vector<16xi32>
        %add3A_563 = arith.addi %and3A_511, %add3A_562 : vector<16xi32>
        %gather3A_564 = tpu.vector_load_idx %arg7[%add3A_563, %iota3A] : memref<128x32xf32, #tpu.memory_space<vmem>>[vector<16xi32>, vector<16xi32>], vector<16xf32>,
        %add3A_565 = arith.addi %add3A_19, %add3A_563 : vector<16xi32>
        tpu.vector_store_idx %arg9[%add3A_565], %gather3A_564 : memref<4096xf32, #tpu.memory_space<vmem>>[vector<16xi32>], vector<16xf32>,
        %add3A_566 = arith.constant 80 : i32
        %add3A_567 = vector.broadcast %add3A_566 : i32 to vector<16xi32>
        %add3A_568 = arith.addi %and3A_511, %add3A_567 : vector<16xi32>
        %gather3A_569 = tpu.vector_load_idx %arg7[%add3A_568, %add3A_41] : memref<128x32xf32, #tpu.memory_space<vmem>>[vector<16xi32>, vector<16xi32>], vector<16xf32>,
        %add3A_570 = arith.addi %add3A_38, %add3A_568 : vector<16xi32>
        tpu.vector_store_idx %arg9[%add3A_570], %gather3A_569 : memref<4096xf32, #tpu.memory_space<vmem>>[vector<16xi32>], vector<16xf32>,
        %add3A_571 = arith.constant 96 : i32
        %add3A_572 = vector.broadcast %add3A_571 : i32 to vector<16xi32>
        %add3A_573 = arith.addi %and3A_511, %add3A_572 : vector<16xi32>
        %gather3A_574 = tpu.vector_load_idx %arg7[%add3A_573, %iota3A] : memref<128x32xf32, #tpu.memory_space<vmem>>[vector<16xi32>, vector<16xi32>], vector<16xf32>,
        %add3A_575 = arith.addi %add3A_19, %add3A_573 : vector<16xi32>
        tpu.vector_store_idx %arg9[%add3A_575], %gather3A_574 : memref<4096xf32, #tpu.memory_space<vmem>>[vector<16xi32>], vector<16xf32>,
        %add3A_576 = arith.constant 96 : i32
        %add3A_577 = vector.broadcast %add3A_576 : i32 to vector<16xi32>
        %add3A_578 = arith.addi %and3A_511, %add3A_577 : vector<16xi32>
        %gather3A_579 = tpu.vector_load_idx %arg7[%add3A_578, %add3A_41] : memref<128x32xf32, #tpu.memory_space<vmem>>[vector<16xi32>, vector<16xi32>], vector<16xf32>,
        %add3A_580 = arith.addi %add3A_38, %add3A_578 : vector<16xi32>
        tpu.vector_store_idx %arg9[%add3A_580], %gather3A_579 : memref<4096xf32, #tpu.memory_space<vmem>>[vector<16xi32>], vector<16xf32>,
        %add3A_581 = arith.constant 112 : i32
        %add3A_582 = vector.broadcast %add3A_581 : i32 to vector<16xi32>
        %add3A_583 = arith.addi %and3A_511, %add3A_582 : vector<16xi32>
        %gather3A_584 = tpu.vector_load_idx %arg7[%add3A_583, %iota3A] : memref<128x32xf32, #tpu.memory_space<vmem>>[vector<16xi32>, vector<16xi32>], vector<16xf32>,
        %add3A_585 = arith.addi %add3A_19, %add3A_583 : vector<16xi32>
        tpu.vector_store_idx %arg9[%add3A_585], %gather3A_584 : memref<4096xf32, #tpu.memory_space<vmem>>[vector<16xi32>], vector<16xf32>,
        %add3A_586 = arith.constant 112 : i32
        %add3A_587 = vector.broadcast %add3A_586 : i32 to vector<16xi32>
        %add3A_588 = arith.addi %and3A_511, %add3A_587 : vector<16xi32>
        %gather3A_589 = tpu.vector_load_idx %arg7[%add3A_588, %add3A_41] : memref<128x32xf32, #tpu.memory_space<vmem>>[vector<16xi32>, vector<16xi32>], vector<16xf32>,
        %add3A_590 = arith.addi %add3A_38, %add3A_588 : vector<16xi32>
        tpu.vector_store_idx %arg9[%add3A_590], %gather3A_589 : memref<4096xf32, #tpu.memory_space<vmem>>[vector<16xi32>], vector<16xf32>,
        %mul3A_591 = arith.constant 2 : i32
        %mul3A_592 = arith.muli %scan3A_502, %mul3A_591 : i32
        %add3A_593 = arith.constant 1 : i32
        %add3A_594 = arith.addi %mul3A_592, %add3A_593 : i32
        %add3A_595 = vector.broadcast %add3A_594 : i32 to vector<16xi32>
        %add3A_596 = arith.addi %iota3A, %add3A_595 : vector<16xi32>
        %and3A_597 = arith.constant 15 : i32
        %and3A_598 = vector.broadcast %and3A_597 : i32 to vector<16xi32>
        %and3A_599 = arith.andi %add3A_596, %and3A_598 : vector<16xi32>
        %add3A_600 = arith.constant 0 : i32
        %add3A_601 = vector.broadcast %add3A_600 : i32 to vector<16xi32>
        %add3A_602 = arith.addi %and3A_599, %add3A_601 : vector<16xi32>
        %gather3A_603 = tpu.vector_load_idx %arg7[%add3A_602, %iota3A] : memref<128x32xf32, #tpu.memory_space<vmem>>[vector<16xi32>, vector<16xi32>], vector<16xf32>,
        %add3A_604 = arith.addi %add3A_19, %add3A_602 : vector<16xi32>
        tpu.vector_store_idx %arg9[%add3A_604], %gather3A_603 : memref<4096xf32, #tpu.memory_space<vmem>>[vector<16xi32>], vector<16xf32>,
        %add3A_605 = arith.constant 0 : i32
        %add3A_606 = vector.broadcast %add3A_605 : i32 to vector<16xi32>
        %add3A_607 = arith.addi %and3A_599, %add3A_606 : vector<16xi32>
        %gather3A_608 = tpu.vector_load_idx %arg7[%add3A_607, %add3A_41] : memref<128x32xf32, #tpu.memory_space<vmem>>[vector<16xi32>, vector<16xi32>], vector<16xf32>,
        %add3A_609 = arith.addi %add3A_38, %add3A_607 : vector<16xi32>
        tpu.vector_store_idx %arg9[%add3A_609], %gather3A_608 : memref<4096xf32, #tpu.memory_space<vmem>>[vector<16xi32>], vector<16xf32>,
        %add3A_610 = arith.constant 16 : i32
        %add3A_611 = vector.broadcast %add3A_610 : i32 to vector<16xi32>
        %add3A_612 = arith.addi %and3A_599, %add3A_611 : vector<16xi32>
        %gather3A_613 = tpu.vector_load_idx %arg7[%add3A_612, %iota3A] : memref<128x32xf32, #tpu.memory_space<vmem>>[vector<16xi32>, vector<16xi32>], vector<16xf32>,
        %add3A_614 = arith.addi %add3A_19, %add3A_612 : vector<16xi32>
        tpu.vector_store_idx %arg9[%add3A_614], %gather3A_613 : memref<4096xf32, #tpu.memory_space<vmem>>[vector<16xi32>], vector<16xf32>,
        %add3A_615 = arith.constant 16 : i32
        %add3A_616 = vector.broadcast %add3A_615 : i32 to vector<16xi32>
        %add3A_617 = arith.addi %and3A_599, %add3A_616 : vector<16xi32>
        %gather3A_618 = tpu.vector_load_idx %arg7[%add3A_617, %add3A_41] : memref<128x32xf32, #tpu.memory_space<vmem>>[vector<16xi32>, vector<16xi32>], vector<16xf32>,
        %add3A_619 = arith.addi %add3A_38, %add3A_617 : vector<16xi32>
        tpu.vector_store_idx %arg9[%add3A_619], %gather3A_618 : memref<4096xf32, #tpu.memory_space<vmem>>[vector<16xi32>], vector<16xf32>,
        %add3A_620 = arith.constant 32 : i32
        %add3A_621 = vector.broadcast %add3A_620 : i32 to vector<16xi32>
        %add3A_622 = arith.addi %and3A_599, %add3A_621 : vector<16xi32>
        %gather3A_623 = tpu.vector_load_idx %arg7[%add3A_622, %iota3A] : memref<128x32xf32, #tpu.memory_space<vmem>>[vector<16xi32>, vector<16xi32>], vector<16xf32>,
        %add3A_624 = arith.addi %add3A_19, %add3A_622 : vector<16xi32>
        tpu.vector_store_idx %arg9[%add3A_624], %gather3A_623 : memref<4096xf32, #tpu.memory_space<vmem>>[vector<16xi32>], vector<16xf32>,
        %add3A_625 = arith.constant 32 : i32
        %add3A_626 = vector.broadcast %add3A_625 : i32 to vector<16xi32>
        %add3A_627 = arith.addi %and3A_599, %add3A_626 : vector<16xi32>
        %gather3A_628 = tpu.vector_load_idx %arg7[%add3A_627, %add3A_41] : memref<128x32xf32, #tpu.memory_space<vmem>>[vector<16xi32>, vector<16xi32>], vector<16xf32>,
        %add3A_629 = arith.addi %add3A_38, %add3A_627 : vector<16xi32>
        tpu.vector_store_idx %arg9[%add3A_629], %gather3A_628 : memref<4096xf32, #tpu.memory_space<vmem>>[vector<16xi32>], vector<16xf32>,
        %add3A_630 = arith.constant 48 : i32
        %add3A_631 = vector.broadcast %add3A_630 : i32 to vector<16xi32>
        %add3A_632 = arith.addi %and3A_599, %add3A_631 : vector<16xi32>
        %gather3A_633 = tpu.vector_load_idx %arg7[%add3A_632, %iota3A] : memref<128x32xf32, #tpu.memory_space<vmem>>[vector<16xi32>, vector<16xi32>], vector<16xf32>,
        %add3A_634 = arith.addi %add3A_19, %add3A_632 : vector<16xi32>
        tpu.vector_store_idx %arg9[%add3A_634], %gather3A_633 : memref<4096xf32, #tpu.memory_space<vmem>>[vector<16xi32>], vector<16xf32>,
        %add3A_635 = arith.constant 48 : i32
        %add3A_636 = vector.broadcast %add3A_635 : i32 to vector<16xi32>
        %add3A_637 = arith.addi %and3A_599, %add3A_636 : vector<16xi32>
        %gather3A_638 = tpu.vector_load_idx %arg7[%add3A_637, %add3A_41] : memref<128x32xf32, #tpu.memory_space<vmem>>[vector<16xi32>, vector<16xi32>], vector<16xf32>,
        %add3A_639 = arith.addi %add3A_38, %add3A_637 : vector<16xi32>
        tpu.vector_store_idx %arg9[%add3A_639], %gather3A_638 : memref<4096xf32, #tpu.memory_space<vmem>>[vector<16xi32>], vector<16xf32>,
        %add3A_640 = arith.constant 64 : i32
        %add3A_641 = vector.broadcast %add3A_640 : i32 to vector<16xi32>
        %add3A_642 = arith.addi %and3A_599, %add3A_641 : vector<16xi32>
        %gather3A_643 = tpu.vector_load_idx %arg7[%add3A_642, %iota3A] : memref<128x32xf32, #tpu.memory_space<vmem>>[vector<16xi32>, vector<16xi32>], vector<16xf32>,
        %add3A_644 = arith.addi %add3A_19, %add3A_642 : vector<16xi32>
        tpu.vector_store_idx %arg9[%add3A_644], %gather3A_643 : memref<4096xf32, #tpu.memory_space<vmem>>[vector<16xi32>], vector<16xf32>,
        %add3A_645 = arith.constant 64 : i32
        %add3A_646 = vector.broadcast %add3A_645 : i32 to vector<16xi32>
        %add3A_647 = arith.addi %and3A_599, %add3A_646 : vector<16xi32>
        %gather3A_648 = tpu.vector_load_idx %arg7[%add3A_647, %add3A_41] : memref<128x32xf32, #tpu.memory_space<vmem>>[vector<16xi32>, vector<16xi32>], vector<16xf32>,
        %add3A_649 = arith.addi %add3A_38, %add3A_647 : vector<16xi32>
        tpu.vector_store_idx %arg9[%add3A_649], %gather3A_648 : memref<4096xf32, #tpu.memory_space<vmem>>[vector<16xi32>], vector<16xf32>,
        %add3A_650 = arith.constant 80 : i32
        %add3A_651 = vector.broadcast %add3A_650 : i32 to vector<16xi32>
        %add3A_652 = arith.addi %and3A_599, %add3A_651 : vector<16xi32>
        %gather3A_653 = tpu.vector_load_idx %arg7[%add3A_652, %iota3A] : memref<128x32xf32, #tpu.memory_space<vmem>>[vector<16xi32>, vector<16xi32>], vector<16xf32>,
        %add3A_654 = arith.addi %add3A_19, %add3A_652 : vector<16xi32>
        tpu.vector_store_idx %arg9[%add3A_654], %gather3A_653 : memref<4096xf32, #tpu.memory_space<vmem>>[vector<16xi32>], vector<16xf32>,
        %add3A_655 = arith.constant 80 : i32
        %add3A_656 = vector.broadcast %add3A_655 : i32 to vector<16xi32>
        %add3A_657 = arith.addi %and3A_599, %add3A_656 : vector<16xi32>
        %gather3A_658 = tpu.vector_load_idx %arg7[%add3A_657, %add3A_41] : memref<128x32xf32, #tpu.memory_space<vmem>>[vector<16xi32>, vector<16xi32>], vector<16xf32>,
        %add3A_659 = arith.addi %add3A_38, %add3A_657 : vector<16xi32>
        tpu.vector_store_idx %arg9[%add3A_659], %gather3A_658 : memref<4096xf32, #tpu.memory_space<vmem>>[vector<16xi32>], vector<16xf32>,
        %add3A_660 = arith.constant 96 : i32
        %add3A_661 = vector.broadcast %add3A_660 : i32 to vector<16xi32>
        %add3A_662 = arith.addi %and3A_599, %add3A_661 : vector<16xi32>
        %gather3A_663 = tpu.vector_load_idx %arg7[%add3A_662, %iota3A] : memref<128x32xf32, #tpu.memory_space<vmem>>[vector<16xi32>, vector<16xi32>], vector<16xf32>,
        %add3A_664 = arith.addi %add3A_19, %add3A_662 : vector<16xi32>
        tpu.vector_store_idx %arg9[%add3A_664], %gather3A_663 : memref<4096xf32, #tpu.memory_space<vmem>>[vector<16xi32>], vector<16xf32>,
        %add3A_665 = arith.constant 96 : i32
        %add3A_666 = vector.broadcast %add3A_665 : i32 to vector<16xi32>
        %add3A_667 = arith.addi %and3A_599, %add3A_666 : vector<16xi32>
        %gather3A_668 = tpu.vector_load_idx %arg7[%add3A_667, %add3A_41] : memref<128x32xf32, #tpu.memory_space<vmem>>[vector<16xi32>, vector<16xi32>], vector<16xf32>,
        %add3A_669 = arith.addi %add3A_38, %add3A_667 : vector<16xi32>
        tpu.vector_store_idx %arg9[%add3A_669], %gather3A_668 : memref<4096xf32, #tpu.memory_space<vmem>>[vector<16xi32>], vector<16xf32>,
        %add3A_670 = arith.constant 112 : i32
        %add3A_671 = vector.broadcast %add3A_670 : i32 to vector<16xi32>
        %add3A_672 = arith.addi %and3A_599, %add3A_671 : vector<16xi32>
        %gather3A_673 = tpu.vector_load_idx %arg7[%add3A_672, %iota3A] : memref<128x32xf32, #tpu.memory_space<vmem>>[vector<16xi32>, vector<16xi32>], vector<16xf32>,
        %add3A_674 = arith.addi %add3A_19, %add3A_672 : vector<16xi32>
        tpu.vector_store_idx %arg9[%add3A_674], %gather3A_673 : memref<4096xf32, #tpu.memory_space<vmem>>[vector<16xi32>], vector<16xf32>,
        %add3A_675 = arith.constant 112 : i32
        %add3A_676 = vector.broadcast %add3A_675 : i32 to vector<16xi32>
        %add3A_677 = arith.addi %and3A_599, %add3A_676 : vector<16xi32>
        %gather3A_678 = tpu.vector_load_idx %arg7[%add3A_677, %add3A_41] : memref<128x32xf32, #tpu.memory_space<vmem>>[vector<16xi32>, vector<16xi32>], vector<16xf32>,
        %add3A_679 = arith.addi %add3A_38, %add3A_677 : vector<16xi32>
        tpu.vector_store_idx %arg9[%add3A_679], %gather3A_678 : memref<4096xf32, #tpu.memory_space<vmem>>[vector<16xi32>], vector<16xf32>,
      }
      %scan3A_399 = arith.constant 8 : i32
      %sub3A_400 = arith.constant 1 : i32
      %sub3A_401 = arith.subi %add3A_366, %sub3A_400 : i32
      %jit3A_402 = arith.constant 32 : i32
      %div3A_403 = arith.divsi %sub3A_401, %jit3A_402 : i32
      %sign3A_404 = arith.constant 0 : i32
      %sign3A_405 = arith.cmpi sgt, %sub3A_401, %sign3A_404 : i32
      %sign3A_406 = arith.extui %sign3A_405 : i1 to i32
      %sign3A_407 = arith.constant 0 : i32
      %sign3A_408 = arith.cmpi slt, %sub3A_401, %sign3A_407 : i32
      %sign3A_409 = arith.extui %sign3A_408 : i1 to i32
      %sign3A_410 = arith.subi %sign3A_406, %sign3A_409 : i32
      %sign3A_411 = arith.constant 0 : i32
      %sign3A_412 = arith.cmpi sgt, %jit3A_402, %sign3A_411 : i32
      %sign3A_413 = arith.extui %sign3A_412 : i1 to i32
      %sign3A_414 = arith.constant 0 : i32
      %sign3A_415 = arith.cmpi slt, %jit3A_402, %sign3A_414 : i32
      %sign3A_416 = arith.extui %sign3A_415 : i1 to i32
      %sign3A_417 = arith.subi %sign3A_413, %sign3A_416 : i32
      %ne3A_418 = arith.cmpi ne, %sign3A_410, %sign3A_417 : i32
      %rem3A_419 = arith.remsi %sub3A_401, %jit3A_402 : i32
      %ne3A_420 = arith.constant 0 : i32
      %ne3A_421 = arith.cmpi ne, %rem3A_419, %ne3A_420 : i32
      %and3A_422 = arith.andi %ne3A_418, %ne3A_421 : i1
      %sub3A_423 = arith.constant 1 : i32
      %sub3A_424 = arith.subi %div3A_403, %sub3A_423 : i32
      %select_n3A_425 = arith.select %and3A_422, %sub3A_424, %div3A_403 : i32
      %jit3A_426 = arith.constant 32 : i32
      %eq3A_427 = arith.constant 0 : i32
      %eq3A_428 = arith.cmpi eq, %jit3A_426, %eq3A_427 : i32
      %jit3A_429 = arith.constant 1 : i32
      %select_n3A_430 = arith.select %eq3A_428, %jit3A_429, %jit3A_426 : i32
      %rem3A_431 = arith.remsi %sub3A_401, %select_n3A_430 : i32
      %ne3A_432 = arith.constant 0 : i32
      %ne3A_433 = arith.cmpi ne, %rem3A_431, %ne3A_432 : i32
      %lt3A_434 = arith.constant 0 : i32
      %lt3A_435 = arith.cmpi slt, %rem3A_431, %lt3A_434 : i32
      %lt3A_436 = arith.constant 0 : i32
      %lt3A_437 = arith.cmpi slt, %select_n3A_430, %lt3A_436 : i32
      %ne3A_438 = arith.xori %lt3A_435, %lt3A_437 : i1
      %and3A_439 = arith.andi %ne3A_438, %ne3A_433 : i1
      %add3A_440 = arith.addi %rem3A_431, %select_n3A_430 : i32
      %select_n3A_441 = arith.select %and3A_439, %add3A_440, %rem3A_431 : i32
      %mul3A_442 = arith.constant 4 : i32
      %mul3A_443 = arith.muli %select_n3A_425, %mul3A_442 : i32
      %add3A_444 = arith.constant 0 : i32
      %add3A_445 = arith.addi %mul3A_443, %add3A_444 : i32
      %mul3A_446 = arith.constant 32 : i32
      %mul3A_447 = arith.muli %add3A_445, %mul3A_446 : i32
      %add3A_448 = arith.addi %mul3A_447, %select_n3A_441 : i32
      %mul3A_449 = arith.constant 1024 : i32
      %mul3A_450 = arith.muli %add3A_448, %mul3A_449 : i32
      %dma_start3A_451 = arith.constant 0 : i32
      %dma_start3A_452 = tpu.memref_slice %arg9[%dma_start3A_451] : memref<4096xf32, #tpu.memory_space<vmem>> -> memref<1024xf32, #tpu.memory_space<vmem>>
      %dma_start3A_453 = tpu.memref_slice %arg4[%mul3A_450] : memref<26214400xf32, #tpu.memory_space<hbm>> -> memref<1024xf32, #tpu.memory_space<hbm>>
      %dma_start3A_454 = tpu.memref_slice %arg4[%mul3A_450] : memref<26214400xf32, #tpu.memory_space<hbm>> -> memref<1024xf32, #tpu.memory_space<hbm>>
      %dma_start3A_455 = arith.constant 0 : i32
      %dma_start3A_456 = tpu.memref_slice %arg9[%dma_start3A_455] : memref<4096xf32, #tpu.memory_space<vmem>> -> memref<1024xf32, #tpu.memory_space<vmem>>
      tpu.enqueue_dma source(%dma_start3A_456 : memref<1024xf32, #tpu.memory_space<vmem>>) target(%dma_start3A_454 : memref<1024xf32, #tpu.memory_space<hbm>>) target_semaphore(%arg15 : memref<!tpu.dma_semaphore, #tpu.memory_space<semaphore_mem>>)
      %mul3A_457 = arith.constant 4 : i32
      %mul3A_458 = arith.muli %select_n3A_425, %mul3A_457 : i32
      %add3A_459 = arith.constant 1 : i32
      %add3A_460 = arith.addi %mul3A_458, %add3A_459 : i32
      %mul3A_461 = arith.constant 32 : i32
      %mul3A_462 = arith.muli %add3A_460, %mul3A_461 : i32
      %add3A_463 = arith.addi %mul3A_462, %select_n3A_441 : i32
      %mul3A_464 = arith.constant 1024 : i32
      %mul3A_465 = arith.muli %add3A_463, %mul3A_464 : i32
      %dma_start3A_466 = arith.constant 1024 : i32
      %dma_start3A_467 = tpu.memref_slice %arg9[%dma_start3A_466] : memref<4096xf32, #tpu.memory_space<vmem>> -> memref<1024xf32, #tpu.memory_space<vmem>>
      %dma_start3A_468 = tpu.memref_slice %arg4[%mul3A_465] : memref<26214400xf32, #tpu.memory_space<hbm>> -> memref<1024xf32, #tpu.memory_space<hbm>>
      %dma_start3A_469 = tpu.memref_slice %arg4[%mul3A_465] : memref<26214400xf32, #tpu.memory_space<hbm>> -> memref<1024xf32, #tpu.memory_space<hbm>>
      %dma_start3A_470 = arith.constant 1024 : i32
      %dma_start3A_471 = tpu.memref_slice %arg9[%dma_start3A_470] : memref<4096xf32, #tpu.memory_space<vmem>> -> memref<1024xf32, #tpu.memory_space<vmem>>
      tpu.enqueue_dma source(%dma_start3A_471 : memref<1024xf32, #tpu.memory_space<vmem>>) target(%dma_start3A_469 : memref<1024xf32, #tpu.memory_space<hbm>>) target_semaphore(%arg15 : memref<!tpu.dma_semaphore, #tpu.memory_space<semaphore_mem>>)
      %mul3A_472 = arith.constant 4 : i32
      %mul3A_473 = arith.muli %select_n3A_425, %mul3A_472 : i32
      %add3A_474 = arith.constant 2 : i32
      %add3A_475 = arith.addi %mul3A_473, %add3A_474 : i32
      %mul3A_476 = arith.constant 32 : i32
      %mul3A_477 = arith.muli %add3A_475, %mul3A_476 : i32
      %add3A_478 = arith.addi %mul3A_477, %select_n3A_441 : i32
      %mul3A_479 = arith.constant 1024 : i32
      %mul3A_480 = arith.muli %add3A_478, %mul3A_479 : i32
      %dma_start3A_481 = arith.constant 2048 : i32
      %dma_start3A_482 = tpu.memref_slice %arg9[%dma_start3A_481] : memref<4096xf32, #tpu.memory_space<vmem>> -> memref<1024xf32, #tpu.memory_space<vmem>>
      %dma_start3A_483 = tpu.memref_slice %arg4[%mul3A_480] : memref<26214400xf32, #tpu.memory_space<hbm>> -> memref<1024xf32, #tpu.memory_space<hbm>>
      %dma_start3A_484 = tpu.memref_slice %arg4[%mul3A_480] : memref<26214400xf32, #tpu.memory_space<hbm>> -> memref<1024xf32, #tpu.memory_space<hbm>>
      %dma_start3A_485 = arith.constant 2048 : i32
      %dma_start3A_486 = tpu.memref_slice %arg9[%dma_start3A_485] : memref<4096xf32, #tpu.memory_space<vmem>> -> memref<1024xf32, #tpu.memory_space<vmem>>
      tpu.enqueue_dma source(%dma_start3A_486 : memref<1024xf32, #tpu.memory_space<vmem>>) target(%dma_start3A_484 : memref<1024xf32, #tpu.memory_space<hbm>>) target_semaphore(%arg15 : memref<!tpu.dma_semaphore, #tpu.memory_space<semaphore_mem>>)
      %mul3A_487 = arith.constant 4 : i32
      %mul3A_488 = arith.muli %select_n3A_425, %mul3A_487 : i32
      %add3A_489 = arith.constant 3 : i32
      %add3A_490 = arith.addi %mul3A_488, %add3A_489 : i32
      %mul3A_491 = arith.constant 32 : i32
      %mul3A_492 = arith.muli %add3A_490, %mul3A_491 : i32
      %add3A_493 = arith.addi %mul3A_492, %select_n3A_441 : i32
      %mul3A_494 = arith.constant 1024 : i32
      %mul3A_495 = arith.muli %add3A_493, %mul3A_494 : i32
      %dma_start3A_496 = arith.constant 3072 : i32
      %dma_start3A_497 = tpu.memref_slice %arg9[%dma_start3A_496] : memref<4096xf32, #tpu.memory_space<vmem>> -> memref<1024xf32, #tpu.memory_space<vmem>>
      %dma_start3A_498 = tpu.memref_slice %arg4[%mul3A_495] : memref<26214400xf32, #tpu.memory_space<hbm>> -> memref<1024xf32, #tpu.memory_space<hbm>>
      %dma_start3A_499 = tpu.memref_slice %arg4[%mul3A_495] : memref<26214400xf32, #tpu.memory_space<hbm>> -> memref<1024xf32, #tpu.memory_space<hbm>>
      %dma_start3A_500 = arith.constant 3072 : i32
      %dma_start3A_501 = tpu.memref_slice %arg9[%dma_start3A_500] : memref<4096xf32, #tpu.memory_space<vmem>> -> memref<1024xf32, #tpu.memory_space<vmem>>
      tpu.enqueue_dma source(%dma_start3A_501 : memref<1024xf32, #tpu.memory_space<vmem>>) target(%dma_start3A_499 : memref<1024xf32, #tpu.memory_space<hbm>>) target_semaphore(%arg15 : memref<!tpu.dma_semaphore, #tpu.memory_space<semaphore_mem>>)
    }
    %scan3A_132 = arith.constant 100 : i32
    %dma_wait3A = arith.constant 0 : i32
    %dma_wait3A_133 = arith.constant 0 : i32
    %dma_wait3A_134 = tpu.memref_slice %arg2[%dma_wait3A, %dma_wait3A_133] : memref<1000000x32xf32, #tpu.memory_space<hbm>> -> memref<1000000x32xf32, #tpu.memory_space<hbm>>
    tpu.wait_indirect_dma semaphore(%arg14 : memref<!tpu.dma_semaphore, #tpu.memory_space<semaphore_mem>>) src(%dma_wait3A_134 : memref<1000000x32xf32, #tpu.memory_space<hbm>>) dst(%arg8 : memref<128x32xf32, #tpu.memory_space<vmem>>)
    %dma_wait3A_135 = arith.constant 0 : i32
    %dma_wait3A_136 = tpu.memref_slice %arg10[%dma_wait3A_135] : memref<4096xf32, #tpu.memory_space<vmem>> -> memref<1024xf32, #tpu.memory_space<vmem>>
    %dma_wait3A_137 = arith.constant 0 : i32
    %dma_wait3A_138 = tpu.memref_slice %arg4[%dma_wait3A_137] : memref<26214400xf32, #tpu.memory_space<hbm>> -> memref<1024xf32, #tpu.memory_space<hbm>>
    %dma_wait3A_139 = arith.constant 0 : i32
    %dma_wait3A_140 = tpu.memref_slice %arg4[%dma_wait3A_139] : memref<26214400xf32, #tpu.memory_space<hbm>> -> memref<1024xf32, #tpu.memory_space<hbm>>
    %dma_wait3A_141 = arith.constant 0 : i32
    %dma_wait3A_142 = tpu.memref_slice %arg10[%dma_wait3A_141] : memref<4096xf32, #tpu.memory_space<vmem>> -> memref<1024xf32, #tpu.memory_space<vmem>>
    tpu.wait_dma2 semaphore(%arg16 : memref<!tpu.dma_semaphore, #tpu.memory_space<semaphore_mem>>) src(%dma_wait3A_142 : memref<1024xf32, #tpu.memory_space<vmem>>) dst(%dma_wait3A_140 : memref<1024xf32, #tpu.memory_space<hbm>>)
    %dma_wait3A_143 = arith.constant 0 : i32
    %dma_wait3A_144 = tpu.memref_slice %arg10[%dma_wait3A_143] : memref<4096xf32, #tpu.memory_space<vmem>> -> memref<1024xf32, #tpu.memory_space<vmem>>
    %dma_wait3A_145 = arith.constant 0 : i32
    %dma_wait3A_146 = tpu.memref_slice %arg4[%dma_wait3A_145] : memref<26214400xf32, #tpu.memory_space<hbm>> -> memref<1024xf32, #tpu.memory_space<hbm>>
    %dma_wait3A_147 = arith.constant 0 : i32
    %dma_wait3A_148 = tpu.memref_slice %arg4[%dma_wait3A_147] : memref<26214400xf32, #tpu.memory_space<hbm>> -> memref<1024xf32, #tpu.memory_space<hbm>>
    %dma_wait3A_149 = arith.constant 0 : i32
    %dma_wait3A_150 = tpu.memref_slice %arg10[%dma_wait3A_149] : memref<4096xf32, #tpu.memory_space<vmem>> -> memref<1024xf32, #tpu.memory_space<vmem>>
    tpu.wait_dma2 semaphore(%arg16 : memref<!tpu.dma_semaphore, #tpu.memory_space<semaphore_mem>>) src(%dma_wait3A_150 : memref<1024xf32, #tpu.memory_space<vmem>>) dst(%dma_wait3A_148 : memref<1024xf32, #tpu.memory_space<hbm>>)
    %dma_wait3A_151 = arith.constant 0 : i32
    %dma_wait3A_152 = tpu.memref_slice %arg10[%dma_wait3A_151] : memref<4096xf32, #tpu.memory_space<vmem>> -> memref<1024xf32, #tpu.memory_space<vmem>>
    %dma_wait3A_153 = arith.constant 0 : i32
    %dma_wait3A_154 = tpu.memref_slice %arg4[%dma_wait3A_153] : memref<26214400xf32, #tpu.memory_space<hbm>> -> memref<1024xf32, #tpu.memory_space<hbm>>
    %dma_wait3A_155 = arith.constant 0 : i32
    %dma_wait3A_156 = tpu.memref_slice %arg4[%dma_wait3A_155] : memref<26214400xf32, #tpu.memory_space<hbm>> -> memref<1024xf32, #tpu.memory_space<hbm>>
    %dma_wait3A_157 = arith.constant 0 : i32
    %dma_wait3A_158 = tpu.memref_slice %arg10[%dma_wait3A_157] : memref<4096xf32, #tpu.memory_space<vmem>> -> memref<1024xf32, #tpu.memory_space<vmem>>
    tpu.wait_dma2 semaphore(%arg16 : memref<!tpu.dma_semaphore, #tpu.memory_space<semaphore_mem>>) src(%dma_wait3A_158 : memref<1024xf32, #tpu.memory_space<vmem>>) dst(%dma_wait3A_156 : memref<1024xf32, #tpu.memory_space<hbm>>)
    %dma_wait3A_159 = arith.constant 0 : i32
    %dma_wait3A_160 = tpu.memref_slice %arg10[%dma_wait3A_159] : memref<4096xf32, #tpu.memory_space<vmem>> -> memref<1024xf32, #tpu.memory_space<vmem>>
    %dma_wait3A_161 = arith.constant 0 : i32
    %dma_wait3A_162 = tpu.memref_slice %arg4[%dma_wait3A_161] : memref<26214400xf32, #tpu.memory_space<hbm>> -> memref<1024xf32, #tpu.memory_space<hbm>>
    %dma_wait3A_163 = arith.constant 0 : i32
    %dma_wait3A_164 = tpu.memref_slice %arg4[%dma_wait3A_163] : memref<26214400xf32, #tpu.memory_space<hbm>> -> memref<1024xf32, #tpu.memory_space<hbm>>
    %dma_wait3A_165 = arith.constant 0 : i32
    %dma_wait3A_166 = tpu.memref_slice %arg10[%dma_wait3A_165] : memref<4096xf32, #tpu.memory_space<vmem>> -> memref<1024xf32, #tpu.memory_space<vmem>>
    tpu.wait_dma2 semaphore(%arg16 : memref<!tpu.dma_semaphore, #tpu.memory_space<semaphore_mem>>) src(%dma_wait3A_166 : memref<1024xf32, #tpu.memory_space<vmem>>) dst(%dma_wait3A_164 : memref<1024xf32, #tpu.memory_space<hbm>>)
    %scan3A_167 = arith.constant 0 : i32
    %scan3A_168 = arith.constant 0 : i32
    %scan3A_169 = arith.constant 8 : i32
    %scan3A_170 = arith.addi %scan3A_168, %scan3A_169 : i32
    %scan3A_171 = arith.constant 1 : i32
    scf.for %scan3A_339 = %scan3A_168 to %scan3A_170 step %scan3A_171  : i32 {
      %mul3A_340 = arith.constant 2 : i32
      %mul3A_341 = arith.muli %scan3A_339, %mul3A_340 : i32
      %add3A_342 = arith.constant 0 : i32
      %add3A_343 = arith.addi %mul3A_341, %add3A_342 : i32
      %add3A_344 = vector.broadcast %add3A_343 : i32 to vector<16xi32>
      %add3A_345 = arith.addi %iota3A, %add3A_344 : vector<16xi32>
      %and3A_346 = arith.constant 15 : i32
      %and3A_347 = vector.broadcast %and3A_346 : i32 to vector<16xi32>
      %and3A_348 = arith.andi %add3A_345, %and3A_347 : vector<16xi32>
      %add3A_349 = arith.constant 0 : i32
      %add3A_350 = vector.broadcast %add3A_349 : i32 to vector<16xi32>
      %add3A_351 = arith.addi %and3A_348, %add3A_350 : vector<16xi32>
      %gather3A = tpu.vector_load_idx %arg8[%add3A_351, %iota3A] : memref<128x32xf32, #tpu.memory_space<vmem>>[vector<16xi32>, vector<16xi32>], vector<16xf32>,
      %add3A_352 = arith.addi %add3A_19, %add3A_351 : vector<16xi32>
      tpu.vector_store_idx %arg10[%add3A_352], %gather3A : memref<4096xf32, #tpu.memory_space<vmem>>[vector<16xi32>], vector<16xf32>,
      %add3A_353 = arith.constant 0 : i32
      %add3A_354 = vector.broadcast %add3A_353 : i32 to vector<16xi32>
      %add3A_355 = arith.addi %and3A_348, %add3A_354 : vector<16xi32>
      %gather3A_356 = tpu.vector_load_idx %arg8[%add3A_355, %add3A_41] : memref<128x32xf32, #tpu.memory_space<vmem>>[vector<16xi32>, vector<16xi32>], vector<16xf32>,
      %add3A_357 = arith.addi %add3A_38, %add3A_355 : vector<16xi32>
      tpu.vector_store_idx %arg10[%add3A_357], %gather3A_356 : memref<4096xf32, #tpu.memory_space<vmem>>[vector<16xi32>], vector<16xf32>,
      %add3A_358 = arith.constant 16 : i32
      %add3A_359 = vector.broadcast %add3A_358 : i32 to vector<16xi32>
      %add3A_360 = arith.addi %and3A_348, %add3A_359 : vector<16xi32>
      %gather3A_361 = tpu.vector_load_idx %arg8[%add3A_360, %iota3A] : memref<128x32xf32, #tpu.memory_space<vmem>>[vector<16xi32>, vector<16xi32>], vector<16xf32>,
      %add3A_362 = arith.addi %add3A_19, %add3A_360 : vector<16xi32>
      tpu.vector_store_idx %arg10[%add3A_362], %gather3A_361 : memref<4096xf32, #tpu.memory_space<vmem>>[vector<16xi32>], vector<16xf32>,
      %add3A_363 = arith.constant 16 : i32
      %add3A_364 = vector.broadcast %add3A_363 : i32 to vector<16xi32>
      %add3A_365 = arith.addi %and3A_348, %add3A_364 : vector<16xi32>
      %gather3A_366 = tpu.vector_load_idx %arg8[%add3A_365, %add3A_41] : memref<128x32xf32, #tpu.memory_space<vmem>>[vector<16xi32>, vector<16xi32>], vector<16xf32>,
      %add3A_367 = arith.addi %add3A_38, %add3A_365 : vector<16xi32>
      tpu.vector_store_idx %arg10[%add3A_367], %gather3A_366 : memref<4096xf32, #tpu.memory_space<vmem>>[vector<16xi32>], vector<16xf32>,
      %add3A_368 = arith.constant 32 : i32
      %add3A_369 = vector.broadcast %add3A_368 : i32 to vector<16xi32>
      %add3A_370 = arith.addi %and3A_348, %add3A_369 : vector<16xi32>
      %gather3A_371 = tpu.vector_load_idx %arg8[%add3A_370, %iota3A] : memref<128x32xf32, #tpu.memory_space<vmem>>[vector<16xi32>, vector<16xi32>], vector<16xf32>,
      %add3A_372 = arith.addi %add3A_19, %add3A_370 : vector<16xi32>
      tpu.vector_store_idx %arg10[%add3A_372], %gather3A_371 : memref<4096xf32, #tpu.memory_space<vmem>>[vector<16xi32>], vector<16xf32>,
      %add3A_373 = arith.constant 32 : i32
      %add3A_374 = vector.broadcast %add3A_373 : i32 to vector<16xi32>
      %add3A_375 = arith.addi %and3A_348, %add3A_374 : vector<16xi32>
      %gather3A_376 = tpu.vector_load_idx %arg8[%add3A_375, %add3A_41] : memref<128x32xf32, #tpu.memory_space<vmem>>[vector<16xi32>, vector<16xi32>], vector<16xf32>,
      %add3A_377 = arith.addi %add3A_38, %add3A_375 : vector<16xi32>
      tpu.vector_store_idx %arg10[%add3A_377], %gather3A_376 : memref<4096xf32, #tpu.memory_space<vmem>>[vector<16xi32>], vector<16xf32>,
      %add3A_378 = arith.constant 48 : i32
      %add3A_379 = vector.broadcast %add3A_378 : i32 to vector<16xi32>
      %add3A_380 = arith.addi %and3A_348, %add3A_379 : vector<16xi32>
      %gather3A_381 = tpu.vector_load_idx %arg8[%add3A_380, %iota3A] : memref<128x32xf32, #tpu.memory_space<vmem>>[vector<16xi32>, vector<16xi32>], vector<16xf32>,
      %add3A_382 = arith.addi %add3A_19, %add3A_380 : vector<16xi32>
      tpu.vector_store_idx %arg10[%add3A_382], %gather3A_381 : memref<4096xf32, #tpu.memory_space<vmem>>[vector<16xi32>], vector<16xf32>,
      %add3A_383 = arith.constant 48 : i32
      %add3A_384 = vector.broadcast %add3A_383 : i32 to vector<16xi32>
      %add3A_385 = arith.addi %and3A_348, %add3A_384 : vector<16xi32>
      %gather3A_386 = tpu.vector_load_idx %arg8[%add3A_385, %add3A_41] : memref<128x32xf32, #tpu.memory_space<vmem>>[vector<16xi32>, vector<16xi32>], vector<16xf32>,
      %add3A_387 = arith.addi %add3A_38, %add3A_385 : vector<16xi32>
      tpu.vector_store_idx %arg10[%add3A_387], %gather3A_386 : memref<4096xf32, #tpu.memory_space<vmem>>[vector<16xi32>], vector<16xf32>,
      %add3A_388 = arith.constant 64 : i32
      %add3A_389 = vector.broadcast %add3A_388 : i32 to vector<16xi32>
      %add3A_390 = arith.addi %and3A_348, %add3A_389 : vector<16xi32>
      %gather3A_391 = tpu.vector_load_idx %arg8[%add3A_390, %iota3A] : memref<128x32xf32, #tpu.memory_space<vmem>>[vector<16xi32>, vector<16xi32>], vector<16xf32>,
      %add3A_392 = arith.addi %add3A_19, %add3A_390 : vector<16xi32>
      tpu.vector_store_idx %arg10[%add3A_392], %gather3A_391 : memref<4096xf32, #tpu.memory_space<vmem>>[vector<16xi32>], vector<16xf32>,
      %add3A_393 = arith.constant 64 : i32
      %add3A_394 = vector.broadcast %add3A_393 : i32 to vector<16xi32>
      %add3A_395 = arith.addi %and3A_348, %add3A_394 : vector<16xi32>
      %gather3A_396 = tpu.vector_load_idx %arg8[%add3A_395, %add3A_41] : memref<128x32xf32, #tpu.memory_space<vmem>>[vector<16xi32>, vector<16xi32>], vector<16xf32>,
      %add3A_397 = arith.addi %add3A_38, %add3A_395 : vector<16xi32>
      tpu.vector_store_idx %arg10[%add3A_397], %gather3A_396 : memref<4096xf32, #tpu.memory_space<vmem>>[vector<16xi32>], vector<16xf32>,
      %add3A_398 = arith.constant 80 : i32
      %add3A_399 = vector.broadcast %add3A_398 : i32 to vector<16xi32>
      %add3A_400 = arith.addi %and3A_348, %add3A_399 : vector<16xi32>
      %gather3A_401 = tpu.vector_load_idx %arg8[%add3A_400, %iota3A] : memref<128x32xf32, #tpu.memory_space<vmem>>[vector<16xi32>, vector<16xi32>], vector<16xf32>,
      %add3A_402 = arith.addi %add3A_19, %add3A_400 : vector<16xi32>
      tpu.vector_store_idx %arg10[%add3A_402], %gather3A_401 : memref<4096xf32, #tpu.memory_space<vmem>>[vector<16xi32>], vector<16xf32>,
      %add3A_403 = arith.constant 80 : i32
      %add3A_404 = vector.broadcast %add3A_403 : i32 to vector<16xi32>
      %add3A_405 = arith.addi %and3A_348, %add3A_404 : vector<16xi32>
      %gather3A_406 = tpu.vector_load_idx %arg8[%add3A_405, %add3A_41] : memref<128x32xf32, #tpu.memory_space<vmem>>[vector<16xi32>, vector<16xi32>], vector<16xf32>,
      %add3A_407 = arith.addi %add3A_38, %add3A_405 : vector<16xi32>
      tpu.vector_store_idx %arg10[%add3A_407], %gather3A_406 : memref<4096xf32, #tpu.memory_space<vmem>>[vector<16xi32>], vector<16xf32>,
      %add3A_408 = arith.constant 96 : i32
      %add3A_409 = vector.broadcast %add3A_408 : i32 to vector<16xi32>
      %add3A_410 = arith.addi %and3A_348, %add3A_409 : vector<16xi32>
      %gather3A_411 = tpu.vector_load_idx %arg8[%add3A_410, %iota3A] : memref<128x32xf32, #tpu.memory_space<vmem>>[vector<16xi32>, vector<16xi32>], vector<16xf32>,
      %add3A_412 = arith.addi %add3A_19, %add3A_410 : vector<16xi32>
      tpu.vector_store_idx %arg10[%add3A_412], %gather3A_411 : memref<4096xf32, #tpu.memory_space<vmem>>[vector<16xi32>], vector<16xf32>,
      %add3A_413 = arith.constant 96 : i32
      %add3A_414 = vector.broadcast %add3A_413 : i32 to vector<16xi32>
      %add3A_415 = arith.addi %and3A_348, %add3A_414 : vector<16xi32>
      %gather3A_416 = tpu.vector_load_idx %arg8[%add3A_415, %add3A_41] : memref<128x32xf32, #tpu.memory_space<vmem>>[vector<16xi32>, vector<16xi32>], vector<16xf32>,
      %add3A_417 = arith.addi %add3A_38, %add3A_415 : vector<16xi32>
      tpu.vector_store_idx %arg10[%add3A_417], %gather3A_416 : memref<4096xf32, #tpu.memory_space<vmem>>[vector<16xi32>], vector<16xf32>,
      %add3A_418 = arith.constant 112 : i32
      %add3A_419 = vector.broadcast %add3A_418 : i32 to vector<16xi32>
      %add3A_420 = arith.addi %and3A_348, %add3A_419 : vector<16xi32>
      %gather3A_421 = tpu.vector_load_idx %arg8[%add3A_420, %iota3A] : memref<128x32xf32, #tpu.memory_space<vmem>>[vector<16xi32>, vector<16xi32>], vector<16xf32>,
      %add3A_422 = arith.addi %add3A_19, %add3A_420 : vector<16xi32>
      tpu.vector_store_idx %arg10[%add3A_422], %gather3A_421 : memref<4096xf32, #tpu.memory_space<vmem>>[vector<16xi32>], vector<16xf32>,
      %add3A_423 = arith.constant 112 : i32
      %add3A_424 = vector.broadcast %add3A_423 : i32 to vector<16xi32>
      %add3A_425 = arith.addi %and3A_348, %add3A_424 : vector<16xi32>
      %gather3A_426 = tpu.vector_load_idx %arg8[%add3A_425, %add3A_41] : memref<128x32xf32, #tpu.memory_space<vmem>>[vector<16xi32>, vector<16xi32>], vector<16xf32>,
      %add3A_427 = arith.addi %add3A_38, %add3A_425 : vector<16xi32>
      tpu.vector_store_idx %arg10[%add3A_427], %gather3A_426 : memref<4096xf32, #tpu.memory_space<vmem>>[vector<16xi32>], vector<16xf32>,
      %mul3A_428 = arith.constant 2 : i32
      %mul3A_429 = arith.muli %scan3A_339, %mul3A_428 : i32
      %add3A_430 = arith.constant 1 : i32
      %add3A_431 = arith.addi %mul3A_429, %add3A_430 : i32
      %add3A_432 = vector.broadcast %add3A_431 : i32 to vector<16xi32>
      %add3A_433 = arith.addi %iota3A, %add3A_432 : vector<16xi32>
      %and3A_434 = arith.constant 15 : i32
      %and3A_435 = vector.broadcast %and3A_434 : i32 to vector<16xi32>
      %and3A_436 = arith.andi %add3A_433, %and3A_435 : vector<16xi32>
      %add3A_437 = arith.constant 0 : i32
      %add3A_438 = vector.broadcast %add3A_437 : i32 to vector<16xi32>
      %add3A_439 = arith.addi %and3A_436, %add3A_438 : vector<16xi32>
      %gather3A_440 = tpu.vector_load_idx %arg8[%add3A_439, %iota3A] : memref<128x32xf32, #tpu.memory_space<vmem>>[vector<16xi32>, vector<16xi32>], vector<16xf32>,
      %add3A_441 = arith.addi %add3A_19, %add3A_439 : vector<16xi32>
      tpu.vector_store_idx %arg10[%add3A_441], %gather3A_440 : memref<4096xf32, #tpu.memory_space<vmem>>[vector<16xi32>], vector<16xf32>,
      %add3A_442 = arith.constant 0 : i32
      %add3A_443 = vector.broadcast %add3A_442 : i32 to vector<16xi32>
      %add3A_444 = arith.addi %and3A_436, %add3A_443 : vector<16xi32>
      %gather3A_445 = tpu.vector_load_idx %arg8[%add3A_444, %add3A_41] : memref<128x32xf32, #tpu.memory_space<vmem>>[vector<16xi32>, vector<16xi32>], vector<16xf32>,
      %add3A_446 = arith.addi %add3A_38, %add3A_444 : vector<16xi32>
      tpu.vector_store_idx %arg10[%add3A_446], %gather3A_445 : memref<4096xf32, #tpu.memory_space<vmem>>[vector<16xi32>], vector<16xf32>,
      %add3A_447 = arith.constant 16 : i32
      %add3A_448 = vector.broadcast %add3A_447 : i32 to vector<16xi32>
      %add3A_449 = arith.addi %and3A_436, %add3A_448 : vector<16xi32>
      %gather3A_450 = tpu.vector_load_idx %arg8[%add3A_449, %iota3A] : memref<128x32xf32, #tpu.memory_space<vmem>>[vector<16xi32>, vector<16xi32>], vector<16xf32>,
      %add3A_451 = arith.addi %add3A_19, %add3A_449 : vector<16xi32>
      tpu.vector_store_idx %arg10[%add3A_451], %gather3A_450 : memref<4096xf32, #tpu.memory_space<vmem>>[vector<16xi32>], vector<16xf32>,
      %add3A_452 = arith.constant 16 : i32
      %add3A_453 = vector.broadcast %add3A_452 : i32 to vector<16xi32>
      %add3A_454 = arith.addi %and3A_436, %add3A_453 : vector<16xi32>
      %gather3A_455 = tpu.vector_load_idx %arg8[%add3A_454, %add3A_41] : memref<128x32xf32, #tpu.memory_space<vmem>>[vector<16xi32>, vector<16xi32>], vector<16xf32>,
      %add3A_456 = arith.addi %add3A_38, %add3A_454 : vector<16xi32>
      tpu.vector_store_idx %arg10[%add3A_456], %gather3A_455 : memref<4096xf32, #tpu.memory_space<vmem>>[vector<16xi32>], vector<16xf32>,
      %add3A_457 = arith.constant 32 : i32
      %add3A_458 = vector.broadcast %add3A_457 : i32 to vector<16xi32>
      %add3A_459 = arith.addi %and3A_436, %add3A_458 : vector<16xi32>
      %gather3A_460 = tpu.vector_load_idx %arg8[%add3A_459, %iota3A] : memref<128x32xf32, #tpu.memory_space<vmem>>[vector<16xi32>, vector<16xi32>], vector<16xf32>,
      %add3A_461 = arith.addi %add3A_19, %add3A_459 : vector<16xi32>
      tpu.vector_store_idx %arg10[%add3A_461], %gather3A_460 : memref<4096xf32, #tpu.memory_space<vmem>>[vector<16xi32>], vector<16xf32>,
      %add3A_462 = arith.constant 32 : i32
      %add3A_463 = vector.broadcast %add3A_462 : i32 to vector<16xi32>
      %add3A_464 = arith.addi %and3A_436, %add3A_463 : vector<16xi32>
      %gather3A_465 = tpu.vector_load_idx %arg8[%add3A_464, %add3A_41] : memref<128x32xf32, #tpu.memory_space<vmem>>[vector<16xi32>, vector<16xi32>], vector<16xf32>,
      %add3A_466 = arith.addi %add3A_38, %add3A_464 : vector<16xi32>
      tpu.vector_store_idx %arg10[%add3A_466], %gather3A_465 : memref<4096xf32, #tpu.memory_space<vmem>>[vector<16xi32>], vector<16xf32>,
      %add3A_467 = arith.constant 48 : i32
      %add3A_468 = vector.broadcast %add3A_467 : i32 to vector<16xi32>
      %add3A_469 = arith.addi %and3A_436, %add3A_468 : vector<16xi32>
      %gather3A_470 = tpu.vector_load_idx %arg8[%add3A_469, %iota3A] : memref<128x32xf32, #tpu.memory_space<vmem>>[vector<16xi32>, vector<16xi32>], vector<16xf32>,
      %add3A_471 = arith.addi %add3A_19, %add3A_469 : vector<16xi32>
      tpu.vector_store_idx %arg10[%add3A_471], %gather3A_470 : memref<4096xf32, #tpu.memory_space<vmem>>[vector<16xi32>], vector<16xf32>,
      %add3A_472 = arith.constant 48 : i32
      %add3A_473 = vector.broadcast %add3A_472 : i32 to vector<16xi32>
      %add3A_474 = arith.addi %and3A_436, %add3A_473 : vector<16xi32>
      %gather3A_475 = tpu.vector_load_idx %arg8[%add3A_474, %add3A_41] : memref<128x32xf32, #tpu.memory_space<vmem>>[vector<16xi32>, vector<16xi32>], vector<16xf32>,
      %add3A_476 = arith.addi %add3A_38, %add3A_474 : vector<16xi32>
      tpu.vector_store_idx %arg10[%add3A_476], %gather3A_475 : memref<4096xf32, #tpu.memory_space<vmem>>[vector<16xi32>], vector<16xf32>,
      %add3A_477 = arith.constant 64 : i32
      %add3A_478 = vector.broadcast %add3A_477 : i32 to vector<16xi32>
      %add3A_479 = arith.addi %and3A_436, %add3A_478 : vector<16xi32>
      %gather3A_480 = tpu.vector_load_idx %arg8[%add3A_479, %iota3A] : memref<128x32xf32, #tpu.memory_space<vmem>>[vector<16xi32>, vector<16xi32>], vector<16xf32>,
      %add3A_481 = arith.addi %add3A_19, %add3A_479 : vector<16xi32>
      tpu.vector_store_idx %arg10[%add3A_481], %gather3A_480 : memref<4096xf32, #tpu.memory_space<vmem>>[vector<16xi32>], vector<16xf32>,
      %add3A_482 = arith.constant 64 : i32
      %add3A_483 = vector.broadcast %add3A_482 : i32 to vector<16xi32>
      %add3A_484 = arith.addi %and3A_436, %add3A_483 : vector<16xi32>
      %gather3A_485 = tpu.vector_load_idx %arg8[%add3A_484, %add3A_41] : memref<128x32xf32, #tpu.memory_space<vmem>>[vector<16xi32>, vector<16xi32>], vector<16xf32>,
      %add3A_486 = arith.addi %add3A_38, %add3A_484 : vector<16xi32>
      tpu.vector_store_idx %arg10[%add3A_486], %gather3A_485 : memref<4096xf32, #tpu.memory_space<vmem>>[vector<16xi32>], vector<16xf32>,
      %add3A_487 = arith.constant 80 : i32
      %add3A_488 = vector.broadcast %add3A_487 : i32 to vector<16xi32>
      %add3A_489 = arith.addi %and3A_436, %add3A_488 : vector<16xi32>
      %gather3A_490 = tpu.vector_load_idx %arg8[%add3A_489, %iota3A] : memref<128x32xf32, #tpu.memory_space<vmem>>[vector<16xi32>, vector<16xi32>], vector<16xf32>,
      %add3A_491 = arith.addi %add3A_19, %add3A_489 : vector<16xi32>
      tpu.vector_store_idx %arg10[%add3A_491], %gather3A_490 : memref<4096xf32, #tpu.memory_space<vmem>>[vector<16xi32>], vector<16xf32>,
      %add3A_492 = arith.constant 80 : i32
      %add3A_493 = vector.broadcast %add3A_492 : i32 to vector<16xi32>
      %add3A_494 = arith.addi %and3A_436, %add3A_493 : vector<16xi32>
      %gather3A_495 = tpu.vector_load_idx %arg8[%add3A_494, %add3A_41] : memref<128x32xf32, #tpu.memory_space<vmem>>[vector<16xi32>, vector<16xi32>], vector<16xf32>,
      %add3A_496 = arith.addi %add3A_38, %add3A_494 : vector<16xi32>
      tpu.vector_store_idx %arg10[%add3A_496], %gather3A_495 : memref<4096xf32, #tpu.memory_space<vmem>>[vector<16xi32>], vector<16xf32>,
      %add3A_497 = arith.constant 96 : i32
      %add3A_498 = vector.broadcast %add3A_497 : i32 to vector<16xi32>
      %add3A_499 = arith.addi %and3A_436, %add3A_498 : vector<16xi32>
      %gather3A_500 = tpu.vector_load_idx %arg8[%add3A_499, %iota3A] : memref<128x32xf32, #tpu.memory_space<vmem>>[vector<16xi32>, vector<16xi32>], vector<16xf32>,
      %add3A_501 = arith.addi %add3A_19, %add3A_499 : vector<16xi32>
      tpu.vector_store_idx %arg10[%add3A_501], %gather3A_500 : memref<4096xf32, #tpu.memory_space<vmem>>[vector<16xi32>], vector<16xf32>,
      %add3A_502 = arith.constant 96 : i32
      %add3A_503 = vector.broadcast %add3A_502 : i32 to vector<16xi32>
      %add3A_504 = arith.addi %and3A_436, %add3A_503 : vector<16xi32>
      %gather3A_505 = tpu.vector_load_idx %arg8[%add3A_504, %add3A_41] : memref<128x32xf32, #tpu.memory_space<vmem>>[vector<16xi32>, vector<16xi32>], vector<16xf32>,
      %add3A_506 = arith.addi %add3A_38, %add3A_504 : vector<16xi32>
      tpu.vector_store_idx %arg10[%add3A_506], %gather3A_505 : memref<4096xf32, #tpu.memory_space<vmem>>[vector<16xi32>], vector<16xf32>,
      %add3A_507 = arith.constant 112 : i32
      %add3A_508 = vector.broadcast %add3A_507 : i32 to vector<16xi32>
      %add3A_509 = arith.addi %and3A_436, %add3A_508 : vector<16xi32>
      %gather3A_510 = tpu.vector_load_idx %arg8[%add3A_509, %iota3A] : memref<128x32xf32, #tpu.memory_space<vmem>>[vector<16xi32>, vector<16xi32>], vector<16xf32>,
      %add3A_511 = arith.addi %add3A_19, %add3A_509 : vector<16xi32>
      tpu.vector_store_idx %arg10[%add3A_511], %gather3A_510 : memref<4096xf32, #tpu.memory_space<vmem>>[vector<16xi32>], vector<16xf32>,
      %add3A_512 = arith.constant 112 : i32
      %add3A_513 = vector.broadcast %add3A_512 : i32 to vector<16xi32>
      %add3A_514 = arith.addi %and3A_436, %add3A_513 : vector<16xi32>
      %gather3A_515 = tpu.vector_load_idx %arg8[%add3A_514, %add3A_41] : memref<128x32xf32, #tpu.memory_space<vmem>>[vector<16xi32>, vector<16xi32>], vector<16xf32>,
      %add3A_516 = arith.addi %add3A_38, %add3A_514 : vector<16xi32>
      tpu.vector_store_idx %arg10[%add3A_516], %gather3A_515 : memref<4096xf32, #tpu.memory_space<vmem>>[vector<16xi32>], vector<16xf32>,
    }
    %scan3A_172 = arith.constant 8 : i32
    %add3A_173 = arith.constant 199 : i32
    %add3A_174 = arith.addi %add3A_173, %mul3A_2 : i32
    %jit3A_175 = arith.constant 32 : i32
    %div3A_176 = arith.divsi %add3A_174, %jit3A_175 : i32
    %sign3A_177 = arith.constant 0 : i32
    %sign3A_178 = arith.cmpi sgt, %add3A_174, %sign3A_177 : i32
    %sign3A_179 = arith.extui %sign3A_178 : i1 to i32
    %sign3A_180 = arith.constant 0 : i32
    %sign3A_181 = arith.cmpi slt, %add3A_174, %sign3A_180 : i32
    %sign3A_182 = arith.extui %sign3A_181 : i1 to i32
    %sign3A_183 = arith.subi %sign3A_179, %sign3A_182 : i32
    %sign3A_184 = arith.constant 0 : i32
    %sign3A_185 = arith.cmpi sgt, %jit3A_175, %sign3A_184 : i32
    %sign3A_186 = arith.extui %sign3A_185 : i1 to i32
    %sign3A_187 = arith.constant 0 : i32
    %sign3A_188 = arith.cmpi slt, %jit3A_175, %sign3A_187 : i32
    %sign3A_189 = arith.extui %sign3A_188 : i1 to i32
    %sign3A_190 = arith.subi %sign3A_186, %sign3A_189 : i32
    %ne3A_191 = arith.cmpi ne, %sign3A_183, %sign3A_190 : i32
    %rem3A_192 = arith.remsi %add3A_174, %jit3A_175 : i32
    %ne3A_193 = arith.constant 0 : i32
    %ne3A_194 = arith.cmpi ne, %rem3A_192, %ne3A_193 : i32
    %and3A_195 = arith.andi %ne3A_191, %ne3A_194 : i1
    %sub3A_196 = arith.constant 1 : i32
    %sub3A_197 = arith.subi %div3A_176, %sub3A_196 : i32
    %select_n3A_198 = arith.select %and3A_195, %sub3A_197, %div3A_176 : i32
    %jit3A_199 = arith.constant 32 : i32
    %eq3A_200 = arith.constant 0 : i32
    %eq3A_201 = arith.cmpi eq, %jit3A_199, %eq3A_200 : i32
    %jit3A_202 = arith.constant 1 : i32
    %select_n3A_203 = arith.select %eq3A_201, %jit3A_202, %jit3A_199 : i32
    %rem3A_204 = arith.remsi %add3A_174, %select_n3A_203 : i32
    %ne3A_205 = arith.constant 0 : i32
    %ne3A_206 = arith.cmpi ne, %rem3A_204, %ne3A_205 : i32
    %lt3A_207 = arith.constant 0 : i32
    %lt3A_208 = arith.cmpi slt, %rem3A_204, %lt3A_207 : i32
    %lt3A_209 = arith.constant 0 : i32
    %lt3A_210 = arith.cmpi slt, %select_n3A_203, %lt3A_209 : i32
    %ne3A_211 = arith.xori %lt3A_208, %lt3A_210 : i1
    %and3A_212 = arith.andi %ne3A_211, %ne3A_206 : i1
    %add3A_213 = arith.addi %rem3A_204, %select_n3A_203 : i32
    %select_n3A_214 = arith.select %and3A_212, %add3A_213, %rem3A_204 : i32
    %mul3A_215 = arith.constant 4 : i32
    %mul3A_216 = arith.muli %select_n3A_198, %mul3A_215 : i32
    %add3A_217 = arith.constant 0 : i32
    %add3A_218 = arith.addi %mul3A_216, %add3A_217 : i32
    %mul3A_219 = arith.constant 32 : i32
    %mul3A_220 = arith.muli %add3A_218, %mul3A_219 : i32
    %add3A_221 = arith.addi %mul3A_220, %select_n3A_214 : i32
    %mul3A_222 = arith.constant 1024 : i32
    %mul3A_223 = arith.muli %add3A_221, %mul3A_222 : i32
    %dma_start3A_224 = arith.constant 0 : i32
    %dma_start3A_225 = tpu.memref_slice %arg10[%dma_start3A_224] : memref<4096xf32, #tpu.memory_space<vmem>> -> memref<1024xf32, #tpu.memory_space<vmem>>
    %dma_start3A_226 = tpu.memref_slice %arg4[%mul3A_223] : memref<26214400xf32, #tpu.memory_space<hbm>> -> memref<1024xf32, #tpu.memory_space<hbm>>
    %dma_start3A_227 = tpu.memref_slice %arg4[%mul3A_223] : memref<26214400xf32, #tpu.memory_space<hbm>> -> memref<1024xf32, #tpu.memory_space<hbm>>
    %dma_start3A_228 = arith.constant 0 : i32
    %dma_start3A_229 = tpu.memref_slice %arg10[%dma_start3A_228] : memref<4096xf32, #tpu.memory_space<vmem>> -> memref<1024xf32, #tpu.memory_space<vmem>>
    tpu.enqueue_dma source(%dma_start3A_229 : memref<1024xf32, #tpu.memory_space<vmem>>) target(%dma_start3A_227 : memref<1024xf32, #tpu.memory_space<hbm>>) target_semaphore(%arg16 : memref<!tpu.dma_semaphore, #tpu.memory_space<semaphore_mem>>)
    %mul3A_230 = arith.constant 4 : i32
    %mul3A_231 = arith.muli %select_n3A_198, %mul3A_230 : i32
    %add3A_232 = arith.constant 1 : i32
    %add3A_233 = arith.addi %mul3A_231, %add3A_232 : i32
    %mul3A_234 = arith.constant 32 : i32
    %mul3A_235 = arith.muli %add3A_233, %mul3A_234 : i32
    %add3A_236 = arith.addi %mul3A_235, %select_n3A_214 : i32
    %mul3A_237 = arith.constant 1024 : i32
    %mul3A_238 = arith.muli %add3A_236, %mul3A_237 : i32
    %dma_start3A_239 = arith.constant 1024 : i32
    %dma_start3A_240 = tpu.memref_slice %arg10[%dma_start3A_239] : memref<4096xf32, #tpu.memory_space<vmem>> -> memref<1024xf32, #tpu.memory_space<vmem>>
    %dma_start3A_241 = tpu.memref_slice %arg4[%mul3A_238] : memref<26214400xf32, #tpu.memory_space<hbm>> -> memref<1024xf32, #tpu.memory_space<hbm>>
    %dma_start3A_242 = tpu.memref_slice %arg4[%mul3A_238] : memref<26214400xf32, #tpu.memory_space<hbm>> -> memref<1024xf32, #tpu.memory_space<hbm>>
    %dma_start3A_243 = arith.constant 1024 : i32
    %dma_start3A_244 = tpu.memref_slice %arg10[%dma_start3A_243] : memref<4096xf32, #tpu.memory_space<vmem>> -> memref<1024xf32, #tpu.memory_space<vmem>>
    tpu.enqueue_dma source(%dma_start3A_244 : memref<1024xf32, #tpu.memory_space<vmem>>) target(%dma_start3A_242 : memref<1024xf32, #tpu.memory_space<hbm>>) target_semaphore(%arg16 : memref<!tpu.dma_semaphore, #tpu.memory_space<semaphore_mem>>)
    %mul3A_245 = arith.constant 4 : i32
    %mul3A_246 = arith.muli %select_n3A_198, %mul3A_245 : i32
    %add3A_247 = arith.constant 2 : i32
    %add3A_248 = arith.addi %mul3A_246, %add3A_247 : i32
    %mul3A_249 = arith.constant 32 : i32
    %mul3A_250 = arith.muli %add3A_248, %mul3A_249 : i32
    %add3A_251 = arith.addi %mul3A_250, %select_n3A_214 : i32
    %mul3A_252 = arith.constant 1024 : i32
    %mul3A_253 = arith.muli %add3A_251, %mul3A_252 : i32
    %dma_start3A_254 = arith.constant 2048 : i32
    %dma_start3A_255 = tpu.memref_slice %arg10[%dma_start3A_254] : memref<4096xf32, #tpu.memory_space<vmem>> -> memref<1024xf32, #tpu.memory_space<vmem>>
    %dma_start3A_256 = tpu.memref_slice %arg4[%mul3A_253] : memref<26214400xf32, #tpu.memory_space<hbm>> -> memref<1024xf32, #tpu.memory_space<hbm>>
    %dma_start3A_257 = tpu.memref_slice %arg4[%mul3A_253] : memref<26214400xf32, #tpu.memory_space<hbm>> -> memref<1024xf32, #tpu.memory_space<hbm>>
    %dma_start3A_258 = arith.constant 2048 : i32
    %dma_start3A_259 = tpu.memref_slice %arg10[%dma_start3A_258] : memref<4096xf32, #tpu.memory_space<vmem>> -> memref<1024xf32, #tpu.memory_space<vmem>>
    tpu.enqueue_dma source(%dma_start3A_259 : memref<1024xf32, #tpu.memory_space<vmem>>) target(%dma_start3A_257 : memref<1024xf32, #tpu.memory_space<hbm>>) target_semaphore(%arg16 : memref<!tpu.dma_semaphore, #tpu.memory_space<semaphore_mem>>)
    %mul3A_260 = arith.constant 4 : i32
    %mul3A_261 = arith.muli %select_n3A_198, %mul3A_260 : i32
    %add3A_262 = arith.constant 3 : i32
    %add3A_263 = arith.addi %mul3A_261, %add3A_262 : i32
    %mul3A_264 = arith.constant 32 : i32
    %mul3A_265 = arith.muli %add3A_263, %mul3A_264 : i32
    %add3A_266 = arith.addi %mul3A_265, %select_n3A_214 : i32
    %mul3A_267 = arith.constant 1024 : i32
    %mul3A_268 = arith.muli %add3A_266, %mul3A_267 : i32
    %dma_start3A_269 = arith.constant 3072 : i32
    %dma_start3A_270 = tpu.memref_slice %arg10[%dma_start3A_269] : memref<4096xf32, #tpu.memory_space<vmem>> -> memref<1024xf32, #tpu.memory_space<vmem>>
    %dma_start3A_271 = tpu.memref_slice %arg4[%mul3A_268] : memref<26214400xf32, #tpu.memory_space<hbm>> -> memref<1024xf32, #tpu.memory_space<hbm>>
    %dma_start3A_272 = tpu.memref_slice %arg4[%mul3A_268] : memref<26214400xf32, #tpu.memory_space<hbm>> -> memref<1024xf32, #tpu.memory_space<hbm>>
    %dma_start3A_273 = arith.constant 3072 : i32
    %dma_start3A_274 = tpu.memref_slice %arg10[%dma_start3A_273] : memref<4096xf32, #tpu.memory_space<vmem>> -> memref<1024xf32, #tpu.memory_space<vmem>>
    tpu.enqueue_dma source(%dma_start3A_274 : memref<1024xf32, #tpu.memory_space<vmem>>) target(%dma_start3A_272 : memref<1024xf32, #tpu.memory_space<hbm>>) target_semaphore(%arg16 : memref<!tpu.dma_semaphore, #tpu.memory_space<semaphore_mem>>)
    %dma_wait3A_275 = arith.constant 0 : i32
    %dma_wait3A_276 = tpu.memref_slice %arg9[%dma_wait3A_275] : memref<4096xf32, #tpu.memory_space<vmem>> -> memref<1024xf32, #tpu.memory_space<vmem>>
    %dma_wait3A_277 = arith.constant 0 : i32
    %dma_wait3A_278 = tpu.memref_slice %arg4[%dma_wait3A_277] : memref<26214400xf32, #tpu.memory_space<hbm>> -> memref<1024xf32, #tpu.memory_space<hbm>>
    %dma_wait3A_279 = arith.constant 0 : i32
    %dma_wait3A_280 = tpu.memref_slice %arg4[%dma_wait3A_279] : memref<26214400xf32, #tpu.memory_space<hbm>> -> memref<1024xf32, #tpu.memory_space<hbm>>
    %dma_wait3A_281 = arith.constant 0 : i32
    %dma_wait3A_282 = tpu.memref_slice %arg9[%dma_wait3A_281] : memref<4096xf32, #tpu.memory_space<vmem>> -> memref<1024xf32, #tpu.memory_space<vmem>>
    tpu.wait_dma2 semaphore(%arg15 : memref<!tpu.dma_semaphore, #tpu.memory_space<semaphore_mem>>) src(%dma_wait3A_282 : memref<1024xf32, #tpu.memory_space<vmem>>) dst(%dma_wait3A_280 : memref<1024xf32, #tpu.memory_space<hbm>>)
    %dma_wait3A_283 = arith.constant 0 : i32
    %dma_wait3A_284 = tpu.memref_slice %arg9[%dma_wait3A_283] : memref<4096xf32, #tpu.memory_space<vmem>> -> memref<1024xf32, #tpu.memory_space<vmem>>
    %dma_wait3A_285 = arith.constant 0 : i32
    %dma_wait3A_286 = tpu.memref_slice %arg4[%dma_wait3A_285] : memref<26214400xf32, #tpu.memory_space<hbm>> -> memref<1024xf32, #tpu.memory_space<hbm>>
    %dma_wait3A_287 = arith.constant 0 : i32
    %dma_wait3A_288 = tpu.memref_slice %arg4[%dma_wait3A_287] : memref<26214400xf32, #tpu.memory_space<hbm>> -> memref<1024xf32, #tpu.memory_space<hbm>>
    %dma_wait3A_289 = arith.constant 0 : i32
    %dma_wait3A_290 = tpu.memref_slice %arg9[%dma_wait3A_289] : memref<4096xf32, #tpu.memory_space<vmem>> -> memref<1024xf32, #tpu.memory_space<vmem>>
    tpu.wait_dma2 semaphore(%arg15 : memref<!tpu.dma_semaphore, #tpu.memory_space<semaphore_mem>>) src(%dma_wait3A_290 : memref<1024xf32, #tpu.memory_space<vmem>>) dst(%dma_wait3A_288 : memref<1024xf32, #tpu.memory_space<hbm>>)
    %dma_wait3A_291 = arith.constant 0 : i32
    %dma_wait3A_292 = tpu.memref_slice %arg9[%dma_wait3A_291] : memref<4096xf32, #tpu.memory_space<vmem>> -> memref<1024xf32, #tpu.memory_space<vmem>>
    %dma_wait3A_293 = arith.constant 0 : i32
    %dma_wait3A_294 = tpu.memref_slice %arg4[%dma_wait3A_293] : memref<26214400xf32, #tpu.memory_space<hbm>> -> memref<1024xf32, #tpu.memory_space<hbm>>
    %dma_wait3A_295 = arith.constant 0 : i32
    %dma_wait3A_296 = tpu.memref_slice %arg4[%dma_wait3A_295] : memref<26214400xf32, #tpu.memory_space<hbm>> -> memref<1024xf32, #tpu.memory_space<hbm>>
    %dma_wait3A_297 = arith.constant 0 : i32
    %dma_wait3A_298 = tpu.memref_slice %arg9[%dma_wait3A_297] : memref<4096xf32, #tpu.memory_space<vmem>> -> memref<1024xf32, #tpu.memory_space<vmem>>
    tpu.wait_dma2 semaphore(%arg15 : memref<!tpu.dma_semaphore, #tpu.memory_space<semaphore_mem>>) src(%dma_wait3A_298 : memref<1024xf32, #tpu.memory_space<vmem>>) dst(%dma_wait3A_296 : memref<1024xf32, #tpu.memory_space<hbm>>)
    %dma_wait3A_299 = arith.constant 0 : i32
    %dma_wait3A_300 = tpu.memref_slice %arg9[%dma_wait3A_299] : memref<4096xf32, #tpu.memory_space<vmem>> -> memref<1024xf32, #tpu.memory_space<vmem>>
    %dma_wait3A_301 = arith.constant 0 : i32
    %dma_wait3A_302 = tpu.memref_slice %arg4[%dma_wait3A_301] : memref<26214400xf32, #tpu.memory_space<hbm>> -> memref<1024xf32, #tpu.memory_space<hbm>>
    %dma_wait3A_303 = arith.constant 0 : i32
    %dma_wait3A_304 = tpu.memref_slice %arg4[%dma_wait3A_303] : memref<26214400xf32, #tpu.memory_space<hbm>> -> memref<1024xf32, #tpu.memory_space<hbm>>
    %dma_wait3A_305 = arith.constant 0 : i32
    %dma_wait3A_306 = tpu.memref_slice %arg9[%dma_wait3A_305] : memref<4096xf32, #tpu.memory_space<vmem>> -> memref<1024xf32, #tpu.memory_space<vmem>>
    tpu.wait_dma2 semaphore(%arg15 : memref<!tpu.dma_semaphore, #tpu.memory_space<semaphore_mem>>) src(%dma_wait3A_306 : memref<1024xf32, #tpu.memory_space<vmem>>) dst(%dma_wait3A_304 : memref<1024xf32, #tpu.memory_space<hbm>>)
    %dma_wait3A_307 = arith.constant 0 : i32
    %dma_wait3A_308 = tpu.memref_slice %arg10[%dma_wait3A_307] : memref<4096xf32, #tpu.memory_space<vmem>> -> memref<1024xf32, #tpu.memory_space<vmem>>
    %dma_wait3A_309 = arith.constant 0 : i32
    %dma_wait3A_310 = tpu.memref_slice %arg4[%dma_wait3A_309] : memref<26214400xf32, #tpu.memory_space<hbm>> -> memref<1024xf32, #tpu.memory_space<hbm>>
    %dma_wait3A_311 = arith.constant 0 : i32
    %dma_wait3A_312 = tpu.memref_slice %arg4[%dma_wait3A_311] : memref<26214400xf32, #tpu.memory_space<hbm>> -> memref<1024xf32, #tpu.memory_space<hbm>>
    %dma_wait3A_313 = arith.constant 0 : i32
    %dma_wait3A_314 = tpu.memref_slice %arg10[%dma_wait3A_313] : memref<4096xf32, #tpu.memory_space<vmem>> -> memref<1024xf32, #tpu.memory_space<vmem>>
    tpu.wait_dma2 semaphore(%arg16 : memref<!tpu.dma_semaphore, #tpu.memory_space<semaphore_mem>>) src(%dma_wait3A_314 : memref<1024xf32, #tpu.memory_space<vmem>>) dst(%dma_wait3A_312 : memref<1024xf32, #tpu.memory_space<hbm>>)
    %dma_wait3A_315 = arith.constant 0 : i32
    %dma_wait3A_316 = tpu.memref_slice %arg10[%dma_wait3A_315] : memref<4096xf32, #tpu.memory_space<vmem>> -> memref<1024xf32, #tpu.memory_space<vmem>>
    %dma_wait3A_317 = arith.constant 0 : i32
    %dma_wait3A_318 = tpu.memref_slice %arg4[%dma_wait3A_317] : memref<26214400xf32, #tpu.memory_space<hbm>> -> memref<1024xf32, #tpu.memory_space<hbm>>
    %dma_wait3A_319 = arith.constant 0 : i32
    %dma_wait3A_320 = tpu.memref_slice %arg4[%dma_wait3A_319] : memref<26214400xf32, #tpu.memory_space<hbm>> -> memref<1024xf32, #tpu.memory_space<hbm>>
    %dma_wait3A_321 = arith.constant 0 : i32
    %dma_wait3A_322 = tpu.memref_slice %arg10[%dma_wait3A_321] : memref<4096xf32, #tpu.memory_space<vmem>> -> memref<1024xf32, #tpu.memory_space<vmem>>
    tpu.wait_dma2 semaphore(%arg16 : memref<!tpu.dma_semaphore, #tpu.memory_space<semaphore_mem>>) src(%dma_wait3A_322 : memref<1024xf32, #tpu.memory_space<vmem>>) dst(%dma_wait3A_320 : memref<1024xf32, #tpu.memory_space<hbm>>)
    %dma_wait3A_323 = arith.constant 0 : i32
    %dma_wait3A_324 = tpu.memref_slice %arg10[%dma_wait3A_323] : memref<4096xf32, #tpu.memory_space<vmem>> -> memref<1024xf32, #tpu.memory_space<vmem>>
    %dma_wait3A_325 = arith.constant 0 : i32
    %dma_wait3A_326 = tpu.memref_slice %arg4[%dma_wait3A_325] : memref<26214400xf32, #tpu.memory_space<hbm>> -> memref<1024xf32, #tpu.memory_space<hbm>>
    %dma_wait3A_327 = arith.constant 0 : i32
    %dma_wait3A_328 = tpu.memref_slice %arg4[%dma_wait3A_327] : memref<26214400xf32, #tpu.memory_space<hbm>> -> memref<1024xf32, #tpu.memory_space<hbm>>
    %dma_wait3A_329 = arith.constant 0 : i32
    %dma_wait3A_330 = tpu.memref_slice %arg10[%dma_wait3A_329] : memref<4096xf32, #tpu.memory_space<vmem>> -> memref<1024xf32, #tpu.memory_space<vmem>>
    tpu.wait_dma2 semaphore(%arg16 : memref<!tpu.dma_semaphore, #tpu.memory_space<semaphore_mem>>) src(%dma_wait3A_330 : memref<1024xf32, #tpu.memory_space<vmem>>) dst(%dma_wait3A_328 : memref<1024xf32, #tpu.memory_space<hbm>>)
    %dma_wait3A_331 = arith.constant 0 : i32
    %dma_wait3A_332 = tpu.memref_slice %arg10[%dma_wait3A_331] : memref<4096xf32, #tpu.memory_space<vmem>> -> memref<1024xf32, #tpu.memory_space<vmem>>
    %dma_wait3A_333 = arith.constant 0 : i32
    %dma_wait3A_334 = tpu.memref_slice %arg4[%dma_wait3A_333] : memref<26214400xf32, #tpu.memory_space<hbm>> -> memref<1024xf32, #tpu.memory_space<hbm>>
    %dma_wait3A_335 = arith.constant 0 : i32
    %dma_wait3A_336 = tpu.memref_slice %arg4[%dma_wait3A_335] : memref<26214400xf32, #tpu.memory_space<hbm>> -> memref<1024xf32, #tpu.memory_space<hbm>>
    %dma_wait3A_337 = arith.constant 0 : i32
    %dma_wait3A_338 = tpu.memref_slice %arg10[%dma_wait3A_337] : memref<4096xf32, #tpu.memory_space<vmem>> -> memref<1024xf32, #tpu.memory_space<vmem>>
    tpu.wait_dma2 semaphore(%arg16 : memref<!tpu.dma_semaphore, #tpu.memory_space<semaphore_mem>>) src(%dma_wait3A_338 : memref<1024xf32, #tpu.memory_space<vmem>>) dst(%dma_wait3A_336 : memref<1024xf32, #tpu.memory_space<hbm>>)
    return
  }
}

</mosaic_0001>

<sc_bundles>
// kernel: kernel.4.cloned.1.call-start
scs
__scs_entry_jumppad:
0x0: {  	(pc) =	sbr.rel $0x88, $3  }
0x1: {  	(tag) =	ssettag $0x0;
	lr =	simm.s32 $0x1  }
0x2: {  	[smem:$0x3F9F] =	sst lr;
	_ =	strace $0xD0000000  }
0x3: {  	_ = 	snop  }
0x4: {  	_ = 	snop  }
0x5: {  	_ = 	snop  }
0x6: {  	_ = 	snop  }
0x7: {  	_ = 	snop  }
__scs_overlays_trampoline_lowered:
0x8: {  	[smem:$0x3FAE] =	sst s0  }
0x9: {  	[smem:$0x3FAF] =	sst s1  }
0xa: {  	[smem:$0x3FB0] =	sst s2  }
0xb: {  	[smem:$0x3FB1] =	sst s3  }
0xc: {  	[smem:$0x3FB2] =	sst s4  }
0xd: {  	[smem:$0x3FB3] =	sst s5  }
0xe: {  	[smem:$0x3FB4] =	sst s6  }
0xf: {  	[smem:$0x3FB5] =	sst s7  }
0x10: {  	[smem:$0x3FB6] =	sst s8  }
0x11: {  	[smem:$0x3FB7] =	sst s9;
	s0 =	simm.s32 @!p0 $0x0  }
0x12: {  	s1 =	sld [smem:$0x3F9D];
	s0 =	simm.s32 @p0 $0x1  }
0x13: {  	[smem:$0x3FB8] =	sst s0;
	s0 =	simm.s32 @!p1 $0x0  }
0x14: {  	s2 =	sld [smem:$0x3F9C];
	s0 =	simm.s32 @p1 $0x1  }
0x15: {  	[smem:$0x3FB9] =	sst s0;
	s0 =	simm.s32 @!p2 $0x0  }
0x16: {  	s3 =	sld [smem:$0x3FDB];
	s0 =	simm.s32 @p2 $0x1  }
0x17: {  	s4 =	simm.s32 $0x1BF5;
	[smem:$0x3FBB] =	sst s0  }
0x18: {  	s0 =	sld [smem:$0x3F9E];
	_ =	swait.ge [sflag:s4], $0x0  }
0x19: {  	s7 =	sld [smem:$0x3F9F]  }
0x1a: {  	s8 =	sadd.s32 $0xFFFFE003, lr  }
0x1b: {  	s9 =	sadd.s32 $0xFFFFFEF7, lr;
	s5 =	simm.s32 $0xFFFFFFFF;
	p2 =	slt.u32 s8, $0xFFFFF086  }
0x1c: {  	p1 =	slt.u32 s9, $0xF7A;
	s5 =	simm.s32 @!p2 $0x0  }
0x1d: {  	s5 =	simm.s32 @p1 $0x1;
	p0 =	seq.s32 s7, s2  }
0x1e: {  	s7 =	smul.u32 @!p0 $0xF7A, s2;
	p2 =	seq.s32 @!p0 s5, $0x0  }
0x1f: {  	s9 =	smul.u32 $0xF7A, s1;
	s8 =	simm.s32 @!p0 $0x1BF5;
	p2 =	por !p2, p0  }
0x20: {  	[sflag:s8] =	ssyncset.s32 @!p0 $0xFFFFF086;
	s6 =	sadd.s32 @!p0 s3, s7;
	s7 =	simm.s32 @!p0 $0x108  }
0x21: {  	s3 =	sadd.s32 s3, s9;
	s6 =	sadd.s32 @!p0 $0x88, s6;
	s7 =	simm.s32 @p2 $0x1082  }
0x22: {  	[simem:s7], [sflag:s8] =	dma.local @!p0 [hbm:s6], $0xF7A  }
0x23: {  	s9 =	sor.u32 $0xD0000000, s2;
	s6 =	simm.s32 $0x108;
	_ =	swait.ge @!p0 [sflag:s8], $0x0  }
0x24: {  	s3 =	sadd.s32 $0x88, s3;
	s6 =	simm.s32 @!p1 $0x1082;
	[sflag:s4] =	ssyncset.s32 $0xFFFFF086  }
0x25: {  	[simem:s6], [sflag:s4] =	dma.local [hbm:s3], $0xF7A  }
0x26: {  	[smem:$0x3F9F] =	sst s1;
	(tag) =	ssettag s2;
	_ =	strace s9  }
0x27: {  	s1 =	sld [smem:$0x3FAF]  }
0x28: {  	s2 =	sld [smem:$0x3FB0]  }
0x29: {  	s4 =	sld [smem:$0x3FB2]  }
0x2a: {  	p0 =	seq.s32 s5, $0x0;
	s5 =	sld [smem:$0x3FB3]  }
0x2b: {  	s6 =	sld [smem:$0x3FB4]  }
0x2c: {  	s7 =	sld [smem:$0x3FB5]  }
0x2d: {  	s3 =	simm.s32 $0x108;
	s8 =	sld [smem:$0x3FB6]  }
0x2e: {  	s3 =	simm.s32 @!p0 $0x1082;
	s9 =	sld [smem:$0x3FB7]  }
0x2f: {  	lr =	sadd.s32 s0, s3;
	s0 =	sld [smem:$0x3FAE]  }
0x30: {  	s3 =	sld [smem:$0x3FB1]  }
0x31: {  	[smem:$0x3FBA] =	sst s10  }
0x32: {  	s10 =	sld [smem:$0x3FB8];
	_ =	sdelay $0x3  }
0x33: {  	p0 =	seq.s32 s10, $0x1;
	s10 =	sld [smem:$0x3FBA];
	_ =	sdelay $0x3  }
0x34: {  	[smem:$0x3FBA] =	sst s10  }
0x35: {  	s10 =	sld [smem:$0x3FB9];
	_ =	sdelay $0x3  }
0x36: {  	p1 =	seq.s32 s10, $0x1;
	s10 =	sld [smem:$0x3FBA];
	_ =	sdelay $0x3  }
0x37: {  	[smem:$0x3FBA] =	sst s10  }
0x38: {  	s10 =	sld [smem:$0x3FBB]  }
0x39: {  	_ = 	snop;
	(pc) =	sbr.ind lr, $3  }
0x3a: {  	_ = 	snop  }
0x3b: {  	_ = 	snop  }
0x3c: {  	p2 =	seq.s32 s10, $0x1;
	s10 =	sld [smem:$0x3FBA]  }
0x3d: {  	_ =	shalt  }
0x3e: {  	_ =	shalt  }
0x3f: {  	_ =	shalt  }
0x40: {  	_ =	shalt  }
0x41: {  	_ =	shalt  }
0x42: {  	_ =	shalt  }
0x43: {  	_ =	shalt  }
0x44: {  	_ =	shalt  }
0x45: {  	_ =	shalt  }
0x46: {  	_ =	shalt  }
0x47: {  	_ =	shalt  }
0x48: {  	_ =	shalt  }
0x49: {  	_ =	shalt  }
0x4a: {  	_ =	shalt  }
0x4b: {  	_ =	shalt  }
0x4c: {  	_ =	shalt  }
0x4d: {  	_ =	shalt  }
0x4e: {  	_ =	shalt  }
0x4f: {  	_ =	shalt  }
0x50: {  	_ =	shalt  }
0x51: {  	_ =	shalt  }
0x52: {  	_ =	shalt  }
0x53: {  	_ =	shalt  }
0x54: {  	_ =	shalt  }
0x55: {  	_ =	shalt  }
0x56: {  	_ =	shalt  }
0x57: {  	_ =	shalt  }
0x58: {  	_ =	shalt  }
0x59: {  	_ =	shalt  }
0x5a: {  	_ =	shalt  }
0x5b: {  	_ =	shalt  }
0x5c: {  	_ =	shalt  }
0x5d: {  	_ =	shalt  }
0x5e: {  	_ =	shalt  }
0x5f: {  	_ =	shalt  }
0x60: {  	_ =	shalt  }
0x61: {  	_ =	shalt  }
0x62: {  	_ =	shalt  }
0x63: {  	_ =	shalt  }
0x64: {  	_ =	shalt  }
0x65: {  	_ =	shalt  }
0x66: {  	_ =	shalt  }
0x67: {  	_ =	shalt  }
0x68: {  	_ =	shalt  }
0x69: {  	_ =	shalt  }
0x6a: {  	_ =	shalt  }
0x6b: {  	_ =	shalt  }
0x6c: {  	_ =	shalt  }
0x6d: {  	_ =	shalt  }
0x6e: {  	_ =	shalt  }
0x6f: {  	_ =	shalt  }
0x70: {  	_ =	shalt  }
0x71: {  	_ =	shalt  }
0x72: {  	_ =	shalt  }
0x73: {  	_ =	shalt  }
0x74: {  	_ =	shalt  }
0x75: {  	_ =	shalt  }
0x76: {  	_ =	shalt  }
0x77: {  	_ =	shalt  }
0x78: {  	_ =	shalt  }
0x79: {  	_ =	shalt  }
0x7a: {  	_ =	shalt  }
0x7b: {  	_ =	shalt  }
0x7c: {  	_ =	shalt  }
0x7d: {  	_ =	shalt  }
0x7e: {  	_ =	shalt  }
0x7f: {  	_ =	shalt  }
0x80: {  	_ =	shalt  }
0x81: {  	_ =	shalt  }
0x82: {  	_ =	shalt  }
0x83: {  	_ =	shalt  }
0x84: {  	_ =	shalt  }
0x85: {  	_ =	shalt  }
0x86: {  	_ =	shalt  }
0x87: {  	_ =	shalt  }
.Lfunc_end0:
.L_simem_size_0:
called_computation_lowered:
.L_overlay_start_0:
0x88: {  	s2 =	sld [smem:$0x3FD9]  }
0x89: {  	s3 =	sld [smem:$0x3FFE];
	_ =	sdelay $0x1  }
0x8a: {  	s1 =	srdreg.scid  }
0x8b: {  	s0 =	sand.u32 $0x1, s1  }
0x8c: {  	s17 =	sshll.u32 s0, $0xA;
	s2 =	sadd.s32 s3, s2  }
0x8d: {  	s2 =	sadd.s32 s2, s17  }
0x8e: {  	[smem:$0x3FC6] =	sst s2  }
0x8f: {  	_ = 	snop  }
0x90: {  	s2 =	sld [smem:$0x3FC8]  }
0x91: {  	s18 =	sld [smem:$0x3FD0];
	(tm) =	ssettm $0x1  }
0x92: {  	s4 =	sld [smem:$0x3FFB];
	_ =	sdelay $0x3  }
0x93: {  	_ =	strace s4  }
0x94: {  	s4 =	sld [smem:$0x3FFC];
	_ =	sdelay $0x3  }
0x95: {  	_ =	strace s4  }
0x96: {  	s4 =	sld [smem:$0x3FFD];
	_ =	sdelay $0x3  }
0x97: {  	_ =	strace s4  }
0x98: {  	_ =	strace $0x8FFFFFFF  }
0x99: {  	s19 =	sld [smem:$0x3FDB];
	_ =	sdelay $0x1  }
0x9a: {  	s5 =	simm.s32 $_scs_section_size  }
0x9b: {  	s6 =	simm.s32 $_size__tile_overlayer_lowered;
	s7 =	simm.s32 $_tile_overlayer_lowered  }
0x9c: {  	s22 =	simm.s32 $0x1BFF;
	s21 =	sshll.u32 s7, $0x1;
	s4 =	sadd.s32 s5, s19  }
0x9d: {  	s8 =	simm.s32 $0x0;
	s20 =	sshll.u32 s6, $0x1;
	s6 =	sadd.s32 s21, s4  }
0x9e: {  	[timem:s8], [sflag:s22] =	dma.local [hbm:s6], s20  }
0x9f: {  	_ =	swait.ge [sflag:s22], s20  }
0xa0: {  	s5 =	ssub.s32 $0x0, s20;
	[sflag:s22] =	ssyncset.done $0x0  }
0xa1: {  	[sflag:s22] =	ssyncadd.s32 s5;
	_ =	sdelay $0x1  }
0xa2: {  	s23 =	simm.s32 $0x1B8B  }
0xa3: {  	_ =	swait.ge [sflag:s23], $0x1  }
0xa4: {  	[sflag:s23] =	ssyncset.done $0x0  }
0xa5: {  	s25 =	simm.s32 $0x1B8E;
	s24 =	sld [smem:$0x3FFE];
	[sflag:s23] =	ssyncadd.s32 $0xFFFFFFFF  }
0xa6: {  	s26 =	simm.s32 $execute0_lowered;
	[smem:$0x3FD2] =	sst s25  }
0xa7: {  	s6 =	sshll.u32 s26, $0x1;
	_ =	strace $0x80000046;
	[dreg:$0x1] =	wrdreg $0xFFFFFFFF  }
0xa8: {  	s28 =	simm.s32 $_size_execute0_lowered;
	s4 =	sadd.s32 s4, s6;
	[dreg:$0x0] =	wrdreg $0x0  }
0xa9: {  	s6 =	sshll.u32 s28, $0x1;
	[dreg:$0x2] =	wrdreg s4  }
0xaa: {  	[dreg:$0x3] =	wrdreg s6  }
0xab: {  	[dreg:$0x4] =	wrdreg $0xC0  }
0xac: {  	_ =	task [dreg:s8], $0x5FFFF  }
0xad: {  	[dreg:$0x1] =	wrdreg $0xFFFFFFFF  }
0xae: {  	[dreg:$0x0] =	wrdreg $0x60  }
0xaf: {  	[dreg:$0x2] =	wrdreg s2  }
0xb0: {  	[dreg:$0x3] =	wrdreg s18  }
0xb1: {  	[dreg:$0x4] =	wrdreg s24  }
0xb2: {  	[dreg:$0x5] =	wrdreg $0x9  }
0xb3: {  	_ =	task.clear_ibuf [dreg:s8], $0x6FFFF;
	_ =	strace $0x90000046  }
0xb4: {  	s29 =	simm.s32 $0x9;
	_ =	strace $0x80000048  }
0xb5: {  	_ =	swait.ge [sflag:s29], $0x1  }
0xb6: {  	[sflag:s29] =	ssyncadd.s32 $0xFFFFFFFF  }
0xb7: {  	_ =	strace $0x90000048  }
0xb8: {  	_ =	sfence  }
0xb9: {  	s30 =	sld [smem:$0x0];
	_ =	sdelay $0x2  }
0xba: {  	s31 =	sshll.u32 s1, $0xD;
	s1 =	sshrl.u32 s1, $0x2  }
0xbb: {  	s3 =	sand.u32 $0x4000, s31;
	s1 =	sadd.s32 s1, s30  }
0xbc: {  	s0 =	sor.u32 s3, s0;
	s1 =	sshll.u32 s1, $0x11  }
0xbd: {  	s0 =	sor.u32 s1, s0  }
0xbe: {  	s0 =	sadd.s32 $0x8F2B, s0  }
0xbf: {  	[sflag:s0] =	ssyncadd.remote.s32 $0x1  }
0xc0: {  	_ =	sfence.sel $0xFFFF  }
0xc1: {  	[dreg:$0x0] =	wrdreg $0xFFFFFFFF;
	(pc) =	sbr.abs _section_cstart, $3  }
0xc2: {  	[dreg:$0x1] =	wrdreg $0xFFFFFFFF  }
0xc3: {  	_ =	task.clear_ibuf [dreg:s8], $0x2FFFF;
	_ =	strace $0x9FFFFFFF  }
0xc4: {  	(tm) =	ssettm $0x7FFFFFFF  }
0xc5: {  	_ =	shalt  }
tec
execute0_lowered:
.L_overlay_start_1:
0x0: {  	(tag) =	ssettag $0x1  }
0x1: {  	s1 =	rddreg [dreg:$0x0];
	s0 =	srdreg.scid  }
0x2: {  	s3 =	stileid.u32;
	s2 =	rddreg [dreg:$0x2];
	s4 =	simm.s32 $0x0  }
0x3: {  	s20 =	simm.s32 $0x1000;
	s21 =	simm.s32 $0x1400;
	s22 =	simm.s32 $0x1800  }
0x4: {  	v0 =	vlaneseq.u32;
	s23 =	simm.s32 $0x1C00;
	s24 =	simm.s32 $0x1;
	s25 =	simm.s32 $0x2000  }
0x5: {  	s28 =	simm.s32 $0x3000;
	s29 =	simm.s32 $0x3;
	s30 =	simm.s32 $0x4;
	v1 =	vmul.u32 $0x80, v0;
	v3 =	vor.u32 $0x10, v0  }
0x6: {  	s31 =	simm.s32 $0x0;
	s0 =	sand.u32 $0x1, s0;
	[smem:$0x7FF] =	sst s4;
	v6 =	vor.u32 $0x210, v0;
	v9 =	vor.u32 $0x410, v0;
	v12 =	vor.u32 $0x610, v0  }
0x7: {  	s3 =	sshll.u32 s3, $0x1;
	s6 =	sadd.s32 $0xA00, s2;
	s15 =	sadd.s32 $0x3D1200, s2;
	v15 =	vor.u32 $0x810, v0;
	v18 =	vor.u32 $0xA10, v0;
	v21 =	vor.u32 $0xC10, v0  }
0x8: {  	v24 =	vor.u32 $0xE10, v0;
	s5 =	sor.u32 s0, s3;
	_ =	strace $0x80000047;
	s0 =	ssub.s32 $0x2, s0;
	v2 =	vor.u32 $0x800, v1;
	v4 =	vor.u32 $0x10, v1  }
.Ltmp0:
0x9: {  	s3 =	sshll.u32 s5, $0x7;
	s26 =	sshrl.u32 s0, $0x1;
	v5 =	vor.u32 $0x810, v1;
	v7 =	vor.u32 $0x20, v1;
	v8 =	vor.u32 $0x820, v1;
	(pc) =	sbr.rel .LBB2_1-.Ltmp0, $4  }
0xa: {  	v10 =	vor.u32 $0x30, v1;
	v11 =	vor.u32 $0x830, v1;
	v13 =	vor.u32 $0x40, v1;
	p0 =	sne.s32 s5, $0x4;
	s7 =	sadd.s32 s1, s3;
	s0 =	ssub.s32 s0, s26  }
0xb: {  	v14 =	vor.u32 $0x840, v1;
	v16 =	vor.u32 $0x50, v1;
	s26 =	simm.s32 $0x2;
	s9 =	sadd.s32 $0x1E8500, s7;
	s10 =	sadd.s32 $0x2DC780, s7  }
0xc: {  	v17 =	vor.u32 $0x850, v1;
	v19 =	vor.u32 $0x60, v1;
	s8 =	sadd.s32 $0xF4280, s7;
	s11 =	sadd.s32 $0x1E9500, s7;
	s12 =	sadd.s32 $0x1000, s7  }
0xd: {  	v20 =	vor.u32 $0x860, v1;
	v22 =	vor.u32 $0x70, v1;
	v23 =	vor.u32 $0x870, v1;
	s13 =	sadd.s32 $0x2DD780, s7;
	s14 =	sadd.s32 $0xF5280, s7;
	s16 =	smax.u32 s0, $0x1  }
.LBB2_11:
0xe: {  	_ =	swait.ge [sflag:s29], $0x1000  }
0xf: {  	[sflag:s29] =	ssyncset.done $0x0  }
0x10: {  	[sflag:s29] =	ssyncadd.s32 $0xFFFFF000  }
0x11: {  	_ =	swait.ge [sflag:s30], $0x1000  }
0x12: {  	[sflag:s30] =	ssyncset.done $0x0  }
0x13: {  	[sflag:s30] =	ssyncadd.s32 $0xFFFFF000  }
0x14: {  	s0 =	simm.s32 @!p0 $0x0;
	s2 =	simm.s32 @!p0 $0x2000;
	s3 =	rddreg [dreg:$0x1]  }
0x15: {  	[tilespmem:s2], [sflag:$0x5] =	stream.linear.gather @!p0 [hbm4b:s3+s0], $0x800, $0x38;
	[tilespmem:$0x4000] =	vst v63  }
0x16: {  	s3 =	simm.s32 @!p0 $0x5  }
0x17: {  	s31 =	sadd.s32 $0x1, s31;
	_ =	swait.ge @!p0 [sflag:s3], $0x800  }
0x18: {  	p1 =	sne.s32 s31, s16;
	[sflag:s3] =	ssyncset.done @!p0 $0x0  }
.Ltmp1:
0x19: {  	[sflag:s3] =	ssyncadd.s32 @!p0 $0xFFFFF800;
	(pc) =	sbr.rel @!p1 .LBB2_12-.Ltmp1, $4  }
0x1a: {  	[hbm4b:s15+s0] =	stream.linear.scatter @!p0 [tilespmem:s2], [sflag:$0x5], $0x800, $0x38;
	[tilespmem:$0x4000] =	vst v63  }
0x1b: {  	_ =	swait.ge @!p0 [sflag:s3], $0x800  }
0x1c: {  	[sflag:s3] =	ssyncset.done @!p0 $0x0  }
0x1d: {  	[sflag:s3] =	ssyncadd.s32 @!p0 $0xFFFFF800  }
.LBB2_1:
0x1e: {  	[tilespmem:s4], [sflag:$0x1] =	stream.linear.gather [hbm4b:s7+s4], $0x400, $0x38;
	[tilespmem:$0x4000] =	vst v63  }
0x1f: {  	s0 =	simm.s32 $0x400  }
0x20: {  	[tilespmem:s0], [sflag:$0x1] =	stream.linear.gather [hbm4b:s8+s4], $0x400, $0x38;
	[tilespmem:$0x4000] =	vst v63  }
0x21: {  	s18 =	simm.s32 $0x800  }
0x22: {  	[tilespmem:s18], [sflag:$0x1] =	stream.linear.gather [hbm4b:s9+s4], $0x400, $0x38;
	[tilespmem:$0x4000] =	vst v63  }
0x23: {  	s19 =	simm.s32 $0xC00  }
0x24: {  	[tilespmem:s19], [sflag:$0x1] =	stream.linear.gather [hbm4b:s10+s4], $0x400, $0x38;
	[tilespmem:$0x4000] =	vst v63  }
0x25: {  	_ = 	snop  }
0x26: {  	[tilespmem:s20], [sflag:$0x2] =	stream.linear.gather [hbm4b:s12+s4], $0x400, $0x38;
	[tilespmem:$0x4000] =	vst v63  }
0x27: {  	_ = 	snop  }
0x28: {  	[tilespmem:s21], [sflag:$0x2] =	stream.linear.gather [hbm4b:s14+s4], $0x400, $0x38;
	[tilespmem:$0x4000] =	vst v63  }
.Ltmp2:
0x29: {  	_ = 	snop;
	(pc) =	sbr.rel .LBB2_2-.Ltmp2, $4  }
0x2a: {  	_ = 	snop  }
0x2b: {  	[tilespmem:s22], [sflag:$0x2] =	stream.linear.gather [hbm4b:s11+s4], $0x400, $0x38;
	[tilespmem:$0x4000] =	vst v63  }
0x2c: {  	s2 =	simm.s32 $0x0  }
0x2d: {  	[tilespmem:s23], [sflag:$0x2] =	stream.linear.gather [hbm4b:s13+s4], $0x400, $0x38;
	[tilespmem:$0x4000] =	vst v63  }
.LBB2_10:
0x2e: {  	s2 =	sadd.s32 $0x1, s2  }
0x2f: {  	p1 =	sne.s32 s2, $0x7B  }
.Ltmp3:
0x30: {  	_ = 	snop;
	(pc) =	sbr.rel @!p1 .LBB2_11-.Ltmp3, $1  }
0x31: {  	_ =	sdelay $0x3  }
.LBB2_2:
0x32: {  	s0 =	sshll.u32 s2, $0x6  }
0x33: {  	s0 =	sor.u32 s5, s0  }
0x34: {  	p1 =	sgt.u32 s0, $0x1E83  }
.Ltmp4:
0x35: {  	_ = 	snop;
	(pc) =	sbr.rel @p1 .LBB2_6-.Ltmp4, $1  }
0x36: {  	_ =	sdelay $0x3  }
0x37: {  	_ =	swait.ge [sflag:s24], $0x400  }
0x38: {  	[sflag:s24] =	ssyncset.done $0x0  }
0x39: {  	[sflag:s24] =	ssyncadd.s32 $0xFFFFFC00  }
0x3a: {  	_ =	swait.ge [sflag:s24], $0x400  }
0x3b: {  	[sflag:s24] =	ssyncset.done $0x0  }
0x3c: {  	[sflag:s24] =	ssyncadd.s32 $0xFFFFFC00  }
0x3d: {  	_ =	swait.ge [sflag:s24], $0x400  }
0x3e: {  	s3 =	simm.s32 $0x0;
	[sflag:s24] =	ssyncset.done $0x0  }
0x3f: {  	v25 =	vadd.s32 s3, v0;
	[sflag:s24] =	ssyncadd.s32 $0xFFFFFC00  }
0x40: {  	v26 =	vand.u32 $0xF, v25;
	_ =	swait.ge [sflag:s24], $0x400  }
0x41: {  	p1 =	seq.s32 s2, $0x0;
	v27 =	vor.u32 v1, v26;
	[sflag:s24] =	ssyncset.done $0x0  }
0x42: {  	s3 =	simm.s32 @!p1 $0x3;
	[sflag:s24] =	ssyncadd.s32 $0xFFFFFC00  }
0x43: {  	_ =	swait.ge @!p1 [sflag:s3], $0x1000  }
0x44: {  	[sflag:s3] =	ssyncset.done @!p1 $0x0  }
0x45: {  	v28 =	vshll.u32 v26, $0x5;
	[sflag:s3] =	ssyncadd.s32 @!p1 $0xFFFFF000  }
0x46: {  	v29 =	vor.u32 v0, v28;
	v27 =	vld.idx.msk [tilespmem:v27+s4+$0x0], $0xffff  }
0x47: {  	v30 =	vor.u32 v2, v26;
	_ =	sdelay $0x3  }
0x48: {  	[tilespmem:v29+s25+$0x0] =	vst.idx.msk $0xffff, v27  }
0x49: {  	v27 =	vld.idx.msk [tilespmem:v30+s4+$0x0], $0xffff;
	v30 =	vor.u32 v3, v28  }
0x4a: {  	v31 =	vor.u32 v4, v25;
	_ =	sdelay $0x1  }
0x4b: {  	v32 =	vshll.u32 v25, $0x5  }
0x4c: {  	v33 =	vand.u32 $0x180, v32;
	v34 =	vor.u32 v0, v32  }
0x4d: {  	[tilespmem:v30+s25+$0x0] =	vst.idx.msk $0xffff, v27;
	v27 =	vor.u32 $0x200, v33;
	v30 =	vand.u32 $0x6F, v34  }
0x4e: {  	v31 =	vld.idx.msk [tilespmem:v31+s4+$0x0], $0xffff;
	v34 =	vor.u32 v30, v27  }
0x4f: {  	v35 =	vor.u32 v5, v25;
	_ =	sdelay $0x2  }
0x50: {  	v36 =	vor.u32 v6, v32  }
0x51: {  	[tilespmem:v34+s25+$0x0] =	vst.idx.msk $0xffff, v31;
	v31 =	vand.u32 $0x7F, v36  }
0x52: {  	v34 =	vld.idx.msk [tilespmem:v35+s4+$0x0], $0xffff;
	v27 =	vor.u32 v31, v27  }
0x53: {  	v31 =	vor.u32 v7, v26;
	_ =	sdelay $0x2  }
0x54: {  	v63 =	vand.u32 $0x180, v28  }
0x55: {  	v29 =	vand.u32 $0x6F, v29;
	[tilespmem:v27+s25+$0x0] =	vst.idx.msk $0xffff, v34;
	v27 =	vor.u32 $0x400, v63  }
0x56: {  	v31 =	vld.idx.msk [tilespmem:v31+s4+$0x0], $0xffff;
	v40 =	vor.u32 v29, v27  }
0x57: {  	v41 =	vor.u32 v8, v26;
	_ =	sdelay $0x2  }
0x58: {  	v37 =	vor.u32 v9, v28  }
0x59: {  	[tilespmem:v40+s25+$0x0] =	vst.idx.msk $0xffff, v31;
	v31 =	vand.u32 $0x7F, v37  }
0x5a: {  	v34 =	vld.idx.msk [tilespmem:v41+s4+$0x0], $0xffff;
	v27 =	vor.u32 v31, v27  }
0x5b: {  	v31 =	vor.u32 v10, v25;
	_ =	sdelay $0x3  }
0x5c: {  	[tilespmem:v27+s25+$0x0] =	vst.idx.msk $0xffff, v34;
	v27 =	vor.u32 $0x600, v33  }
0x5d: {  	v31 =	vld.idx.msk [tilespmem:v31+s4+$0x0], $0xffff;
	v42 =	vor.u32 v30, v27  }
0x5e: {  	v43 =	vor.u32 v11, v25;
	_ =	sdelay $0x2  }
0x5f: {  	v44 =	vor.u32 v12, v32  }
0x60: {  	[tilespmem:v42+s25+$0x0] =	vst.idx.msk $0xffff, v31;
	v31 =	vand.u32 $0x7F, v44  }
0x61: {  	v34 =	vld.idx.msk [tilespmem:v43+s4+$0x0], $0xffff;
	v27 =	vor.u32 v31, v27  }
0x62: {  	v31 =	vor.u32 v13, v26;
	_ =	sdelay $0x3  }
0x63: {  	[tilespmem:v27+s25+$0x0] =	vst.idx.msk $0xffff, v34;
	v27 =	vor.u32 $0x800, v63  }
0x64: {  	v31 =	vld.idx.msk [tilespmem:v31+s4+$0x0], $0xffff;
	v45 =	vor.u32 v29, v27  }
0x65: {  	v46 =	vor.u32 v14, v26;
	_ =	sdelay $0x2  }
0x66: {  	v47 =	vor.u32 v15, v28  }
0x67: {  	[tilespmem:v45+s25+$0x0] =	vst.idx.msk $0xffff, v31;
	v31 =	vand.u32 $0x7F, v47  }
0x68: {  	v34 =	vld.idx.msk [tilespmem:v46+s4+$0x0], $0xffff;
	v27 =	vor.u32 v31, v27  }
0x69: {  	v31 =	vor.u32 v16, v25;
	_ =	sdelay $0x3  }
0x6a: {  	[tilespmem:v27+s25+$0x0] =	vst.idx.msk $0xffff, v34;
	v27 =	vor.u32 $0xA00, v33  }
0x6b: {  	v31 =	vld.idx.msk [tilespmem:v31+s4+$0x0], $0xffff;
	v48 =	vor.u32 v30, v27  }
0x6c: {  	v49 =	vor.u32 v17, v25;
	_ =	sdelay $0x2  }
0x6d: {  	v50 =	vor.u32 v18, v32  }
0x6e: {  	[tilespmem:v48+s25+$0x0] =	vst.idx.msk $0xffff, v31;
	v31 =	vand.u32 $0x7F, v50  }
0x6f: {  	v34 =	vld.idx.msk [tilespmem:v49+s4+$0x0], $0xffff;
	v27 =	vor.u32 v31, v27  }
0x70: {  	v31 =	vor.u32 v19, v26;
	_ =	sdelay $0x3  }
0x71: {  	[tilespmem:v27+s25+$0x0] =	vst.idx.msk $0xffff, v34;
	v27 =	vor.u32 $0xC00, v63  }
0x72: {  	v31 =	vld.idx.msk [tilespmem:v31+s4+$0x0], $0xffff;
	v29 =	vor.u32 v29, v27  }
0x73: {  	v26 =	vor.u32 v20, v26;
	_ =	sdelay $0x2  }
0x74: {  	v28 =	vor.u32 v21, v28  }
0x75: {  	v28 =	vand.u32 $0x7F, v28;
	[tilespmem:v29+s25+$0x0] =	vst.idx.msk $0xffff, v31  }
0x76: {  	v27 =	vor.u32 v28, v27;
	v26 =	vld.idx.msk [tilespmem:v26+s4+$0x0], $0xffff  }
0x77: {  	v28 =	vor.u32 v22, v25;
	_ =	sdelay $0x3  }
0x78: {  	[tilespmem:v27+s25+$0x0] =	vst.idx.msk $0xffff, v26;
	v26 =	vor.u32 $0xE00, v33  }
0x79: {  	v27 =	vld.idx.msk [tilespmem:v28+s4+$0x0], $0xffff;
	v28 =	vor.u32 v30, v26  }
0x7a: {  	v25 =	vor.u32 v23, v25;
	_ =	sdelay $0x2  }
0x7b: {  	s19 =	simm.s32 $0x1;
	v29 =	vor.u32 v24, v32  }
0x7c: {  	[tilespmem:v28+s25+$0x0] =	vst.idx.msk $0xffff, v27;
	v27 =	vand.u32 $0x7F, v29;
	v28 =	vadd.s32 s19, v0  }
0x7d: {  	v25 =	vld.idx.msk [tilespmem:v25+s4+$0x0], $0xffff;
	v26 =	vor.u32 v27, v26;
	v27 =	vand.u32 $0xF, v28  }
0x7e: {  	v28 =	vor.u32 v1, v27;
	_ =	sdelay $0x3  }
0x7f: {  	[tilespmem:v26+s25+$0x0] =	vst.idx.msk $0xffff, v25;
	v25 =	vshll.u32 v27, $0x5  }
0x80: {  	v26 =	vld.idx.msk [tilespmem:v28+s4+$0x0], $0xffff;
	v28 =	vor.u32 v0, v25  }
0x81: {  	v29 =	vor.u32 v2, v27;
	_ =	sdelay $0x3  }
0x82: {  	[tilespmem:v28+s25+$0x0] =	vst.idx.msk $0xffff, v26  }
0x83: {  	v26 =	vld.idx.msk [tilespmem:v29+s4+$0x0], $0xffff;
	v29 =	vor.u32 v3, v25  }
0x84: {  	v30 =	vor.u32 v4, v27;
	_ =	sdelay $0x2  }
0x85: {  	v31 =	vand.u32 $0x180, v25  }
0x86: {  	v28 =	vand.u32 $0x6F, v28;
	[tilespmem:v29+s25+$0x0] =	vst.idx.msk $0xffff, v26;
	v26 =	vor.u32 $0x200, v31  }
0x87: {  	v29 =	vld.idx.msk [tilespmem:v30+s4+$0x0], $0xffff;
	v30 =	vor.u32 v28, v26  }
0x88: {  	v51 =	vor.u32 v5, v27;
	_ =	sdelay $0x2  }
0x89: {  	v52 =	vor.u32 v6, v25  }
0x8a: {  	[tilespmem:v30+s25+$0x0] =	vst.idx.msk $0xffff, v29;
	v29 =	vand.u32 $0x7F, v52  }
0x8b: {  	v30 =	vld.idx.msk [tilespmem:v51+s4+$0x0], $0xffff;
	v26 =	vor.u32 v29, v26  }
0x8c: {  	v29 =	vor.u32 v7, v27;
	_ =	sdelay $0x3  }
0x8d: {  	[tilespmem:v26+s25+$0x0] =	vst.idx.msk $0xffff, v30;
	v26 =	vor.u32 $0x400, v31  }
0x8e: {  	v29 =	vld.idx.msk [tilespmem:v29+s4+$0x0], $0xffff;
	v30 =	vor.u32 v28, v26  }
0x8f: {  	v53 =	vor.u32 v8, v27;
	_ =	sdelay $0x2  }
0x90: {  	v54 =	vor.u32 v9, v25  }
0x91: {  	[tilespmem:v30+s25+$0x0] =	vst.idx.msk $0xffff, v29;
	v29 =	vand.u32 $0x7F, v54  }
0x92: {  	v30 =	vld.idx.msk [tilespmem:v53+s4+$0x0], $0xffff;
	v26 =	vor.u32 v29, v26  }
0x93: {  	v29 =	vor.u32 v10, v27;
	_ =	sdelay $0x3  }
0x94: {  	[tilespmem:v26+s25+$0x0] =	vst.idx.msk $0xffff, v30;
	v26 =	vor.u32 $0x600, v31  }
0x95: {  	v29 =	vld.idx.msk [tilespmem:v29+s4+$0x0], $0xffff;
	v30 =	vor.u32 v28, v26  }
0x96: {  	v55 =	vor.u32 v11, v27;
	_ =	sdelay $0x2  }
0x97: {  	v56 =	vor.u32 v12, v25  }
0x98: {  	[tilespmem:v30+s25+$0x0] =	vst.idx.msk $0xffff, v29;
	v29 =	vand.u32 $0x7F, v56  }
0x99: {  	v30 =	vld.idx.msk [tilespmem:v55+s4+$0x0], $0xffff;
	v26 =	vor.u32 v29, v26  }
0x9a: {  	v29 =	vor.u32 v13, v27;
	_ =	sdelay $0x3  }
0x9b: {  	[tilespmem:v26+s25+$0x0] =	vst.idx.msk $0xffff, v30;
	v26 =	vor.u32 $0x800, v31  }
0x9c: {  	v29 =	vld.idx.msk [tilespmem:v29+s4+$0x0], $0xffff;
	v30 =	vor.u32 v28, v26  }
0x9d: {  	v57 =	vor.u32 v14, v27;
	_ =	sdelay $0x2  }
0x9e: {  	v58 =	vor.u32 v15, v25  }
0x9f: {  	[tilespmem:v30+s25+$0x0] =	vst.idx.msk $0xffff, v29;
	v29 =	vand.u32 $0x7F, v58  }
0xa0: {  	v30 =	vld.idx.msk [tilespmem:v57+s4+$0x0], $0xffff;
	v26 =	vor.u32 v29, v26  }
0xa1: {  	v29 =	vor.u32 v16, v27;
	_ =	sdelay $0x3  }
0xa2: {  	[tilespmem:v26+s25+$0x0] =	vst.idx.msk $0xffff, v30;
	v26 =	vor.u32 $0xA00, v31  }
0xa3: {  	v29 =	vld.idx.msk [tilespmem:v29+s4+$0x0], $0xffff;
	v30 =	vor.u32 v28, v26  }
0xa4: {  	v59 =	vor.u32 v17, v27;
	_ =	sdelay $0x2  }
0xa5: {  	v60 =	vor.u32 v18, v25  }
0xa6: {  	[tilespmem:v30+s25+$0x0] =	vst.idx.msk $0xffff, v29;
	v29 =	vand.u32 $0x7F, v60  }
0xa7: {  	v30 =	vld.idx.msk [tilespmem:v59+s4+$0x0], $0xffff;
	v26 =	vor.u32 v29, v26  }
0xa8: {  	v29 =	vor.u32 v19, v27;
	_ =	sdelay $0x3  }
0xa9: {  	[tilespmem:v26+s25+$0x0] =	vst.idx.msk $0xffff, v30;
	v26 =	vor.u32 $0xC00, v31  }
0xaa: {  	v29 =	vld.idx.msk [tilespmem:v29+s4+$0x0], $0xffff;
	v30 =	vor.u32 v28, v26  }
0xab: {  	v61 =	vor.u32 v20, v27;
	_ =	sdelay $0x2  }
0xac: {  	v62 =	vor.u32 v21, v25  }
0xad: {  	[tilespmem:v30+s25+$0x0] =	vst.idx.msk $0xffff, v29;
	v29 =	vand.u32 $0x7F, v62  }
0xae: {  	v30 =	vld.idx.msk [tilespmem:v61+s4+$0x0], $0xffff;
	v26 =	vor.u32 v29, v26  }
0xaf: {  	v63 =	vor.u32 v22, v27;
	_ =	sdelay $0x3  }
0xb0: {  	v29 =	vor.u32 $0xE00, v31;
	[tilespmem:v26+s25+$0x0] =	vst.idx.msk $0xffff, v30  }
0xb1: {  	v28 =	vor.u32 v28, v29;
	v26 =	vld.idx.msk [tilespmem:v63+s4+$0x0], $0xffff  }
0xb2: {  	v27 =	vor.u32 v23, v27;
	_ =	sdelay $0x3  }
0xb3: {  	s3 =	simm.s32 $0x2;
	[tilespmem:v28+s25+$0x0] =	vst.idx.msk $0xffff, v26;
	v28 =	vor.u32 v24, v25  }
0xb4: {  	s17 =	simm.s32 $0x4;
	v25 =	vadd.s32 s3, v0;
	v26 =	vld.idx.msk [tilespmem:v27+s4+$0x0], $0xffff;
	v28 =	vand.u32 $0x7F, v28  }
.LBB2_4:
0xb5: {  	p1 =	sne.s32 s17, $0xE;
	v27 =	vand.u32 $0xF, v25;
	v28 =	vor.u32 v28, v29  }
0xb6: {  	v29 =	vor.u32 v1, v27;
	_ =	sdelay $0x3  }
0xb7: {  	[tilespmem:v28+s25+$0x0] =	vst.idx.msk $0xffff, v26  }
0xb8: {  	v28 =	vshll.u32 v27, $0x5;
	v26 =	vld.idx.msk [tilespmem:v29+s4+$0x0], $0xffff  }
0xb9: {  	v31 =	vor.u32 v0, v28  }
0xba: {  	v29 =	vor.u32 v2, v27;
	_ =	sdelay $0x3  }
0xbb: {  	[tilespmem:v31+s25+$0x0] =	vst.idx.msk $0xffff, v26  }
0xbc: {  	v29 =	vld.idx.msk [tilespmem:v29+s4+$0x0], $0xffff  }
0xbd: {  	v30 =	vor.u32 v3, v28  }
0xbe: {  	v32 =	vor.u32 v4, v25;
	_ =	sdelay $0x2  }
0xbf: {  	v26 =	vshll.u32 v25, $0x5  }
0xc0: {  	[tilespmem:v30+s25+$0x0] =	vst.idx.msk $0xffff, v29;
	v29 =	vand.u32 $0x180, v26;
	v30 =	vor.u32 v0, v26  }
0xc1: {  	v32 =	vld.idx.msk [tilespmem:v32+s4+$0x0], $0xffff;
	v33 =	vor.u32 $0x200, v29;
	v30 =	vand.u32 $0x6F, v30  }
0xc2: {  	v34 =	vor.u32 v30, v33  }
0xc3: {  	v35 =	vor.u32 v5, v25;
	_ =	sdelay $0x3  }
0xc4: {  	[tilespmem:v34+s25+$0x0] =	vst.idx.msk $0xffff, v32;
	v32 =	vor.u32 v6, v26  }
0xc5: {  	v34 =	vld.idx.msk [tilespmem:v35+s4+$0x0], $0xffff;
	v32 =	vand.u32 $0x7F, v32  }
0xc6: {  	v32 =	vor.u32 v32, v33  }
0xc7: {  	v33 =	vor.u32 v7, v27;
	_ =	sdelay $0x3  }
0xc8: {  	[tilespmem:v32+s25+$0x0] =	vst.idx.msk $0xffff, v34;
	v32 =	vand.u32 $0x180, v28  }
0xc9: {  	v31 =	vand.u32 $0x6F, v31;
	v33 =	vld.idx.msk [tilespmem:v33+s4+$0x0], $0xffff;
	v34 =	vor.u32 $0x400, v32  }
0xca: {  	v35 =	vor.u32 v31, v34  }
0xcb: {  	v36 =	vor.u32 v8, v27;
	_ =	sdelay $0x3  }
0xcc: {  	[tilespmem:v35+s25+$0x0] =	vst.idx.msk $0xffff, v33;
	v33 =	vor.u32 v9, v28  }
0xcd: {  	v35 =	vld.idx.msk [tilespmem:v36+s4+$0x0], $0xffff;
	v33 =	vand.u32 $0x7F, v33  }
0xce: {  	v33 =	vor.u32 v33, v34  }
0xcf: {  	v34 =	vor.u32 v10, v25;
	_ =	sdelay $0x3  }
0xd0: {  	[tilespmem:v33+s25+$0x0] =	vst.idx.msk $0xffff, v35  }
0xd1: {  	v33 =	vld.idx.msk [tilespmem:v34+s4+$0x0], $0xffff;
	v34 =	vor.u32 $0x600, v29  }
0xd2: {  	v35 =	vor.u32 v30, v34  }
0xd3: {  	v36 =	vor.u32 v11, v25;
	_ =	sdelay $0x3  }
0xd4: {  	[tilespmem:v35+s25+$0x0] =	vst.idx.msk $0xffff, v33;
	v33 =	vor.u32 v12, v26  }
0xd5: {  	v35 =	vld.idx.msk [tilespmem:v36+s4+$0x0], $0xffff;
	v33 =	vand.u32 $0x7F, v33  }
0xd6: {  	v33 =	vor.u32 v33, v34  }
0xd7: {  	v34 =	vor.u32 v13, v27;
	_ =	sdelay $0x3  }
0xd8: {  	[tilespmem:v33+s25+$0x0] =	vst.idx.msk $0xffff, v35  }
0xd9: {  	v33 =	vld.idx.msk [tilespmem:v34+s4+$0x0], $0xffff;
	v34 =	vor.u32 $0x800, v32  }
0xda: {  	v35 =	vor.u32 v31, v34  }
0xdb: {  	v36 =	vor.u32 v14, v27;
	_ =	sdelay $0x3  }
0xdc: {  	[tilespmem:v35+s25+$0x0] =	vst.idx.msk $0xffff, v33;
	v33 =	vor.u32 v15, v28  }
0xdd: {  	v35 =	vld.idx.msk [tilespmem:v36+s4+$0x0], $0xffff;
	v33 =	vand.u32 $0x7F, v33  }
0xde: {  	v33 =	vor.u32 v33, v34  }
0xdf: {  	v34 =	vor.u32 v16, v25;
	_ =	sdelay $0x3  }
0xe0: {  	[tilespmem:v33+s25+$0x0] =	vst.idx.msk $0xffff, v35  }
0xe1: {  	v33 =	vld.idx.msk [tilespmem:v34+s4+$0x0], $0xffff;
	v34 =	vor.u32 $0xA00, v29  }
0xe2: {  	v35 =	vor.u32 v30, v34  }
0xe3: {  	v36 =	vor.u32 v17, v25;
	_ =	sdelay $0x3  }
0xe4: {  	[tilespmem:v35+s25+$0x0] =	vst.idx.msk $0xffff, v33;
	v33 =	vor.u32 v18, v26  }
0xe5: {  	v35 =	vld.idx.msk [tilespmem:v36+s4+$0x0], $0xffff;
	v33 =	vand.u32 $0x7F, v33  }
0xe6: {  	v33 =	vor.u32 v33, v34  }
0xe7: {  	v34 =	vor.u32 v19, v27;
	_ =	sdelay $0x3  }
0xe8: {  	[tilespmem:v33+s25+$0x0] =	vst.idx.msk $0xffff, v35  }
0xe9: {  	v32 =	vor.u32 $0xC00, v32;
	v33 =	vld.idx.msk [tilespmem:v34+s4+$0x0], $0xffff  }
0xea: {  	v31 =	vor.u32 v31, v32  }
0xeb: {  	v27 =	vor.u32 v20, v27;
	_ =	sdelay $0x3  }
0xec: {  	v28 =	vor.u32 v21, v28;
	[tilespmem:v31+s25+$0x0] =	vst.idx.msk $0xffff, v33  }
0xed: {  	v28 =	vand.u32 $0x7F, v28;
	v27 =	vld.idx.msk [tilespmem:v27+s4+$0x0], $0xffff  }
0xee: {  	v28 =	vor.u32 v28, v32  }
0xef: {  	v31 =	vor.u32 v22, v25;
	_ =	sdelay $0x3  }
0xf0: {  	[tilespmem:v28+s25+$0x0] =	vst.idx.msk $0xffff, v27  }
0xf1: {  	v28 =	vor.u32 $0xE00, v29;
	v27 =	vld.idx.msk [tilespmem:v31+s4+$0x0], $0xffff  }
0xf2: {  	v29 =	vor.u32 v30, v28  }
0xf3: {  	v25 =	vor.u32 v23, v25;
	_ =	sdelay $0x3  }
0xf4: {  	s18 =	sadd.s32 $0x1, s3;
	s3 =	smov.u32 s17;
	v26 =	vor.u32 v24, v26;
	[tilespmem:v29+s25+$0x0] =	vst.idx.msk $0xffff, v27  }
0xf5: {  	v27 =	vld.idx.msk [tilespmem:v25+s4+$0x0], $0xffff;
	v25 =	vand.u32 $0x7F, v26;
	v26 =	vadd.s32 s18, v0  }
0xf6: {  	v28 =	vor.u32 v25, v28;
	v25 =	vand.u32 $0xF, v26  }
0xf7: {  	v26 =	vor.u32 v1, v25;
	_ =	sdelay $0x3  }
0xf8: {  	[tilespmem:v28+s25+$0x0] =	vst.idx.msk $0xffff, v27  }
0xf9: {  	v27 =	vld.idx.msk [tilespmem:v26+s4+$0x0], $0xffff;
	v26 =	vshll.u32 v25, $0x5  }
0xfa: {  	v28 =	vor.u32 v0, v26  }
0xfb: {  	v29 =	vor.u32 v2, v25;
	_ =	sdelay $0x3  }
0xfc: {  	[tilespmem:v28+s25+$0x0] =	vst.idx.msk $0xffff, v27  }
0xfd: {  	v27 =	vld.idx.msk [tilespmem:v29+s4+$0x0], $0xffff  }
0xfe: {  	v29 =	vor.u32 v3, v26  }
0xff: {  	v30 =	vor.u32 v4, v25;
	_ =	sdelay $0x3  }
0x100: {  	[tilespmem:v29+s25+$0x0] =	vst.idx.msk $0xffff, v27;
	v27 =	vand.u32 $0x180, v26  }
0x101: {  	v28 =	vand.u32 $0x6F, v28;
	v29 =	vld.idx.msk [tilespmem:v30+s4+$0x0], $0xffff;
	v30 =	vor.u32 $0x200, v27  }
0x102: {  	v31 =	vor.u32 v28, v30  }
0x103: {  	v32 =	vor.u32 v5, v25;
	_ =	sdelay $0x3  }
0x104: {  	[tilespmem:v31+s25+$0x0] =	vst.idx.msk $0xffff, v29;
	v29 =	vor.u32 v6, v26  }
0x105: {  	v31 =	vld.idx.msk [tilespmem:v32+s4+$0x0], $0xffff;
	v29 =	vand.u32 $0x7F, v29  }
0x106: {  	v29 =	vor.u32 v29, v30  }
0x107: {  	v30 =	vor.u32 v7, v25;
	_ =	sdelay $0x3  }
0x108: {  	[tilespmem:v29+s25+$0x0] =	vst.idx.msk $0xffff, v31  }
0x109: {  	v29 =	vld.idx.msk [tilespmem:v30+s4+$0x0], $0xffff;
	v30 =	vor.u32 $0x400, v27  }
0x10a: {  	v31 =	vor.u32 v28, v30  }
0x10b: {  	v32 =	vor.u32 v8, v25;
	_ =	sdelay $0x3  }
0x10c: {  	[tilespmem:v31+s25+$0x0] =	vst.idx.msk $0xffff, v29;
	v29 =	vor.u32 v9, v26  }
0x10d: {  	v31 =	vld.idx.msk [tilespmem:v32+s4+$0x0], $0xffff;
	v29 =	vand.u32 $0x7F, v29  }
0x10e: {  	v29 =	vor.u32 v29, v30  }
0x10f: {  	v30 =	vor.u32 v10, v25;
	_ =	sdelay $0x3  }
0x110: {  	[tilespmem:v29+s25+$0x0] =	vst.idx.msk $0xffff, v31  }
0x111: {  	v29 =	vld.idx.msk [tilespmem:v30+s4+$0x0], $0xffff;
	v30 =	vor.u32 $0x600, v27  }
0x112: {  	v31 =	vor.u32 v28, v30  }
0x113: {  	v32 =	vor.u32 v11, v25;
	_ =	sdelay $0x3  }
0x114: {  	[tilespmem:v31+s25+$0x0] =	vst.idx.msk $0xffff, v29;
	v29 =	vor.u32 v12, v26  }
0x115: {  	v31 =	vld.idx.msk [tilespmem:v32+s4+$0x0], $0xffff;
	v29 =	vand.u32 $0x7F, v29  }
0x116: {  	v29 =	vor.u32 v29, v30  }
0x117: {  	v30 =	vor.u32 v13, v25;
	_ =	sdelay $0x3  }
0x118: {  	[tilespmem:v29+s25+$0x0] =	vst.idx.msk $0xffff, v31  }
0x119: {  	v29 =	vld.idx.msk [tilespmem:v30+s4+$0x0], $0xffff;
	v30 =	vor.u32 $0x800, v27  }
0x11a: {  	v31 =	vor.u32 v28, v30  }
0x11b: {  	v32 =	vor.u32 v14, v25;
	_ =	sdelay $0x3  }
0x11c: {  	[tilespmem:v31+s25+$0x0] =	vst.idx.msk $0xffff, v29;
	v29 =	vor.u32 v15, v26  }
0x11d: {  	v31 =	vld.idx.msk [tilespmem:v32+s4+$0x0], $0xffff;
	v29 =	vand.u32 $0x7F, v29  }
0x11e: {  	v29 =	vor.u32 v29, v30  }
0x11f: {  	v30 =	vor.u32 v16, v25;
	_ =	sdelay $0x3  }
0x120: {  	[tilespmem:v29+s25+$0x0] =	vst.idx.msk $0xffff, v31  }
0x121: {  	v29 =	vld.idx.msk [tilespmem:v30+s4+$0x0], $0xffff;
	v30 =	vor.u32 $0xA00, v27  }
0x122: {  	v31 =	vor.u32 v28, v30  }
0x123: {  	v32 =	vor.u32 v17, v25;
	_ =	sdelay $0x3  }
0x124: {  	[tilespmem:v31+s25+$0x0] =	vst.idx.msk $0xffff, v29;
	v29 =	vor.u32 v18, v26  }
0x125: {  	v31 =	vld.idx.msk [tilespmem:v32+s4+$0x0], $0xffff;
	v29 =	vand.u32 $0x7F, v29  }
0x126: {  	v29 =	vor.u32 v29, v30  }
0x127: {  	v30 =	vor.u32 v19, v25;
	_ =	sdelay $0x3  }
0x128: {  	[tilespmem:v29+s25+$0x0] =	vst.idx.msk $0xffff, v31  }
0x129: {  	v29 =	vld.idx.msk [tilespmem:v30+s4+$0x0], $0xffff;
	v30 =	vor.u32 $0xC00, v27  }
0x12a: {  	v31 =	vor.u32 v28, v30  }
0x12b: {  	v32 =	vor.u32 v20, v25;
	_ =	sdelay $0x3  }
0x12c: {  	[tilespmem:v31+s25+$0x0] =	vst.idx.msk $0xffff, v29;
	v29 =	vor.u32 v21, v26  }
0x12d: {  	v31 =	vld.idx.msk [tilespmem:v32+s4+$0x0], $0xffff;
	v29 =	vand.u32 $0x7F, v29  }
0x12e: {  	v29 =	vor.u32 v29, v30  }
0x12f: {  	v30 =	vor.u32 v22, v25;
	_ =	sdelay $0x3  }
0x130: {  	[tilespmem:v29+s25+$0x0] =	vst.idx.msk $0xffff, v31  }
0x131: {  	v29 =	vor.u32 $0xE00, v27;
	v30 =	vld.idx.msk [tilespmem:v30+s4+$0x0], $0xffff  }
0x132: {  	v27 =	vor.u32 v28, v29  }
0x133: {  	v28 =	vor.u32 v23, v25  }
.Ltmp5:
0x134: {  	(pc) =	sbr.rel @p1 .LBB2_4-.Ltmp5, $3  }
0x135: {  	_ =	sdelay $0x1  }
0x136: {  	[tilespmem:v27+s25+$0x0] =	vst.idx.msk $0xffff, v30;
	v27 =	vor.u32 v24, v26  }
0x137: {  	s17 =	sadd.s32 $0x2, s17;
	v25 =	vadd.s32 s3, v0;
	v26 =	vld.idx.msk [tilespmem:v28+s4+$0x0], $0xffff;
	v28 =	vand.u32 $0x7F, v27  }
0x138: {  	v27 =	vand.u32 $0xF, v25;
	v28 =	vor.u32 v28, v29  }
0x139: {  	v48 =	vor.u32 v1, v27;
	_ =	sdelay $0x3  }
0x13a: {  	[tilespmem:v28+s25+$0x0] =	vst.idx.msk $0xffff, v26;
	v26 =	vshll.u32 v27, $0x5  }
0x13b: {  	v28 =	vld.idx.msk [tilespmem:v48+s4+$0x0], $0xffff;
	v49 =	vor.u32 v0, v26  }
0x13c: {  	v30 =	vor.u32 v2, v27;
	_ =	sdelay $0x3  }
0x13d: {  	[tilespmem:v49+s25+$0x0] =	vst.idx.msk $0xffff, v28  }
0x13e: {  	v50 =	vor.u32 v3, v26;
	v28 =	vld.idx.msk [tilespmem:v30+s4+$0x0], $0xffff  }
0x13f: {  	v31 =	vor.u32 v4, v25;
	_ =	sdelay $0x1  }
0x140: {  	v32 =	vshll.u32 v25, $0x5  }
0x141: {  	v33 =	vand.u32 $0x180, v32;
	v34 =	vor.u32 v0, v32  }
0x142: {  	v51 =	vor.u32 $0x200, v33;
	v30 =	vand.u32 $0x6F, v34;
	[tilespmem:v50+s25+$0x0] =	vst.idx.msk $0xffff, v28  }
0x143: {  	v34 =	vor.u32 v30, v51;
	v31 =	vld.idx.msk [tilespmem:v31+s4+$0x0], $0xffff  }
0x144: {  	v35 =	vor.u32 v5, v25;
	_ =	sdelay $0x2  }
0x145: {  	v36 =	vor.u32 v6, v32  }
0x146: {  	v52 =	vand.u32 $0x7F, v36;
	[tilespmem:v34+s25+$0x0] =	vst.idx.msk $0xffff, v31  }
0x147: {  	v28 =	vor.u32 v52, v51;
	v34 =	vld.idx.msk [tilespmem:v35+s4+$0x0], $0xffff  }
0x148: {  	v53 =	vor.u32 v7, v27;
	_ =	sdelay $0x2  }
0x149: {  	v54 =	vand.u32 $0x180, v26  }
0x14a: {  	v55 =	vor.u32 $0x400, v54;
	v29 =	vand.u32 $0x6F, v49;
	[tilespmem:v28+s25+$0x0] =	vst.idx.msk $0xffff, v34  }
0x14b: {  	v56 =	vor.u32 v29, v55;
	v31 =	vld.idx.msk [tilespmem:v53+s4+$0x0], $0xffff  }
0x14c: {  	v57 =	vor.u32 v8, v27;
	_ =	sdelay $0x2  }
0x14d: {  	v37 =	vor.u32 v9, v26  }
0x14e: {  	v58 =	vand.u32 $0x7F, v37;
	[tilespmem:v56+s25+$0x0] =	vst.idx.msk $0xffff, v31  }
0x14f: {  	v28 =	vor.u32 v58, v55;
	v34 =	vld.idx.msk [tilespmem:v57+s4+$0x0], $0xffff  }
0x150: {  	v59 =	vor.u32 v10, v25;
	_ =	sdelay $0x3  }
0x151: {  	v60 =	vor.u32 $0x600, v33;
	[tilespmem:v28+s25+$0x0] =	vst.idx.msk $0xffff, v34  }
0x152: {  	v61 =	vor.u32 v30, v60;
	v31 =	vld.idx.msk [tilespmem:v59+s4+$0x0], $0xffff  }
0x153: {  	v62 =	vor.u32 v11, v25;
	_ =	sdelay $0x2  }
0x154: {  	v63 =	vor.u32 v12, v32  }
0x155: {  	v39 =	vand.u32 $0x7F, v63;
	[tilespmem:v61+s25+$0x0] =	vst.idx.msk $0xffff, v31  }
0x156: {  	v28 =	vor.u32 v39, v60;
	v34 =	vld.idx.msk [tilespmem:v62+s4+$0x0], $0xffff  }
0x157: {  	v40 =	vor.u32 v13, v27;
	_ =	sdelay $0x3  }
0x158: {  	v41 =	vor.u32 $0x800, v54;
	[tilespmem:v28+s25+$0x0] =	vst.idx.msk $0xffff, v34  }
0x159: {  	v42 =	vor.u32 v29, v41;
	v31 =	vld.idx.msk [tilespmem:v40+s4+$0x0], $0xffff  }
0x15a: {  	v43 =	vor.u32 v14, v27;
	_ =	sdelay $0x2  }
0x15b: {  	v44 =	vor.u32 v15, v26  }
0x15c: {  	v45 =	vand.u32 $0x7F, v44;
	[tilespmem:v42+s25+$0x0] =	vst.idx.msk $0xffff, v31  }
0x15d: {  	v28 =	vor.u32 v45, v41;
	v34 =	vld.idx.msk [tilespmem:v43+s4+$0x0], $0xffff  }
0x15e: {  	v46 =	vor.u32 v16, v25;
	_ =	sdelay $0x3  }
0x15f: {  	v47 =	vor.u32 $0xA00, v33;
	[tilespmem:v28+s25+$0x0] =	vst.idx.msk $0xffff, v34  }
0x160: {  	v48 =	vor.u32 v30, v47;
	v31 =	vld.idx.msk [tilespmem:v46+s4+$0x0], $0xffff  }
0x161: {  	v49 =	vor.u32 v17, v25;
	_ =	sdelay $0x2  }
0x162: {  	v50 =	vor.u32 v18, v32  }
0x163: {  	v51 =	vand.u32 $0x7F, v50;
	[tilespmem:v48+s25+$0x0] =	vst.idx.msk $0xffff, v31  }
0x164: {  	v28 =	vor.u32 v51, v47;
	v34 =	vld.idx.msk [tilespmem:v49+s4+$0x0], $0xffff  }
0x165: {  	v52 =	vor.u32 v19, v27;
	_ =	sdelay $0x3  }
0x166: {  	v53 =	vor.u32 $0xC00, v54;
	[tilespmem:v28+s25+$0x0] =	vst.idx.msk $0xffff, v34  }
0x167: {  	v29 =	vor.u32 v29, v53;
	v31 =	vld.idx.msk [tilespmem:v52+s4+$0x0], $0xffff  }
0x168: {  	v27 =	vor.u32 v20, v27;
	_ =	sdelay $0x2  }
0x169: {  	v26 =	vor.u32 v21, v26  }
0x16a: {  	v26 =	vand.u32 $0x7F, v26;
	[tilespmem:v29+s25+$0x0] =	vst.idx.msk $0xffff, v31  }
0x16b: {  	v26 =	vor.u32 v26, v53;
	v27 =	vld.idx.msk [tilespmem:v27+s4+$0x0], $0xffff  }
0x16c: {  	v54 =	vor.u32 v22, v25;
	_ =	sdelay $0x3  }
0x16d: {  	[tilespmem:v26+s25+$0x0] =	vst.idx.msk $0xffff, v27;
	v26 =	vor.u32 $0xE00, v33  }
0x16e: {  	v27 =	vld.idx.msk [tilespmem:v54+s4+$0x0], $0xffff;
	v55 =	vor.u32 v30, v26  }
0x16f: {  	v25 =	vor.u32 v23, v25;
	_ =	sdelay $0x2  }
0x170: {  	s3 =	sadd.s32 $0x1, s3;
	v56 =	vor.u32 v24, v32  }
0x171: {  	v57 =	vadd.s32 s3, v0;
	[tilespmem:v55+s25+$0x0] =	vst.idx.msk $0xffff, v27;
	v27 =	vand.u32 $0x7F, v56  }
0x172: {  	v25 =	vld.idx.msk [tilespmem:v25+s4+$0x0], $0xffff;
	v26 =	vor.u32 v27, v26;
	v27 =	vand.u32 $0xF, v57  }
0x173: {  	v28 =	vor.u32 v1, v27;
	_ =	sdelay $0x3  }
0x174: {  	[tilespmem:v26+s25+$0x0] =	vst.idx.msk $0xffff, v25;
	v25 =	vshll.u32 v27, $0x5  }
0x175: {  	v26 =	vld.idx.msk [tilespmem:v28+s4+$0x0], $0xffff;
	v58 =	vor.u32 v0, v25  }
0x176: {  	v59 =	vor.u32 v2, v27;
	_ =	sdelay $0x3  }
0x177: {  	[tilespmem:v58+s25+$0x0] =	vst.idx.msk $0xffff, v26  }
0x178: {  	v60 =	vor.u32 v3, v25;
	v26 =	vld.idx.msk [tilespmem:v59+s4+$0x0], $0xffff  }
0x179: {  	v61 =	vor.u32 v4, v27;
	_ =	sdelay $0x2  }
0x17a: {  	v31 =	vand.u32 $0x180, v25  }
0x17b: {  	v28 =	vand.u32 $0x6F, v58;
	[tilespmem:v60+s25+$0x0] =	vst.idx.msk $0xffff, v26;
	v26 =	vor.u32 $0x200, v31  }
0x17c: {  	v29 =	vld.idx.msk [tilespmem:v61+s4+$0x0], $0xffff;
	v62 =	vor.u32 v28, v26  }
0x17d: {  	v63 =	vor.u32 v5, v27;
	_ =	sdelay $0x2  }
0x17e: {  	v36 =	vor.u32 v6, v25  }
0x17f: {  	v37 =	vand.u32 $0x7F, v36;
	[tilespmem:v62+s25+$0x0] =	vst.idx.msk $0xffff, v29  }
0x180: {  	v26 =	vor.u32 v37, v26;
	v30 =	vld.idx.msk [tilespmem:v63+s4+$0x0], $0xffff  }
0x181: {  	v38 =	vor.u32 v7, v27;
	_ =	sdelay $0x3  }
0x182: {  	[tilespmem:v26+s25+$0x0] =	vst.idx.msk $0xffff, v30;
	v26 =	vor.u32 $0x400, v31  }
0x183: {  	v29 =	vld.idx.msk [tilespmem:v38+s4+$0x0], $0xffff;
	v39 =	vor.u32 v28, v26  }
0x184: {  	v40 =	vor.u32 v8, v27;
	_ =	sdelay $0x2  }
0x185: {  	v41 =	vor.u32 v9, v25  }
0x186: {  	v42 =	vand.u32 $0x7F, v41;
	[tilespmem:v39+s25+$0x0] =	vst.idx.msk $0xffff, v29  }
0x187: {  	v26 =	vor.u32 v42, v26;
	v30 =	vld.idx.msk [tilespmem:v40+s4+$0x0], $0xffff  }
0x188: {  	v43 =	vor.u32 v10, v27;
	_ =	sdelay $0x3  }
0x189: {  	[tilespmem:v26+s25+$0x0] =	vst.idx.msk $0xffff, v30;
	v26 =	vor.u32 $0x600, v31  }
0x18a: {  	v29 =	vld.idx.msk [tilespmem:v43+s4+$0x0], $0xffff;
	v44 =	vor.u32 v28, v26  }
0x18b: {  	v45 =	vor.u32 v11, v27;
	_ =	sdelay $0x2  }
0x18c: {  	v46 =	vor.u32 v12, v25  }
0x18d: {  	v47 =	vand.u32 $0x7F, v46;
	[tilespmem:v44+s25+$0x0] =	vst.idx.msk $0xffff, v29  }
0x18e: {  	v26 =	vor.u32 v47, v26;
	v30 =	vld.idx.msk [tilespmem:v45+s4+$0x0], $0xffff  }
0x18f: {  	v48 =	vor.u32 v13, v27;
	_ =	sdelay $0x3  }
0x190: {  	[tilespmem:v26+s25+$0x0] =	vst.idx.msk $0xffff, v30;
	v26 =	vor.u32 $0x800, v31  }
0x191: {  	v29 =	vld.idx.msk [tilespmem:v48+s4+$0x0], $0xffff;
	v49 =	vor.u32 v28, v26  }
0x192: {  	v50 =	vor.u32 v14, v27;
	_ =	sdelay $0x2  }
0x193: {  	v51 =	vor.u32 v15, v25  }
0x194: {  	v52 =	vand.u32 $0x7F, v51;
	[tilespmem:v49+s25+$0x0] =	vst.idx.msk $0xffff, v29  }
0x195: {  	v26 =	vor.u32 v52, v26;
	v30 =	vld.idx.msk [tilespmem:v50+s4+$0x0], $0xffff  }
0x196: {  	v53 =	vor.u32 v16, v27;
	_ =	sdelay $0x3  }
0x197: {  	[tilespmem:v26+s25+$0x0] =	vst.idx.msk $0xffff, v30;
	v26 =	vor.u32 $0xA00, v31  }
0x198: {  	v29 =	vld.idx.msk [tilespmem:v53+s4+$0x0], $0xffff;
	v54 =	vor.u32 v28, v26  }
0x199: {  	v55 =	vor.u32 v17, v27;
	_ =	sdelay $0x2  }
0x19a: {  	v56 =	vor.u32 v18, v25  }
0x19b: {  	v57 =	vand.u32 $0x7F, v56;
	[tilespmem:v54+s25+$0x0] =	vst.idx.msk $0xffff, v29  }
0x19c: {  	v26 =	vor.u32 v57, v26;
	v30 =	vld.idx.msk [tilespmem:v55+s4+$0x0], $0xffff  }
0x19d: {  	v58 =	vor.u32 v19, v27;
	_ =	sdelay $0x3  }
0x19e: {  	[tilespmem:v26+s25+$0x0] =	vst.idx.msk $0xffff, v30;
	v26 =	vor.u32 $0xC00, v31  }
0x19f: {  	v29 =	vld.idx.msk [tilespmem:v58+s4+$0x0], $0xffff;
	v59 =	vor.u32 v28, v26  }
0x1a0: {  	v60 =	vor.u32 v20, v27;
	_ =	sdelay $0x2  }
0x1a1: {  	v61 =	vor.u32 v21, v25  }
0x1a2: {  	v62 =	vand.u32 $0x7F, v61;
	[tilespmem:v59+s25+$0x0] =	vst.idx.msk $0xffff, v29  }
0x1a3: {  	v26 =	vor.u32 v62, v26;
	v30 =	vld.idx.msk [tilespmem:v60+s4+$0x0], $0xffff  }
0x1a4: {  	v63 =	vor.u32 v22, v27;
	_ =	sdelay $0x3  }
0x1a5: {  	[tilespmem:v26+s25+$0x0] =	vst.idx.msk $0xffff, v30;
	v26 =	vor.u32 $0xE00, v31  }
0x1a6: {  	v29 =	vld.idx.msk [tilespmem:v63+s4+$0x0], $0xffff;
	v28 =	vor.u32 v28, v26  }
0x1a7: {  	v27 =	vor.u32 v23, v27;
	_ =	sdelay $0x2  }
0x1a8: {  	v25 =	vor.u32 v24, v25  }
0x1a9: {  	v25 =	vand.u32 $0x7F, v25;
	[tilespmem:v28+s25+$0x0] =	vst.idx.msk $0xffff, v29  }
0x1aa: {  	v25 =	vor.u32 v25, v26;
	v27 =	vld.idx.msk [tilespmem:v27+s4+$0x0], $0xffff;
	_ =	sdelay $0x3  }
0x1ab: {  	s19 =	sshll.u32 s0, $0x9  }
0x1ac: {  	p1 =	sgt.u32 s0, $0x1E43;
	s3 =	sadd.s32 s6, s19;
	[tilespmem:v25+s25+$0x0] =	vst.idx.msk $0xffff, v27  }
0x1ad: {  	[hbm4b:s3+s4] =	stream.linear.scatter [tilespmem:s25], [sflag:$0x3], $0x1000, $0x38;
	[tilespmem:$0x4000] =	vst v63  }
0x1ae: {  	s3 =	sshll.u32 @!p1 s0, $0x7  }
0x1af: {  	s3 =	sand.u32 @!p1 $0x1FFFFF80, s3  }
0x1b0: {  	s3 =	sadd.s32 @!p1 s1, s3  }
0x1b1: {  	s18 =	simm.s32 @!p1 $0x0;
	s17 =	sadd.s32 @!p1 $0x2000, s3  }
0x1b2: {  	[tilespmem:s18], [sflag:$0x1] =	stream.linear.gather @!p1 [hbm4b:s17+s18], $0x400, $0x38;
	[tilespmem:$0x4000] =	vst v63  }
0x1b3: {  	s19 =	simm.s32 @!p1 $0x400;
	s17 =	sadd.s32 @!p1 $0xF6280, s3  }
0x1b4: {  	[tilespmem:s19], [sflag:$0x1] =	stream.linear.gather @!p1 [hbm4b:s17+s18], $0x400, $0x38;
	[tilespmem:$0x4000] =	vst v63  }
0x1b5: {  	s17 =	sadd.s32 @!p1 $0x1EA500, s3;
	s19 =	simm.s32 @!p1 $0x800  }
0x1b6: {  	[tilespmem:s19], [sflag:$0x1] =	stream.linear.gather @!p1 [hbm4b:s17+s18], $0x400, $0x38;
	[tilespmem:$0x4000] =	vst v63  }
0x1b7: {  	s3 =	sadd.s32 @!p1 $0x2DE780, s3;
	s17 =	simm.s32 @!p1 $0xC00  }
0x1b8: {  	[tilespmem:s17], [sflag:$0x1] =	stream.linear.gather @!p1 [hbm4b:s3+s18], $0x400, $0x38;
	[tilespmem:$0x4000] =	vst v63  }
.LBB2_6:
0x1b9: {  	s3 =	sor.u32 $0x20, s0  }
0x1ba: {  	p1 =	sgt.u32 s3, $0x1E83  }
.Ltmp6:
0x1bb: {  	_ = 	snop;
	(pc) =	sbr.rel @p1 .LBB2_10-.Ltmp6, $1  }
0x1bc: {  	_ =	sdelay $0x3  }
0x1bd: {  	_ =	swait.ge [sflag:s26], $0x400  }
0x1be: {  	[sflag:s26] =	ssyncset.done $0x0  }
0x1bf: {  	[sflag:s26] =	ssyncadd.s32 $0xFFFFFC00  }
0x1c0: {  	_ =	swait.ge [sflag:s26], $0x400  }
0x1c1: {  	[sflag:s26] =	ssyncset.done $0x0  }
0x1c2: {  	[sflag:s26] =	ssyncadd.s32 $0xFFFFFC00  }
0x1c3: {  	_ =	swait.ge [sflag:s26], $0x400  }
0x1c4: {  	s17 =	simm.s32 $0x0;
	[sflag:s26] =	ssyncset.done $0x0  }
0x1c5: {  	v25 =	vadd.s32 s17, v0;
	[sflag:s26] =	ssyncadd.s32 $0xFFFFFC00  }
0x1c6: {  	v26 =	vand.u32 $0xF, v25;
	_ =	swait.ge [sflag:s26], $0x400  }
0x1c7: {  	p1 =	seq.s32 s2, $0x0;
	v27 =	vor.u32 v1, v26;
	[sflag:s26] =	ssyncset.done $0x0  }
0x1c8: {  	s17 =	simm.s32 @!p1 $0x4;
	[sflag:s26] =	ssyncadd.s32 $0xFFFFFC00  }
0x1c9: {  	_ =	swait.ge @!p1 [sflag:s17], $0x1000  }
0x1ca: {  	[sflag:s17] =	ssyncset.done @!p1 $0x0  }
0x1cb: {  	v28 =	vshll.u32 v26, $0x5;
	[sflag:s17] =	ssyncadd.s32 @!p1 $0xFFFFF000  }
0x1cc: {  	v29 =	vor.u32 v0, v28;
	v27 =	vld.idx.msk [tilespmem:v27+s20+$0x0], $0xffff  }
0x1cd: {  	v30 =	vor.u32 v2, v26;
	_ =	sdelay $0x3  }
0x1ce: {  	[tilespmem:v29+s28+$0x0] =	vst.idx.msk $0xffff, v27  }
0x1cf: {  	v27 =	vld.idx.msk [tilespmem:v30+s20+$0x0], $0xffff;
	v30 =	vor.u32 v3, v28  }
0x1d0: {  	v31 =	vor.u32 v4, v25;
	_ =	sdelay $0x1  }
0x1d1: {  	v32 =	vshll.u32 v25, $0x5  }
0x1d2: {  	v33 =	vand.u32 $0x180, v32;
	v34 =	vor.u32 v0, v32  }
0x1d3: {  	[tilespmem:v30+s28+$0x0] =	vst.idx.msk $0xffff, v27;
	v27 =	vor.u32 $0x200, v33;
	v30 =	vand.u32 $0x6F, v34  }
0x1d4: {  	v31 =	vld.idx.msk [tilespmem:v31+s20+$0x0], $0xffff;
	v34 =	vor.u32 v30, v27  }
0x1d5: {  	v35 =	vor.u32 v5, v25;
	_ =	sdelay $0x2  }
0x1d6: {  	v36 =	vor.u32 v6, v32  }
0x1d7: {  	[tilespmem:v34+s28+$0x0] =	vst.idx.msk $0xffff, v31;
	v31 =	vand.u32 $0x7F, v36  }
0x1d8: {  	v34 =	vld.idx.msk [tilespmem:v35+s20+$0x0], $0xffff;
	v27 =	vor.u32 v31, v27  }
0x1d9: {  	v31 =	vor.u32 v7, v26;
	_ =	sdelay $0x2  }
0x1da: {  	v63 =	vand.u32 $0x180, v28  }
0x1db: {  	v29 =	vand.u32 $0x6F, v29;
	[tilespmem:v27+s28+$0x0] =	vst.idx.msk $0xffff, v34;
	v27 =	vor.u32 $0x400, v63  }
0x1dc: {  	v31 =	vld.idx.msk [tilespmem:v31+s20+$0x0], $0xffff;
	v40 =	vor.u32 v29, v27  }
0x1dd: {  	v41 =	vor.u32 v8, v26;
	_ =	sdelay $0x2  }
0x1de: {  	v37 =	vor.u32 v9, v28  }
0x1df: {  	[tilespmem:v40+s28+$0x0] =	vst.idx.msk $0xffff, v31;
	v31 =	vand.u32 $0x7F, v37  }
0x1e0: {  	v34 =	vld.idx.msk [tilespmem:v41+s20+$0x0], $0xffff;
	v27 =	vor.u32 v31, v27  }
0x1e1: {  	v31 =	vor.u32 v10, v25;
	_ =	sdelay $0x3  }
0x1e2: {  	[tilespmem:v27+s28+$0x0] =	vst.idx.msk $0xffff, v34;
	v27 =	vor.u32 $0x600, v33  }
0x1e3: {  	v31 =	vld.idx.msk [tilespmem:v31+s20+$0x0], $0xffff;
	v42 =	vor.u32 v30, v27  }
0x1e4: {  	v43 =	vor.u32 v11, v25;
	_ =	sdelay $0x2  }
0x1e5: {  	v44 =	vor.u32 v12, v32  }
0x1e6: {  	[tilespmem:v42+s28+$0x0] =	vst.idx.msk $0xffff, v31;
	v31 =	vand.u32 $0x7F, v44  }
0x1e7: {  	v34 =	vld.idx.msk [tilespmem:v43+s20+$0x0], $0xffff;
	v27 =	vor.u32 v31, v27  }
0x1e8: {  	v31 =	vor.u32 v13, v26;
	_ =	sdelay $0x3  }
0x1e9: {  	[tilespmem:v27+s28+$0x0] =	vst.idx.msk $0xffff, v34;
	v27 =	vor.u32 $0x800, v63  }
0x1ea: {  	v31 =	vld.idx.msk [tilespmem:v31+s20+$0x0], $0xffff;
	v45 =	vor.u32 v29, v27  }
0x1eb: {  	v46 =	vor.u32 v14, v26;
	_ =	sdelay $0x2  }
0x1ec: {  	v47 =	vor.u32 v15, v28  }
0x1ed: {  	[tilespmem:v45+s28+$0x0] =	vst.idx.msk $0xffff, v31;
	v31 =	vand.u32 $0x7F, v47  }
0x1ee: {  	v34 =	vld.idx.msk [tilespmem:v46+s20+$0x0], $0xffff;
	v27 =	vor.u32 v31, v27  }
0x1ef: {  	v31 =	vor.u32 v16, v25;
	_ =	sdelay $0x3  }
0x1f0: {  	[tilespmem:v27+s28+$0x0] =	vst.idx.msk $0xffff, v34;
	v27 =	vor.u32 $0xA00, v33  }
0x1f1: {  	v31 =	vld.idx.msk [tilespmem:v31+s20+$0x0], $0xffff;
	v48 =	vor.u32 v30, v27  }
0x1f2: {  	v49 =	vor.u32 v17, v25;
	_ =	sdelay $0x2  }
0x1f3: {  	v50 =	vor.u32 v18, v32  }
0x1f4: {  	[tilespmem:v48+s28+$0x0] =	vst.idx.msk $0xffff, v31;
	v31 =	vand.u32 $0x7F, v50  }
0x1f5: {  	v34 =	vld.idx.msk [tilespmem:v49+s20+$0x0], $0xffff;
	v27 =	vor.u32 v31, v27  }
0x1f6: {  	v31 =	vor.u32 v19, v26;
	_ =	sdelay $0x3  }
0x1f7: {  	[tilespmem:v27+s28+$0x0] =	vst.idx.msk $0xffff, v34;
	v27 =	vor.u32 $0xC00, v63  }
0x1f8: {  	v31 =	vld.idx.msk [tilespmem:v31+s20+$0x0], $0xffff;
	v29 =	vor.u32 v29, v27  }
0x1f9: {  	v26 =	vor.u32 v20, v26;
	_ =	sdelay $0x2  }
0x1fa: {  	v28 =	vor.u32 v21, v28  }
0x1fb: {  	v28 =	vand.u32 $0x7F, v28;
	[tilespmem:v29+s28+$0x0] =	vst.idx.msk $0xffff, v31  }
0x1fc: {  	v27 =	vor.u32 v28, v27;
	v26 =	vld.idx.msk [tilespmem:v26+s20+$0x0], $0xffff  }
0x1fd: {  	v28 =	vor.u32 v22, v25;
	_ =	sdelay $0x3  }
0x1fe: {  	[tilespmem:v27+s28+$0x0] =	vst.idx.msk $0xffff, v26;
	v26 =	vor.u32 $0xE00, v33  }
0x1ff: {  	v27 =	vld.idx.msk [tilespmem:v28+s20+$0x0], $0xffff;
	v28 =	vor.u32 v30, v26  }
0x200: {  	v25 =	vor.u32 v23, v25;
	_ =	sdelay $0x2  }
0x201: {  	s19 =	simm.s32 $0x1;
	v29 =	vor.u32 v24, v32  }
0x202: {  	[tilespmem:v28+s28+$0x0] =	vst.idx.msk $0xffff, v27;
	v27 =	vand.u32 $0x7F, v29;
	v28 =	vadd.s32 s19, v0  }
0x203: {  	v25 =	vld.idx.msk [tilespmem:v25+s20+$0x0], $0xffff;
	v26 =	vor.u32 v27, v26;
	v27 =	vand.u32 $0xF, v28  }
0x204: {  	v28 =	vor.u32 v1, v27;
	_ =	sdelay $0x3  }
0x205: {  	[tilespmem:v26+s28+$0x0] =	vst.idx.msk $0xffff, v25;
	v25 =	vshll.u32 v27, $0x5  }
0x206: {  	v26 =	vld.idx.msk [tilespmem:v28+s20+$0x0], $0xffff;
	v28 =	vor.u32 v0, v25  }
0x207: {  	v29 =	vor.u32 v2, v27;
	_ =	sdelay $0x3  }
0x208: {  	[tilespmem:v28+s28+$0x0] =	vst.idx.msk $0xffff, v26  }
0x209: {  	v26 =	vld.idx.msk [tilespmem:v29+s20+$0x0], $0xffff;
	v29 =	vor.u32 v3, v25  }
0x20a: {  	v30 =	vor.u32 v4, v27;
	_ =	sdelay $0x2  }
0x20b: {  	v31 =	vand.u32 $0x180, v25  }
0x20c: {  	v28 =	vand.u32 $0x6F, v28;
	[tilespmem:v29+s28+$0x0] =	vst.idx.msk $0xffff, v26;
	v26 =	vor.u32 $0x200, v31  }
0x20d: {  	v29 =	vld.idx.msk [tilespmem:v30+s20+$0x0], $0xffff;
	v30 =	vor.u32 v28, v26  }
0x20e: {  	v51 =	vor.u32 v5, v27;
	_ =	sdelay $0x2  }
0x20f: {  	v52 =	vor.u32 v6, v25  }
0x210: {  	[tilespmem:v30+s28+$0x0] =	vst.idx.msk $0xffff, v29;
	v29 =	vand.u32 $0x7F, v52  }
0x211: {  	v30 =	vld.idx.msk [tilespmem:v51+s20+$0x0], $0xffff;
	v26 =	vor.u32 v29, v26  }
0x212: {  	v29 =	vor.u32 v7, v27;
	_ =	sdelay $0x3  }
0x213: {  	[tilespmem:v26+s28+$0x0] =	vst.idx.msk $0xffff, v30;
	v26 =	vor.u32 $0x400, v31  }
0x214: {  	v29 =	vld.idx.msk [tilespmem:v29+s20+$0x0], $0xffff;
	v30 =	vor.u32 v28, v26  }
0x215: {  	v53 =	vor.u32 v8, v27;
	_ =	sdelay $0x2  }
0x216: {  	v54 =	vor.u32 v9, v25  }
0x217: {  	[tilespmem:v30+s28+$0x0] =	vst.idx.msk $0xffff, v29;
	v29 =	vand.u32 $0x7F, v54  }
0x218: {  	v30 =	vld.idx.msk [tilespmem:v53+s20+$0x0], $0xffff;
	v26 =	vor.u32 v29, v26  }
0x219: {  	v29 =	vor.u32 v10, v27;
	_ =	sdelay $0x3  }
0x21a: {  	[tilespmem:v26+s28+$0x0] =	vst.idx.msk $0xffff, v30;
	v26 =	vor.u32 $0x600, v31  }
0x21b: {  	v29 =	vld.idx.msk [tilespmem:v29+s20+$0x0], $0xffff;
	v30 =	vor.u32 v28, v26  }
0x21c: {  	v55 =	vor.u32 v11, v27;
	_ =	sdelay $0x2  }
0x21d: {  	v56 =	vor.u32 v12, v25  }
0x21e: {  	[tilespmem:v30+s28+$0x0] =	vst.idx.msk $0xffff, v29;
	v29 =	vand.u32 $0x7F, v56  }
0x21f: {  	v30 =	vld.idx.msk [tilespmem:v55+s20+$0x0], $0xffff;
	v26 =	vor.u32 v29, v26  }
0x220: {  	v29 =	vor.u32 v13, v27;
	_ =	sdelay $0x3  }
0x221: {  	[tilespmem:v26+s28+$0x0] =	vst.idx.msk $0xffff, v30;
	v26 =	vor.u32 $0x800, v31  }
0x222: {  	v29 =	vld.idx.msk [tilespmem:v29+s20+$0x0], $0xffff;
	v30 =	vor.u32 v28, v26  }
0x223: {  	v57 =	vor.u32 v14, v27;
	_ =	sdelay $0x2  }
0x224: {  	v58 =	vor.u32 v15, v25  }
0x225: {  	[tilespmem:v30+s28+$0x0] =	vst.idx.msk $0xffff, v29;
	v29 =	vand.u32 $0x7F, v58  }
0x226: {  	v30 =	vld.idx.msk [tilespmem:v57+s20+$0x0], $0xffff;
	v26 =	vor.u32 v29, v26  }
0x227: {  	v29 =	vor.u32 v16, v27;
	_ =	sdelay $0x3  }
0x228: {  	[tilespmem:v26+s28+$0x0] =	vst.idx.msk $0xffff, v30;
	v26 =	vor.u32 $0xA00, v31  }
0x229: {  	v29 =	vld.idx.msk [tilespmem:v29+s20+$0x0], $0xffff;
	v30 =	vor.u32 v28, v26  }
0x22a: {  	v59 =	vor.u32 v17, v27;
	_ =	sdelay $0x2  }
0x22b: {  	v60 =	vor.u32 v18, v25  }
0x22c: {  	[tilespmem:v30+s28+$0x0] =	vst.idx.msk $0xffff, v29;
	v29 =	vand.u32 $0x7F, v60  }
0x22d: {  	v30 =	vld.idx.msk [tilespmem:v59+s20+$0x0], $0xffff;
	v26 =	vor.u32 v29, v26  }
0x22e: {  	v29 =	vor.u32 v19, v27;
	_ =	sdelay $0x3  }
0x22f: {  	[tilespmem:v26+s28+$0x0] =	vst.idx.msk $0xffff, v30;
	v26 =	vor.u32 $0xC00, v31  }
0x230: {  	v29 =	vld.idx.msk [tilespmem:v29+s20+$0x0], $0xffff;
	v30 =	vor.u32 v28, v26  }
0x231: {  	v61 =	vor.u32 v20, v27;
	_ =	sdelay $0x2  }
0x232: {  	v62 =	vor.u32 v21, v25  }
0x233: {  	[tilespmem:v30+s28+$0x0] =	vst.idx.msk $0xffff, v29;
	v29 =	vand.u32 $0x7F, v62  }
0x234: {  	v30 =	vld.idx.msk [tilespmem:v61+s20+$0x0], $0xffff;
	v26 =	vor.u32 v29, v26  }
0x235: {  	v63 =	vor.u32 v22, v27;
	_ =	sdelay $0x3  }
0x236: {  	v29 =	vor.u32 $0xE00, v31;
	[tilespmem:v26+s28+$0x0] =	vst.idx.msk $0xffff, v30  }
0x237: {  	v28 =	vor.u32 v28, v29;
	v26 =	vld.idx.msk [tilespmem:v63+s20+$0x0], $0xffff  }
0x238: {  	v27 =	vor.u32 v23, v27;
	_ =	sdelay $0x3  }
0x239: {  	s17 =	simm.s32 $0x2;
	[tilespmem:v28+s28+$0x0] =	vst.idx.msk $0xffff, v26;
	v28 =	vor.u32 v24, v25  }
0x23a: {  	s18 =	simm.s32 $0x4;
	v25 =	vadd.s32 s17, v0;
	v26 =	vld.idx.msk [tilespmem:v27+s20+$0x0], $0xffff;
	v28 =	vand.u32 $0x7F, v28  }
.LBB2_8:
0x23b: {  	p1 =	sne.s32 s18, $0xE;
	v27 =	vand.u32 $0xF, v25;
	v28 =	vor.u32 v28, v29  }
0x23c: {  	v29 =	vor.u32 v1, v27;
	_ =	sdelay $0x3  }
0x23d: {  	[tilespmem:v28+s28+$0x0] =	vst.idx.msk $0xffff, v26  }
0x23e: {  	v28 =	vshll.u32 v27, $0x5;
	v26 =	vld.idx.msk [tilespmem:v29+s20+$0x0], $0xffff  }
0x23f: {  	v31 =	vor.u32 v0, v28  }
0x240: {  	v29 =	vor.u32 v2, v27;
	_ =	sdelay $0x3  }
0x241: {  	[tilespmem:v31+s28+$0x0] =	vst.idx.msk $0xffff, v26  }
0x242: {  	v29 =	vld.idx.msk [tilespmem:v29+s20+$0x0], $0xffff  }
0x243: {  	v30 =	vor.u32 v3, v28  }
0x244: {  	v32 =	vor.u32 v4, v25;
	_ =	sdelay $0x2  }
0x245: {  	v26 =	vshll.u32 v25, $0x5  }
0x246: {  	[tilespmem:v30+s28+$0x0] =	vst.idx.msk $0xffff, v29;
	v29 =	vand.u32 $0x180, v26;
	v30 =	vor.u32 v0, v26  }
0x247: {  	v32 =	vld.idx.msk [tilespmem:v32+s20+$0x0], $0xffff;
	v33 =	vor.u32 $0x200, v29;
	v30 =	vand.u32 $0x6F, v30  }
0x248: {  	v34 =	vor.u32 v30, v33  }
0x249: {  	v35 =	vor.u32 v5, v25;
	_ =	sdelay $0x3  }
0x24a: {  	[tilespmem:v34+s28+$0x0] =	vst.idx.msk $0xffff, v32;
	v32 =	vor.u32 v6, v26  }
0x24b: {  	v34 =	vld.idx.msk [tilespmem:v35+s20+$0x0], $0xffff;
	v32 =	vand.u32 $0x7F, v32  }
0x24c: {  	v32 =	vor.u32 v32, v33  }
0x24d: {  	v33 =	vor.u32 v7, v27;
	_ =	sdelay $0x3  }
0x24e: {  	[tilespmem:v32+s28+$0x0] =	vst.idx.msk $0xffff, v34;
	v32 =	vand.u32 $0x180, v28  }
0x24f: {  	v31 =	vand.u32 $0x6F, v31;
	v33 =	vld.idx.msk [tilespmem:v33+s20+$0x0], $0xffff;
	v34 =	vor.u32 $0x400, v32  }
0x250: {  	v35 =	vor.u32 v31, v34  }
0x251: {  	v36 =	vor.u32 v8, v27;
	_ =	sdelay $0x3  }
0x252: {  	[tilespmem:v35+s28+$0x0] =	vst.idx.msk $0xffff, v33;
	v33 =	vor.u32 v9, v28  }
0x253: {  	v35 =	vld.idx.msk [tilespmem:v36+s20+$0x0], $0xffff;
	v33 =	vand.u32 $0x7F, v33  }
0x254: {  	v33 =	vor.u32 v33, v34  }
0x255: {  	v34 =	vor.u32 v10, v25;
	_ =	sdelay $0x3  }
0x256: {  	[tilespmem:v33+s28+$0x0] =	vst.idx.msk $0xffff, v35  }
0x257: {  	v33 =	vld.idx.msk [tilespmem:v34+s20+$0x0], $0xffff;
	v34 =	vor.u32 $0x600, v29  }
0x258: {  	v35 =	vor.u32 v30, v34  }
0x259: {  	v36 =	vor.u32 v11, v25;
	_ =	sdelay $0x3  }
0x25a: {  	[tilespmem:v35+s28+$0x0] =	vst.idx.msk $0xffff, v33;
	v33 =	vor.u32 v12, v26  }
0x25b: {  	v35 =	vld.idx.msk [tilespmem:v36+s20+$0x0], $0xffff;
	v33 =	vand.u32 $0x7F, v33  }
0x25c: {  	v33 =	vor.u32 v33, v34  }
0x25d: {  	v34 =	vor.u32 v13, v27;
	_ =	sdelay $0x3  }
0x25e: {  	[tilespmem:v33+s28+$0x0] =	vst.idx.msk $0xffff, v35  }
0x25f: {  	v33 =	vld.idx.msk [tilespmem:v34+s20+$0x0], $0xffff;
	v34 =	vor.u32 $0x800, v32  }
0x260: {  	v35 =	vor.u32 v31, v34  }
0x261: {  	v36 =	vor.u32 v14, v27;
	_ =	sdelay $0x3  }
0x262: {  	[tilespmem:v35+s28+$0x0] =	vst.idx.msk $0xffff, v33;
	v33 =	vor.u32 v15, v28  }
0x263: {  	v35 =	vld.idx.msk [tilespmem:v36+s20+$0x0], $0xffff;
	v33 =	vand.u32 $0x7F, v33  }
0x264: {  	v33 =	vor.u32 v33, v34  }
0x265: {  	v34 =	vor.u32 v16, v25;
	_ =	sdelay $0x3  }
0x266: {  	[tilespmem:v33+s28+$0x0] =	vst.idx.msk $0xffff, v35  }
0x267: {  	v33 =	vld.idx.msk [tilespmem:v34+s20+$0x0], $0xffff;
	v34 =	vor.u32 $0xA00, v29  }
0x268: {  	v35 =	vor.u32 v30, v34  }
0x269: {  	v36 =	vor.u32 v17, v25;
	_ =	sdelay $0x3  }
0x26a: {  	[tilespmem:v35+s28+$0x0] =	vst.idx.msk $0xffff, v33;
	v33 =	vor.u32 v18, v26  }
0x26b: {  	v35 =	vld.idx.msk [tilespmem:v36+s20+$0x0], $0xffff;
	v33 =	vand.u32 $0x7F, v33  }
0x26c: {  	v33 =	vor.u32 v33, v34  }
0x26d: {  	v34 =	vor.u32 v19, v27;
	_ =	sdelay $0x3  }
0x26e: {  	[tilespmem:v33+s28+$0x0] =	vst.idx.msk $0xffff, v35  }
0x26f: {  	v32 =	vor.u32 $0xC00, v32;
	v33 =	vld.idx.msk [tilespmem:v34+s20+$0x0], $0xffff  }
0x270: {  	v31 =	vor.u32 v31, v32  }
0x271: {  	v27 =	vor.u32 v20, v27;
	_ =	sdelay $0x3  }
0x272: {  	v28 =	vor.u32 v21, v28;
	[tilespmem:v31+s28+$0x0] =	vst.idx.msk $0xffff, v33  }
0x273: {  	v28 =	vand.u32 $0x7F, v28;
	v27 =	vld.idx.msk [tilespmem:v27+s20+$0x0], $0xffff  }
0x274: {  	v28 =	vor.u32 v28, v32  }
0x275: {  	v31 =	vor.u32 v22, v25;
	_ =	sdelay $0x3  }
0x276: {  	[tilespmem:v28+s28+$0x0] =	vst.idx.msk $0xffff, v27  }
0x277: {  	v28 =	vor.u32 $0xE00, v29;
	v27 =	vld.idx.msk [tilespmem:v31+s20+$0x0], $0xffff  }
0x278: {  	v29 =	vor.u32 v30, v28  }
0x279: {  	v25 =	vor.u32 v23, v25;
	_ =	sdelay $0x3  }
0x27a: {  	s19 =	sadd.s32 $0x1, s17;
	s17 =	smov.u32 s18;
	v26 =	vor.u32 v24, v26;
	[tilespmem:v29+s28+$0x0] =	vst.idx.msk $0xffff, v27  }
0x27b: {  	v27 =	vld.idx.msk [tilespmem:v25+s20+$0x0], $0xffff;
	v25 =	vand.u32 $0x7F, v26;
	v26 =	vadd.s32 s19, v0  }
0x27c: {  	v28 =	vor.u32 v25, v28;
	v25 =	vand.u32 $0xF, v26  }
0x27d: {  	v26 =	vor.u32 v1, v25;
	_ =	sdelay $0x3  }
0x27e: {  	[tilespmem:v28+s28+$0x0] =	vst.idx.msk $0xffff, v27  }
0x27f: {  	v27 =	vld.idx.msk [tilespmem:v26+s20+$0x0], $0xffff;
	v26 =	vshll.u32 v25, $0x5  }
0x280: {  	v28 =	vor.u32 v0, v26  }
0x281: {  	v29 =	vor.u32 v2, v25;
	_ =	sdelay $0x3  }
0x282: {  	[tilespmem:v28+s28+$0x0] =	vst.idx.msk $0xffff, v27  }
0x283: {  	v27 =	vld.idx.msk [tilespmem:v29+s20+$0x0], $0xffff  }
0x284: {  	v29 =	vor.u32 v3, v26  }
0x285: {  	v30 =	vor.u32 v4, v25;
	_ =	sdelay $0x3  }
0x286: {  	[tilespmem:v29+s28+$0x0] =	vst.idx.msk $0xffff, v27;
	v27 =	vand.u32 $0x180, v26  }
0x287: {  	v28 =	vand.u32 $0x6F, v28;
	v29 =	vld.idx.msk [tilespmem:v30+s20+$0x0], $0xffff;
	v30 =	vor.u32 $0x200, v27  }
0x288: {  	v31 =	vor.u32 v28, v30  }
0x289: {  	v32 =	vor.u32 v5, v25;
	_ =	sdelay $0x3  }
0x28a: {  	[tilespmem:v31+s28+$0x0] =	vst.idx.msk $0xffff, v29;
	v29 =	vor.u32 v6, v26  }
0x28b: {  	v31 =	vld.idx.msk [tilespmem:v32+s20+$0x0], $0xffff;
	v29 =	vand.u32 $0x7F, v29  }
0x28c: {  	v29 =	vor.u32 v29, v30  }
0x28d: {  	v30 =	vor.u32 v7, v25;
	_ =	sdelay $0x3  }
0x28e: {  	[tilespmem:v29+s28+$0x0] =	vst.idx.msk $0xffff, v31  }
0x28f: {  	v29 =	vld.idx.msk [tilespmem:v30+s20+$0x0], $0xffff;
	v30 =	vor.u32 $0x400, v27  }
0x290: {  	v31 =	vor.u32 v28, v30  }
0x291: {  	v32 =	vor.u32 v8, v25;
	_ =	sdelay $0x3  }
0x292: {  	[tilespmem:v31+s28+$0x0] =	vst.idx.msk $0xffff, v29;
	v29 =	vor.u32 v9, v26  }
0x293: {  	v31 =	vld.idx.msk [tilespmem:v32+s20+$0x0], $0xffff;
	v29 =	vand.u32 $0x7F, v29  }
0x294: {  	v29 =	vor.u32 v29, v30  }
0x295: {  	v30 =	vor.u32 v10, v25;
	_ =	sdelay $0x3  }
0x296: {  	[tilespmem:v29+s28+$0x0] =	vst.idx.msk $0xffff, v31  }
0x297: {  	v29 =	vld.idx.msk [tilespmem:v30+s20+$0x0], $0xffff;
	v30 =	vor.u32 $0x600, v27  }
0x298: {  	v31 =	vor.u32 v28, v30  }
0x299: {  	v32 =	vor.u32 v11, v25;
	_ =	sdelay $0x3  }
0x29a: {  	[tilespmem:v31+s28+$0x0] =	vst.idx.msk $0xffff, v29;
	v29 =	vor.u32 v12, v26  }
0x29b: {  	v31 =	vld.idx.msk [tilespmem:v32+s20+$0x0], $0xffff;
	v29 =	vand.u32 $0x7F, v29  }
0x29c: {  	v29 =	vor.u32 v29, v30  }
0x29d: {  	v30 =	vor.u32 v13, v25;
	_ =	sdelay $0x3  }
0x29e: {  	[tilespmem:v29+s28+$0x0] =	vst.idx.msk $0xffff, v31  }
0x29f: {  	v29 =	vld.idx.msk [tilespmem:v30+s20+$0x0], $0xffff;
	v30 =	vor.u32 $0x800, v27  }
0x2a0: {  	v31 =	vor.u32 v28, v30  }
0x2a1: {  	v32 =	vor.u32 v14, v25;
	_ =	sdelay $0x3  }
0x2a2: {  	[tilespmem:v31+s28+$0x0] =	vst.idx.msk $0xffff, v29;
	v29 =	vor.u32 v15, v26  }
0x2a3: {  	v31 =	vld.idx.msk [tilespmem:v32+s20+$0x0], $0xffff;
	v29 =	vand.u32 $0x7F, v29  }
0x2a4: {  	v29 =	vor.u32 v29, v30  }
0x2a5: {  	v30 =	vor.u32 v16, v25;
	_ =	sdelay $0x3  }
0x2a6: {  	[tilespmem:v29+s28+$0x0] =	vst.idx.msk $0xffff, v31  }
0x2a7: {  	v29 =	vld.idx.msk [tilespmem:v30+s20+$0x0], $0xffff;
	v30 =	vor.u32 $0xA00, v27  }
0x2a8: {  	v31 =	vor.u32 v28, v30  }
0x2a9: {  	v32 =	vor.u32 v17, v25;
	_ =	sdelay $0x3  }
0x2aa: {  	[tilespmem:v31+s28+$0x0] =	vst.idx.msk $0xffff, v29;
	v29 =	vor.u32 v18, v26  }
0x2ab: {  	v31 =	vld.idx.msk [tilespmem:v32+s20+$0x0], $0xffff;
	v29 =	vand.u32 $0x7F, v29  }
0x2ac: {  	v29 =	vor.u32 v29, v30  }
0x2ad: {  	v30 =	vor.u32 v19, v25;
	_ =	sdelay $0x3  }
0x2ae: {  	[tilespmem:v29+s28+$0x0] =	vst.idx.msk $0xffff, v31  }
0x2af: {  	v29 =	vld.idx.msk [tilespmem:v30+s20+$0x0], $0xffff;
	v30 =	vor.u32 $0xC00, v27  }
0x2b0: {  	v31 =	vor.u32 v28, v30  }
0x2b1: {  	v32 =	vor.u32 v20, v25;
	_ =	sdelay $0x3  }
0x2b2: {  	[tilespmem:v31+s28+$0x0] =	vst.idx.msk $0xffff, v29;
	v29 =	vor.u32 v21, v26  }
0x2b3: {  	v31 =	vld.idx.msk [tilespmem:v32+s20+$0x0], $0xffff;
	v29 =	vand.u32 $0x7F, v29  }
0x2b4: {  	v29 =	vor.u32 v29, v30  }
0x2b5: {  	v30 =	vor.u32 v22, v25;
	_ =	sdelay $0x3  }
0x2b6: {  	[tilespmem:v29+s28+$0x0] =	vst.idx.msk $0xffff, v31  }
0x2b7: {  	v29 =	vor.u32 $0xE00, v27;
	v30 =	vld.idx.msk [tilespmem:v30+s20+$0x0], $0xffff  }
0x2b8: {  	v27 =	vor.u32 v28, v29  }
0x2b9: {  	v28 =	vor.u32 v23, v25  }
.Ltmp7:
0x2ba: {  	(pc) =	sbr.rel @p1 .LBB2_8-.Ltmp7, $3  }
0x2bb: {  	_ =	sdelay $0x1  }
0x2bc: {  	[tilespmem:v27+s28+$0x0] =	vst.idx.msk $0xffff, v30;
	v27 =	vor.u32 v24, v26  }
0x2bd: {  	s18 =	sadd.s32 $0x2, s18;
	v25 =	vadd.s32 s17, v0;
	v26 =	vld.idx.msk [tilespmem:v28+s20+$0x0], $0xffff;
	v28 =	vand.u32 $0x7F, v27  }
0x2be: {  	v27 =	vand.u32 $0xF, v25;
	v28 =	vor.u32 v28, v29  }
0x2bf: {  	v48 =	vor.u32 v1, v27;
	_ =	sdelay $0x3  }
0x2c0: {  	[tilespmem:v28+s28+$0x0] =	vst.idx.msk $0xffff, v26;
	v26 =	vshll.u32 v27, $0x5  }
0x2c1: {  	v28 =	vld.idx.msk [tilespmem:v48+s20+$0x0], $0xffff;
	v49 =	vor.u32 v0, v26  }
0x2c2: {  	v30 =	vor.u32 v2, v27;
	_ =	sdelay $0x3  }
0x2c3: {  	[tilespmem:v49+s28+$0x0] =	vst.idx.msk $0xffff, v28  }
0x2c4: {  	v50 =	vor.u32 v3, v26;
	v28 =	vld.idx.msk [tilespmem:v30+s20+$0x0], $0xffff  }
0x2c5: {  	v31 =	vor.u32 v4, v25;
	_ =	sdelay $0x1  }
0x2c6: {  	v32 =	vshll.u32 v25, $0x5  }
0x2c7: {  	v33 =	vand.u32 $0x180, v32;
	v34 =	vor.u32 v0, v32  }
0x2c8: {  	v51 =	vor.u32 $0x200, v33;
	v30 =	vand.u32 $0x6F, v34;
	[tilespmem:v50+s28+$0x0] =	vst.idx.msk $0xffff, v28  }
0x2c9: {  	v34 =	vor.u32 v30, v51;
	v31 =	vld.idx.msk [tilespmem:v31+s20+$0x0], $0xffff  }
0x2ca: {  	v35 =	vor.u32 v5, v25;
	_ =	sdelay $0x2  }
0x2cb: {  	v36 =	vor.u32 v6, v32  }
0x2cc: {  	v52 =	vand.u32 $0x7F, v36;
	[tilespmem:v34+s28+$0x0] =	vst.idx.msk $0xffff, v31  }
0x2cd: {  	v28 =	vor.u32 v52, v51;
	v34 =	vld.idx.msk [tilespmem:v35+s20+$0x0], $0xffff  }
0x2ce: {  	v53 =	vor.u32 v7, v27;
	_ =	sdelay $0x2  }
0x2cf: {  	v54 =	vand.u32 $0x180, v26  }
0x2d0: {  	v55 =	vor.u32 $0x400, v54;
	v29 =	vand.u32 $0x6F, v49;
	[tilespmem:v28+s28+$0x0] =	vst.idx.msk $0xffff, v34  }
0x2d1: {  	v56 =	vor.u32 v29, v55;
	v31 =	vld.idx.msk [tilespmem:v53+s20+$0x0], $0xffff  }
0x2d2: {  	v57 =	vor.u32 v8, v27;
	_ =	sdelay $0x2  }
0x2d3: {  	v37 =	vor.u32 v9, v26  }
0x2d4: {  	v58 =	vand.u32 $0x7F, v37;
	[tilespmem:v56+s28+$0x0] =	vst.idx.msk $0xffff, v31  }
0x2d5: {  	v28 =	vor.u32 v58, v55;
	v34 =	vld.idx.msk [tilespmem:v57+s20+$0x0], $0xffff  }
0x2d6: {  	v59 =	vor.u32 v10, v25;
	_ =	sdelay $0x3  }
0x2d7: {  	v60 =	vor.u32 $0x600, v33;
	[tilespmem:v28+s28+$0x0] =	vst.idx.msk $0xffff, v34  }
0x2d8: {  	v61 =	vor.u32 v30, v60;
	v31 =	vld.idx.msk [tilespmem:v59+s20+$0x0], $0xffff  }
0x2d9: {  	v62 =	vor.u32 v11, v25;
	_ =	sdelay $0x2  }
0x2da: {  	v63 =	vor.u32 v12, v32  }
0x2db: {  	v39 =	vand.u32 $0x7F, v63;
	[tilespmem:v61+s28+$0x0] =	vst.idx.msk $0xffff, v31  }
0x2dc: {  	v28 =	vor.u32 v39, v60;
	v34 =	vld.idx.msk [tilespmem:v62+s20+$0x0], $0xffff  }
0x2dd: {  	v40 =	vor.u32 v13, v27;
	_ =	sdelay $0x3  }
0x2de: {  	v41 =	vor.u32 $0x800, v54;
	[tilespmem:v28+s28+$0x0] =	vst.idx.msk $0xffff, v34  }
0x2df: {  	v42 =	vor.u32 v29, v41;
	v31 =	vld.idx.msk [tilespmem:v40+s20+$0x0], $0xffff  }
0x2e0: {  	v43 =	vor.u32 v14, v27;
	_ =	sdelay $0x2  }
0x2e1: {  	v44 =	vor.u32 v15, v26  }
0x2e2: {  	v45 =	vand.u32 $0x7F, v44;
	[tilespmem:v42+s28+$0x0] =	vst.idx.msk $0xffff, v31  }
0x2e3: {  	v28 =	vor.u32 v45, v41;
	v34 =	vld.idx.msk [tilespmem:v43+s20+$0x0], $0xffff  }
0x2e4: {  	v46 =	vor.u32 v16, v25;
	_ =	sdelay $0x3  }
0x2e5: {  	v47 =	vor.u32 $0xA00, v33;
	[tilespmem:v28+s28+$0x0] =	vst.idx.msk $0xffff, v34  }
0x2e6: {  	v48 =	vor.u32 v30, v47;
	v31 =	vld.idx.msk [tilespmem:v46+s20+$0x0], $0xffff  }
0x2e7: {  	v49 =	vor.u32 v17, v25;
	_ =	sdelay $0x2  }
0x2e8: {  	v50 =	vor.u32 v18, v32  }
0x2e9: {  	v51 =	vand.u32 $0x7F, v50;
	[tilespmem:v48+s28+$0x0] =	vst.idx.msk $0xffff, v31  }
0x2ea: {  	v28 =	vor.u32 v51, v47;
	v34 =	vld.idx.msk [tilespmem:v49+s20+$0x0], $0xffff  }
0x2eb: {  	v52 =	vor.u32 v19, v27;
	_ =	sdelay $0x3  }
0x2ec: {  	v53 =	vor.u32 $0xC00, v54;
	[tilespmem:v28+s28+$0x0] =	vst.idx.msk $0xffff, v34  }
0x2ed: {  	v29 =	vor.u32 v29, v53;
	v31 =	vld.idx.msk [tilespmem:v52+s20+$0x0], $0xffff  }
0x2ee: {  	v27 =	vor.u32 v20, v27;
	_ =	sdelay $0x2  }
0x2ef: {  	v26 =	vor.u32 v21, v26  }
0x2f0: {  	v26 =	vand.u32 $0x7F, v26;
	[tilespmem:v29+s28+$0x0] =	vst.idx.msk $0xffff, v31  }
0x2f1: {  	v26 =	vor.u32 v26, v53;
	v27 =	vld.idx.msk [tilespmem:v27+s20+$0x0], $0xffff  }
0x2f2: {  	v54 =	vor.u32 v22, v25;
	_ =	sdelay $0x3  }
0x2f3: {  	[tilespmem:v26+s28+$0x0] =	vst.idx.msk $0xffff, v27;
	v26 =	vor.u32 $0xE00, v33  }
0x2f4: {  	v27 =	vld.idx.msk [tilespmem:v54+s20+$0x0], $0xffff;
	v55 =	vor.u32 v30, v26  }
0x2f5: {  	v25 =	vor.u32 v23, v25;
	_ =	sdelay $0x2  }
0x2f6: {  	s17 =	sadd.s32 $0x1, s17;
	v56 =	vor.u32 v24, v32  }
0x2f7: {  	v57 =	vadd.s32 s17, v0;
	[tilespmem:v55+s28+$0x0] =	vst.idx.msk $0xffff, v27;
	v27 =	vand.u32 $0x7F, v56  }
0x2f8: {  	v25 =	vld.idx.msk [tilespmem:v25+s20+$0x0], $0xffff;
	v26 =	vor.u32 v27, v26;
	v27 =	vand.u32 $0xF, v57  }
0x2f9: {  	v28 =	vor.u32 v1, v27;
	_ =	sdelay $0x3  }
0x2fa: {  	[tilespmem:v26+s28+$0x0] =	vst.idx.msk $0xffff, v25;
	v25 =	vshll.u32 v27, $0x5  }
0x2fb: {  	v26 =	vld.idx.msk [tilespmem:v28+s20+$0x0], $0xffff;
	v58 =	vor.u32 v0, v25  }
0x2fc: {  	v59 =	vor.u32 v2, v27;
	_ =	sdelay $0x3  }
0x2fd: {  	[tilespmem:v58+s28+$0x0] =	vst.idx.msk $0xffff, v26  }
0x2fe: {  	v60 =	vor.u32 v3, v25;
	v26 =	vld.idx.msk [tilespmem:v59+s20+$0x0], $0xffff  }
0x2ff: {  	v61 =	vor.u32 v4, v27;
	_ =	sdelay $0x2  }
0x300: {  	v31 =	vand.u32 $0x180, v25  }
0x301: {  	v28 =	vand.u32 $0x6F, v58;
	[tilespmem:v60+s28+$0x0] =	vst.idx.msk $0xffff, v26;
	v26 =	vor.u32 $0x200, v31  }
0x302: {  	v29 =	vld.idx.msk [tilespmem:v61+s20+$0x0], $0xffff;
	v62 =	vor.u32 v28, v26  }
0x303: {  	v63 =	vor.u32 v5, v27;
	_ =	sdelay $0x2  }
0x304: {  	v36 =	vor.u32 v6, v25  }
0x305: {  	v37 =	vand.u32 $0x7F, v36;
	[tilespmem:v62+s28+$0x0] =	vst.idx.msk $0xffff, v29  }
0x306: {  	v26 =	vor.u32 v37, v26;
	v30 =	vld.idx.msk [tilespmem:v63+s20+$0x0], $0xffff  }
0x307: {  	v38 =	vor.u32 v7, v27;
	_ =	sdelay $0x3  }
0x308: {  	[tilespmem:v26+s28+$0x0] =	vst.idx.msk $0xffff, v30;
	v26 =	vor.u32 $0x400, v31  }
0x309: {  	v29 =	vld.idx.msk [tilespmem:v38+s20+$0x0], $0xffff;
	v39 =	vor.u32 v28, v26  }
0x30a: {  	v40 =	vor.u32 v8, v27;
	_ =	sdelay $0x2  }
0x30b: {  	v41 =	vor.u32 v9, v25  }
0x30c: {  	v42 =	vand.u32 $0x7F, v41;
	[tilespmem:v39+s28+$0x0] =	vst.idx.msk $0xffff, v29  }
0x30d: {  	v26 =	vor.u32 v42, v26;
	v30 =	vld.idx.msk [tilespmem:v40+s20+$0x0], $0xffff  }
0x30e: {  	v43 =	vor.u32 v10, v27;
	_ =	sdelay $0x3  }
0x30f: {  	[tilespmem:v26+s28+$0x0] =	vst.idx.msk $0xffff, v30;
	v26 =	vor.u32 $0x600, v31  }
0x310: {  	v29 =	vld.idx.msk [tilespmem:v43+s20+$0x0], $0xffff;
	v44 =	vor.u32 v28, v26  }
0x311: {  	v45 =	vor.u32 v11, v27;
	_ =	sdelay $0x2  }
0x312: {  	v46 =	vor.u32 v12, v25  }
0x313: {  	v47 =	vand.u32 $0x7F, v46;
	[tilespmem:v44+s28+$0x0] =	vst.idx.msk $0xffff, v29  }
0x314: {  	v26 =	vor.u32 v47, v26;
	v30 =	vld.idx.msk [tilespmem:v45+s20+$0x0], $0xffff  }
0x315: {  	v48 =	vor.u32 v13, v27;
	_ =	sdelay $0x3  }
0x316: {  	[tilespmem:v26+s28+$0x0] =	vst.idx.msk $0xffff, v30;
	v26 =	vor.u32 $0x800, v31  }
0x317: {  	v29 =	vld.idx.msk [tilespmem:v48+s20+$0x0], $0xffff;
	v49 =	vor.u32 v28, v26  }
0x318: {  	v50 =	vor.u32 v14, v27;
	_ =	sdelay $0x2  }
0x319: {  	v51 =	vor.u32 v15, v25  }
0x31a: {  	v52 =	vand.u32 $0x7F, v51;
	[tilespmem:v49+s28+$0x0] =	vst.idx.msk $0xffff, v29  }
0x31b: {  	v26 =	vor.u32 v52, v26;
	v30 =	vld.idx.msk [tilespmem:v50+s20+$0x0], $0xffff  }
0x31c: {  	v53 =	vor.u32 v16, v27;
	_ =	sdelay $0x3  }
0x31d: {  	[tilespmem:v26+s28+$0x0] =	vst.idx.msk $0xffff, v30;
	v26 =	vor.u32 $0xA00, v31  }
0x31e: {  	v29 =	vld.idx.msk [tilespmem:v53+s20+$0x0], $0xffff;
	v54 =	vor.u32 v28, v26  }
0x31f: {  	v55 =	vor.u32 v17, v27;
	_ =	sdelay $0x2  }
0x320: {  	v56 =	vor.u32 v18, v25  }
0x321: {  	v57 =	vand.u32 $0x7F, v56;
	[tilespmem:v54+s28+$0x0] =	vst.idx.msk $0xffff, v29  }
0x322: {  	v26 =	vor.u32 v57, v26;
	v30 =	vld.idx.msk [tilespmem:v55+s20+$0x0], $0xffff  }
0x323: {  	v58 =	vor.u32 v19, v27;
	_ =	sdelay $0x3  }
0x324: {  	[tilespmem:v26+s28+$0x0] =	vst.idx.msk $0xffff, v30;
	v26 =	vor.u32 $0xC00, v31  }
0x325: {  	v29 =	vld.idx.msk [tilespmem:v58+s20+$0x0], $0xffff;
	v59 =	vor.u32 v28, v26  }
0x326: {  	v60 =	vor.u32 v20, v27;
	_ =	sdelay $0x2  }
0x327: {  	v61 =	vor.u32 v21, v25  }
0x328: {  	v62 =	vand.u32 $0x7F, v61;
	[tilespmem:v59+s28+$0x0] =	vst.idx.msk $0xffff, v29  }
0x329: {  	v26 =	vor.u32 v62, v26;
	v30 =	vld.idx.msk [tilespmem:v60+s20+$0x0], $0xffff  }
0x32a: {  	v63 =	vor.u32 v22, v27;
	_ =	sdelay $0x3  }
0x32b: {  	[tilespmem:v26+s28+$0x0] =	vst.idx.msk $0xffff, v30;
	v26 =	vor.u32 $0xE00, v31  }
0x32c: {  	v29 =	vld.idx.msk [tilespmem:v63+s20+$0x0], $0xffff;
	v28 =	vor.u32 v28, v26  }
0x32d: {  	v27 =	vor.u32 v23, v27;
	_ =	sdelay $0x2  }
0x32e: {  	v25 =	vor.u32 v24, v25  }
0x32f: {  	v25 =	vand.u32 $0x7F, v25;
	[tilespmem:v28+s28+$0x0] =	vst.idx.msk $0xffff, v29  }
0x330: {  	v25 =	vor.u32 v25, v26;
	v27 =	vld.idx.msk [tilespmem:v27+s20+$0x0], $0xffff;
	_ =	sdelay $0x1  }
0x331: {  	p1 =	sgt.u32 s0, $0x1E23  }
0x332: {  	s0 =	sshll.u32 @!p1 s0, $0x7  }
0x333: {  	s3 =	sshll.u32 s3, $0x9;
	s0 =	sand.u32 @!p1 $0x1FFFFF80, s0  }
0x334: {  	s3 =	sadd.s32 s6, s3;
	s0 =	sadd.s32 @!p1 s1, s0;
	[tilespmem:v25+s28+$0x0] =	vst.idx.msk $0xffff, v27  }
0x335: {  	[hbm4b:s3+s4] =	stream.linear.scatter [tilespmem:s28], [sflag:$0x4], $0x1000, $0x38;
	[tilespmem:$0x4000] =	vst v63  }
0x336: {  	s18 =	simm.s32 @!p1 $0x1000;
	s17 =	simm.s32 @!p1 $0x0;
	s3 =	sadd.s32 @!p1 $0x3000, s0  }
0x337: {  	[tilespmem:s18], [sflag:$0x2] =	stream.linear.gather @!p1 [hbm4b:s3+s17], $0x400, $0x38;
	[tilespmem:$0x4000] =	vst v63  }
0x338: {  	s3 =	sadd.s32 @!p1 $0xF7280, s0;
	s18 =	simm.s32 @!p1 $0x1400  }
0x339: {  	[tilespmem:s18], [sflag:$0x2] =	stream.linear.gather @!p1 [hbm4b:s3+s17], $0x400, $0x38;
	[tilespmem:$0x4000] =	vst v63  }
.Ltmp8:
0x33a: {  	_ = 	snop;
	(pc) =	sbr.rel .LBB2_10-.Ltmp8, $4  }
0x33b: {  	s3 =	sadd.s32 @!p1 $0x1EB500, s0;
	s18 =	simm.s32 @!p1 $0x1800  }
0x33c: {  	[tilespmem:s18], [sflag:$0x2] =	stream.linear.gather @!p1 [hbm4b:s3+s17], $0x400, $0x38;
	[tilespmem:$0x4000] =	vst v63  }
0x33d: {  	s0 =	sadd.s32 @!p1 $0x2DF780, s0;
	s3 =	simm.s32 @!p1 $0x1C00  }
0x33e: {  	[tilespmem:s3], [sflag:$0x2] =	stream.linear.gather @!p1 [hbm4b:s0+s17], $0x400, $0x38;
	[tilespmem:$0x4000] =	vst v63  }
.LBB2_12:
0x33f: {  	_ =	sfence.sel $0x180000  }
0x340: {  	[bflag:$0x0] =	sbarrier.arrive $0xFFFF  }
0x341: {  	_ =	strace $0x90000047  }
0x342: {  	s0 =	stileid.u32;
	[bflag:$0x2] =	sbarrier.arrive $0xFFFF  }
0x343: {  	p0 =	sne.s32 s0, $0x0;
	s0 =	rddreg [dreg:$0x3]  }
0x344: {  	s0 =	sadd.s32 @!p0 $0x100000, s0  }
0x345: {  	[sflag:s0] =	ssyncadd.tile.s32 @!p0 $0x1;
	_ =	shalt  }
.Lfunc_end2:
_tile_overlayer_lowered:
.L_overlay_start_2:
0x346: {  	(tag) =	ssettag $0x2  }
0x347: {  	s0 =	rddreg [dreg:$0x0];
	s2 =	stileid.u32  }
0x348: {  	s1 =	rddreg [dreg:$0x1];
	p0 =	sne.s32 s2, $0x0  }
0x349: {  	s3 =	rddreg [dreg:$0x2];
	[bflag:$0x3] =	sbarrier.arrive $0xFFFF;
	s2 =	simm.s32 @!p0 $0x1C05  }
0x34a: {  	[timem:s3], [sflag:s2] =	dma.local @!p0 [hbm:s0], s1  }
0x34b: {  	s0 =	simm.s32 @!p0 $0x5  }
0x34c: {  	_ =	swait.ge @!p0 [sflag:s0], s1  }
0x34d: {  	s1 =	ssub.s32 @!p0 $0x0, s1;
	[sflag:s0] =	ssyncset.done @!p0 $0x0  }
0x34e: {  	[sflag:s0] =	ssyncadd.s32 @!p0 s1  }
0x34f: {  	[bflag:$0x3] =	sbarrier.arrive $0xFFFF  }
0x350: {  	_ =	shalt  }

// kernel: kernel.7.cloned.1.call-start
scs
__scs_entry_jumppad:
0x0: {  	(pc) =	sbr.rel $0x88, $3  }
0x1: {  	(tag) =	ssettag $0x0;
	lr =	simm.s32 $0x1  }
0x2: {  	[smem:$0x3F9F] =	sst lr;
	_ =	strace $0xD0000000  }
0x3: {  	_ = 	snop  }
0x4: {  	_ = 	snop  }
0x5: {  	_ = 	snop  }
0x6: {  	_ = 	snop  }
0x7: {  	_ = 	snop  }
__scs_overlays_trampoline_lowered:
0x8: {  	[smem:$0x3FAE] =	sst s0  }
0x9: {  	[smem:$0x3FAF] =	sst s1  }
0xa: {  	[smem:$0x3FB0] =	sst s2  }
0xb: {  	[smem:$0x3FB1] =	sst s3  }
0xc: {  	[smem:$0x3FB2] =	sst s4  }
0xd: {  	[smem:$0x3FB3] =	sst s5  }
0xe: {  	[smem:$0x3FB4] =	sst s6  }
0xf: {  	[smem:$0x3FB5] =	sst s7  }
0x10: {  	[smem:$0x3FB6] =	sst s8  }
0x11: {  	[smem:$0x3FB7] =	sst s9;
	s0 =	simm.s32 @!p0 $0x0  }
0x12: {  	s1 =	sld [smem:$0x3F9D];
	s0 =	simm.s32 @p0 $0x1  }
0x13: {  	[smem:$0x3FB8] =	sst s0;
	s0 =	simm.s32 @!p1 $0x0  }
0x14: {  	s2 =	sld [smem:$0x3F9C];
	s0 =	simm.s32 @p1 $0x1  }
0x15: {  	[smem:$0x3FB9] =	sst s0;
	s0 =	simm.s32 @!p2 $0x0  }
0x16: {  	s3 =	sld [smem:$0x3FDB];
	s0 =	simm.s32 @p2 $0x1  }
0x17: {  	s4 =	simm.s32 $0x1BF5;
	[smem:$0x3FBB] =	sst s0  }
0x18: {  	s0 =	sld [smem:$0x3F9E];
	_ =	swait.ge [sflag:s4], $0x0  }
0x19: {  	s7 =	sld [smem:$0x3F9F]  }
0x1a: {  	s8 =	sadd.s32 $0xFFFFE003, lr  }
0x1b: {  	s9 =	sadd.s32 $0xFFFFFEF7, lr;
	s5 =	simm.s32 $0xFFFFFFFF;
	p2 =	slt.u32 s8, $0xFFFFF086  }
0x1c: {  	p1 =	slt.u32 s9, $0xF7A;
	s5 =	simm.s32 @!p2 $0x0  }
0x1d: {  	s5 =	simm.s32 @p1 $0x1;
	p0 =	seq.s32 s7, s2  }
0x1e: {  	s7 =	smul.u32 @!p0 $0xF7A, s2;
	p2 =	seq.s32 @!p0 s5, $0x0  }
0x1f: {  	s9 =	smul.u32 $0xF7A, s1;
	s8 =	simm.s32 @!p0 $0x1BF5;
	p2 =	por !p2, p0  }
0x20: {  	[sflag:s8] =	ssyncset.s32 @!p0 $0xFFFFF086;
	s6 =	sadd.s32 @!p0 s3, s7;
	s7 =	simm.s32 @!p0 $0x108  }
0x21: {  	s3 =	sadd.s32 s3, s9;
	s6 =	sadd.s32 @!p0 $0x88, s6;
	s7 =	simm.s32 @p2 $0x1082  }
0x22: {  	[simem:s7], [sflag:s8] =	dma.local @!p0 [hbm:s6], $0xF7A  }
0x23: {  	s9 =	sor.u32 $0xD0000000, s2;
	s6 =	simm.s32 $0x108;
	_ =	swait.ge @!p0 [sflag:s8], $0x0  }
0x24: {  	s3 =	sadd.s32 $0x88, s3;
	s6 =	simm.s32 @!p1 $0x1082;
	[sflag:s4] =	ssyncset.s32 $0xFFFFF086  }
0x25: {  	[simem:s6], [sflag:s4] =	dma.local [hbm:s3], $0xF7A  }
0x26: {  	[smem:$0x3F9F] =	sst s1;
	(tag) =	ssettag s2;
	_ =	strace s9  }
0x27: {  	s1 =	sld [smem:$0x3FAF]  }
0x28: {  	s2 =	sld [smem:$0x3FB0]  }
0x29: {  	s4 =	sld [smem:$0x3FB2]  }
0x2a: {  	p0 =	seq.s32 s5, $0x0;
	s5 =	sld [smem:$0x3FB3]  }
0x2b: {  	s6 =	sld [smem:$0x3FB4]  }
0x2c: {  	s7 =	sld [smem:$0x3FB5]  }
0x2d: {  	s3 =	simm.s32 $0x108;
	s8 =	sld [smem:$0x3FB6]  }
0x2e: {  	s3 =	simm.s32 @!p0 $0x1082;
	s9 =	sld [smem:$0x3FB7]  }
0x2f: {  	lr =	sadd.s32 s0, s3;
	s0 =	sld [smem:$0x3FAE]  }
0x30: {  	s3 =	sld [smem:$0x3FB1]  }
0x31: {  	[smem:$0x3FBA] =	sst s10  }
0x32: {  	s10 =	sld [smem:$0x3FB8];
	_ =	sdelay $0x3  }
0x33: {  	p0 =	seq.s32 s10, $0x1;
	s10 =	sld [smem:$0x3FBA];
	_ =	sdelay $0x3  }
0x34: {  	[smem:$0x3FBA] =	sst s10  }
0x35: {  	s10 =	sld [smem:$0x3FB9];
	_ =	sdelay $0x3  }
0x36: {  	p1 =	seq.s32 s10, $0x1;
	s10 =	sld [smem:$0x3FBA];
	_ =	sdelay $0x3  }
0x37: {  	[smem:$0x3FBA] =	sst s10  }
0x38: {  	s10 =	sld [smem:$0x3FBB]  }
0x39: {  	_ = 	snop;
	(pc) =	sbr.ind lr, $3  }
0x3a: {  	_ = 	snop  }
0x3b: {  	_ = 	snop  }
0x3c: {  	p2 =	seq.s32 s10, $0x1;
	s10 =	sld [smem:$0x3FBA]  }
0x3d: {  	_ =	shalt  }
0x3e: {  	_ =	shalt  }
0x3f: {  	_ =	shalt  }
0x40: {  	_ =	shalt  }
0x41: {  	_ =	shalt  }
0x42: {  	_ =	shalt  }
0x43: {  	_ =	shalt  }
0x44: {  	_ =	shalt  }
0x45: {  	_ =	shalt  }
0x46: {  	_ =	shalt  }
0x47: {  	_ =	shalt  }
0x48: {  	_ =	shalt  }
0x49: {  	_ =	shalt  }
0x4a: {  	_ =	shalt  }
0x4b: {  	_ =	shalt  }
0x4c: {  	_ =	shalt  }
0x4d: {  	_ =	shalt  }
0x4e: {  	_ =	shalt  }
0x4f: {  	_ =	shalt  }
0x50: {  	_ =	shalt  }
0x51: {  	_ =	shalt  }
0x52: {  	_ =	shalt  }
0x53: {  	_ =	shalt  }
0x54: {  	_ =	shalt  }
0x55: {  	_ =	shalt  }
0x56: {  	_ =	shalt  }
0x57: {  	_ =	shalt  }
0x58: {  	_ =	shalt  }
0x59: {  	_ =	shalt  }
0x5a: {  	_ =	shalt  }
0x5b: {  	_ =	shalt  }
0x5c: {  	_ =	shalt  }
0x5d: {  	_ =	shalt  }
0x5e: {  	_ =	shalt  }
0x5f: {  	_ =	shalt  }
0x60: {  	_ =	shalt  }
0x61: {  	_ =	shalt  }
0x62: {  	_ =	shalt  }
0x63: {  	_ =	shalt  }
0x64: {  	_ =	shalt  }
0x65: {  	_ =	shalt  }
0x66: {  	_ =	shalt  }
0x67: {  	_ =	shalt  }
0x68: {  	_ =	shalt  }
0x69: {  	_ =	shalt  }
0x6a: {  	_ =	shalt  }
0x6b: {  	_ =	shalt  }
0x6c: {  	_ =	shalt  }
0x6d: {  	_ =	shalt  }
0x6e: {  	_ =	shalt  }
0x6f: {  	_ =	shalt  }
0x70: {  	_ =	shalt  }
0x71: {  	_ =	shalt  }
0x72: {  	_ =	shalt  }
0x73: {  	_ =	shalt  }
0x74: {  	_ =	shalt  }
0x75: {  	_ =	shalt  }
0x76: {  	_ =	shalt  }
0x77: {  	_ =	shalt  }
0x78: {  	_ =	shalt  }
0x79: {  	_ =	shalt  }
0x7a: {  	_ =	shalt  }
0x7b: {  	_ =	shalt  }
0x7c: {  	_ =	shalt  }
0x7d: {  	_ =	shalt  }
0x7e: {  	_ =	shalt  }
0x7f: {  	_ =	shalt  }
0x80: {  	_ =	shalt  }
0x81: {  	_ =	shalt  }
0x82: {  	_ =	shalt  }
0x83: {  	_ =	shalt  }
0x84: {  	_ =	shalt  }
0x85: {  	_ =	shalt  }
0x86: {  	_ =	shalt  }
0x87: {  	_ =	shalt  }
.Lfunc_end0:
.L_simem_size_0:
called_computation.1_lowered:
.L_overlay_start_0:
0x88: {  	s2 =	sld [smem:$0x3FD9]  }
0x89: {  	s3 =	sld [smem:$0x3FFE];
	_ =	sdelay $0x1  }
0x8a: {  	s1 =	srdreg.scid  }
0x8b: {  	s0 =	sand.u32 $0x1, s1  }
0x8c: {  	s17 =	sshll.u32 s0, $0xA;
	s2 =	sadd.s32 s3, s2  }
0x8d: {  	s2 =	sadd.s32 s2, s17  }
0x8e: {  	[smem:$0x3FC6] =	sst s2  }
0x8f: {  	_ = 	snop  }
0x90: {  	s2 =	sld [smem:$0x3FD0];
	(tm) =	ssettm $0x1  }
0x91: {  	s18 =	sld [smem:$0x3FFB];
	_ =	sdelay $0x3  }
0x92: {  	_ =	strace s18  }
0x93: {  	s3 =	sld [smem:$0x3FFC];
	_ =	sdelay $0x3  }
0x94: {  	_ =	strace s3  }
0x95: {  	s3 =	sld [smem:$0x3FFD];
	_ =	sdelay $0x3  }
0x96: {  	_ =	strace s3  }
0x97: {  	_ =	strace $0x8FFFFFFF  }
0x98: {  	s19 =	sld [smem:$0x3FDB];
	_ =	sdelay $0x1  }
0x99: {  	s4 =	simm.s32 $_scs_section_size  }
0x9a: {  	s5 =	simm.s32 $_size__tile_overlayer_lowered;
	s6 =	simm.s32 $_tile_overlayer_lowered  }
0x9b: {  	s22 =	simm.s32 $0x1BFF;
	s21 =	sshll.u32 s6, $0x1;
	s3 =	sadd.s32 s4, s19  }
0x9c: {  	s7 =	simm.s32 $0x0;
	s20 =	sshll.u32 s5, $0x1;
	s5 =	sadd.s32 s21, s3  }
0x9d: {  	[timem:s7], [sflag:s22] =	dma.local [hbm:s5], s20  }
0x9e: {  	_ =	swait.ge [sflag:s22], s20  }
0x9f: {  	s4 =	ssub.s32 $0x0, s20;
	[sflag:s22] =	ssyncset.done $0x0  }
0xa0: {  	[sflag:s22] =	ssyncadd.s32 s4;
	_ =	sdelay $0x1  }
0xa1: {  	s23 =	simm.s32 $0x1B8B  }
0xa2: {  	_ =	swait.ge [sflag:s23], $0x1  }
0xa3: {  	[sflag:s23] =	ssyncset.done $0x0  }
0xa4: {  	s25 =	simm.s32 $0x1B8E;
	s24 =	sld [smem:$0x3FFE];
	[sflag:s23] =	ssyncadd.s32 $0xFFFFFFFF  }
0xa5: {  	s26 =	simm.s32 $execute0_lowered;
	[smem:$0x3FD2] =	sst s25  }
0xa6: {  	s5 =	sshll.u32 s26, $0x1;
	_ =	strace $0x80000049;
	[dreg:$0x1] =	wrdreg $0xFFFFFFFF  }
0xa7: {  	s28 =	simm.s32 $_size_execute0_lowered;
	s3 =	sadd.s32 s3, s5;
	[dreg:$0x0] =	wrdreg $0x0  }
0xa8: {  	s5 =	sshll.u32 s28, $0x1;
	[dreg:$0x2] =	wrdreg s3  }
0xa9: {  	[dreg:$0x3] =	wrdreg s5  }
0xaa: {  	[dreg:$0x4] =	wrdreg $0xC0  }
0xab: {  	_ =	task [dreg:s7], $0x5FFFF  }
0xac: {  	[dreg:$0x1] =	wrdreg $0xFFFFFFFF  }
0xad: {  	[dreg:$0x0] =	wrdreg $0x60  }
0xae: {  	[dreg:$0x2] =	wrdreg s24  }
0xaf: {  	[dreg:$0x3] =	wrdreg s2  }
0xb0: {  	[dreg:$0x4] =	wrdreg $0x9  }
0xb1: {  	_ =	task.clear_ibuf [dreg:s7], $0x5FFFF;
	_ =	strace $0x90000049  }
0xb2: {  	s29 =	simm.s32 $0x9;
	_ =	strace $0x8000004B  }
0xb3: {  	_ =	swait.ge [sflag:s29], $0x1  }
0xb4: {  	[sflag:s29] =	ssyncadd.s32 $0xFFFFFFFF  }
0xb5: {  	_ =	strace $0x9000004B  }
0xb6: {  	_ =	sfence  }
0xb7: {  	s30 =	sld [smem:$0x0];
	_ =	sdelay $0x2  }
0xb8: {  	s31 =	sshll.u32 s1, $0xD;
	s1 =	sshrl.u32 s1, $0x2  }
0xb9: {  	s3 =	sand.u32 $0x4000, s31;
	s1 =	sadd.s32 s1, s30  }
0xba: {  	s0 =	sor.u32 s3, s0;
	s1 =	sshll.u32 s1, $0x11  }
0xbb: {  	s0 =	sor.u32 s1, s0  }
0xbc: {  	s0 =	sadd.s32 $0x8F2B, s0  }
0xbd: {  	[sflag:s0] =	ssyncadd.remote.s32 $0x1  }
0xbe: {  	_ =	sfence.sel $0xFFFF  }
0xbf: {  	[dreg:$0x0] =	wrdreg $0xFFFFFFFF;
	(pc) =	sbr.abs _section_cstart, $3  }
0xc0: {  	[dreg:$0x1] =	wrdreg $0xFFFFFFFF  }
0xc1: {  	_ =	task.clear_ibuf [dreg:s7], $0x2FFFF;
	_ =	strace $0x9FFFFFFF  }
0xc2: {  	(tm) =	ssettm $0x7FFFFFFF  }
0xc3: {  	_ =	shalt  }
tec
execute0_lowered:
.L_overlay_start_1:
0x0: {  	(tag) =	ssettag $0x1  }
0x1: {  	s0 =	srdreg.scid  }
0x2: {  	s1 =	stileid.u32;
	s6 =	rddreg [dreg:$0x0]  }
0x3: {  	s2 =	rddreg [dreg:$0x1];
	s17 =	simm.s32 $0x80;
	s18 =	simm.s32 $0x1  }
0x4: {  	s28 =	simm.s32 $0x2;
	s0 =	sand.u32 $0x1, s0;
	s1 =	sshll.u32 s1, $0x1  }
0x5: {  	s29 =	simm.s32 $0x3;
	s30 =	simm.s32 $0x2100;
	s1 =	sor.u32 s0, s1  }
0x6: {  	s31 =	simm.s32 $0x2500;
	s8 =	sadd.s32 $0x3D1410, s6;
	s3 =	smul.u32 $0x6400, s1  }
0x7: {  	s9 =	sadd.s32 $0x1000, s2;
	s10 =	sadd.s32 $0x2000, s2;
	s4 =	sshll.u32 s1, $0xA  }
0x8: {  	s0 =	ssub.s32 $0x2, s0;
	s4 =	sand.u32 $0xC00, s4;
	s5 =	sand.u32 $0xFF000, s3  }
0x9: {  	s11 =	sadd.s32 $0x3000, s2;
	s20 =	sshrl.u32 s0, $0x1;
	s4 =	sor.u32 s4, s5  }
0xa: {  	s0 =	ssub.s32 s0, s20;
	s3 =	simm.s32 $0x0;
	s4 =	sshrl.u32 s4, $0x3  }
0xb: {  	v0 =	vlaneseq.u32;
	[smem:$0x7FF] =	sst s3;
	s7 =	sadd.s32 s4, s6;
	s4 =	smul.u32 $0xC8, s1  }
0xc: {  	v1 =	vmul.u32 $0x80, v0;
	s20 =	simm.s32 $0x6;
	_ =	strace $0x8000004A;
	s19 =	sadd.s32 $0x3D1400, s7  }
0xd: {  	v2 =	vor.u32 $0x10, v0;
	v4 =	vor.u32 $0x200, v0;
	v6 =	vor.u32 $0x210, v0;
	s0 =	smax.u32 s0, $0x1;
	s7 =	sadd.s32 $0x3D1410, s7;
	s21 =	sadd.s32 $0xC7, s4  }
0xe: {  	v8 =	vor.u32 $0x400, v0;
	v10 =	vor.u32 $0x410, v0;
	v12 =	vor.u32 $0x600, v0;
	[dreg:$0x4] =	wrdreg s7;
	s22 =	sshll.u32 s21, $0x9;
	s7 =	sshll.u32 s21, $0x7  }
0xf: {  	v14 =	vor.u32 $0x610, v0;
	v16 =	vor.u32 $0x800, v0;
	v18 =	vor.u32 $0x810, v0;
	s5 =	sadd.s32 $0xA00, s6;
	s23 =	sand.u32 $0x7FC000, s22;
	s24 =	sand.u32 $0xF80, s7  }
0x10: {  	v20 =	vor.u32 $0xA00, v0;
	v22 =	vor.u32 $0xA10, v0;
	v24 =	vor.u32 $0xC00, v0;
	[dreg:$0x9] =	wrdreg s0;
	s0 =	simm.s32 $0x2D00;
	s1 =	sor.u32 s24, s23  }
0x11: {  	v26 =	vor.u32 $0xC10, v0;
	v28 =	vor.u32 $0xE00, v0;
	v30 =	vor.u32 $0xE10, v0;
	[dreg:$0x3] =	wrdreg s19;
	s19 =	simm.s32 $0x100;
	s6 =	sadd.s32 s2, s1  }
0x12: {  	v3 =	vor.u32 $0x800, v1;
	v5 =	vor.u32 $0x10, v1;
	v7 =	vor.u32 $0x810, v1;
	s21 =	simm.s32 $0x4;
	s25 =	sadd.s32 s1, s9;
	[dreg:$0x5] =	wrdreg s6  }
0x13: {  	v9 =	vor.u32 $0x20, v1;
	v11 =	vor.u32 $0x820, v1;
	v13 =	vor.u32 $0x30, v1;
	s22 =	simm.s32 $0x1100;
	s26 =	sadd.s32 s1, s10;
	[dreg:$0x6] =	wrdreg s25  }
0x14: {  	v15 =	vor.u32 $0x830, v1;
	v17 =	vor.u32 $0x40, v1;
	v19 =	vor.u32 $0x840, v1;
	s7 =	simm.s32 $0x0;
	s1 =	sadd.s32 s1, s11;
	[dreg:$0x7] =	wrdreg s26  }
0x15: {  	v21 =	vor.u32 $0x50, v1;
	v23 =	vor.u32 $0x850, v1;
	v25 =	vor.u32 $0x60, v1;
	s23 =	simm.s32 $0x3100;
	s24 =	simm.s32 $0x3500;
	[dreg:$0x8] =	wrdreg s1  }
0x16: {  	v27 =	vor.u32 $0x860, v1;
	v29 =	vor.u32 $0x70, v1;
	v31 =	vor.u32 $0x870, v1;
	s25 =	simm.s32 $0x3900;
	s26 =	simm.s32 $0x3D00;
	s1 =	simm.s32 $0x2900  }
.LBB2_1:
0x17: {  	s6 =	rddreg [dreg:$0x3]  }
0x18: {  	[tilespmem:s3], [sflag:$0x1] =	stream.linear.gather [hbm4b:s6+s3], $0x80, $0x38;
	[tilespmem:$0x4100] =	vst v63  }
0x19: {  	s16 =	rddreg [dreg:$0x4];
	s12 =	simm.s32 $0x0  }
0x1a: {  	[tilespmem:s17], [sflag:$0x2] =	stream.linear.gather [hbm4b:s16+s3], $0x80, $0x38;
	[tilespmem:$0x4100] =	vst v63  }
.LBB2_2:
0x1b: {  	p0 =	slt.u32 s12, $0x2  }
.Ltmp0:
0x1c: {  	_ = 	snop;
	(pc) =	sbr.rel @p0 .LBB2_7-.Ltmp0, $4  }
0x1d: {  	_ =	swait.ge [sflag:s18], $0x80  }
0x1e: {  	[sflag:s18] =	ssyncset.done $0x0  }
0x1f: {  	s13 =	sshll.u32 s12, $0x1;
	[sflag:s18] =	ssyncadd.s32 $0xFFFFFF80  }
0x20: {  	[tilespmem:s19], [sflag:$0x3] =	stream.indirect.gather [hbm4b:s5+s17], $0x20, s3, s17, $0xb8;
	[tilespmem:$0x4100] =	vst v63  }
0x21: {  	_ =	swait.ge [sflag:s20], $0x400  }
0x22: {  	[sflag:s20] =	ssyncset.done $0x0  }
0x23: {  	[sflag:s20] =	ssyncadd.s32 $0xFFFFFC00  }
0x24: {  	_ =	swait.ge [sflag:s20], $0x400  }
0x25: {  	[sflag:s20] =	ssyncset.done $0x0  }
0x26: {  	[sflag:s20] =	ssyncadd.s32 $0xFFFFFC00  }
0x27: {  	_ =	swait.ge [sflag:s20], $0x400  }
.Ltmp1:
0x28: {  	[sflag:s20] =	ssyncset.done $0x0;
	(pc) =	sbr.rel .LBB2_4-.Ltmp1, $4  }
0x29: {  	[sflag:s20] =	ssyncadd.s32 $0xFFFFFC00  }
0x2a: {  	_ =	swait.ge [sflag:s20], $0x400  }
0x2b: {  	[sflag:s20] =	ssyncset.done $0x0  }
0x2c: {  	[sflag:s20] =	ssyncadd.s32 $0xFFFFFC00  }
.LBB2_7:
0x2d: {  	p0 =	seq.s32 s12, $0x0  }
.Ltmp2:
0x2e: {  	_ = 	snop;
	(pc) =	sbr.rel @p0 .LBB2_8-.Ltmp2, $1  }
0x2f: {  	_ =	sdelay $0x3  }
.LBB2_4:
0x30: {  	s15 =	simm.s32 $0x0  }
0x31: {  	v32 =	vadd.s32 s15, v0  }
0x32: {  	v33 =	vand.u32 $0xF, v32  }
0x33: {  	v34 =	vshll.u32 v33, $0x5  }
0x34: {  	v35 =	vor.u32 v0, v34  }
0x35: {  	s14 =	sadd.s32 s4, s13;
	_ =	swait.ge [sflag:s21], $0x1000  }
0x36: {  	[sflag:s21] =	ssyncset.done $0x0;
	s16 =	sshll.u32 s14, $0x4  }
0x37: {  	[sflag:s21] =	ssyncadd.s32 $0xFFFFF000;
	s16 =	sadd.s32 s16, s8;
	v36 =	vor.u32 v1, v33  }
0x38: {  	v37 =	vand.u32 $0x7, v32;
	[tilespmem:s17], [sflag:$0x2] =	stream.linear.gather [hbm4b:s16+s15], $0x80, $0x38;
	v36 =	vand.u32 $0x788, v36;
	[tilespmem:$0x4100] =	vst v63  }
0x39: {  	v36 =	vor.u32 v37, v36;
	v35 =	vld.idx.msk [tilespmem:v35+s22+$0x0], $0xffff  }
0x3a: {  	v38 =	vor.u32 v2, v34;
	_ =	sdelay $0x2  }
0x3b: {  	v39 =	vor.u32 v3, v33  }
0x3c: {  	v57 =	vand.u32 $0xF88, v39;
	[tilespmem:v36+s23+$0x0] =	vst.idx.msk $0xffff, v35  }
0x3d: {  	v35 =	vor.u32 v37, v57;
	v36 =	vld.idx.msk [tilespmem:v38+s22+$0x0], $0xffff  }
0x3e: {  	v58 =	vor.u32 v4, v34;
	_ =	sdelay $0x3  }
0x3f: {  	[tilespmem:v35+s23+$0x0] =	vst.idx.msk $0xffff, v36  }
0x40: {  	v59 =	vor.u32 v5, v32;
	v35 =	vld.idx.msk [tilespmem:v58+s22+$0x0], $0xffff  }
0x41: {  	v60 =	vor.u32 v6, v34;
	_ =	sdelay $0x3  }
0x42: {  	[tilespmem:v59+s23+$0x0] =	vst.idx.msk $0xffff, v35  }
0x43: {  	v61 =	vor.u32 v7, v32;
	v35 =	vld.idx.msk [tilespmem:v60+s22+$0x0], $0xffff  }
0x44: {  	v62 =	vor.u32 v8, v34;
	_ =	sdelay $0x2  }
0x45: {  	v63 =	vor.u32 v9, v33  }
0x46: {  	v41 =	vand.u32 $0x7A8, v63;
	[tilespmem:v61+s23+$0x0] =	vst.idx.msk $0xffff, v35  }
0x47: {  	v35 =	vor.u32 v37, v41;
	v36 =	vld.idx.msk [tilespmem:v62+s22+$0x0], $0xffff  }
0x48: {  	v42 =	vor.u32 v10, v34;
	_ =	sdelay $0x2  }
0x49: {  	v43 =	vor.u32 v11, v33  }
0x4a: {  	v44 =	vand.u32 $0xFA8, v43;
	[tilespmem:v35+s23+$0x0] =	vst.idx.msk $0xffff, v36  }
0x4b: {  	v35 =	vor.u32 v37, v44;
	v36 =	vld.idx.msk [tilespmem:v42+s22+$0x0], $0xffff  }
0x4c: {  	v45 =	vor.u32 v12, v34;
	_ =	sdelay $0x3  }
0x4d: {  	[tilespmem:v35+s23+$0x0] =	vst.idx.msk $0xffff, v36  }
0x4e: {  	v46 =	vor.u32 v13, v32;
	v35 =	vld.idx.msk [tilespmem:v45+s22+$0x0], $0xffff  }
0x4f: {  	v47 =	vor.u32 v14, v34;
	_ =	sdelay $0x3  }
0x50: {  	[tilespmem:v46+s23+$0x0] =	vst.idx.msk $0xffff, v35  }
0x51: {  	v48 =	vor.u32 v15, v32;
	v35 =	vld.idx.msk [tilespmem:v47+s22+$0x0], $0xffff  }
0x52: {  	v49 =	vor.u32 v16, v34;
	_ =	sdelay $0x2  }
0x53: {  	v50 =	vor.u32 v17, v33  }
0x54: {  	v51 =	vand.u32 $0x7C8, v50;
	[tilespmem:v48+s23+$0x0] =	vst.idx.msk $0xffff, v35  }
0x55: {  	v35 =	vor.u32 v37, v51;
	v36 =	vld.idx.msk [tilespmem:v49+s22+$0x0], $0xffff  }
0x56: {  	v52 =	vor.u32 v18, v34;
	_ =	sdelay $0x2  }
0x57: {  	v53 =	vor.u32 v19, v33  }
0x58: {  	v54 =	vand.u32 $0xFC8, v53;
	[tilespmem:v35+s23+$0x0] =	vst.idx.msk $0xffff, v36  }
0x59: {  	v35 =	vor.u32 v37, v54;
	v36 =	vld.idx.msk [tilespmem:v52+s22+$0x0], $0xffff  }
0x5a: {  	v55 =	vor.u32 v20, v34;
	_ =	sdelay $0x3  }
0x5b: {  	[tilespmem:v35+s23+$0x0] =	vst.idx.msk $0xffff, v36  }
0x5c: {  	v56 =	vor.u32 v21, v32;
	v35 =	vld.idx.msk [tilespmem:v55+s22+$0x0], $0xffff  }
0x5d: {  	v57 =	vor.u32 v22, v34;
	_ =	sdelay $0x3  }
0x5e: {  	[tilespmem:v56+s23+$0x0] =	vst.idx.msk $0xffff, v35  }
0x5f: {  	v58 =	vor.u32 v23, v32;
	v35 =	vld.idx.msk [tilespmem:v57+s22+$0x0], $0xffff  }
0x60: {  	v59 =	vor.u32 v24, v34;
	_ =	sdelay $0x2  }
0x61: {  	v60 =	vor.u32 v25, v33  }
0x62: {  	v61 =	vand.u32 $0x7E8, v60;
	[tilespmem:v58+s23+$0x0] =	vst.idx.msk $0xffff, v35  }
0x63: {  	v35 =	vor.u32 v37, v61;
	v36 =	vld.idx.msk [tilespmem:v59+s22+$0x0], $0xffff  }
0x64: {  	v62 =	vor.u32 v26, v34;
	_ =	sdelay $0x2  }
0x65: {  	v33 =	vor.u32 v27, v33  }
0x66: {  	v33 =	vand.u32 $0xFE8, v33;
	[tilespmem:v35+s23+$0x0] =	vst.idx.msk $0xffff, v36  }
0x67: {  	v33 =	vor.u32 v37, v33;
	v35 =	vld.idx.msk [tilespmem:v62+s22+$0x0], $0xffff  }
0x68: {  	v63 =	vor.u32 v28, v34;
	_ =	sdelay $0x3  }
0x69: {  	[tilespmem:v33+s23+$0x0] =	vst.idx.msk $0xffff, v35  }
0x6a: {  	v40 =	vor.u32 v29, v32;
	v33 =	vld.idx.msk [tilespmem:v63+s22+$0x0], $0xffff  }
0x6b: {  	v34 =	vor.u32 v30, v34;
	_ =	sdelay $0x1  }
0x6c: {  	s16 =	simm.s32 $0x1  }
0x6d: {  	v41 =	vadd.s32 s16, v0  }
0x6e: {  	v35 =	vand.u32 $0xF, v41;
	[tilespmem:v40+s23+$0x0] =	vst.idx.msk $0xffff, v33  }
0x6f: {  	v32 =	vor.u32 v31, v32;
	v33 =	vld.idx.msk [tilespmem:v34+s22+$0x0], $0xffff;
	v34 =	vshll.u32 v35, $0x5  }
0x70: {  	v42 =	vor.u32 v0, v34;
	_ =	sdelay $0x2  }
0x71: {  	v43 =	vor.u32 v1, v35  }
0x72: {  	v44 =	vand.u32 $0x788, v43;
	[tilespmem:v32+s23+$0x0] =	vst.idx.msk $0xffff, v33;
	v33 =	vand.u32 $0x7, v41  }
0x73: {  	v45 =	vld.idx.msk [tilespmem:v42+s22+$0x0], $0xffff;
	v32 =	vor.u32 v33, v44  }
0x74: {  	v46 =	vor.u32 v2, v34;
	_ =	sdelay $0x2  }
0x75: {  	v47 =	vor.u32 v3, v35  }
0x76: {  	v48 =	vand.u32 $0xF88, v47;
	[tilespmem:v32+s23+$0x0] =	vst.idx.msk $0xffff, v45  }
0x77: {  	v32 =	vor.u32 v33, v48;
	v36 =	vld.idx.msk [tilespmem:v46+s22+$0x0], $0xffff  }
0x78: {  	v49 =	vor.u32 v4, v34;
	_ =	sdelay $0x2  }
0x79: {  	v50 =	vor.u32 v5, v35  }
0x7a: {  	v51 =	vand.u32 $0x798, v50;
	[tilespmem:v32+s23+$0x0] =	vst.idx.msk $0xffff, v36  }
0x7b: {  	v32 =	vor.u32 v33, v51;
	v36 =	vld.idx.msk [tilespmem:v49+s22+$0x0], $0xffff  }
0x7c: {  	v52 =	vor.u32 v6, v34;
	_ =	sdelay $0x2  }
0x7d: {  	v53 =	vor.u32 v7, v35  }
0x7e: {  	v54 =	vand.u32 $0xF98, v53;
	[tilespmem:v32+s23+$0x0] =	vst.idx.msk $0xffff, v36  }
0x7f: {  	v32 =	vor.u32 v33, v54;
	v36 =	vld.idx.msk [tilespmem:v52+s22+$0x0], $0xffff  }
0x80: {  	v55 =	vor.u32 v8, v34;
	_ =	sdelay $0x2  }
0x81: {  	v56 =	vor.u32 v9, v35  }
0x82: {  	v57 =	vand.u32 $0x7A8, v56;
	[tilespmem:v32+s23+$0x0] =	vst.idx.msk $0xffff, v36  }
0x83: {  	v32 =	vor.u32 v33, v57;
	v36 =	vld.idx.msk [tilespmem:v55+s22+$0x0], $0xffff  }
0x84: {  	v58 =	vor.u32 v10, v34;
	_ =	sdelay $0x2  }
0x85: {  	v59 =	vor.u32 v11, v35  }
0x86: {  	v60 =	vand.u32 $0xFA8, v59;
	[tilespmem:v32+s23+$0x0] =	vst.idx.msk $0xffff, v36  }
0x87: {  	v32 =	vor.u32 v33, v60;
	v36 =	vld.idx.msk [tilespmem:v58+s22+$0x0], $0xffff  }
0x88: {  	v61 =	vor.u32 v12, v34;
	_ =	sdelay $0x2  }
0x89: {  	v62 =	vor.u32 v13, v35  }
0x8a: {  	v63 =	vand.u32 $0x7B8, v62;
	[tilespmem:v32+s23+$0x0] =	vst.idx.msk $0xffff, v36  }
0x8b: {  	v32 =	vor.u32 v33, v63;
	v36 =	vld.idx.msk [tilespmem:v61+s22+$0x0], $0xffff  }
0x8c: {  	v40 =	vor.u32 v14, v34;
	_ =	sdelay $0x2  }
0x8d: {  	v41 =	vor.u32 v15, v35  }
0x8e: {  	v42 =	vand.u32 $0xFB8, v41;
	[tilespmem:v32+s23+$0x0] =	vst.idx.msk $0xffff, v36  }
0x8f: {  	v32 =	vor.u32 v33, v42;
	v36 =	vld.idx.msk [tilespmem:v40+s22+$0x0], $0xffff  }
0x90: {  	v43 =	vor.u32 v16, v34;
	_ =	sdelay $0x2  }
0x91: {  	v44 =	vor.u32 v17, v35  }
0x92: {  	v45 =	vand.u32 $0x7C8, v44;
	[tilespmem:v32+s23+$0x0] =	vst.idx.msk $0xffff, v36  }
0x93: {  	v32 =	vor.u32 v33, v45;
	v36 =	vld.idx.msk [tilespmem:v43+s22+$0x0], $0xffff  }
0x94: {  	v46 =	vor.u32 v18, v34;
	_ =	sdelay $0x2  }
0x95: {  	v47 =	vor.u32 v19, v35  }
0x96: {  	v48 =	vand.u32 $0xFC8, v47;
	[tilespmem:v32+s23+$0x0] =	vst.idx.msk $0xffff, v36  }
0x97: {  	v32 =	vor.u32 v33, v48;
	v36 =	vld.idx.msk [tilespmem:v46+s22+$0x0], $0xffff  }
0x98: {  	v49 =	vor.u32 v20, v34;
	_ =	sdelay $0x2  }
0x99: {  	v50 =	vor.u32 v21, v35  }
0x9a: {  	v51 =	vand.u32 $0x7D8, v50;
	[tilespmem:v32+s23+$0x0] =	vst.idx.msk $0xffff, v36  }
0x9b: {  	v32 =	vor.u32 v33, v51;
	v36 =	vld.idx.msk [tilespmem:v49+s22+$0x0], $0xffff  }
0x9c: {  	v52 =	vor.u32 v22, v34;
	_ =	sdelay $0x2  }
0x9d: {  	v53 =	vor.u32 v23, v35  }
0x9e: {  	v54 =	vand.u32 $0xFD8, v53;
	[tilespmem:v32+s23+$0x0] =	vst.idx.msk $0xffff, v36  }
0x9f: {  	v32 =	vor.u32 v33, v54;
	v36 =	vld.idx.msk [tilespmem:v52+s22+$0x0], $0xffff  }
0xa0: {  	v55 =	vor.u32 v24, v34;
	_ =	sdelay $0x2  }
0xa1: {  	v56 =	vor.u32 v25, v35  }
0xa2: {  	v57 =	vand.u32 $0x7E8, v56;
	[tilespmem:v32+s23+$0x0] =	vst.idx.msk $0xffff, v36  }
0xa3: {  	v32 =	vor.u32 v33, v57;
	v36 =	vld.idx.msk [tilespmem:v55+s22+$0x0], $0xffff  }
0xa4: {  	v58 =	vor.u32 v26, v34;
	_ =	sdelay $0x2  }
0xa5: {  	v59 =	vor.u32 v27, v35  }
0xa6: {  	v60 =	vand.u32 $0xFE8, v59;
	[tilespmem:v32+s23+$0x0] =	vst.idx.msk $0xffff, v36  }
0xa7: {  	v32 =	vor.u32 v33, v60;
	v36 =	vld.idx.msk [tilespmem:v58+s22+$0x0], $0xffff  }
0xa8: {  	v61 =	vor.u32 v28, v34;
	_ =	sdelay $0x2  }
0xa9: {  	v62 =	vor.u32 v29, v35  }
0xaa: {  	v63 =	vand.u32 $0x7F8, v62;
	[tilespmem:v32+s23+$0x0] =	vst.idx.msk $0xffff, v36  }
0xab: {  	v38 =	vor.u32 v33, v63;
	v37 =	vld.idx.msk [tilespmem:v61+s22+$0x0], $0xffff  }
0xac: {  	v36 =	vor.u32 v30, v34;
	_ =	sdelay $0x2  }
0xad: {  	s15 =	simm.s32 $0x2  }
0xae: {  	s16 =	simm.s32 $0x4;
	v32 =	vadd.s32 s15, v0;
	v34 =	vor.u32 v31, v35;
	[tilespmem:v38+s23+$0x0] =	vst.idx.msk $0xffff, v37  }
.LBB2_5:
0xaf: {  	p0 =	sne.s32 s16, $0xE;
	v35 =	vand.u32 $0xF, v32;
	v36 =	vld.idx.msk [tilespmem:v36+s22+$0x0], $0xffff;
	v37 =	vand.u32 $0xFF8, v34  }
0xb0: {  	v34 =	vshll.u32 v35, $0x5;
	v33 =	vor.u32 v33, v37  }
0xb1: {  	v37 =	vor.u32 v0, v34;
	_ =	sdelay $0x3  }
0xb2: {  	v38 =	vor.u32 v1, v35;
	[tilespmem:v33+s23+$0x0] =	vst.idx.msk $0xffff, v36  }
0xb3: {  	v33 =	vand.u32 $0x7, v32;
	v36 =	vld.idx.msk [tilespmem:v37+s22+$0x0], $0xffff;
	v37 =	vand.u32 $0x788, v38  }
0xb4: {  	v37 =	vor.u32 v33, v37  }
0xb5: {  	v38 =	vor.u32 v2, v34;
	_ =	sdelay $0x3  }
0xb6: {  	[tilespmem:v37+s23+$0x0] =	vst.idx.msk $0xffff, v36;
	v36 =	vor.u32 v3, v35  }
0xb7: {  	v37 =	vld.idx.msk [tilespmem:v38+s22+$0x0], $0xffff;
	v36 =	vand.u32 $0xF88, v36  }
0xb8: {  	v36 =	vor.u32 v33, v36  }
0xb9: {  	v38 =	vor.u32 v4, v34;
	_ =	sdelay $0x3  }
0xba: {  	[tilespmem:v36+s23+$0x0] =	vst.idx.msk $0xffff, v37  }
0xbb: {  	v36 =	vld.idx.msk [tilespmem:v38+s22+$0x0], $0xffff  }
0xbc: {  	v37 =	vor.u32 v5, v32  }
0xbd: {  	v38 =	vor.u32 v6, v34;
	_ =	sdelay $0x3  }
0xbe: {  	[tilespmem:v37+s23+$0x0] =	vst.idx.msk $0xffff, v36  }
0xbf: {  	v36 =	vld.idx.msk [tilespmem:v38+s22+$0x0], $0xffff  }
0xc0: {  	v37 =	vor.u32 v7, v32  }
0xc1: {  	v38 =	vor.u32 v8, v34;
	_ =	sdelay $0x3  }
0xc2: {  	[tilespmem:v37+s23+$0x0] =	vst.idx.msk $0xffff, v36;
	v36 =	vor.u32 v9, v35  }
0xc3: {  	v37 =	vld.idx.msk [tilespmem:v38+s22+$0x0], $0xffff;
	v36 =	vand.u32 $0x7A8, v36  }
0xc4: {  	v36 =	vor.u32 v33, v36  }
0xc5: {  	v38 =	vor.u32 v10, v34;
	_ =	sdelay $0x3  }
0xc6: {  	[tilespmem:v36+s23+$0x0] =	vst.idx.msk $0xffff, v37;
	v36 =	vor.u32 v11, v35  }
0xc7: {  	v37 =	vld.idx.msk [tilespmem:v38+s22+$0x0], $0xffff;
	v36 =	vand.u32 $0xFA8, v36  }
0xc8: {  	v36 =	vor.u32 v33, v36  }
0xc9: {  	v38 =	vor.u32 v12, v34;
	_ =	sdelay $0x3  }
0xca: {  	[tilespmem:v36+s23+$0x0] =	vst.idx.msk $0xffff, v37  }
0xcb: {  	v36 =	vld.idx.msk [tilespmem:v38+s22+$0x0], $0xffff  }
0xcc: {  	v37 =	vor.u32 v13, v32  }
0xcd: {  	v38 =	vor.u32 v14, v34;
	_ =	sdelay $0x3  }
0xce: {  	[tilespmem:v37+s23+$0x0] =	vst.idx.msk $0xffff, v36  }
0xcf: {  	v36 =	vld.idx.msk [tilespmem:v38+s22+$0x0], $0xffff  }
0xd0: {  	v37 =	vor.u32 v15, v32  }
0xd1: {  	v38 =	vor.u32 v16, v34;
	_ =	sdelay $0x3  }
0xd2: {  	[tilespmem:v37+s23+$0x0] =	vst.idx.msk $0xffff, v36;
	v36 =	vor.u32 v17, v35  }
0xd3: {  	v37 =	vld.idx.msk [tilespmem:v38+s22+$0x0], $0xffff;
	v36 =	vand.u32 $0x7C8, v36  }
0xd4: {  	v36 =	vor.u32 v33, v36  }
0xd5: {  	v38 =	vor.u32 v18, v34;
	_ =	sdelay $0x3  }
0xd6: {  	[tilespmem:v36+s23+$0x0] =	vst.idx.msk $0xffff, v37;
	v36 =	vor.u32 v19, v35  }
0xd7: {  	v37 =	vld.idx.msk [tilespmem:v38+s22+$0x0], $0xffff;
	v36 =	vand.u32 $0xFC8, v36  }
0xd8: {  	v36 =	vor.u32 v33, v36  }
0xd9: {  	v38 =	vor.u32 v20, v34;
	_ =	sdelay $0x3  }
0xda: {  	[tilespmem:v36+s23+$0x0] =	vst.idx.msk $0xffff, v37  }
0xdb: {  	v36 =	vld.idx.msk [tilespmem:v38+s22+$0x0], $0xffff  }
0xdc: {  	v37 =	vor.u32 v21, v32  }
0xdd: {  	v38 =	vor.u32 v22, v34;
	_ =	sdelay $0x3  }
0xde: {  	[tilespmem:v37+s23+$0x0] =	vst.idx.msk $0xffff, v36  }
0xdf: {  	v36 =	vld.idx.msk [tilespmem:v38+s22+$0x0], $0xffff  }
0xe0: {  	v37 =	vor.u32 v23, v32  }
0xe1: {  	v38 =	vor.u32 v24, v34;
	_ =	sdelay $0x3  }
0xe2: {  	[tilespmem:v37+s23+$0x0] =	vst.idx.msk $0xffff, v36;
	v36 =	vor.u32 v25, v35  }
0xe3: {  	v37 =	vld.idx.msk [tilespmem:v38+s22+$0x0], $0xffff;
	v36 =	vand.u32 $0x7E8, v36  }
0xe4: {  	v36 =	vor.u32 v33, v36  }
0xe5: {  	v38 =	vor.u32 v26, v34;
	_ =	sdelay $0x3  }
0xe6: {  	v35 =	vor.u32 v27, v35;
	[tilespmem:v36+s23+$0x0] =	vst.idx.msk $0xffff, v37  }
0xe7: {  	v35 =	vand.u32 $0xFE8, v35;
	v36 =	vld.idx.msk [tilespmem:v38+s22+$0x0], $0xffff  }
0xe8: {  	v33 =	vor.u32 v33, v35  }
0xe9: {  	v35 =	vor.u32 v28, v34;
	_ =	sdelay $0x3  }
0xea: {  	[tilespmem:v33+s23+$0x0] =	vst.idx.msk $0xffff, v36  }
0xeb: {  	v33 =	vld.idx.msk [tilespmem:v35+s22+$0x0], $0xffff  }
0xec: {  	v35 =	vor.u32 v29, v32  }
0xed: {  	v34 =	vor.u32 v30, v34;
	_ =	sdelay $0x2  }
0xee: {  	s6 =	sadd.s32 $0x1, s15;
	s15 =	smov.u32 s16  }
0xef: {  	[tilespmem:v35+s23+$0x0] =	vst.idx.msk $0xffff, v33;
	v33 =	vadd.s32 s6, v0  }
0xf0: {  	v35 =	vld.idx.msk [tilespmem:v34+s22+$0x0], $0xffff;
	v34 =	vand.u32 $0xF, v33  }
0xf1: {  	v36 =	vor.u32 v31, v32;
	v32 =	vshll.u32 v34, $0x5  }
0xf2: {  	v37 =	vor.u32 v0, v32;
	_ =	sdelay $0x3  }
0xf3: {  	[tilespmem:v36+s23+$0x0] =	vst.idx.msk $0xffff, v35;
	v35 =	vor.u32 v1, v34  }
0xf4: {  	v33 =	vand.u32 $0x7, v33;
	v36 =	vld.idx.msk [tilespmem:v37+s22+$0x0], $0xffff;
	v35 =	vand.u32 $0x788, v35  }
0xf5: {  	v35 =	vor.u32 v33, v35  }
0xf6: {  	v37 =	vor.u32 v2, v32;
	_ =	sdelay $0x3  }
0xf7: {  	[tilespmem:v35+s23+$0x0] =	vst.idx.msk $0xffff, v36;
	v35 =	vor.u32 v3, v34  }
0xf8: {  	v36 =	vld.idx.msk [tilespmem:v37+s22+$0x0], $0xffff;
	v35 =	vand.u32 $0xF88, v35  }
0xf9: {  	v35 =	vor.u32 v33, v35  }
0xfa: {  	v37 =	vor.u32 v4, v32;
	_ =	sdelay $0x3  }
0xfb: {  	[tilespmem:v35+s23+$0x0] =	vst.idx.msk $0xffff, v36;
	v35 =	vor.u32 v5, v34  }
0xfc: {  	v36 =	vld.idx.msk [tilespmem:v37+s22+$0x0], $0xffff;
	v35 =	vand.u32 $0x798, v35  }
0xfd: {  	v35 =	vor.u32 v33, v35  }
0xfe: {  	v37 =	vor.u32 v6, v32;
	_ =	sdelay $0x3  }
0xff: {  	[tilespmem:v35+s23+$0x0] =	vst.idx.msk $0xffff, v36;
	v35 =	vor.u32 v7, v34  }
0x100: {  	v36 =	vld.idx.msk [tilespmem:v37+s22+$0x0], $0xffff;
	v35 =	vand.u32 $0xF98, v35  }
0x101: {  	v35 =	vor.u32 v33, v35  }
0x102: {  	v37 =	vor.u32 v8, v32;
	_ =	sdelay $0x3  }
0x103: {  	[tilespmem:v35+s23+$0x0] =	vst.idx.msk $0xffff, v36;
	v35 =	vor.u32 v9, v34  }
0x104: {  	v36 =	vld.idx.msk [tilespmem:v37+s22+$0x0], $0xffff;
	v35 =	vand.u32 $0x7A8, v35  }
0x105: {  	v35 =	vor.u32 v33, v35  }
0x106: {  	v37 =	vor.u32 v10, v32;
	_ =	sdelay $0x3  }
0x107: {  	[tilespmem:v35+s23+$0x0] =	vst.idx.msk $0xffff, v36;
	v35 =	vor.u32 v11, v34  }
0x108: {  	v36 =	vld.idx.msk [tilespmem:v37+s22+$0x0], $0xffff;
	v35 =	vand.u32 $0xFA8, v35  }
0x109: {  	v35 =	vor.u32 v33, v35  }
0x10a: {  	v37 =	vor.u32 v12, v32;
	_ =	sdelay $0x3  }
0x10b: {  	[tilespmem:v35+s23+$0x0] =	vst.idx.msk $0xffff, v36;
	v35 =	vor.u32 v13, v34  }
0x10c: {  	v36 =	vld.idx.msk [tilespmem:v37+s22+$0x0], $0xffff;
	v35 =	vand.u32 $0x7B8, v35  }
0x10d: {  	v35 =	vor.u32 v33, v35  }
0x10e: {  	v37 =	vor.u32 v14, v32;
	_ =	sdelay $0x3  }
0x10f: {  	[tilespmem:v35+s23+$0x0] =	vst.idx.msk $0xffff, v36;
	v35 =	vor.u32 v15, v34  }
0x110: {  	v36 =	vld.idx.msk [tilespmem:v37+s22+$0x0], $0xffff;
	v35 =	vand.u32 $0xFB8, v35  }
0x111: {  	v35 =	vor.u32 v33, v35  }
0x112: {  	v37 =	vor.u32 v16, v32;
	_ =	sdelay $0x3  }
0x113: {  	[tilespmem:v35+s23+$0x0] =	vst.idx.msk $0xffff, v36;
	v35 =	vor.u32 v17, v34  }
0x114: {  	v36 =	vld.idx.msk [tilespmem:v37+s22+$0x0], $0xffff;
	v35 =	vand.u32 $0x7C8, v35  }
0x115: {  	v35 =	vor.u32 v33, v35  }
0x116: {  	v37 =	vor.u32 v18, v32;
	_ =	sdelay $0x3  }
0x117: {  	[tilespmem:v35+s23+$0x0] =	vst.idx.msk $0xffff, v36;
	v35 =	vor.u32 v19, v34  }
0x118: {  	v36 =	vld.idx.msk [tilespmem:v37+s22+$0x0], $0xffff;
	v35 =	vand.u32 $0xFC8, v35  }
0x119: {  	v35 =	vor.u32 v33, v35  }
0x11a: {  	v37 =	vor.u32 v20, v32;
	_ =	sdelay $0x3  }
0x11b: {  	[tilespmem:v35+s23+$0x0] =	vst.idx.msk $0xffff, v36;
	v35 =	vor.u32 v21, v34  }
0x11c: {  	v36 =	vld.idx.msk [tilespmem:v37+s22+$0x0], $0xffff;
	v35 =	vand.u32 $0x7D8, v35  }
0x11d: {  	v35 =	vor.u32 v33, v35  }
0x11e: {  	v37 =	vor.u32 v22, v32;
	_ =	sdelay $0x3  }
0x11f: {  	[tilespmem:v35+s23+$0x0] =	vst.idx.msk $0xffff, v36;
	v35 =	vor.u32 v23, v34  }
0x120: {  	v36 =	vld.idx.msk [tilespmem:v37+s22+$0x0], $0xffff;
	v35 =	vand.u32 $0xFD8, v35  }
0x121: {  	v35 =	vor.u32 v33, v35  }
0x122: {  	v37 =	vor.u32 v24, v32;
	_ =	sdelay $0x3  }
0x123: {  	[tilespmem:v35+s23+$0x0] =	vst.idx.msk $0xffff, v36;
	v35 =	vor.u32 v25, v34  }
0x124: {  	v36 =	vld.idx.msk [tilespmem:v37+s22+$0x0], $0xffff;
	v35 =	vand.u32 $0x7E8, v35  }
0x125: {  	v35 =	vor.u32 v33, v35  }
0x126: {  	v37 =	vor.u32 v26, v32;
	_ =	sdelay $0x3  }
0x127: {  	[tilespmem:v35+s23+$0x0] =	vst.idx.msk $0xffff, v36;
	v35 =	vor.u32 v27, v34  }
0x128: {  	v36 =	vld.idx.msk [tilespmem:v37+s22+$0x0], $0xffff;
	v35 =	vand.u32 $0xFE8, v35  }
0x129: {  	v35 =	vor.u32 v33, v35  }
0x12a: {  	v37 =	vor.u32 v28, v32;
	_ =	sdelay $0x3  }
0x12b: {  	[tilespmem:v35+s23+$0x0] =	vst.idx.msk $0xffff, v36;
	v35 =	vor.u32 v29, v34  }
0x12c: {  	v37 =	vld.idx.msk [tilespmem:v37+s22+$0x0], $0xffff;
	v35 =	vand.u32 $0x7F8, v35  }
0x12d: {  	v35 =	vor.u32 v33, v35  }
.Ltmp3:
0x12e: {  	v36 =	vor.u32 v30, v32;
	(pc) =	sbr.rel @p0 .LBB2_5-.Ltmp3, $2  }
0x12f: {  	_ =	sdelay $0x2  }
0x130: {  	s16 =	sadd.s32 $0x2, s16;
	v32 =	vadd.s32 s15, v0;
	v34 =	vor.u32 v31, v34;
	[tilespmem:v35+s23+$0x0] =	vst.idx.msk $0xffff, v37  }
0x131: {  	_ =	sdelay $0x2  }
0x132: {  	v35 =	vand.u32 $0xF, v32;
	v34 =	vand.u32 $0xFF8, v34  }
0x133: {  	v36 =	vld.idx.msk [tilespmem:v36+s22+$0x0], $0xffff;
	v37 =	vshll.u32 v35, $0x5;
	v33 =	vor.u32 v33, v34  }
0x134: {  	v51 =	vor.u32 v0, v37;
	_ =	sdelay $0x2  }
0x135: {  	v38 =	vor.u32 v1, v35  }
0x136: {  	v52 =	vand.u32 $0x788, v38;
	[tilespmem:v33+s23+$0x0] =	vst.idx.msk $0xffff, v36;
	v36 =	vand.u32 $0x7, v32  }
0x137: {  	v34 =	vld.idx.msk [tilespmem:v51+s22+$0x0], $0xffff;
	v33 =	vor.u32 v36, v52  }
0x138: {  	v53 =	vor.u32 v2, v37;
	_ =	sdelay $0x2  }
0x139: {  	v39 =	vor.u32 v3, v35  }
0x13a: {  	v54 =	vand.u32 $0xF88, v39;
	[tilespmem:v33+s23+$0x0] =	vst.idx.msk $0xffff, v34  }
0x13b: {  	v33 =	vor.u32 v36, v54;
	v34 =	vld.idx.msk [tilespmem:v53+s22+$0x0], $0xffff  }
0x13c: {  	v55 =	vor.u32 v4, v37;
	_ =	sdelay $0x3  }
0x13d: {  	[tilespmem:v33+s23+$0x0] =	vst.idx.msk $0xffff, v34  }
0x13e: {  	v56 =	vor.u32 v5, v32;
	v33 =	vld.idx.msk [tilespmem:v55+s22+$0x0], $0xffff  }
0x13f: {  	v57 =	vor.u32 v6, v37;
	_ =	sdelay $0x3  }
0x140: {  	[tilespmem:v56+s23+$0x0] =	vst.idx.msk $0xffff, v33  }
0x141: {  	v58 =	vor.u32 v7, v32;
	v33 =	vld.idx.msk [tilespmem:v57+s22+$0x0], $0xffff  }
0x142: {  	v59 =	vor.u32 v8, v37;
	_ =	sdelay $0x2  }
0x143: {  	v60 =	vor.u32 v9, v35  }
0x144: {  	v61 =	vand.u32 $0x7A8, v60;
	[tilespmem:v58+s23+$0x0] =	vst.idx.msk $0xffff, v33  }
0x145: {  	v33 =	vor.u32 v36, v61;
	v34 =	vld.idx.msk [tilespmem:v59+s22+$0x0], $0xffff  }
0x146: {  	v62 =	vor.u32 v10, v37;
	_ =	sdelay $0x2  }
0x147: {  	v63 =	vor.u32 v11, v35  }
0x148: {  	v39 =	vand.u32 $0xFA8, v63;
	[tilespmem:v33+s23+$0x0] =	vst.idx.msk $0xffff, v34  }
0x149: {  	v33 =	vor.u32 v36, v39;
	v34 =	vld.idx.msk [tilespmem:v62+s22+$0x0], $0xffff  }
0x14a: {  	v40 =	vor.u32 v12, v37;
	_ =	sdelay $0x3  }
0x14b: {  	[tilespmem:v33+s23+$0x0] =	vst.idx.msk $0xffff, v34  }
0x14c: {  	v41 =	vor.u32 v13, v32;
	v33 =	vld.idx.msk [tilespmem:v40+s22+$0x0], $0xffff  }
0x14d: {  	v42 =	vor.u32 v14, v37;
	_ =	sdelay $0x3  }
0x14e: {  	[tilespmem:v41+s23+$0x0] =	vst.idx.msk $0xffff, v33  }
0x14f: {  	v43 =	vor.u32 v15, v32;
	v33 =	vld.idx.msk [tilespmem:v42+s22+$0x0], $0xffff  }
0x150: {  	v44 =	vor.u32 v16, v37;
	_ =	sdelay $0x2  }
0x151: {  	v45 =	vor.u32 v17, v35  }
0x152: {  	v46 =	vand.u32 $0x7C8, v45;
	[tilespmem:v43+s23+$0x0] =	vst.idx.msk $0xffff, v33  }
0x153: {  	v33 =	vor.u32 v36, v46;
	v34 =	vld.idx.msk [tilespmem:v44+s22+$0x0], $0xffff  }
0x154: {  	v47 =	vor.u32 v18, v37;
	_ =	sdelay $0x2  }
0x155: {  	v48 =	vor.u32 v19, v35  }
0x156: {  	v49 =	vand.u32 $0xFC8, v48;
	[tilespmem:v33+s23+$0x0] =	vst.idx.msk $0xffff, v34  }
0x157: {  	v33 =	vor.u32 v36, v49;
	v34 =	vld.idx.msk [tilespmem:v47+s22+$0x0], $0xffff  }
0x158: {  	v50 =	vor.u32 v20, v37;
	_ =	sdelay $0x3  }
0x159: {  	[tilespmem:v33+s23+$0x0] =	vst.idx.msk $0xffff, v34  }
0x15a: {  	v51 =	vor.u32 v21, v32;
	v33 =	vld.idx.msk [tilespmem:v50+s22+$0x0], $0xffff  }
0x15b: {  	v52 =	vor.u32 v22, v37;
	_ =	sdelay $0x3  }
0x15c: {  	[tilespmem:v51+s23+$0x0] =	vst.idx.msk $0xffff, v33  }
0x15d: {  	v53 =	vor.u32 v23, v32;
	v33 =	vld.idx.msk [tilespmem:v52+s22+$0x0], $0xffff  }
0x15e: {  	v54 =	vor.u32 v24, v37;
	_ =	sdelay $0x2  }
0x15f: {  	v55 =	vor.u32 v25, v35  }
0x160: {  	v56 =	vand.u32 $0x7E8, v55;
	[tilespmem:v53+s23+$0x0] =	vst.idx.msk $0xffff, v33  }
0x161: {  	v33 =	vor.u32 v36, v56;
	v34 =	vld.idx.msk [tilespmem:v54+s22+$0x0], $0xffff  }
0x162: {  	v57 =	vor.u32 v26, v37;
	_ =	sdelay $0x2  }
0x163: {  	v35 =	vor.u32 v27, v35  }
0x164: {  	v58 =	vand.u32 $0xFE8, v35;
	[tilespmem:v33+s23+$0x0] =	vst.idx.msk $0xffff, v34  }
0x165: {  	v33 =	vor.u32 v36, v58;
	v34 =	vld.idx.msk [tilespmem:v57+s22+$0x0], $0xffff  }
0x166: {  	v59 =	vor.u32 v28, v37;
	_ =	sdelay $0x3  }
0x167: {  	[tilespmem:v33+s23+$0x0] =	vst.idx.msk $0xffff, v34  }
0x168: {  	v60 =	vor.u32 v29, v32;
	v33 =	vld.idx.msk [tilespmem:v59+s22+$0x0], $0xffff  }
0x169: {  	v61 =	vor.u32 v30, v37;
	_ =	sdelay $0x1  }
0x16a: {  	s6 =	sadd.s32 $0x1, s15  }
0x16b: {  	v62 =	vadd.s32 s6, v0  }
0x16c: {  	[tilespmem:v60+s23+$0x0] =	vst.idx.msk $0xffff, v33;
	v33 =	vand.u32 $0xF, v62  }
0x16d: {  	v63 =	vor.u32 v31, v32;
	v34 =	vld.idx.msk [tilespmem:v61+s22+$0x0], $0xffff;
	v35 =	vshll.u32 v33, $0x5  }
0x16e: {  	v40 =	vor.u32 v0, v35;
	_ =	sdelay $0x2  }
0x16f: {  	v41 =	vor.u32 v1, v33  }
0x170: {  	v42 =	vand.u32 $0x788, v41;
	[tilespmem:v63+s23+$0x0] =	vst.idx.msk $0xffff, v34;
	v34 =	vand.u32 $0x7, v62  }
0x171: {  	v43 =	vld.idx.msk [tilespmem:v40+s22+$0x0], $0xffff;
	v32 =	vor.u32 v34, v42  }
0x172: {  	v44 =	vor.u32 v2, v35;
	_ =	sdelay $0x2  }
0x173: {  	v45 =	vor.u32 v3, v33  }
0x174: {  	v46 =	vand.u32 $0xF88, v45;
	[tilespmem:v32+s23+$0x0] =	vst.idx.msk $0xffff, v43  }
0x175: {  	v32 =	vor.u32 v34, v46;
	v36 =	vld.idx.msk [tilespmem:v44+s22+$0x0], $0xffff  }
0x176: {  	v47 =	vor.u32 v4, v35;
	_ =	sdelay $0x2  }
0x177: {  	v48 =	vor.u32 v5, v33  }
0x178: {  	v49 =	vand.u32 $0x798, v48;
	[tilespmem:v32+s23+$0x0] =	vst.idx.msk $0xffff, v36  }
0x179: {  	v32 =	vor.u32 v34, v49;
	v36 =	vld.idx.msk [tilespmem:v47+s22+$0x0], $0xffff  }
0x17a: {  	v50 =	vor.u32 v6, v35;
	_ =	sdelay $0x2  }
0x17b: {  	v51 =	vor.u32 v7, v33  }
0x17c: {  	v52 =	vand.u32 $0xF98, v51;
	[tilespmem:v32+s23+$0x0] =	vst.idx.msk $0xffff, v36  }
0x17d: {  	v32 =	vor.u32 v34, v52;
	v36 =	vld.idx.msk [tilespmem:v50+s22+$0x0], $0xffff  }
0x17e: {  	v53 =	vor.u32 v8, v35;
	_ =	sdelay $0x2  }
0x17f: {  	v54 =	vor.u32 v9, v33  }
0x180: {  	v55 =	vand.u32 $0x7A8, v54;
	[tilespmem:v32+s23+$0x0] =	vst.idx.msk $0xffff, v36  }
0x181: {  	v32 =	vor.u32 v34, v55;
	v36 =	vld.idx.msk [tilespmem:v53+s22+$0x0], $0xffff  }
0x182: {  	v56 =	vor.u32 v10, v35;
	_ =	sdelay $0x2  }
0x183: {  	v57 =	vor.u32 v11, v33  }
0x184: {  	v58 =	vand.u32 $0xFA8, v57;
	[tilespmem:v32+s23+$0x0] =	vst.idx.msk $0xffff, v36  }
0x185: {  	v32 =	vor.u32 v34, v58;
	v36 =	vld.idx.msk [tilespmem:v56+s22+$0x0], $0xffff  }
0x186: {  	v59 =	vor.u32 v12, v35;
	_ =	sdelay $0x2  }
0x187: {  	v60 =	vor.u32 v13, v33  }
0x188: {  	v61 =	vand.u32 $0x7B8, v60;
	[tilespmem:v32+s23+$0x0] =	vst.idx.msk $0xffff, v36  }
0x189: {  	v32 =	vor.u32 v34, v61;
	v36 =	vld.idx.msk [tilespmem:v59+s22+$0x0], $0xffff  }
0x18a: {  	v62 =	vor.u32 v14, v35;
	_ =	sdelay $0x2  }
0x18b: {  	v63 =	vor.u32 v15, v33  }
0x18c: {  	v40 =	vand.u32 $0xFB8, v63;
	[tilespmem:v32+s23+$0x0] =	vst.idx.msk $0xffff, v36  }
0x18d: {  	v32 =	vor.u32 v34, v40;
	v36 =	vld.idx.msk [tilespmem:v62+s22+$0x0], $0xffff  }
0x18e: {  	v41 =	vor.u32 v16, v35;
	_ =	sdelay $0x2  }
0x18f: {  	v42 =	vor.u32 v17, v33  }
0x190: {  	v43 =	vand.u32 $0x7C8, v42;
	[tilespmem:v32+s23+$0x0] =	vst.idx.msk $0xffff, v36  }
0x191: {  	v32 =	vor.u32 v34, v43;
	v36 =	vld.idx.msk [tilespmem:v41+s22+$0x0], $0xffff  }
0x192: {  	v44 =	vor.u32 v18, v35;
	_ =	sdelay $0x2  }
0x193: {  	v45 =	vor.u32 v19, v33  }
0x194: {  	v46 =	vand.u32 $0xFC8, v45;
	[tilespmem:v32+s23+$0x0] =	vst.idx.msk $0xffff, v36  }
0x195: {  	v32 =	vor.u32 v34, v46;
	v36 =	vld.idx.msk [tilespmem:v44+s22+$0x0], $0xffff  }
0x196: {  	v47 =	vor.u32 v20, v35;
	_ =	sdelay $0x2  }
0x197: {  	v48 =	vor.u32 v21, v33  }
0x198: {  	v49 =	vand.u32 $0x7D8, v48;
	[tilespmem:v32+s23+$0x0] =	vst.idx.msk $0xffff, v36  }
0x199: {  	v32 =	vor.u32 v34, v49;
	v36 =	vld.idx.msk [tilespmem:v47+s22+$0x0], $0xffff  }
0x19a: {  	v50 =	vor.u32 v22, v35;
	_ =	sdelay $0x2  }
0x19b: {  	v51 =	vor.u32 v23, v33  }
0x19c: {  	v52 =	vand.u32 $0xFD8, v51;
	[tilespmem:v32+s23+$0x0] =	vst.idx.msk $0xffff, v36  }
0x19d: {  	v32 =	vor.u32 v34, v52;
	v36 =	vld.idx.msk [tilespmem:v50+s22+$0x0], $0xffff  }
0x19e: {  	v53 =	vor.u32 v24, v35;
	_ =	sdelay $0x2  }
0x19f: {  	v54 =	vor.u32 v25, v33  }
0x1a0: {  	v55 =	vand.u32 $0x7E8, v54;
	[tilespmem:v32+s23+$0x0] =	vst.idx.msk $0xffff, v36  }
0x1a1: {  	v32 =	vor.u32 v34, v55;
	v36 =	vld.idx.msk [tilespmem:v53+s22+$0x0], $0xffff  }
0x1a2: {  	v56 =	vor.u32 v26, v35;
	_ =	sdelay $0x2  }
0x1a3: {  	v57 =	vor.u32 v27, v33  }
0x1a4: {  	v58 =	vand.u32 $0xFE8, v57;
	[tilespmem:v32+s23+$0x0] =	vst.idx.msk $0xffff, v36  }
0x1a5: {  	v32 =	vor.u32 v34, v58;
	v36 =	vld.idx.msk [tilespmem:v56+s22+$0x0], $0xffff  }
0x1a6: {  	v59 =	vor.u32 v28, v35;
	_ =	sdelay $0x2  }
0x1a7: {  	v60 =	vor.u32 v29, v33  }
0x1a8: {  	v61 =	vand.u32 $0x7F8, v60;
	[tilespmem:v32+s23+$0x0] =	vst.idx.msk $0xffff, v36  }
0x1a9: {  	v32 =	vor.u32 v34, v61;
	v36 =	vld.idx.msk [tilespmem:v59+s22+$0x0], $0xffff  }
0x1aa: {  	v35 =	vor.u32 v30, v35  }
0x1ab: {  	s6 =	sadd.s32 $0xFFFFFFFF, s14  }
0x1ac: {  	s14 =	sshra.s32 s6, $0x1F  }
0x1ad: {  	s16 =	sshrl.u32 s14, $0x1B;
	v33 =	vor.u32 v31, v33  }
0x1ae: {  	s15 =	sadd.s32 s16, s6;
	v62 =	vand.u32 $0xFF8, v33;
	[tilespmem:v32+s23+$0x0] =	vst.idx.msk $0xffff, v36  }
0x1af: {  	s15 =	sshrl.u32 s15, $0x5;
	v32 =	vor.u32 v34, v62;
	v63 =	vld.idx.msk [tilespmem:v35+s22+$0x0], $0xffff  }
0x1b0: {  	s6 =	sshll.u32 s6, $0xA;
	s14 =	sadd.s32 s14, s15  }
0x1b1: {  	s6 =	sand.u32 $0x7C00, s6;
	s14 =	sshll.u32 s14, $0x11  }
0x1b2: {  	s6 =	sor.u32 s6, s14  }
0x1b3: {  	s6 =	sshrl.u32 s6, $0x3  }
0x1b4: {  	s16 =	sadd.s32 s2, s6;
	[tilespmem:v32+s23+$0x0] =	vst.idx.msk $0xffff, v63  }
0x1b5: {  	[hbm4b:s16+s3] =	stream.linear.scatter [tilespmem:s23], [sflag:$0x6], $0x400, $0x38;
	[tilespmem:$0x4100] =	vst v63  }
0x1b6: {  	s15 =	sadd.s32 s6, s9  }
0x1b7: {  	[hbm4b:s15+s3] =	stream.linear.scatter [tilespmem:s24], [sflag:$0x6], $0x400, $0x38;
	[tilespmem:$0x4100] =	vst v63  }
0x1b8: {  	s16 =	sadd.s32 s6, s10  }
0x1b9: {  	[hbm4b:s16+s3] =	stream.linear.scatter [tilespmem:s25], [sflag:$0x6], $0x400, $0x38;
	[tilespmem:$0x4100] =	vst v63  }
0x1ba: {  	p0 =	por $0x0, $0x0;
	s6 =	sadd.s32 s6, s11  }
0x1bb: {  	[hbm4b:s6+s3] =	stream.linear.scatter [tilespmem:s26], [sflag:$0x6], $0x400, $0x38;
	[tilespmem:$0x4100] =	vst v63  }
.LBB2_9:
0x1bc: {  	_ =	swait.ge [sflag:s28], $0x80  }
0x1bd: {  	[sflag:s28] =	ssyncset.done $0x0  }
0x1be: {  	s6 =	simm.s32 @!p0 $0x5;
	[sflag:s28] =	ssyncadd.s32 $0xFFFFFF80  }
0x1bf: {  	[tilespmem:s22], [sflag:$0x4] =	stream.indirect.gather [hbm4b:s5+s17], $0x20, s17, s17, $0xb8;
	[tilespmem:$0x4100] =	vst v63  }
0x1c0: {  	_ =	swait.ge @!p0 [sflag:s6], $0x400  }
0x1c1: {  	[sflag:s6] =	ssyncset.done @!p0 $0x0  }
0x1c2: {  	[sflag:s6] =	ssyncadd.s32 @!p0 $0xFFFFFC00  }
0x1c3: {  	_ =	swait.ge @!p0 [sflag:s6], $0x400  }
0x1c4: {  	[sflag:s6] =	ssyncset.done @!p0 $0x0  }
0x1c5: {  	[sflag:s6] =	ssyncadd.s32 @!p0 $0xFFFFFC00  }
0x1c6: {  	_ =	swait.ge @!p0 [sflag:s6], $0x400  }
0x1c7: {  	s14 =	simm.s32 $0x0;
	[sflag:s6] =	ssyncset.done @!p0 $0x0  }
0x1c8: {  	v32 =	vadd.s32 s14, v0;
	[sflag:s6] =	ssyncadd.s32 @!p0 $0xFFFFFC00  }
0x1c9: {  	v33 =	vand.u32 $0xF, v32;
	_ =	swait.ge @!p0 [sflag:s6], $0x400  }
0x1ca: {  	v34 =	vshll.u32 v33, $0x5;
	[sflag:s6] =	ssyncset.done @!p0 $0x0  }
0x1cb: {  	s13 =	sadd.s32 s13, s4;
	v35 =	vor.u32 v0, v34;
	[sflag:s6] =	ssyncadd.s32 @!p0 $0xFFFFFC00  }
0x1cc: {  	s13 =	sadd.s32 $0x1, s13;
	p0 =	seq.s32 s12, $0x63;
	_ =	swait.ge [sflag:s29], $0x1000  }
0x1cd: {  	s6 =	sshll.u32 @!p0 s13, $0x4;
	[sflag:s29] =	ssyncset.done $0x0  }
0x1ce: {  	v36 =	vor.u32 v1, v33;
	s14 =	simm.s32 @!p0 $0x0;
	s6 =	sadd.s32 @!p0 s8, s6;
	[sflag:s29] =	ssyncadd.s32 $0xFFFFF000  }
0x1cf: {  	v37 =	vand.u32 $0x7, v32;
	v36 =	vand.u32 $0x788, v36;
	[tilespmem:s14], [sflag:$0x1] =	stream.linear.gather @!p0 [hbm4b:s6+s14], $0x80, $0x38;
	[tilespmem:$0x4100] =	vst v63  }
0x1d0: {  	v36 =	vor.u32 v37, v36;
	v35 =	vld.idx.msk [tilespmem:v35+s19+$0x0], $0xffff  }
0x1d1: {  	v38 =	vor.u32 v2, v34;
	_ =	sdelay $0x2  }
0x1d2: {  	v39 =	vor.u32 v3, v33  }
0x1d3: {  	v57 =	vand.u32 $0xF88, v39;
	[tilespmem:v36+s30+$0x0] =	vst.idx.msk $0xffff, v35  }
0x1d4: {  	v35 =	vor.u32 v37, v57;
	v36 =	vld.idx.msk [tilespmem:v38+s19+$0x0], $0xffff  }
0x1d5: {  	v58 =	vor.u32 v4, v34;
	_ =	sdelay $0x3  }
0x1d6: {  	[tilespmem:v35+s30+$0x0] =	vst.idx.msk $0xffff, v36  }
0x1d7: {  	v59 =	vor.u32 v5, v32;
	v35 =	vld.idx.msk [tilespmem:v58+s19+$0x0], $0xffff  }
0x1d8: {  	v60 =	vor.u32 v6, v34;
	_ =	sdelay $0x3  }
0x1d9: {  	[tilespmem:v59+s30+$0x0] =	vst.idx.msk $0xffff, v35  }
0x1da: {  	v61 =	vor.u32 v7, v32;
	v35 =	vld.idx.msk [tilespmem:v60+s19+$0x0], $0xffff  }
0x1db: {  	v62 =	vor.u32 v8, v34;
	_ =	sdelay $0x2  }
0x1dc: {  	v63 =	vor.u32 v9, v33  }
0x1dd: {  	v41 =	vand.u32 $0x7A8, v63;
	[tilespmem:v61+s30+$0x0] =	vst.idx.msk $0xffff, v35  }
0x1de: {  	v35 =	vor.u32 v37, v41;
	v36 =	vld.idx.msk [tilespmem:v62+s19+$0x0], $0xffff  }
0x1df: {  	v42 =	vor.u32 v10, v34;
	_ =	sdelay $0x2  }
0x1e0: {  	v43 =	vor.u32 v11, v33  }
0x1e1: {  	v44 =	vand.u32 $0xFA8, v43;
	[tilespmem:v35+s30+$0x0] =	vst.idx.msk $0xffff, v36  }
0x1e2: {  	v35 =	vor.u32 v37, v44;
	v36 =	vld.idx.msk [tilespmem:v42+s19+$0x0], $0xffff  }
0x1e3: {  	v45 =	vor.u32 v12, v34;
	_ =	sdelay $0x3  }
0x1e4: {  	[tilespmem:v35+s30+$0x0] =	vst.idx.msk $0xffff, v36  }
0x1e5: {  	v46 =	vor.u32 v13, v32;
	v35 =	vld.idx.msk [tilespmem:v45+s19+$0x0], $0xffff  }
0x1e6: {  	v47 =	vor.u32 v14, v34;
	_ =	sdelay $0x3  }
0x1e7: {  	[tilespmem:v46+s30+$0x0] =	vst.idx.msk $0xffff, v35  }
0x1e8: {  	v48 =	vor.u32 v15, v32;
	v35 =	vld.idx.msk [tilespmem:v47+s19+$0x0], $0xffff  }
0x1e9: {  	v49 =	vor.u32 v16, v34;
	_ =	sdelay $0x2  }
0x1ea: {  	v50 =	vor.u32 v17, v33  }
0x1eb: {  	v51 =	vand.u32 $0x7C8, v50;
	[tilespmem:v48+s30+$0x0] =	vst.idx.msk $0xffff, v35  }
0x1ec: {  	v35 =	vor.u32 v37, v51;
	v36 =	vld.idx.msk [tilespmem:v49+s19+$0x0], $0xffff  }
0x1ed: {  	v52 =	vor.u32 v18, v34;
	_ =	sdelay $0x2  }
0x1ee: {  	v53 =	vor.u32 v19, v33  }
0x1ef: {  	v54 =	vand.u32 $0xFC8, v53;
	[tilespmem:v35+s30+$0x0] =	vst.idx.msk $0xffff, v36  }
0x1f0: {  	v35 =	vor.u32 v37, v54;
	v36 =	vld.idx.msk [tilespmem:v52+s19+$0x0], $0xffff  }
0x1f1: {  	v55 =	vor.u32 v20, v34;
	_ =	sdelay $0x3  }
0x1f2: {  	[tilespmem:v35+s30+$0x0] =	vst.idx.msk $0xffff, v36  }
0x1f3: {  	v56 =	vor.u32 v21, v32;
	v35 =	vld.idx.msk [tilespmem:v55+s19+$0x0], $0xffff  }
0x1f4: {  	v57 =	vor.u32 v22, v34;
	_ =	sdelay $0x3  }
0x1f5: {  	[tilespmem:v56+s30+$0x0] =	vst.idx.msk $0xffff, v35  }
0x1f6: {  	v58 =	vor.u32 v23, v32;
	v35 =	vld.idx.msk [tilespmem:v57+s19+$0x0], $0xffff  }
0x1f7: {  	v59 =	vor.u32 v24, v34;
	_ =	sdelay $0x2  }
0x1f8: {  	v60 =	vor.u32 v25, v33  }
0x1f9: {  	v61 =	vand.u32 $0x7E8, v60;
	[tilespmem:v58+s30+$0x0] =	vst.idx.msk $0xffff, v35  }
0x1fa: {  	v35 =	vor.u32 v37, v61;
	v36 =	vld.idx.msk [tilespmem:v59+s19+$0x0], $0xffff  }
0x1fb: {  	v62 =	vor.u32 v26, v34;
	_ =	sdelay $0x2  }
0x1fc: {  	v33 =	vor.u32 v27, v33  }
0x1fd: {  	v33 =	vand.u32 $0xFE8, v33;
	[tilespmem:v35+s30+$0x0] =	vst.idx.msk $0xffff, v36  }
0x1fe: {  	v33 =	vor.u32 v37, v33;
	v35 =	vld.idx.msk [tilespmem:v62+s19+$0x0], $0xffff  }
0x1ff: {  	v63 =	vor.u32 v28, v34;
	_ =	sdelay $0x3  }
0x200: {  	[tilespmem:v33+s30+$0x0] =	vst.idx.msk $0xffff, v35  }
0x201: {  	v40 =	vor.u32 v29, v32;
	v33 =	vld.idx.msk [tilespmem:v63+s19+$0x0], $0xffff  }
0x202: {  	v34 =	vor.u32 v30, v34;
	_ =	sdelay $0x1  }
0x203: {  	s16 =	simm.s32 $0x1  }
0x204: {  	v41 =	vadd.s32 s16, v0  }
0x205: {  	v35 =	vand.u32 $0xF, v41;
	[tilespmem:v40+s30+$0x0] =	vst.idx.msk $0xffff, v33  }
0x206: {  	v32 =	vor.u32 v31, v32;
	v33 =	vld.idx.msk [tilespmem:v34+s19+$0x0], $0xffff;
	v34 =	vshll.u32 v35, $0x5  }
0x207: {  	v42 =	vor.u32 v0, v34;
	_ =	sdelay $0x2  }
0x208: {  	v43 =	vor.u32 v1, v35  }
0x209: {  	v44 =	vand.u32 $0x788, v43;
	[tilespmem:v32+s30+$0x0] =	vst.idx.msk $0xffff, v33;
	v33 =	vand.u32 $0x7, v41  }
0x20a: {  	v45 =	vld.idx.msk [tilespmem:v42+s19+$0x0], $0xffff;
	v32 =	vor.u32 v33, v44  }
0x20b: {  	v46 =	vor.u32 v2, v34;
	_ =	sdelay $0x2  }
0x20c: {  	v47 =	vor.u32 v3, v35  }
0x20d: {  	v48 =	vand.u32 $0xF88, v47;
	[tilespmem:v32+s30+$0x0] =	vst.idx.msk $0xffff, v45  }
0x20e: {  	v32 =	vor.u32 v33, v48;
	v36 =	vld.idx.msk [tilespmem:v46+s19+$0x0], $0xffff  }
0x20f: {  	v49 =	vor.u32 v4, v34;
	_ =	sdelay $0x2  }
0x210: {  	v50 =	vor.u32 v5, v35  }
0x211: {  	v51 =	vand.u32 $0x798, v50;
	[tilespmem:v32+s30+$0x0] =	vst.idx.msk $0xffff, v36  }
0x212: {  	v32 =	vor.u32 v33, v51;
	v36 =	vld.idx.msk [tilespmem:v49+s19+$0x0], $0xffff  }
0x213: {  	v52 =	vor.u32 v6, v34;
	_ =	sdelay $0x2  }
0x214: {  	v53 =	vor.u32 v7, v35  }
0x215: {  	v54 =	vand.u32 $0xF98, v53;
	[tilespmem:v32+s30+$0x0] =	vst.idx.msk $0xffff, v36  }
0x216: {  	v32 =	vor.u32 v33, v54;
	v36 =	vld.idx.msk [tilespmem:v52+s19+$0x0], $0xffff  }
0x217: {  	v55 =	vor.u32 v8, v34;
	_ =	sdelay $0x2  }
0x218: {  	v56 =	vor.u32 v9, v35  }
0x219: {  	v57 =	vand.u32 $0x7A8, v56;
	[tilespmem:v32+s30+$0x0] =	vst.idx.msk $0xffff, v36  }
0x21a: {  	v32 =	vor.u32 v33, v57;
	v36 =	vld.idx.msk [tilespmem:v55+s19+$0x0], $0xffff  }
0x21b: {  	v58 =	vor.u32 v10, v34;
	_ =	sdelay $0x2  }
0x21c: {  	v59 =	vor.u32 v11, v35  }
0x21d: {  	v60 =	vand.u32 $0xFA8, v59;
	[tilespmem:v32+s30+$0x0] =	vst.idx.msk $0xffff, v36  }
0x21e: {  	v32 =	vor.u32 v33, v60;
	v36 =	vld.idx.msk [tilespmem:v58+s19+$0x0], $0xffff  }
0x21f: {  	v61 =	vor.u32 v12, v34;
	_ =	sdelay $0x2  }
0x220: {  	v62 =	vor.u32 v13, v35  }
0x221: {  	v63 =	vand.u32 $0x7B8, v62;
	[tilespmem:v32+s30+$0x0] =	vst.idx.msk $0xffff, v36  }
0x222: {  	v32 =	vor.u32 v33, v63;
	v36 =	vld.idx.msk [tilespmem:v61+s19+$0x0], $0xffff  }
0x223: {  	v40 =	vor.u32 v14, v34;
	_ =	sdelay $0x2  }
0x224: {  	v41 =	vor.u32 v15, v35  }
0x225: {  	v42 =	vand.u32 $0xFB8, v41;
	[tilespmem:v32+s30+$0x0] =	vst.idx.msk $0xffff, v36  }
0x226: {  	v32 =	vor.u32 v33, v42;
	v36 =	vld.idx.msk [tilespmem:v40+s19+$0x0], $0xffff  }
0x227: {  	v43 =	vor.u32 v16, v34;
	_ =	sdelay $0x2  }
0x228: {  	v44 =	vor.u32 v17, v35  }
0x229: {  	v45 =	vand.u32 $0x7C8, v44;
	[tilespmem:v32+s30+$0x0] =	vst.idx.msk $0xffff, v36  }
0x22a: {  	v32 =	vor.u32 v33, v45;
	v36 =	vld.idx.msk [tilespmem:v43+s19+$0x0], $0xffff  }
0x22b: {  	v46 =	vor.u32 v18, v34;
	_ =	sdelay $0x2  }
0x22c: {  	v47 =	vor.u32 v19, v35  }
0x22d: {  	v48 =	vand.u32 $0xFC8, v47;
	[tilespmem:v32+s30+$0x0] =	vst.idx.msk $0xffff, v36  }
0x22e: {  	v32 =	vor.u32 v33, v48;
	v36 =	vld.idx.msk [tilespmem:v46+s19+$0x0], $0xffff  }
0x22f: {  	v49 =	vor.u32 v20, v34;
	_ =	sdelay $0x2  }
0x230: {  	v50 =	vor.u32 v21, v35  }
0x231: {  	v51 =	vand.u32 $0x7D8, v50;
	[tilespmem:v32+s30+$0x0] =	vst.idx.msk $0xffff, v36  }
0x232: {  	v32 =	vor.u32 v33, v51;
	v36 =	vld.idx.msk [tilespmem:v49+s19+$0x0], $0xffff  }
0x233: {  	v52 =	vor.u32 v22, v34;
	_ =	sdelay $0x2  }
0x234: {  	v53 =	vor.u32 v23, v35  }
0x235: {  	v54 =	vand.u32 $0xFD8, v53;
	[tilespmem:v32+s30+$0x0] =	vst.idx.msk $0xffff, v36  }
0x236: {  	v32 =	vor.u32 v33, v54;
	v36 =	vld.idx.msk [tilespmem:v52+s19+$0x0], $0xffff  }
0x237: {  	v55 =	vor.u32 v24, v34;
	_ =	sdelay $0x2  }
0x238: {  	v56 =	vor.u32 v25, v35  }
0x239: {  	v57 =	vand.u32 $0x7E8, v56;
	[tilespmem:v32+s30+$0x0] =	vst.idx.msk $0xffff, v36  }
0x23a: {  	v32 =	vor.u32 v33, v57;
	v36 =	vld.idx.msk [tilespmem:v55+s19+$0x0], $0xffff  }
0x23b: {  	v58 =	vor.u32 v26, v34;
	_ =	sdelay $0x2  }
0x23c: {  	v59 =	vor.u32 v27, v35  }
0x23d: {  	v60 =	vand.u32 $0xFE8, v59;
	[tilespmem:v32+s30+$0x0] =	vst.idx.msk $0xffff, v36  }
0x23e: {  	v32 =	vor.u32 v33, v60;
	v36 =	vld.idx.msk [tilespmem:v58+s19+$0x0], $0xffff  }
0x23f: {  	v61 =	vor.u32 v28, v34;
	_ =	sdelay $0x2  }
0x240: {  	v62 =	vor.u32 v29, v35  }
0x241: {  	v63 =	vand.u32 $0x7F8, v62;
	[tilespmem:v32+s30+$0x0] =	vst.idx.msk $0xffff, v36  }
0x242: {  	v38 =	vor.u32 v33, v63;
	v37 =	vld.idx.msk [tilespmem:v61+s19+$0x0], $0xffff  }
0x243: {  	v36 =	vor.u32 v30, v34;
	_ =	sdelay $0x2  }
0x244: {  	s14 =	simm.s32 $0x2  }
0x245: {  	s15 =	simm.s32 $0x4;
	v32 =	vadd.s32 s14, v0;
	v34 =	vor.u32 v31, v35;
	[tilespmem:v38+s30+$0x0] =	vst.idx.msk $0xffff, v37  }
.LBB2_10:
0x246: {  	p0 =	sne.s32 s15, $0xE;
	v35 =	vand.u32 $0xF, v32;
	v36 =	vld.idx.msk [tilespmem:v36+s19+$0x0], $0xffff;
	v37 =	vand.u32 $0xFF8, v34  }
0x247: {  	v34 =	vshll.u32 v35, $0x5;
	v33 =	vor.u32 v33, v37  }
0x248: {  	v37 =	vor.u32 v0, v34;
	_ =	sdelay $0x3  }
0x249: {  	v38 =	vor.u32 v1, v35;
	[tilespmem:v33+s30+$0x0] =	vst.idx.msk $0xffff, v36  }
0x24a: {  	v33 =	vand.u32 $0x7, v32;
	v36 =	vld.idx.msk [tilespmem:v37+s19+$0x0], $0xffff;
	v37 =	vand.u32 $0x788, v38  }
0x24b: {  	v37 =	vor.u32 v33, v37  }
0x24c: {  	v38 =	vor.u32 v2, v34;
	_ =	sdelay $0x3  }
0x24d: {  	[tilespmem:v37+s30+$0x0] =	vst.idx.msk $0xffff, v36;
	v36 =	vor.u32 v3, v35  }
0x24e: {  	v37 =	vld.idx.msk [tilespmem:v38+s19+$0x0], $0xffff;
	v36 =	vand.u32 $0xF88, v36  }
0x24f: {  	v36 =	vor.u32 v33, v36  }
0x250: {  	v38 =	vor.u32 v4, v34;
	_ =	sdelay $0x3  }
0x251: {  	[tilespmem:v36+s30+$0x0] =	vst.idx.msk $0xffff, v37  }
0x252: {  	v36 =	vld.idx.msk [tilespmem:v38+s19+$0x0], $0xffff  }
0x253: {  	v37 =	vor.u32 v5, v32  }
0x254: {  	v38 =	vor.u32 v6, v34;
	_ =	sdelay $0x3  }
0x255: {  	[tilespmem:v37+s30+$0x0] =	vst.idx.msk $0xffff, v36  }
0x256: {  	v36 =	vld.idx.msk [tilespmem:v38+s19+$0x0], $0xffff  }
0x257: {  	v37 =	vor.u32 v7, v32  }
0x258: {  	v38 =	vor.u32 v8, v34;
	_ =	sdelay $0x3  }
0x259: {  	[tilespmem:v37+s30+$0x0] =	vst.idx.msk $0xffff, v36;
	v36 =	vor.u32 v9, v35  }
0x25a: {  	v37 =	vld.idx.msk [tilespmem:v38+s19+$0x0], $0xffff;
	v36 =	vand.u32 $0x7A8, v36  }
0x25b: {  	v36 =	vor.u32 v33, v36  }
0x25c: {  	v38 =	vor.u32 v10, v34;
	_ =	sdelay $0x3  }
0x25d: {  	[tilespmem:v36+s30+$0x0] =	vst.idx.msk $0xffff, v37;
	v36 =	vor.u32 v11, v35  }
0x25e: {  	v37 =	vld.idx.msk [tilespmem:v38+s19+$0x0], $0xffff;
	v36 =	vand.u32 $0xFA8, v36  }
0x25f: {  	v36 =	vor.u32 v33, v36  }
0x260: {  	v38 =	vor.u32 v12, v34;
	_ =	sdelay $0x3  }
0x261: {  	[tilespmem:v36+s30+$0x0] =	vst.idx.msk $0xffff, v37  }
0x262: {  	v36 =	vld.idx.msk [tilespmem:v38+s19+$0x0], $0xffff  }
0x263: {  	v37 =	vor.u32 v13, v32  }
0x264: {  	v38 =	vor.u32 v14, v34;
	_ =	sdelay $0x3  }
0x265: {  	[tilespmem:v37+s30+$0x0] =	vst.idx.msk $0xffff, v36  }
0x266: {  	v36 =	vld.idx.msk [tilespmem:v38+s19+$0x0], $0xffff  }
0x267: {  	v37 =	vor.u32 v15, v32  }
0x268: {  	v38 =	vor.u32 v16, v34;
	_ =	sdelay $0x3  }
0x269: {  	[tilespmem:v37+s30+$0x0] =	vst.idx.msk $0xffff, v36;
	v36 =	vor.u32 v17, v35  }
0x26a: {  	v37 =	vld.idx.msk [tilespmem:v38+s19+$0x0], $0xffff;
	v36 =	vand.u32 $0x7C8, v36  }
0x26b: {  	v36 =	vor.u32 v33, v36  }
0x26c: {  	v38 =	vor.u32 v18, v34;
	_ =	sdelay $0x3  }
0x26d: {  	[tilespmem:v36+s30+$0x0] =	vst.idx.msk $0xffff, v37;
	v36 =	vor.u32 v19, v35  }
0x26e: {  	v37 =	vld.idx.msk [tilespmem:v38+s19+$0x0], $0xffff;
	v36 =	vand.u32 $0xFC8, v36  }
0x26f: {  	v36 =	vor.u32 v33, v36  }
0x270: {  	v38 =	vor.u32 v20, v34;
	_ =	sdelay $0x3  }
0x271: {  	[tilespmem:v36+s30+$0x0] =	vst.idx.msk $0xffff, v37  }
0x272: {  	v36 =	vld.idx.msk [tilespmem:v38+s19+$0x0], $0xffff  }
0x273: {  	v37 =	vor.u32 v21, v32  }
0x274: {  	v38 =	vor.u32 v22, v34;
	_ =	sdelay $0x3  }
0x275: {  	[tilespmem:v37+s30+$0x0] =	vst.idx.msk $0xffff, v36  }
0x276: {  	v36 =	vld.idx.msk [tilespmem:v38+s19+$0x0], $0xffff  }
0x277: {  	v37 =	vor.u32 v23, v32  }
0x278: {  	v38 =	vor.u32 v24, v34;
	_ =	sdelay $0x3  }
0x279: {  	[tilespmem:v37+s30+$0x0] =	vst.idx.msk $0xffff, v36;
	v36 =	vor.u32 v25, v35  }
0x27a: {  	v37 =	vld.idx.msk [tilespmem:v38+s19+$0x0], $0xffff;
	v36 =	vand.u32 $0x7E8, v36  }
0x27b: {  	v36 =	vor.u32 v33, v36  }
0x27c: {  	v38 =	vor.u32 v26, v34;
	_ =	sdelay $0x3  }
0x27d: {  	v35 =	vor.u32 v27, v35;
	[tilespmem:v36+s30+$0x0] =	vst.idx.msk $0xffff, v37  }
0x27e: {  	v35 =	vand.u32 $0xFE8, v35;
	v36 =	vld.idx.msk [tilespmem:v38+s19+$0x0], $0xffff  }
0x27f: {  	v33 =	vor.u32 v33, v35  }
0x280: {  	v35 =	vor.u32 v28, v34;
	_ =	sdelay $0x3  }
0x281: {  	[tilespmem:v33+s30+$0x0] =	vst.idx.msk $0xffff, v36  }
0x282: {  	v33 =	vld.idx.msk [tilespmem:v35+s19+$0x0], $0xffff  }
0x283: {  	v35 =	vor.u32 v29, v32  }
0x284: {  	v34 =	vor.u32 v30, v34;
	_ =	sdelay $0x2  }
0x285: {  	s6 =	sadd.s32 $0x1, s14;
	s14 =	smov.u32 s15  }
0x286: {  	[tilespmem:v35+s30+$0x0] =	vst.idx.msk $0xffff, v33;
	v33 =	vadd.s32 s6, v0  }
0x287: {  	v35 =	vld.idx.msk [tilespmem:v34+s19+$0x0], $0xffff;
	v34 =	vand.u32 $0xF, v33  }
0x288: {  	v36 =	vor.u32 v31, v32;
	v32 =	vshll.u32 v34, $0x5  }
0x289: {  	v37 =	vor.u32 v0, v32;
	_ =	sdelay $0x3  }
0x28a: {  	[tilespmem:v36+s30+$0x0] =	vst.idx.msk $0xffff, v35;
	v35 =	vor.u32 v1, v34  }
0x28b: {  	v33 =	vand.u32 $0x7, v33;
	v36 =	vld.idx.msk [tilespmem:v37+s19+$0x0], $0xffff;
	v35 =	vand.u32 $0x788, v35  }
0x28c: {  	v35 =	vor.u32 v33, v35  }
0x28d: {  	v37 =	vor.u32 v2, v32;
	_ =	sdelay $0x3  }
0x28e: {  	[tilespmem:v35+s30+$0x0] =	vst.idx.msk $0xffff, v36;
	v35 =	vor.u32 v3, v34  }
0x28f: {  	v36 =	vld.idx.msk [tilespmem:v37+s19+$0x0], $0xffff;
	v35 =	vand.u32 $0xF88, v35  }
0x290: {  	v35 =	vor.u32 v33, v35  }
0x291: {  	v37 =	vor.u32 v4, v32;
	_ =	sdelay $0x3  }
0x292: {  	[tilespmem:v35+s30+$0x0] =	vst.idx.msk $0xffff, v36;
	v35 =	vor.u32 v5, v34  }
0x293: {  	v36 =	vld.idx.msk [tilespmem:v37+s19+$0x0], $0xffff;
	v35 =	vand.u32 $0x798, v35  }
0x294: {  	v35 =	vor.u32 v33, v35  }
0x295: {  	v37 =	vor.u32 v6, v32;
	_ =	sdelay $0x3  }
0x296: {  	[tilespmem:v35+s30+$0x0] =	vst.idx.msk $0xffff, v36;
	v35 =	vor.u32 v7, v34  }
0x297: {  	v36 =	vld.idx.msk [tilespmem:v37+s19+$0x0], $0xffff;
	v35 =	vand.u32 $0xF98, v35  }
0x298: {  	v35 =	vor.u32 v33, v35  }
0x299: {  	v37 =	vor.u32 v8, v32;
	_ =	sdelay $0x3  }
0x29a: {  	[tilespmem:v35+s30+$0x0] =	vst.idx.msk $0xffff, v36;
	v35 =	vor.u32 v9, v34  }
0x29b: {  	v36 =	vld.idx.msk [tilespmem:v37+s19+$0x0], $0xffff;
	v35 =	vand.u32 $0x7A8, v35  }
0x29c: {  	v35 =	vor.u32 v33, v35  }
0x29d: {  	v37 =	vor.u32 v10, v32;
	_ =	sdelay $0x3  }
0x29e: {  	[tilespmem:v35+s30+$0x0] =	vst.idx.msk $0xffff, v36;
	v35 =	vor.u32 v11, v34  }
0x29f: {  	v36 =	vld.idx.msk [tilespmem:v37+s19+$0x0], $0xffff;
	v35 =	vand.u32 $0xFA8, v35  }
0x2a0: {  	v35 =	vor.u32 v33, v35  }
0x2a1: {  	v37 =	vor.u32 v12, v32;
	_ =	sdelay $0x3  }
0x2a2: {  	[tilespmem:v35+s30+$0x0] =	vst.idx.msk $0xffff, v36;
	v35 =	vor.u32 v13, v34  }
0x2a3: {  	v36 =	vld.idx.msk [tilespmem:v37+s19+$0x0], $0xffff;
	v35 =	vand.u32 $0x7B8, v35  }
0x2a4: {  	v35 =	vor.u32 v33, v35  }
0x2a5: {  	v37 =	vor.u32 v14, v32;
	_ =	sdelay $0x3  }
0x2a6: {  	[tilespmem:v35+s30+$0x0] =	vst.idx.msk $0xffff, v36;
	v35 =	vor.u32 v15, v34  }
0x2a7: {  	v36 =	vld.idx.msk [tilespmem:v37+s19+$0x0], $0xffff;
	v35 =	vand.u32 $0xFB8, v35  }
0x2a8: {  	v35 =	vor.u32 v33, v35  }
0x2a9: {  	v37 =	vor.u32 v16, v32;
	_ =	sdelay $0x3  }
0x2aa: {  	[tilespmem:v35+s30+$0x0] =	vst.idx.msk $0xffff, v36;
	v35 =	vor.u32 v17, v34  }
0x2ab: {  	v36 =	vld.idx.msk [tilespmem:v37+s19+$0x0], $0xffff;
	v35 =	vand.u32 $0x7C8, v35  }
0x2ac: {  	v35 =	vor.u32 v33, v35  }
0x2ad: {  	v37 =	vor.u32 v18, v32;
	_ =	sdelay $0x3  }
0x2ae: {  	[tilespmem:v35+s30+$0x0] =	vst.idx.msk $0xffff, v36;
	v35 =	vor.u32 v19, v34  }
0x2af: {  	v36 =	vld.idx.msk [tilespmem:v37+s19+$0x0], $0xffff;
	v35 =	vand.u32 $0xFC8, v35  }
0x2b0: {  	v35 =	vor.u32 v33, v35  }
0x2b1: {  	v37 =	vor.u32 v20, v32;
	_ =	sdelay $0x3  }
0x2b2: {  	[tilespmem:v35+s30+$0x0] =	vst.idx.msk $0xffff, v36;
	v35 =	vor.u32 v21, v34  }
0x2b3: {  	v36 =	vld.idx.msk [tilespmem:v37+s19+$0x0], $0xffff;
	v35 =	vand.u32 $0x7D8, v35  }
0x2b4: {  	v35 =	vor.u32 v33, v35  }
0x2b5: {  	v37 =	vor.u32 v22, v32;
	_ =	sdelay $0x3  }
0x2b6: {  	[tilespmem:v35+s30+$0x0] =	vst.idx.msk $0xffff, v36;
	v35 =	vor.u32 v23, v34  }
0x2b7: {  	v36 =	vld.idx.msk [tilespmem:v37+s19+$0x0], $0xffff;
	v35 =	vand.u32 $0xFD8, v35  }
0x2b8: {  	v35 =	vor.u32 v33, v35  }
0x2b9: {  	v37 =	vor.u32 v24, v32;
	_ =	sdelay $0x3  }
0x2ba: {  	[tilespmem:v35+s30+$0x0] =	vst.idx.msk $0xffff, v36;
	v35 =	vor.u32 v25, v34  }
0x2bb: {  	v36 =	vld.idx.msk [tilespmem:v37+s19+$0x0], $0xffff;
	v35 =	vand.u32 $0x7E8, v35  }
0x2bc: {  	v35 =	vor.u32 v33, v35  }
0x2bd: {  	v37 =	vor.u32 v26, v32;
	_ =	sdelay $0x3  }
0x2be: {  	[tilespmem:v35+s30+$0x0] =	vst.idx.msk $0xffff, v36;
	v35 =	vor.u32 v27, v34  }
0x2bf: {  	v36 =	vld.idx.msk [tilespmem:v37+s19+$0x0], $0xffff;
	v35 =	vand.u32 $0xFE8, v35  }
0x2c0: {  	v35 =	vor.u32 v33, v35  }
0x2c1: {  	v37 =	vor.u32 v28, v32;
	_ =	sdelay $0x3  }
0x2c2: {  	[tilespmem:v35+s30+$0x0] =	vst.idx.msk $0xffff, v36;
	v35 =	vor.u32 v29, v34  }
0x2c3: {  	v37 =	vld.idx.msk [tilespmem:v37+s19+$0x0], $0xffff;
	v35 =	vand.u32 $0x7F8, v35  }
0x2c4: {  	v35 =	vor.u32 v33, v35  }
.Ltmp4:
0x2c5: {  	v36 =	vor.u32 v30, v32;
	(pc) =	sbr.rel @p0 .LBB2_10-.Ltmp4, $2  }
0x2c6: {  	_ =	sdelay $0x2  }
0x2c7: {  	s15 =	sadd.s32 $0x2, s15;
	v32 =	vadd.s32 s14, v0;
	v34 =	vor.u32 v31, v34;
	[tilespmem:v35+s30+$0x0] =	vst.idx.msk $0xffff, v37  }
0x2c8: {  	_ =	sdelay $0x2  }
0x2c9: {  	v35 =	vand.u32 $0xF, v32;
	v34 =	vand.u32 $0xFF8, v34  }
0x2ca: {  	v36 =	vld.idx.msk [tilespmem:v36+s19+$0x0], $0xffff;
	v37 =	vshll.u32 v35, $0x5;
	v33 =	vor.u32 v33, v34  }
0x2cb: {  	v51 =	vor.u32 v0, v37;
	_ =	sdelay $0x2  }
0x2cc: {  	v38 =	vor.u32 v1, v35  }
0x2cd: {  	v52 =	vand.u32 $0x788, v38;
	[tilespmem:v33+s30+$0x0] =	vst.idx.msk $0xffff, v36;
	v36 =	vand.u32 $0x7, v32  }
0x2ce: {  	v34 =	vld.idx.msk [tilespmem:v51+s19+$0x0], $0xffff;
	v33 =	vor.u32 v36, v52  }
0x2cf: {  	v53 =	vor.u32 v2, v37;
	_ =	sdelay $0x2  }
0x2d0: {  	v39 =	vor.u32 v3, v35  }
0x2d1: {  	v54 =	vand.u32 $0xF88, v39;
	[tilespmem:v33+s30+$0x0] =	vst.idx.msk $0xffff, v34  }
0x2d2: {  	v33 =	vor.u32 v36, v54;
	v34 =	vld.idx.msk [tilespmem:v53+s19+$0x0], $0xffff  }
0x2d3: {  	v55 =	vor.u32 v4, v37;
	_ =	sdelay $0x3  }
0x2d4: {  	[tilespmem:v33+s30+$0x0] =	vst.idx.msk $0xffff, v34  }
0x2d5: {  	v56 =	vor.u32 v5, v32;
	v33 =	vld.idx.msk [tilespmem:v55+s19+$0x0], $0xffff  }
0x2d6: {  	v57 =	vor.u32 v6, v37;
	_ =	sdelay $0x3  }
0x2d7: {  	[tilespmem:v56+s30+$0x0] =	vst.idx.msk $0xffff, v33  }
0x2d8: {  	v58 =	vor.u32 v7, v32;
	v33 =	vld.idx.msk [tilespmem:v57+s19+$0x0], $0xffff  }
0x2d9: {  	v59 =	vor.u32 v8, v37;
	_ =	sdelay $0x2  }
0x2da: {  	v60 =	vor.u32 v9, v35  }
0x2db: {  	v61 =	vand.u32 $0x7A8, v60;
	[tilespmem:v58+s30+$0x0] =	vst.idx.msk $0xffff, v33  }
0x2dc: {  	v33 =	vor.u32 v36, v61;
	v34 =	vld.idx.msk [tilespmem:v59+s19+$0x0], $0xffff  }
0x2dd: {  	v62 =	vor.u32 v10, v37;
	_ =	sdelay $0x2  }
0x2de: {  	v63 =	vor.u32 v11, v35  }
0x2df: {  	v39 =	vand.u32 $0xFA8, v63;
	[tilespmem:v33+s30+$0x0] =	vst.idx.msk $0xffff, v34  }
0x2e0: {  	v33 =	vor.u32 v36, v39;
	v34 =	vld.idx.msk [tilespmem:v62+s19+$0x0], $0xffff  }
0x2e1: {  	v40 =	vor.u32 v12, v37;
	_ =	sdelay $0x3  }
0x2e2: {  	[tilespmem:v33+s30+$0x0] =	vst.idx.msk $0xffff, v34  }
0x2e3: {  	v41 =	vor.u32 v13, v32;
	v33 =	vld.idx.msk [tilespmem:v40+s19+$0x0], $0xffff  }
0x2e4: {  	v42 =	vor.u32 v14, v37;
	_ =	sdelay $0x3  }
0x2e5: {  	[tilespmem:v41+s30+$0x0] =	vst.idx.msk $0xffff, v33  }
0x2e6: {  	v43 =	vor.u32 v15, v32;
	v33 =	vld.idx.msk [tilespmem:v42+s19+$0x0], $0xffff  }
0x2e7: {  	v44 =	vor.u32 v16, v37;
	_ =	sdelay $0x2  }
0x2e8: {  	v45 =	vor.u32 v17, v35  }
0x2e9: {  	v46 =	vand.u32 $0x7C8, v45;
	[tilespmem:v43+s30+$0x0] =	vst.idx.msk $0xffff, v33  }
0x2ea: {  	v33 =	vor.u32 v36, v46;
	v34 =	vld.idx.msk [tilespmem:v44+s19+$0x0], $0xffff  }
0x2eb: {  	v47 =	vor.u32 v18, v37;
	_ =	sdelay $0x2  }
0x2ec: {  	v48 =	vor.u32 v19, v35  }
0x2ed: {  	v49 =	vand.u32 $0xFC8, v48;
	[tilespmem:v33+s30+$0x0] =	vst.idx.msk $0xffff, v34  }
0x2ee: {  	v33 =	vor.u32 v36, v49;
	v34 =	vld.idx.msk [tilespmem:v47+s19+$0x0], $0xffff  }
0x2ef: {  	v50 =	vor.u32 v20, v37;
	_ =	sdelay $0x3  }
0x2f0: {  	[tilespmem:v33+s30+$0x0] =	vst.idx.msk $0xffff, v34  }
0x2f1: {  	v51 =	vor.u32 v21, v32;
	v33 =	vld.idx.msk [tilespmem:v50+s19+$0x0], $0xffff  }
0x2f2: {  	v52 =	vor.u32 v22, v37;
	_ =	sdelay $0x3  }
0x2f3: {  	[tilespmem:v51+s30+$0x0] =	vst.idx.msk $0xffff, v33  }
0x2f4: {  	v53 =	vor.u32 v23, v32;
	v33 =	vld.idx.msk [tilespmem:v52+s19+$0x0], $0xffff  }
0x2f5: {  	v54 =	vor.u32 v24, v37;
	_ =	sdelay $0x2  }
0x2f6: {  	v55 =	vor.u32 v25, v35  }
0x2f7: {  	v56 =	vand.u32 $0x7E8, v55;
	[tilespmem:v53+s30+$0x0] =	vst.idx.msk $0xffff, v33  }
0x2f8: {  	v33 =	vor.u32 v36, v56;
	v34 =	vld.idx.msk [tilespmem:v54+s19+$0x0], $0xffff  }
0x2f9: {  	v57 =	vor.u32 v26, v37;
	_ =	sdelay $0x2  }
0x2fa: {  	v35 =	vor.u32 v27, v35  }
0x2fb: {  	v58 =	vand.u32 $0xFE8, v35;
	[tilespmem:v33+s30+$0x0] =	vst.idx.msk $0xffff, v34  }
0x2fc: {  	v33 =	vor.u32 v36, v58;
	v34 =	vld.idx.msk [tilespmem:v57+s19+$0x0], $0xffff  }
0x2fd: {  	v59 =	vor.u32 v28, v37;
	_ =	sdelay $0x3  }
0x2fe: {  	[tilespmem:v33+s30+$0x0] =	vst.idx.msk $0xffff, v34  }
0x2ff: {  	v60 =	vor.u32 v29, v32;
	v33 =	vld.idx.msk [tilespmem:v59+s19+$0x0], $0xffff  }
0x300: {  	v61 =	vor.u32 v30, v37;
	_ =	sdelay $0x1  }
0x301: {  	s6 =	sadd.s32 $0x1, s14  }
0x302: {  	v62 =	vadd.s32 s6, v0  }
0x303: {  	[tilespmem:v60+s30+$0x0] =	vst.idx.msk $0xffff, v33;
	v33 =	vand.u32 $0xF, v62  }
0x304: {  	v63 =	vor.u32 v31, v32;
	v34 =	vld.idx.msk [tilespmem:v61+s19+$0x0], $0xffff;
	v35 =	vshll.u32 v33, $0x5  }
0x305: {  	v40 =	vor.u32 v0, v35;
	_ =	sdelay $0x2  }
0x306: {  	v41 =	vor.u32 v1, v33  }
0x307: {  	v42 =	vand.u32 $0x788, v41;
	[tilespmem:v63+s30+$0x0] =	vst.idx.msk $0xffff, v34;
	v34 =	vand.u32 $0x7, v62  }
0x308: {  	v43 =	vld.idx.msk [tilespmem:v40+s19+$0x0], $0xffff;
	v32 =	vor.u32 v34, v42  }
0x309: {  	v44 =	vor.u32 v2, v35;
	_ =	sdelay $0x2  }
0x30a: {  	v45 =	vor.u32 v3, v33  }
0x30b: {  	v46 =	vand.u32 $0xF88, v45;
	[tilespmem:v32+s30+$0x0] =	vst.idx.msk $0xffff, v43  }
0x30c: {  	v32 =	vor.u32 v34, v46;
	v36 =	vld.idx.msk [tilespmem:v44+s19+$0x0], $0xffff  }
0x30d: {  	v47 =	vor.u32 v4, v35;
	_ =	sdelay $0x2  }
0x30e: {  	v48 =	vor.u32 v5, v33  }
0x30f: {  	v49 =	vand.u32 $0x798, v48;
	[tilespmem:v32+s30+$0x0] =	vst.idx.msk $0xffff, v36  }
0x310: {  	v32 =	vor.u32 v34, v49;
	v36 =	vld.idx.msk [tilespmem:v47+s19+$0x0], $0xffff  }
0x311: {  	v50 =	vor.u32 v6, v35;
	_ =	sdelay $0x2  }
0x312: {  	v51 =	vor.u32 v7, v33  }
0x313: {  	v52 =	vand.u32 $0xF98, v51;
	[tilespmem:v32+s30+$0x0] =	vst.idx.msk $0xffff, v36  }
0x314: {  	v32 =	vor.u32 v34, v52;
	v36 =	vld.idx.msk [tilespmem:v50+s19+$0x0], $0xffff  }
0x315: {  	v53 =	vor.u32 v8, v35;
	_ =	sdelay $0x2  }
0x316: {  	v54 =	vor.u32 v9, v33  }
0x317: {  	v55 =	vand.u32 $0x7A8, v54;
	[tilespmem:v32+s30+$0x0] =	vst.idx.msk $0xffff, v36  }
0x318: {  	v32 =	vor.u32 v34, v55;
	v36 =	vld.idx.msk [tilespmem:v53+s19+$0x0], $0xffff  }
0x319: {  	v56 =	vor.u32 v10, v35;
	_ =	sdelay $0x2  }
0x31a: {  	v57 =	vor.u32 v11, v33  }
0x31b: {  	v58 =	vand.u32 $0xFA8, v57;
	[tilespmem:v32+s30+$0x0] =	vst.idx.msk $0xffff, v36  }
0x31c: {  	v32 =	vor.u32 v34, v58;
	v36 =	vld.idx.msk [tilespmem:v56+s19+$0x0], $0xffff  }
0x31d: {  	v59 =	vor.u32 v12, v35;
	_ =	sdelay $0x2  }
0x31e: {  	v60 =	vor.u32 v13, v33  }
0x31f: {  	v61 =	vand.u32 $0x7B8, v60;
	[tilespmem:v32+s30+$0x0] =	vst.idx.msk $0xffff, v36  }
0x320: {  	v32 =	vor.u32 v34, v61;
	v36 =	vld.idx.msk [tilespmem:v59+s19+$0x0], $0xffff  }
0x321: {  	v62 =	vor.u32 v14, v35;
	_ =	sdelay $0x2  }
0x322: {  	v63 =	vor.u32 v15, v33  }
0x323: {  	v40 =	vand.u32 $0xFB8, v63;
	[tilespmem:v32+s30+$0x0] =	vst.idx.msk $0xffff, v36  }
0x324: {  	v32 =	vor.u32 v34, v40;
	v36 =	vld.idx.msk [tilespmem:v62+s19+$0x0], $0xffff  }
0x325: {  	v41 =	vor.u32 v16, v35;
	_ =	sdelay $0x2  }
0x326: {  	v42 =	vor.u32 v17, v33  }
0x327: {  	v43 =	vand.u32 $0x7C8, v42;
	[tilespmem:v32+s30+$0x0] =	vst.idx.msk $0xffff, v36  }
0x328: {  	v32 =	vor.u32 v34, v43;
	v36 =	vld.idx.msk [tilespmem:v41+s19+$0x0], $0xffff  }
0x329: {  	v44 =	vor.u32 v18, v35;
	_ =	sdelay $0x2  }
0x32a: {  	v45 =	vor.u32 v19, v33  }
0x32b: {  	v46 =	vand.u32 $0xFC8, v45;
	[tilespmem:v32+s30+$0x0] =	vst.idx.msk $0xffff, v36  }
0x32c: {  	v32 =	vor.u32 v34, v46;
	v36 =	vld.idx.msk [tilespmem:v44+s19+$0x0], $0xffff  }
0x32d: {  	v47 =	vor.u32 v20, v35;
	_ =	sdelay $0x2  }
0x32e: {  	v48 =	vor.u32 v21, v33  }
0x32f: {  	v49 =	vand.u32 $0x7D8, v48;
	[tilespmem:v32+s30+$0x0] =	vst.idx.msk $0xffff, v36  }
0x330: {  	v32 =	vor.u32 v34, v49;
	v36 =	vld.idx.msk [tilespmem:v47+s19+$0x0], $0xffff  }
0x331: {  	v50 =	vor.u32 v22, v35;
	_ =	sdelay $0x2  }
0x332: {  	v51 =	vor.u32 v23, v33  }
0x333: {  	v52 =	vand.u32 $0xFD8, v51;
	[tilespmem:v32+s30+$0x0] =	vst.idx.msk $0xffff, v36  }
0x334: {  	v32 =	vor.u32 v34, v52;
	v36 =	vld.idx.msk [tilespmem:v50+s19+$0x0], $0xffff  }
0x335: {  	v53 =	vor.u32 v24, v35;
	_ =	sdelay $0x2  }
0x336: {  	v54 =	vor.u32 v25, v33  }
0x337: {  	v55 =	vand.u32 $0x7E8, v54;
	[tilespmem:v32+s30+$0x0] =	vst.idx.msk $0xffff, v36  }
0x338: {  	v32 =	vor.u32 v34, v55;
	v36 =	vld.idx.msk [tilespmem:v53+s19+$0x0], $0xffff  }
0x339: {  	v56 =	vor.u32 v26, v35;
	_ =	sdelay $0x2  }
0x33a: {  	v57 =	vor.u32 v27, v33  }
0x33b: {  	v58 =	vand.u32 $0xFE8, v57;
	[tilespmem:v32+s30+$0x0] =	vst.idx.msk $0xffff, v36  }
0x33c: {  	v32 =	vor.u32 v34, v58;
	v36 =	vld.idx.msk [tilespmem:v56+s19+$0x0], $0xffff  }
0x33d: {  	v59 =	vor.u32 v28, v35;
	_ =	sdelay $0x2  }
0x33e: {  	v60 =	vor.u32 v29, v33  }
0x33f: {  	v61 =	vand.u32 $0x7F8, v60;
	[tilespmem:v32+s30+$0x0] =	vst.idx.msk $0xffff, v36  }
0x340: {  	v32 =	vor.u32 v34, v61;
	v36 =	vld.idx.msk [tilespmem:v59+s19+$0x0], $0xffff  }
0x341: {  	v35 =	vor.u32 v30, v35;
	_ =	sdelay $0x2  }
0x342: {  	v33 =	vor.u32 v31, v33  }
0x343: {  	v62 =	vand.u32 $0xFF8, v33;
	[tilespmem:v32+s30+$0x0] =	vst.idx.msk $0xffff, v36  }
0x344: {  	v32 =	vor.u32 v34, v62;
	v63 =	vld.idx.msk [tilespmem:v35+s19+$0x0], $0xffff  }
0x345: {  	s14 =	sadd.s32 $0xFFFFFFFF, s13  }
0x346: {  	s13 =	sshll.u32 s14, $0x9;
	s6 =	sshll.u32 s14, $0x7  }
0x347: {  	s13 =	sand.u32 $0xFFFC000, s13;
	s6 =	sand.u32 $0xF00, s6  }
0x348: {  	s6 =	sor.u32 s6, s13  }
0x349: {  	s12 =	sadd.s32 $0x1, s12;
	s13 =	sadd.s32 s2, s6;
	[tilespmem:v32+s30+$0x0] =	vst.idx.msk $0xffff, v63  }
0x34a: {  	[hbm4b:s13+s3] =	stream.linear.scatter [tilespmem:s30], [sflag:$0x5], $0x400, $0x38;
	[tilespmem:$0x4100] =	vst v63  }
0x34b: {  	p0 =	sne.s32 s12, $0x64;
	s15 =	sadd.s32 s6, s9  }
0x34c: {  	[hbm4b:s15+s3] =	stream.linear.scatter [tilespmem:s31], [sflag:$0x5], $0x400, $0x38;
	[tilespmem:$0x4100] =	vst v63  }
.Ltmp5:
0x34d: {  	_ = 	snop;
	(pc) =	sbr.rel @p0 .LBB2_2-.Ltmp5, $4  }
.Ltmp6:
0x34e: {  	s16 =	sadd.s32 s6, s10;
	(pc) =	sbr.rel @!p0 .LBB2_12-.Ltmp6, $4  }
0x34f: {  	[hbm4b:s16+s3] =	stream.linear.scatter [tilespmem:s1], [sflag:$0x5], $0x400, $0x38;
	[tilespmem:$0x4100] =	vst v63  }
0x350: {  	s6 =	sadd.s32 s6, s11  }
0x351: {  	[hbm4b:s6+s3] =	stream.linear.scatter [tilespmem:s0], [sflag:$0x5], $0x400, $0x38;
	[tilespmem:$0x4100] =	vst v63  }
0x352: {  	_ = 	snop  }
.LBB2_8:
.Ltmp7:
0x353: {  	(pc) =	sbr.rel .LBB2_9-.Ltmp7, $2  }
0x354: {  	_ =	sdelay $0x2  }
0x355: {  	p0 =	por $0x1, $0x1  }
.LBB2_12:
0x356: {  	_ =	swait.ge [sflag:s21], $0x1000  }
0x357: {  	[sflag:s21] =	ssyncset.done $0x0  }
0x358: {  	[sflag:s21] =	ssyncadd.s32 $0xFFFFF000  }
0x359: {  	_ =	swait.ge [sflag:s20], $0x400  }
0x35a: {  	[sflag:s20] =	ssyncset.done $0x0  }
0x35b: {  	[sflag:s20] =	ssyncadd.s32 $0xFFFFFC00  }
0x35c: {  	s6 =	simm.s32 $0x0;
	_ =	swait.ge [sflag:s20], $0x400  }
0x35d: {  	v32 =	vadd.s32 s6, v0;
	[sflag:s20] =	ssyncset.done $0x0  }
0x35e: {  	v33 =	vand.u32 $0xF, v32;
	[sflag:s20] =	ssyncadd.s32 $0xFFFFFC00  }
0x35f: {  	v34 =	vshll.u32 v33, $0x5;
	_ =	swait.ge [sflag:s20], $0x400  }
0x360: {  	v35 =	vor.u32 v0, v34;
	[sflag:s20] =	ssyncset.done $0x0  }
0x361: {  	[sflag:s20] =	ssyncadd.s32 $0xFFFFFC00  }
0x362: {  	_ =	swait.ge [sflag:s20], $0x400  }
0x363: {  	v36 =	vor.u32 v1, v33;
	[sflag:s20] =	ssyncset.done $0x0  }
0x364: {  	v37 =	vand.u32 $0x7, v32;
	v36 =	vand.u32 $0x788, v36;
	[sflag:s20] =	ssyncadd.s32 $0xFFFFFC00  }
0x365: {  	v36 =	vor.u32 v37, v36;
	v35 =	vld.idx.msk [tilespmem:v35+s22+$0x0], $0xffff  }
0x366: {  	v38 =	vor.u32 v2, v34;
	_ =	sdelay $0x2  }
0x367: {  	v39 =	vor.u32 v3, v33  }
0x368: {  	v57 =	vand.u32 $0xF88, v39;
	[tilespmem:v36+s23+$0x0] =	vst.idx.msk $0xffff, v35  }
0x369: {  	v35 =	vor.u32 v37, v57;
	v36 =	vld.idx.msk [tilespmem:v38+s22+$0x0], $0xffff  }
0x36a: {  	v58 =	vor.u32 v4, v34;
	_ =	sdelay $0x3  }
0x36b: {  	[tilespmem:v35+s23+$0x0] =	vst.idx.msk $0xffff, v36  }
0x36c: {  	v59 =	vor.u32 v5, v32;
	v35 =	vld.idx.msk [tilespmem:v58+s22+$0x0], $0xffff  }
0x36d: {  	v60 =	vor.u32 v6, v34;
	_ =	sdelay $0x3  }
0x36e: {  	[tilespmem:v59+s23+$0x0] =	vst.idx.msk $0xffff, v35  }
0x36f: {  	v61 =	vor.u32 v7, v32;
	v35 =	vld.idx.msk [tilespmem:v60+s22+$0x0], $0xffff  }
0x370: {  	v62 =	vor.u32 v8, v34;
	_ =	sdelay $0x2  }
0x371: {  	v63 =	vor.u32 v9, v33  }
0x372: {  	v41 =	vand.u32 $0x7A8, v63;
	[tilespmem:v61+s23+$0x0] =	vst.idx.msk $0xffff, v35  }
0x373: {  	v35 =	vor.u32 v37, v41;
	v36 =	vld.idx.msk [tilespmem:v62+s22+$0x0], $0xffff  }
0x374: {  	v42 =	vor.u32 v10, v34;
	_ =	sdelay $0x2  }
0x375: {  	v43 =	vor.u32 v11, v33  }
0x376: {  	v44 =	vand.u32 $0xFA8, v43;
	[tilespmem:v35+s23+$0x0] =	vst.idx.msk $0xffff, v36  }
0x377: {  	v35 =	vor.u32 v37, v44;
	v36 =	vld.idx.msk [tilespmem:v42+s22+$0x0], $0xffff  }
0x378: {  	v45 =	vor.u32 v12, v34;
	_ =	sdelay $0x3  }
0x379: {  	[tilespmem:v35+s23+$0x0] =	vst.idx.msk $0xffff, v36  }
0x37a: {  	v46 =	vor.u32 v13, v32;
	v35 =	vld.idx.msk [tilespmem:v45+s22+$0x0], $0xffff  }
0x37b: {  	v47 =	vor.u32 v14, v34;
	_ =	sdelay $0x3  }
0x37c: {  	[tilespmem:v46+s23+$0x0] =	vst.idx.msk $0xffff, v35  }
0x37d: {  	v48 =	vor.u32 v15, v32;
	v35 =	vld.idx.msk [tilespmem:v47+s22+$0x0], $0xffff  }
0x37e: {  	v49 =	vor.u32 v16, v34;
	_ =	sdelay $0x2  }
0x37f: {  	v50 =	vor.u32 v17, v33  }
0x380: {  	v51 =	vand.u32 $0x7C8, v50;
	[tilespmem:v48+s23+$0x0] =	vst.idx.msk $0xffff, v35  }
0x381: {  	v35 =	vor.u32 v37, v51;
	v36 =	vld.idx.msk [tilespmem:v49+s22+$0x0], $0xffff  }
0x382: {  	v52 =	vor.u32 v18, v34;
	_ =	sdelay $0x2  }
0x383: {  	v53 =	vor.u32 v19, v33  }
0x384: {  	v54 =	vand.u32 $0xFC8, v53;
	[tilespmem:v35+s23+$0x0] =	vst.idx.msk $0xffff, v36  }
0x385: {  	v35 =	vor.u32 v37, v54;
	v36 =	vld.idx.msk [tilespmem:v52+s22+$0x0], $0xffff  }
0x386: {  	v55 =	vor.u32 v20, v34;
	_ =	sdelay $0x3  }
0x387: {  	[tilespmem:v35+s23+$0x0] =	vst.idx.msk $0xffff, v36  }
0x388: {  	v56 =	vor.u32 v21, v32;
	v35 =	vld.idx.msk [tilespmem:v55+s22+$0x0], $0xffff  }
0x389: {  	v57 =	vor.u32 v22, v34;
	_ =	sdelay $0x3  }
0x38a: {  	[tilespmem:v56+s23+$0x0] =	vst.idx.msk $0xffff, v35  }
0x38b: {  	v58 =	vor.u32 v23, v32;
	v35 =	vld.idx.msk [tilespmem:v57+s22+$0x0], $0xffff  }
0x38c: {  	v59 =	vor.u32 v24, v34;
	_ =	sdelay $0x2  }
0x38d: {  	v60 =	vor.u32 v25, v33  }
0x38e: {  	v61 =	vand.u32 $0x7E8, v60;
	[tilespmem:v58+s23+$0x0] =	vst.idx.msk $0xffff, v35  }
0x38f: {  	v35 =	vor.u32 v37, v61;
	v36 =	vld.idx.msk [tilespmem:v59+s22+$0x0], $0xffff  }
0x390: {  	v62 =	vor.u32 v26, v34;
	_ =	sdelay $0x2  }
0x391: {  	v33 =	vor.u32 v27, v33  }
0x392: {  	v33 =	vand.u32 $0xFE8, v33;
	[tilespmem:v35+s23+$0x0] =	vst.idx.msk $0xffff, v36  }
0x393: {  	v33 =	vor.u32 v37, v33;
	v35 =	vld.idx.msk [tilespmem:v62+s22+$0x0], $0xffff  }
0x394: {  	v63 =	vor.u32 v28, v34;
	_ =	sdelay $0x3  }
0x395: {  	[tilespmem:v33+s23+$0x0] =	vst.idx.msk $0xffff, v35  }
0x396: {  	v40 =	vor.u32 v29, v32;
	v33 =	vld.idx.msk [tilespmem:v63+s22+$0x0], $0xffff  }
0x397: {  	v34 =	vor.u32 v30, v34;
	_ =	sdelay $0x1  }
0x398: {  	s16 =	simm.s32 $0x1  }
0x399: {  	v41 =	vadd.s32 s16, v0  }
0x39a: {  	v35 =	vand.u32 $0xF, v41;
	[tilespmem:v40+s23+$0x0] =	vst.idx.msk $0xffff, v33  }
0x39b: {  	v32 =	vor.u32 v31, v32;
	v33 =	vld.idx.msk [tilespmem:v34+s22+$0x0], $0xffff;
	v34 =	vshll.u32 v35, $0x5  }
0x39c: {  	v42 =	vor.u32 v0, v34;
	_ =	sdelay $0x2  }
0x39d: {  	v43 =	vor.u32 v1, v35  }
0x39e: {  	v44 =	vand.u32 $0x788, v43;
	[tilespmem:v32+s23+$0x0] =	vst.idx.msk $0xffff, v33;
	v33 =	vand.u32 $0x7, v41  }
0x39f: {  	v45 =	vld.idx.msk [tilespmem:v42+s22+$0x0], $0xffff;
	v32 =	vor.u32 v33, v44  }
0x3a0: {  	v46 =	vor.u32 v2, v34;
	_ =	sdelay $0x2  }
0x3a1: {  	v47 =	vor.u32 v3, v35  }
0x3a2: {  	v48 =	vand.u32 $0xF88, v47;
	[tilespmem:v32+s23+$0x0] =	vst.idx.msk $0xffff, v45  }
0x3a3: {  	v32 =	vor.u32 v33, v48;
	v36 =	vld.idx.msk [tilespmem:v46+s22+$0x0], $0xffff  }
0x3a4: {  	v49 =	vor.u32 v4, v34;
	_ =	sdelay $0x2  }
0x3a5: {  	v50 =	vor.u32 v5, v35  }
0x3a6: {  	v51 =	vand.u32 $0x798, v50;
	[tilespmem:v32+s23+$0x0] =	vst.idx.msk $0xffff, v36  }
0x3a7: {  	v32 =	vor.u32 v33, v51;
	v36 =	vld.idx.msk [tilespmem:v49+s22+$0x0], $0xffff  }
0x3a8: {  	v52 =	vor.u32 v6, v34;
	_ =	sdelay $0x2  }
0x3a9: {  	v53 =	vor.u32 v7, v35  }
0x3aa: {  	v54 =	vand.u32 $0xF98, v53;
	[tilespmem:v32+s23+$0x0] =	vst.idx.msk $0xffff, v36  }
0x3ab: {  	v32 =	vor.u32 v33, v54;
	v36 =	vld.idx.msk [tilespmem:v52+s22+$0x0], $0xffff  }
0x3ac: {  	v55 =	vor.u32 v8, v34;
	_ =	sdelay $0x2  }
0x3ad: {  	v56 =	vor.u32 v9, v35  }
0x3ae: {  	v57 =	vand.u32 $0x7A8, v56;
	[tilespmem:v32+s23+$0x0] =	vst.idx.msk $0xffff, v36  }
0x3af: {  	v32 =	vor.u32 v33, v57;
	v36 =	vld.idx.msk [tilespmem:v55+s22+$0x0], $0xffff  }
0x3b0: {  	v58 =	vor.u32 v10, v34;
	_ =	sdelay $0x2  }
0x3b1: {  	v59 =	vor.u32 v11, v35  }
0x3b2: {  	v60 =	vand.u32 $0xFA8, v59;
	[tilespmem:v32+s23+$0x0] =	vst.idx.msk $0xffff, v36  }
0x3b3: {  	v32 =	vor.u32 v33, v60;
	v36 =	vld.idx.msk [tilespmem:v58+s22+$0x0], $0xffff  }
0x3b4: {  	v61 =	vor.u32 v12, v34;
	_ =	sdelay $0x2  }
0x3b5: {  	v62 =	vor.u32 v13, v35  }
0x3b6: {  	v63 =	vand.u32 $0x7B8, v62;
	[tilespmem:v32+s23+$0x0] =	vst.idx.msk $0xffff, v36  }
0x3b7: {  	v32 =	vor.u32 v33, v63;
	v36 =	vld.idx.msk [tilespmem:v61+s22+$0x0], $0xffff  }
0x3b8: {  	v40 =	vor.u32 v14, v34;
	_ =	sdelay $0x2  }
0x3b9: {  	v41 =	vor.u32 v15, v35  }
0x3ba: {  	v42 =	vand.u32 $0xFB8, v41;
	[tilespmem:v32+s23+$0x0] =	vst.idx.msk $0xffff, v36  }
0x3bb: {  	v32 =	vor.u32 v33, v42;
	v36 =	vld.idx.msk [tilespmem:v40+s22+$0x0], $0xffff  }
0x3bc: {  	v43 =	vor.u32 v16, v34;
	_ =	sdelay $0x2  }
0x3bd: {  	v44 =	vor.u32 v17, v35  }
0x3be: {  	v45 =	vand.u32 $0x7C8, v44;
	[tilespmem:v32+s23+$0x0] =	vst.idx.msk $0xffff, v36  }
0x3bf: {  	v32 =	vor.u32 v33, v45;
	v36 =	vld.idx.msk [tilespmem:v43+s22+$0x0], $0xffff  }
0x3c0: {  	v46 =	vor.u32 v18, v34;
	_ =	sdelay $0x2  }
0x3c1: {  	v47 =	vor.u32 v19, v35  }
0x3c2: {  	v48 =	vand.u32 $0xFC8, v47;
	[tilespmem:v32+s23+$0x0] =	vst.idx.msk $0xffff, v36  }
0x3c3: {  	v32 =	vor.u32 v33, v48;
	v36 =	vld.idx.msk [tilespmem:v46+s22+$0x0], $0xffff  }
0x3c4: {  	v49 =	vor.u32 v20, v34;
	_ =	sdelay $0x2  }
0x3c5: {  	v50 =	vor.u32 v21, v35  }
0x3c6: {  	v51 =	vand.u32 $0x7D8, v50;
	[tilespmem:v32+s23+$0x0] =	vst.idx.msk $0xffff, v36  }
0x3c7: {  	v32 =	vor.u32 v33, v51;
	v36 =	vld.idx.msk [tilespmem:v49+s22+$0x0], $0xffff  }
0x3c8: {  	v52 =	vor.u32 v22, v34;
	_ =	sdelay $0x2  }
0x3c9: {  	v53 =	vor.u32 v23, v35  }
0x3ca: {  	v54 =	vand.u32 $0xFD8, v53;
	[tilespmem:v32+s23+$0x0] =	vst.idx.msk $0xffff, v36  }
0x3cb: {  	v32 =	vor.u32 v33, v54;
	v36 =	vld.idx.msk [tilespmem:v52+s22+$0x0], $0xffff  }
0x3cc: {  	v55 =	vor.u32 v24, v34;
	_ =	sdelay $0x2  }
0x3cd: {  	v56 =	vor.u32 v25, v35  }
0x3ce: {  	v57 =	vand.u32 $0x7E8, v56;
	[tilespmem:v32+s23+$0x0] =	vst.idx.msk $0xffff, v36  }
0x3cf: {  	v32 =	vor.u32 v33, v57;
	v36 =	vld.idx.msk [tilespmem:v55+s22+$0x0], $0xffff  }
0x3d0: {  	v58 =	vor.u32 v26, v34;
	_ =	sdelay $0x2  }
0x3d1: {  	v59 =	vor.u32 v27, v35  }
0x3d2: {  	v60 =	vand.u32 $0xFE8, v59;
	[tilespmem:v32+s23+$0x0] =	vst.idx.msk $0xffff, v36  }
0x3d3: {  	v32 =	vor.u32 v33, v60;
	v36 =	vld.idx.msk [tilespmem:v58+s22+$0x0], $0xffff  }
0x3d4: {  	v61 =	vor.u32 v28, v34;
	_ =	sdelay $0x2  }
0x3d5: {  	v62 =	vor.u32 v29, v35  }
0x3d6: {  	v63 =	vand.u32 $0x7F8, v62;
	[tilespmem:v32+s23+$0x0] =	vst.idx.msk $0xffff, v36  }
0x3d7: {  	v38 =	vor.u32 v33, v63;
	v37 =	vld.idx.msk [tilespmem:v61+s22+$0x0], $0xffff  }
0x3d8: {  	v36 =	vor.u32 v30, v34;
	_ =	sdelay $0x2  }
0x3d9: {  	s12 =	simm.s32 $0x2  }
0x3da: {  	s13 =	simm.s32 $0x4;
	v32 =	vadd.s32 s12, v0;
	v34 =	vor.u32 v31, v35;
	[tilespmem:v38+s23+$0x0] =	vst.idx.msk $0xffff, v37  }
.LBB2_13:
0x3db: {  	p0 =	sne.s32 s13, $0xE;
	v35 =	vand.u32 $0xF, v32;
	v36 =	vld.idx.msk [tilespmem:v36+s22+$0x0], $0xffff;
	v37 =	vand.u32 $0xFF8, v34  }
0x3dc: {  	v34 =	vshll.u32 v35, $0x5;
	v33 =	vor.u32 v33, v37  }
0x3dd: {  	v37 =	vor.u32 v0, v34;
	_ =	sdelay $0x3  }
0x3de: {  	v38 =	vor.u32 v1, v35;
	[tilespmem:v33+s23+$0x0] =	vst.idx.msk $0xffff, v36  }
0x3df: {  	v33 =	vand.u32 $0x7, v32;
	v36 =	vld.idx.msk [tilespmem:v37+s22+$0x0], $0xffff;
	v37 =	vand.u32 $0x788, v38  }
0x3e0: {  	v37 =	vor.u32 v33, v37  }
0x3e1: {  	v38 =	vor.u32 v2, v34;
	_ =	sdelay $0x3  }
0x3e2: {  	[tilespmem:v37+s23+$0x0] =	vst.idx.msk $0xffff, v36;
	v36 =	vor.u32 v3, v35  }
0x3e3: {  	v37 =	vld.idx.msk [tilespmem:v38+s22+$0x0], $0xffff;
	v36 =	vand.u32 $0xF88, v36  }
0x3e4: {  	v36 =	vor.u32 v33, v36  }
0x3e5: {  	v38 =	vor.u32 v4, v34;
	_ =	sdelay $0x3  }
0x3e6: {  	[tilespmem:v36+s23+$0x0] =	vst.idx.msk $0xffff, v37  }
0x3e7: {  	v36 =	vld.idx.msk [tilespmem:v38+s22+$0x0], $0xffff  }
0x3e8: {  	v37 =	vor.u32 v5, v32  }
0x3e9: {  	v38 =	vor.u32 v6, v34;
	_ =	sdelay $0x3  }
0x3ea: {  	[tilespmem:v37+s23+$0x0] =	vst.idx.msk $0xffff, v36  }
0x3eb: {  	v36 =	vld.idx.msk [tilespmem:v38+s22+$0x0], $0xffff  }
0x3ec: {  	v37 =	vor.u32 v7, v32  }
0x3ed: {  	v38 =	vor.u32 v8, v34;
	_ =	sdelay $0x3  }
0x3ee: {  	[tilespmem:v37+s23+$0x0] =	vst.idx.msk $0xffff, v36;
	v36 =	vor.u32 v9, v35  }
0x3ef: {  	v37 =	vld.idx.msk [tilespmem:v38+s22+$0x0], $0xffff;
	v36 =	vand.u32 $0x7A8, v36  }
0x3f0: {  	v36 =	vor.u32 v33, v36  }
0x3f1: {  	v38 =	vor.u32 v10, v34;
	_ =	sdelay $0x3  }
0x3f2: {  	[tilespmem:v36+s23+$0x0] =	vst.idx.msk $0xffff, v37;
	v36 =	vor.u32 v11, v35  }
0x3f3: {  	v37 =	vld.idx.msk [tilespmem:v38+s22+$0x0], $0xffff;
	v36 =	vand.u32 $0xFA8, v36  }
0x3f4: {  	v36 =	vor.u32 v33, v36  }
0x3f5: {  	v38 =	vor.u32 v12, v34;
	_ =	sdelay $0x3  }
0x3f6: {  	[tilespmem:v36+s23+$0x0] =	vst.idx.msk $0xffff, v37  }
0x3f7: {  	v36 =	vld.idx.msk [tilespmem:v38+s22+$0x0], $0xffff  }
0x3f8: {  	v37 =	vor.u32 v13, v32  }
0x3f9: {  	v38 =	vor.u32 v14, v34;
	_ =	sdelay $0x3  }
0x3fa: {  	[tilespmem:v37+s23+$0x0] =	vst.idx.msk $0xffff, v36  }
0x3fb: {  	v36 =	vld.idx.msk [tilespmem:v38+s22+$0x0], $0xffff  }
0x3fc: {  	v37 =	vor.u32 v15, v32  }
0x3fd: {  	v38 =	vor.u32 v16, v34;
	_ =	sdelay $0x3  }
0x3fe: {  	[tilespmem:v37+s23+$0x0] =	vst.idx.msk $0xffff, v36;
	v36 =	vor.u32 v17, v35  }
0x3ff: {  	v37 =	vld.idx.msk [tilespmem:v38+s22+$0x0], $0xffff;
	v36 =	vand.u32 $0x7C8, v36  }
0x400: {  	v36 =	vor.u32 v33, v36  }
0x401: {  	v38 =	vor.u32 v18, v34;
	_ =	sdelay $0x3  }
0x402: {  	[tilespmem:v36+s23+$0x0] =	vst.idx.msk $0xffff, v37;
	v36 =	vor.u32 v19, v35  }
0x403: {  	v37 =	vld.idx.msk [tilespmem:v38+s22+$0x0], $0xffff;
	v36 =	vand.u32 $0xFC8, v36  }
0x404: {  	v36 =	vor.u32 v33, v36  }
0x405: {  	v38 =	vor.u32 v20, v34;
	_ =	sdelay $0x3  }
0x406: {  	[tilespmem:v36+s23+$0x0] =	vst.idx.msk $0xffff, v37  }
0x407: {  	v36 =	vld.idx.msk [tilespmem:v38+s22+$0x0], $0xffff  }
0x408: {  	v37 =	vor.u32 v21, v32  }
0x409: {  	v38 =	vor.u32 v22, v34;
	_ =	sdelay $0x3  }
0x40a: {  	[tilespmem:v37+s23+$0x0] =	vst.idx.msk $0xffff, v36  }
0x40b: {  	v36 =	vld.idx.msk [tilespmem:v38+s22+$0x0], $0xffff  }
0x40c: {  	v37 =	vor.u32 v23, v32  }
0x40d: {  	v38 =	vor.u32 v24, v34;
	_ =	sdelay $0x3  }
0x40e: {  	[tilespmem:v37+s23+$0x0] =	vst.idx.msk $0xffff, v36;
	v36 =	vor.u32 v25, v35  }
0x40f: {  	v37 =	vld.idx.msk [tilespmem:v38+s22+$0x0], $0xffff;
	v36 =	vand.u32 $0x7E8, v36  }
0x410: {  	v36 =	vor.u32 v33, v36  }
0x411: {  	v38 =	vor.u32 v26, v34;
	_ =	sdelay $0x3  }
0x412: {  	v35 =	vor.u32 v27, v35;
	[tilespmem:v36+s23+$0x0] =	vst.idx.msk $0xffff, v37  }
0x413: {  	v35 =	vand.u32 $0xFE8, v35;
	v36 =	vld.idx.msk [tilespmem:v38+s22+$0x0], $0xffff  }
0x414: {  	v33 =	vor.u32 v33, v35  }
0x415: {  	v35 =	vor.u32 v28, v34;
	_ =	sdelay $0x3  }
0x416: {  	[tilespmem:v33+s23+$0x0] =	vst.idx.msk $0xffff, v36  }
0x417: {  	v33 =	vld.idx.msk [tilespmem:v35+s22+$0x0], $0xffff  }
0x418: {  	v35 =	vor.u32 v29, v32  }
0x419: {  	v34 =	vor.u32 v30, v34;
	_ =	sdelay $0x2  }
0x41a: {  	s6 =	sadd.s32 $0x1, s12;
	s12 =	smov.u32 s13  }
0x41b: {  	[tilespmem:v35+s23+$0x0] =	vst.idx.msk $0xffff, v33;
	v33 =	vadd.s32 s6, v0  }
0x41c: {  	v35 =	vld.idx.msk [tilespmem:v34+s22+$0x0], $0xffff;
	v34 =	vand.u32 $0xF, v33  }
0x41d: {  	v36 =	vor.u32 v31, v32;
	v32 =	vshll.u32 v34, $0x5  }
0x41e: {  	v37 =	vor.u32 v0, v32;
	_ =	sdelay $0x3  }
0x41f: {  	[tilespmem:v36+s23+$0x0] =	vst.idx.msk $0xffff, v35;
	v35 =	vor.u32 v1, v34  }
0x420: {  	v33 =	vand.u32 $0x7, v33;
	v36 =	vld.idx.msk [tilespmem:v37+s22+$0x0], $0xffff;
	v35 =	vand.u32 $0x788, v35  }
0x421: {  	v35 =	vor.u32 v33, v35  }
0x422: {  	v37 =	vor.u32 v2, v32;
	_ =	sdelay $0x3  }
0x423: {  	[tilespmem:v35+s23+$0x0] =	vst.idx.msk $0xffff, v36;
	v35 =	vor.u32 v3, v34  }
0x424: {  	v36 =	vld.idx.msk [tilespmem:v37+s22+$0x0], $0xffff;
	v35 =	vand.u32 $0xF88, v35  }
0x425: {  	v35 =	vor.u32 v33, v35  }
0x426: {  	v37 =	vor.u32 v4, v32;
	_ =	sdelay $0x3  }
0x427: {  	[tilespmem:v35+s23+$0x0] =	vst.idx.msk $0xffff, v36;
	v35 =	vor.u32 v5, v34  }
0x428: {  	v36 =	vld.idx.msk [tilespmem:v37+s22+$0x0], $0xffff;
	v35 =	vand.u32 $0x798, v35  }
0x429: {  	v35 =	vor.u32 v33, v35  }
0x42a: {  	v37 =	vor.u32 v6, v32;
	_ =	sdelay $0x3  }
0x42b: {  	[tilespmem:v35+s23+$0x0] =	vst.idx.msk $0xffff, v36;
	v35 =	vor.u32 v7, v34  }
0x42c: {  	v36 =	vld.idx.msk [tilespmem:v37+s22+$0x0], $0xffff;
	v35 =	vand.u32 $0xF98, v35  }
0x42d: {  	v35 =	vor.u32 v33, v35  }
0x42e: {  	v37 =	vor.u32 v8, v32;
	_ =	sdelay $0x3  }
0x42f: {  	[tilespmem:v35+s23+$0x0] =	vst.idx.msk $0xffff, v36;
	v35 =	vor.u32 v9, v34  }
0x430: {  	v36 =	vld.idx.msk [tilespmem:v37+s22+$0x0], $0xffff;
	v35 =	vand.u32 $0x7A8, v35  }
0x431: {  	v35 =	vor.u32 v33, v35  }
0x432: {  	v37 =	vor.u32 v10, v32;
	_ =	sdelay $0x3  }
0x433: {  	[tilespmem:v35+s23+$0x0] =	vst.idx.msk $0xffff, v36;
	v35 =	vor.u32 v11, v34  }
0x434: {  	v36 =	vld.idx.msk [tilespmem:v37+s22+$0x0], $0xffff;
	v35 =	vand.u32 $0xFA8, v35  }
0x435: {  	v35 =	vor.u32 v33, v35  }
0x436: {  	v37 =	vor.u32 v12, v32;
	_ =	sdelay $0x3  }
0x437: {  	[tilespmem:v35+s23+$0x0] =	vst.idx.msk $0xffff, v36;
	v35 =	vor.u32 v13, v34  }
0x438: {  	v36 =	vld.idx.msk [tilespmem:v37+s22+$0x0], $0xffff;
	v35 =	vand.u32 $0x7B8, v35  }
0x439: {  	v35 =	vor.u32 v33, v35  }
0x43a: {  	v37 =	vor.u32 v14, v32;
	_ =	sdelay $0x3  }
0x43b: {  	[tilespmem:v35+s23+$0x0] =	vst.idx.msk $0xffff, v36;
	v35 =	vor.u32 v15, v34  }
0x43c: {  	v36 =	vld.idx.msk [tilespmem:v37+s22+$0x0], $0xffff;
	v35 =	vand.u32 $0xFB8, v35  }
0x43d: {  	v35 =	vor.u32 v33, v35  }
0x43e: {  	v37 =	vor.u32 v16, v32;
	_ =	sdelay $0x3  }
0x43f: {  	[tilespmem:v35+s23+$0x0] =	vst.idx.msk $0xffff, v36;
	v35 =	vor.u32 v17, v34  }
0x440: {  	v36 =	vld.idx.msk [tilespmem:v37+s22+$0x0], $0xffff;
	v35 =	vand.u32 $0x7C8, v35  }
0x441: {  	v35 =	vor.u32 v33, v35  }
0x442: {  	v37 =	vor.u32 v18, v32;
	_ =	sdelay $0x3  }
0x443: {  	[tilespmem:v35+s23+$0x0] =	vst.idx.msk $0xffff, v36;
	v35 =	vor.u32 v19, v34  }
0x444: {  	v36 =	vld.idx.msk [tilespmem:v37+s22+$0x0], $0xffff;
	v35 =	vand.u32 $0xFC8, v35  }
0x445: {  	v35 =	vor.u32 v33, v35  }
0x446: {  	v37 =	vor.u32 v20, v32;
	_ =	sdelay $0x3  }
0x447: {  	[tilespmem:v35+s23+$0x0] =	vst.idx.msk $0xffff, v36;
	v35 =	vor.u32 v21, v34  }
0x448: {  	v36 =	vld.idx.msk [tilespmem:v37+s22+$0x0], $0xffff;
	v35 =	vand.u32 $0x7D8, v35  }
0x449: {  	v35 =	vor.u32 v33, v35  }
0x44a: {  	v37 =	vor.u32 v22, v32;
	_ =	sdelay $0x3  }
0x44b: {  	[tilespmem:v35+s23+$0x0] =	vst.idx.msk $0xffff, v36;
	v35 =	vor.u32 v23, v34  }
0x44c: {  	v36 =	vld.idx.msk [tilespmem:v37+s22+$0x0], $0xffff;
	v35 =	vand.u32 $0xFD8, v35  }
0x44d: {  	v35 =	vor.u32 v33, v35  }
0x44e: {  	v37 =	vor.u32 v24, v32;
	_ =	sdelay $0x3  }
0x44f: {  	[tilespmem:v35+s23+$0x0] =	vst.idx.msk $0xffff, v36;
	v35 =	vor.u32 v25, v34  }
0x450: {  	v36 =	vld.idx.msk [tilespmem:v37+s22+$0x0], $0xffff;
	v35 =	vand.u32 $0x7E8, v35  }
0x451: {  	v35 =	vor.u32 v33, v35  }
0x452: {  	v37 =	vor.u32 v26, v32;
	_ =	sdelay $0x3  }
0x453: {  	[tilespmem:v35+s23+$0x0] =	vst.idx.msk $0xffff, v36;
	v35 =	vor.u32 v27, v34  }
0x454: {  	v36 =	vld.idx.msk [tilespmem:v37+s22+$0x0], $0xffff;
	v35 =	vand.u32 $0xFE8, v35  }
0x455: {  	v35 =	vor.u32 v33, v35  }
0x456: {  	v37 =	vor.u32 v28, v32;
	_ =	sdelay $0x3  }
0x457: {  	[tilespmem:v35+s23+$0x0] =	vst.idx.msk $0xffff, v36;
	v35 =	vor.u32 v29, v34  }
0x458: {  	v37 =	vld.idx.msk [tilespmem:v37+s22+$0x0], $0xffff;
	v35 =	vand.u32 $0x7F8, v35  }
0x459: {  	v35 =	vor.u32 v33, v35  }
.Ltmp8:
0x45a: {  	v36 =	vor.u32 v30, v32;
	(pc) =	sbr.rel @p0 .LBB2_13-.Ltmp8, $2  }
0x45b: {  	_ =	sdelay $0x2  }
0x45c: {  	s13 =	sadd.s32 $0x2, s13;
	v32 =	vadd.s32 s12, v0;
	v34 =	vor.u32 v31, v34;
	[tilespmem:v35+s23+$0x0] =	vst.idx.msk $0xffff, v37  }
0x45d: {  	_ =	sdelay $0x2  }
0x45e: {  	v35 =	vand.u32 $0xF, v32;
	v34 =	vand.u32 $0xFF8, v34  }
0x45f: {  	v36 =	vld.idx.msk [tilespmem:v36+s22+$0x0], $0xffff;
	v37 =	vshll.u32 v35, $0x5;
	v33 =	vor.u32 v33, v34  }
0x460: {  	v51 =	vor.u32 v0, v37;
	_ =	sdelay $0x2  }
0x461: {  	v38 =	vor.u32 v1, v35  }
0x462: {  	v52 =	vand.u32 $0x788, v38;
	[tilespmem:v33+s23+$0x0] =	vst.idx.msk $0xffff, v36;
	v36 =	vand.u32 $0x7, v32  }
0x463: {  	v34 =	vld.idx.msk [tilespmem:v51+s22+$0x0], $0xffff;
	v33 =	vor.u32 v36, v52  }
0x464: {  	v53 =	vor.u32 v2, v37;
	_ =	sdelay $0x2  }
0x465: {  	v39 =	vor.u32 v3, v35  }
0x466: {  	v54 =	vand.u32 $0xF88, v39;
	[tilespmem:v33+s23+$0x0] =	vst.idx.msk $0xffff, v34  }
0x467: {  	v33 =	vor.u32 v36, v54;
	v34 =	vld.idx.msk [tilespmem:v53+s22+$0x0], $0xffff  }
0x468: {  	v55 =	vor.u32 v4, v37;
	_ =	sdelay $0x3  }
0x469: {  	[tilespmem:v33+s23+$0x0] =	vst.idx.msk $0xffff, v34  }
0x46a: {  	v56 =	vor.u32 v5, v32;
	v33 =	vld.idx.msk [tilespmem:v55+s22+$0x0], $0xffff  }
0x46b: {  	v57 =	vor.u32 v6, v37;
	_ =	sdelay $0x3  }
0x46c: {  	[tilespmem:v56+s23+$0x0] =	vst.idx.msk $0xffff, v33  }
0x46d: {  	v58 =	vor.u32 v7, v32;
	v33 =	vld.idx.msk [tilespmem:v57+s22+$0x0], $0xffff  }
0x46e: {  	v59 =	vor.u32 v8, v37;
	_ =	sdelay $0x2  }
0x46f: {  	v60 =	vor.u32 v9, v35  }
0x470: {  	v61 =	vand.u32 $0x7A8, v60;
	[tilespmem:v58+s23+$0x0] =	vst.idx.msk $0xffff, v33  }
0x471: {  	v33 =	vor.u32 v36, v61;
	v34 =	vld.idx.msk [tilespmem:v59+s22+$0x0], $0xffff  }
0x472: {  	v62 =	vor.u32 v10, v37;
	_ =	sdelay $0x2  }
0x473: {  	v63 =	vor.u32 v11, v35  }
0x474: {  	v39 =	vand.u32 $0xFA8, v63;
	[tilespmem:v33+s23+$0x0] =	vst.idx.msk $0xffff, v34  }
0x475: {  	v33 =	vor.u32 v36, v39;
	v34 =	vld.idx.msk [tilespmem:v62+s22+$0x0], $0xffff  }
0x476: {  	v40 =	vor.u32 v12, v37;
	_ =	sdelay $0x3  }
0x477: {  	[tilespmem:v33+s23+$0x0] =	vst.idx.msk $0xffff, v34  }
0x478: {  	v41 =	vor.u32 v13, v32;
	v33 =	vld.idx.msk [tilespmem:v40+s22+$0x0], $0xffff  }
0x479: {  	v42 =	vor.u32 v14, v37;
	_ =	sdelay $0x3  }
0x47a: {  	[tilespmem:v41+s23+$0x0] =	vst.idx.msk $0xffff, v33  }
0x47b: {  	v43 =	vor.u32 v15, v32;
	v33 =	vld.idx.msk [tilespmem:v42+s22+$0x0], $0xffff  }
0x47c: {  	v44 =	vor.u32 v16, v37;
	_ =	sdelay $0x2  }
0x47d: {  	v45 =	vor.u32 v17, v35  }
0x47e: {  	v46 =	vand.u32 $0x7C8, v45;
	[tilespmem:v43+s23+$0x0] =	vst.idx.msk $0xffff, v33  }
0x47f: {  	v33 =	vor.u32 v36, v46;
	v34 =	vld.idx.msk [tilespmem:v44+s22+$0x0], $0xffff  }
0x480: {  	v47 =	vor.u32 v18, v37;
	_ =	sdelay $0x2  }
0x481: {  	v48 =	vor.u32 v19, v35  }
0x482: {  	v49 =	vand.u32 $0xFC8, v48;
	[tilespmem:v33+s23+$0x0] =	vst.idx.msk $0xffff, v34  }
0x483: {  	v33 =	vor.u32 v36, v49;
	v34 =	vld.idx.msk [tilespmem:v47+s22+$0x0], $0xffff  }
0x484: {  	v50 =	vor.u32 v20, v37;
	_ =	sdelay $0x3  }
0x485: {  	[tilespmem:v33+s23+$0x0] =	vst.idx.msk $0xffff, v34  }
0x486: {  	v51 =	vor.u32 v21, v32;
	v33 =	vld.idx.msk [tilespmem:v50+s22+$0x0], $0xffff  }
0x487: {  	v52 =	vor.u32 v22, v37;
	_ =	sdelay $0x3  }
0x488: {  	[tilespmem:v51+s23+$0x0] =	vst.idx.msk $0xffff, v33  }
0x489: {  	v53 =	vor.u32 v23, v32;
	v33 =	vld.idx.msk [tilespmem:v52+s22+$0x0], $0xffff  }
0x48a: {  	v54 =	vor.u32 v24, v37;
	_ =	sdelay $0x2  }
0x48b: {  	v55 =	vor.u32 v25, v35  }
0x48c: {  	v56 =	vand.u32 $0x7E8, v55;
	[tilespmem:v53+s23+$0x0] =	vst.idx.msk $0xffff, v33  }
0x48d: {  	v33 =	vor.u32 v36, v56;
	v34 =	vld.idx.msk [tilespmem:v54+s22+$0x0], $0xffff  }
0x48e: {  	v57 =	vor.u32 v26, v37;
	_ =	sdelay $0x2  }
0x48f: {  	v35 =	vor.u32 v27, v35  }
0x490: {  	v58 =	vand.u32 $0xFE8, v35;
	[tilespmem:v33+s23+$0x0] =	vst.idx.msk $0xffff, v34  }
0x491: {  	v33 =	vor.u32 v36, v58;
	v34 =	vld.idx.msk [tilespmem:v57+s22+$0x0], $0xffff  }
0x492: {  	v59 =	vor.u32 v28, v37;
	_ =	sdelay $0x3  }
0x493: {  	[tilespmem:v33+s23+$0x0] =	vst.idx.msk $0xffff, v34  }
0x494: {  	v60 =	vor.u32 v29, v32;
	v33 =	vld.idx.msk [tilespmem:v59+s22+$0x0], $0xffff  }
0x495: {  	v61 =	vor.u32 v30, v37;
	_ =	sdelay $0x1  }
0x496: {  	s6 =	sadd.s32 $0x1, s12  }
0x497: {  	v62 =	vadd.s32 s6, v0  }
0x498: {  	[tilespmem:v60+s23+$0x0] =	vst.idx.msk $0xffff, v33;
	v33 =	vand.u32 $0xF, v62  }
0x499: {  	v63 =	vor.u32 v31, v32;
	v34 =	vld.idx.msk [tilespmem:v61+s22+$0x0], $0xffff;
	v35 =	vshll.u32 v33, $0x5  }
0x49a: {  	v40 =	vor.u32 v0, v35;
	_ =	sdelay $0x2  }
0x49b: {  	v41 =	vor.u32 v1, v33  }
0x49c: {  	v42 =	vand.u32 $0x788, v41;
	[tilespmem:v63+s23+$0x0] =	vst.idx.msk $0xffff, v34;
	v34 =	vand.u32 $0x7, v62  }
0x49d: {  	v43 =	vld.idx.msk [tilespmem:v40+s22+$0x0], $0xffff;
	v32 =	vor.u32 v34, v42  }
0x49e: {  	v44 =	vor.u32 v2, v35;
	_ =	sdelay $0x2  }
0x49f: {  	v45 =	vor.u32 v3, v33  }
0x4a0: {  	v46 =	vand.u32 $0xF88, v45;
	[tilespmem:v32+s23+$0x0] =	vst.idx.msk $0xffff, v43  }
0x4a1: {  	v32 =	vor.u32 v34, v46;
	v36 =	vld.idx.msk [tilespmem:v44+s22+$0x0], $0xffff  }
0x4a2: {  	v47 =	vor.u32 v4, v35;
	_ =	sdelay $0x2  }
0x4a3: {  	v48 =	vor.u32 v5, v33  }
0x4a4: {  	v49 =	vand.u32 $0x798, v48;
	[tilespmem:v32+s23+$0x0] =	vst.idx.msk $0xffff, v36  }
0x4a5: {  	v32 =	vor.u32 v34, v49;
	v36 =	vld.idx.msk [tilespmem:v47+s22+$0x0], $0xffff  }
0x4a6: {  	v50 =	vor.u32 v6, v35;
	_ =	sdelay $0x2  }
0x4a7: {  	v51 =	vor.u32 v7, v33  }
0x4a8: {  	v52 =	vand.u32 $0xF98, v51;
	[tilespmem:v32+s23+$0x0] =	vst.idx.msk $0xffff, v36  }
0x4a9: {  	v32 =	vor.u32 v34, v52;
	v36 =	vld.idx.msk [tilespmem:v50+s22+$0x0], $0xffff  }
0x4aa: {  	v53 =	vor.u32 v8, v35;
	_ =	sdelay $0x2  }
0x4ab: {  	v54 =	vor.u32 v9, v33  }
0x4ac: {  	v55 =	vand.u32 $0x7A8, v54;
	[tilespmem:v32+s23+$0x0] =	vst.idx.msk $0xffff, v36  }
0x4ad: {  	v32 =	vor.u32 v34, v55;
	v36 =	vld.idx.msk [tilespmem:v53+s22+$0x0], $0xffff  }
0x4ae: {  	v56 =	vor.u32 v10, v35;
	_ =	sdelay $0x2  }
0x4af: {  	v57 =	vor.u32 v11, v33  }
0x4b0: {  	v58 =	vand.u32 $0xFA8, v57;
	[tilespmem:v32+s23+$0x0] =	vst.idx.msk $0xffff, v36  }
0x4b1: {  	v32 =	vor.u32 v34, v58;
	v36 =	vld.idx.msk [tilespmem:v56+s22+$0x0], $0xffff  }
0x4b2: {  	v59 =	vor.u32 v12, v35;
	_ =	sdelay $0x2  }
0x4b3: {  	v60 =	vor.u32 v13, v33  }
0x4b4: {  	v61 =	vand.u32 $0x7B8, v60;
	[tilespmem:v32+s23+$0x0] =	vst.idx.msk $0xffff, v36  }
0x4b5: {  	v32 =	vor.u32 v34, v61;
	v36 =	vld.idx.msk [tilespmem:v59+s22+$0x0], $0xffff  }
0x4b6: {  	v62 =	vor.u32 v14, v35;
	_ =	sdelay $0x2  }
0x4b7: {  	v63 =	vor.u32 v15, v33  }
0x4b8: {  	v40 =	vand.u32 $0xFB8, v63;
	[tilespmem:v32+s23+$0x0] =	vst.idx.msk $0xffff, v36  }
0x4b9: {  	v32 =	vor.u32 v34, v40;
	v36 =	vld.idx.msk [tilespmem:v62+s22+$0x0], $0xffff  }
0x4ba: {  	v41 =	vor.u32 v16, v35;
	_ =	sdelay $0x2  }
0x4bb: {  	v42 =	vor.u32 v17, v33  }
0x4bc: {  	v43 =	vand.u32 $0x7C8, v42;
	[tilespmem:v32+s23+$0x0] =	vst.idx.msk $0xffff, v36  }
0x4bd: {  	v32 =	vor.u32 v34, v43;
	v36 =	vld.idx.msk [tilespmem:v41+s22+$0x0], $0xffff  }
0x4be: {  	v44 =	vor.u32 v18, v35;
	_ =	sdelay $0x2  }
0x4bf: {  	v45 =	vor.u32 v19, v33  }
0x4c0: {  	v46 =	vand.u32 $0xFC8, v45;
	[tilespmem:v32+s23+$0x0] =	vst.idx.msk $0xffff, v36  }
0x4c1: {  	v32 =	vor.u32 v34, v46;
	v36 =	vld.idx.msk [tilespmem:v44+s22+$0x0], $0xffff  }
0x4c2: {  	v47 =	vor.u32 v20, v35;
	_ =	sdelay $0x2  }
0x4c3: {  	v48 =	vor.u32 v21, v33  }
0x4c4: {  	v49 =	vand.u32 $0x7D8, v48;
	[tilespmem:v32+s23+$0x0] =	vst.idx.msk $0xffff, v36  }
0x4c5: {  	v32 =	vor.u32 v34, v49;
	v36 =	vld.idx.msk [tilespmem:v47+s22+$0x0], $0xffff  }
0x4c6: {  	v50 =	vor.u32 v22, v35;
	_ =	sdelay $0x2  }
0x4c7: {  	v51 =	vor.u32 v23, v33  }
0x4c8: {  	v52 =	vand.u32 $0xFD8, v51;
	[tilespmem:v32+s23+$0x0] =	vst.idx.msk $0xffff, v36  }
0x4c9: {  	v32 =	vor.u32 v34, v52;
	v36 =	vld.idx.msk [tilespmem:v50+s22+$0x0], $0xffff  }
0x4ca: {  	v53 =	vor.u32 v24, v35;
	_ =	sdelay $0x2  }
0x4cb: {  	v54 =	vor.u32 v25, v33  }
0x4cc: {  	v55 =	vand.u32 $0x7E8, v54;
	[tilespmem:v32+s23+$0x0] =	vst.idx.msk $0xffff, v36  }
0x4cd: {  	v32 =	vor.u32 v34, v55;
	v36 =	vld.idx.msk [tilespmem:v53+s22+$0x0], $0xffff  }
0x4ce: {  	v56 =	vor.u32 v26, v35;
	_ =	sdelay $0x2  }
0x4cf: {  	v57 =	vor.u32 v27, v33  }
0x4d0: {  	v58 =	vand.u32 $0xFE8, v57;
	[tilespmem:v32+s23+$0x0] =	vst.idx.msk $0xffff, v36  }
0x4d1: {  	v32 =	vor.u32 v34, v58;
	v36 =	vld.idx.msk [tilespmem:v56+s22+$0x0], $0xffff  }
0x4d2: {  	v59 =	vor.u32 v28, v35;
	_ =	sdelay $0x2  }
0x4d3: {  	v60 =	vor.u32 v29, v33  }
0x4d4: {  	v61 =	vand.u32 $0x7F8, v60;
	[tilespmem:v32+s23+$0x0] =	vst.idx.msk $0xffff, v36  }
0x4d5: {  	v32 =	vor.u32 v34, v61;
	v36 =	vld.idx.msk [tilespmem:v59+s22+$0x0], $0xffff  }
0x4d6: {  	v35 =	vor.u32 v30, v35;
	_ =	sdelay $0x2  }
0x4d7: {  	v33 =	vor.u32 v31, v33  }
0x4d8: {  	v62 =	vand.u32 $0xFF8, v33;
	[tilespmem:v32+s23+$0x0] =	vst.idx.msk $0xffff, v36  }
0x4d9: {  	v32 =	vor.u32 v34, v62;
	v63 =	vld.idx.msk [tilespmem:v35+s22+$0x0], $0xffff;
	_ =	sdelay $0x4  }
0x4da: {  	s16 =	rddreg [dreg:$0x5];
	[tilespmem:v32+s23+$0x0] =	vst.idx.msk $0xffff, v63  }
0x4db: {  	[hbm4b:s16+s3] =	stream.linear.scatter [tilespmem:s23], [sflag:$0x6], $0x400, $0x38;
	[tilespmem:$0x4100] =	vst v63  }
0x4dc: {  	s12 =	rddreg [dreg:$0x6]  }
0x4dd: {  	[hbm4b:s12+s3] =	stream.linear.scatter [tilespmem:s24], [sflag:$0x6], $0x400, $0x38;
	[tilespmem:$0x4100] =	vst v63  }
0x4de: {  	s13 =	rddreg [dreg:$0x7]  }
0x4df: {  	[hbm4b:s13+s3] =	stream.linear.scatter [tilespmem:s25], [sflag:$0x6], $0x400, $0x38;
	[tilespmem:$0x4100] =	vst v63  }
0x4e0: {  	s14 =	rddreg [dreg:$0x8];
	s15 =	simm.s32 $0x5  }
0x4e1: {  	[hbm4b:s14+s3] =	stream.linear.scatter [tilespmem:s26], [sflag:$0x6], $0x400, $0x38;
	[tilespmem:$0x4100] =	vst v63  }
0x4e2: {  	_ =	swait.ge [sflag:s15], $0x400  }
0x4e3: {  	[sflag:s15] =	ssyncset.done $0x0  }
0x4e4: {  	[sflag:s15] =	ssyncadd.s32 $0xFFFFFC00  }
0x4e5: {  	_ =	swait.ge [sflag:s15], $0x400  }
0x4e6: {  	[sflag:s15] =	ssyncset.done $0x0  }
0x4e7: {  	[sflag:s15] =	ssyncadd.s32 $0xFFFFFC00  }
0x4e8: {  	_ =	swait.ge [sflag:s15], $0x400  }
0x4e9: {  	[sflag:s15] =	ssyncset.done $0x0  }
0x4ea: {  	[sflag:s15] =	ssyncadd.s32 $0xFFFFFC00  }
0x4eb: {  	_ =	swait.ge [sflag:s15], $0x400  }
0x4ec: {  	[sflag:s15] =	ssyncset.done $0x0  }
0x4ed: {  	[sflag:s15] =	ssyncadd.s32 $0xFFFFFC00  }
0x4ee: {  	_ =	swait.ge [sflag:s20], $0x400  }
0x4ef: {  	[sflag:s20] =	ssyncset.done $0x0  }
0x4f0: {  	[sflag:s20] =	ssyncadd.s32 $0xFFFFFC00  }
0x4f1: {  	_ =	swait.ge [sflag:s20], $0x400  }
0x4f2: {  	[sflag:s20] =	ssyncset.done $0x0  }
0x4f3: {  	[sflag:s20] =	ssyncadd.s32 $0xFFFFFC00  }
0x4f4: {  	_ =	swait.ge [sflag:s20], $0x400  }
0x4f5: {  	[sflag:s20] =	ssyncset.done $0x0  }
0x4f6: {  	[sflag:s20] =	ssyncadd.s32 $0xFFFFFC00  }
0x4f7: {  	_ =	swait.ge [sflag:s20], $0x400  }
0x4f8: {  	s7 =	sadd.s32 $0x1, s7;
	s16 =	rddreg [dreg:$0x9]  }
0x4f9: {  	p0 =	sne.s32 s7, s16  }
.Ltmp9:
0x4fa: {  	_ = 	snop;
	(pc) =	sbr.rel @p0 .LBB2_1-.Ltmp9, $3  }
0x4fb: {  	_ =	sdelay $0x1  }
0x4fc: {  	[sflag:s20] =	ssyncset.done $0x0  }
0x4fd: {  	[sflag:s20] =	ssyncadd.s32 $0xFFFFFC00  }
0x4fe: {  	_ =	sfence.sel $0x180000  }
0x4ff: {  	[bflag:$0x0] =	sbarrier.arrive $0xFFFF  }
0x500: {  	_ =	strace $0x9000004A  }
0x501: {  	s0 =	stileid.u32;
	[bflag:$0x2] =	sbarrier.arrive $0xFFFF  }
0x502: {  	p0 =	sne.s32 s0, $0x0;
	s0 =	rddreg [dreg:$0x2]  }
0x503: {  	s0 =	sadd.s32 @!p0 $0x100000, s0  }
0x504: {  	[sflag:s0] =	ssyncadd.tile.s32 @!p0 $0x1;
	_ =	shalt  }
.Lfunc_end2:
_tile_overlayer_lowered:
.L_overlay_start_2:
0x505: {  	(tag) =	ssettag $0x2  }
0x506: {  	s0 =	rddreg [dreg:$0x0];
	s2 =	stileid.u32  }
0x507: {  	s1 =	rddreg [dreg:$0x1];
	p0 =	sne.s32 s2, $0x0  }
0x508: {  	s3 =	rddreg [dreg:$0x2];
	[bflag:$0x3] =	sbarrier.arrive $0xFFFF;
	s2 =	simm.s32 @!p0 $0x1C07  }
0x509: {  	[timem:s3], [sflag:s2] =	dma.local @!p0 [hbm:s0], s1  }
0x50a: {  	s0 =	simm.s32 @!p0 $0x7  }
0x50b: {  	_ =	swait.ge @!p0 [sflag:s0], s1  }
0x50c: {  	s1 =	ssub.s32 @!p0 $0x0, s1;
	[sflag:s0] =	ssyncset.done @!p0 $0x0  }
0x50d: {  	[sflag:s0] =	ssyncadd.s32 @!p0 s1  }
0x50e: {  	[bflag:$0x3] =	sbarrier.arrive $0xFFFF  }
0x50f: {  	_ =	shalt  }

</sc_bundles>
